<compile_context>
chip_gen: v7x
topology: tpu7x:2x2x1
jax: 0.10.2.dev20260603
libtpu: 0.0.44.dev20260713+nightly
codegen_flags: <defaults>
</compile_context>

<pallas_src>
import functools

import jax
import jax.numpy as jnp
from jax import lax
from jax.experimental import pallas as pl
from jax.experimental.pallas import tpu as pltpu
from jax.experimental.pallas import tpu_sc as plsc

B = 32
H = 512
W = 512
C = 3
NBINS = 255
LAMBDA_SMOOTH = 0.1

HIST_PAD = 256
TBLK = H // 8
UBLK = W // 128
QPC = 128
SEG_PER_CHUNK = 3 * QPC
NCHUNK = 4

_mesh = plsc.VectorSubcoreMesh(core_axis_name="c", subcore_axis_name="s")


@functools.partial(
    pl.kernel,
    out_type=jax.ShapeDtypeStruct((B, HIST_PAD), jnp.float32),
    mesh=_mesh,
    scratch_types=[
        pltpu.VMEM((SEG_PER_CHUNK,), jnp.int32),
        pltpu.VMEM((SEG_PER_CHUNK,), jnp.int32),
        pltpu.VMEM((SEG_PER_CHUNK, 128), jnp.float32),
        pltpu.VMEM((SEG_PER_CHUNK, 128), jnp.float32),
        pltpu.VMEM((HIST_PAD,), jnp.float32),
        pltpu.SemaphoreType.DMA,
        pltpu.SemaphoreType.DMA,
    ],
    compiler_params=pltpu.CompilerParams(
        use_tc_tiling_on_sc=False,
        needs_layout_passes=False,
    ),
)
def _sc_hist(x_hbm, out_hbm, idx_a, idx_b, segs_a, segs_b, hist_v, sem_a, sem_b):
    c = lax.axis_index("c")
    s = lax.axis_index("s")
    wid = s * 2 + c
    lanes = lax.iota(jnp.int32, 16)
    ones16 = jnp.ones((16,), jnp.float32)
    zeros16 = jnp.zeros((16,), jnp.float32)
    idx_bufs = [idx_a, idx_b]
    seg_bufs = [segs_a, segs_b]
    sems = [sem_a, sem_b]

    for i in range(HIST_PAD // 16):
        hist_v[pl.ds(i * 16, 16)] = zeros16

    def build_idx(chunk, idx_v):
        for ch in range(3):
            for j in range(QPC // 16):
                q = j * 16 + lanes
                m = ((wid * 3 + ch) * 2048
                     + (chunk * (TBLK // NCHUNK) + (q >> 3)) * 32
                     + ((q >> 1) & 3) * 8
                     + (q & 1) * 4)
                idx_v[pl.ds(ch * QPC + j * 16, 16)] = m

    def compute(segs_v):
        def seg_body(i, carry):
            for half in range(2):
                r0 = jnp.full((16,), 0, jnp.int32) + (i * 2 + half)
                for g in range(2):
                    cols = (g * 16 + lanes) * 4
                    acc = plsc.load_gather(segs_v, [r0, cols])
                    acc = acc + plsc.load_gather(segs_v, [r0 + QPC, cols])
                    acc = acc + plsc.load_gather(segs_v, [r0 + 2 * QPC, cols])
                    b_idx = (acc * jnp.float32(NBINS / 3.0)).astype(jnp.int32)
                    b_idx = jnp.minimum(jnp.maximum(b_idx, 0), NBINS - 1)
                    plsc.addupdate_scatter(hist_v, [b_idx], ones16)
            return carry

        lax.fori_loop(0, QPC // 2, seg_body, 0)

    build_idx(0, idx_bufs[0])
    copies = [pltpu.async_copy(x_hbm.at[idx_bufs[0]], seg_bufs[0], sems[0]), None]
    for chunk in range(NCHUNK):
        par = chunk % 2
        nxt = 1 - par
        if chunk + 1 < NCHUNK:
            build_idx(chunk + 1, idx_bufs[nxt])
            copies[nxt] = pltpu.async_copy(
                x_hbm.at[idx_bufs[nxt]], seg_bufs[nxt], sems[nxt])
        copies[par].wait()
        compute(seg_bufs[par])

    pltpu.sync_copy(hist_v, out_hbm.at[wid])


def _tc_loss_body(step_ref, hist_ref, out_ref, psedo_ref, loss_ref):
    hp = hist_ref[...]
    hist = jnp.sum(hp, axis=0, keepdims=True)
    total = jnp.sum(hist)
    ii = lax.broadcasted_iota(jnp.int32, (HIST_PAD, HIST_PAD), 0)
    jj = lax.broadcasted_iota(jnp.int32, (HIST_PAD, HIST_PAD), 1)
    tri = (ii <= jj).astype(jnp.float32)
    cdf = jnp.dot(hist, tri, preferred_element_type=jnp.float32)
    cdfn = cdf[:, :NBINS] / total

    output = out_ref[...]
    psedo = psedo_ref[...]
    curve_loss = jnp.mean((output - cdfn) ** 2)
    psedo_loss = jnp.mean((psedo - output) ** 2) + 0.01 * jnp.mean((psedo - cdfn) ** 2)
    smooth_loss = jnp.mean((output[:, 1:] - output[:, :-1]) ** 2)
    w = jnp.where(step_ref[0] >= 3000, jnp.float32(0.5), jnp.float32(1.0))
    total_loss = w * curve_loss + LAMBDA_SMOOTH * smooth_loss + 0.5 * psedo_loss
    loss_ref[...] = jnp.full((1, 1), total_loss, jnp.float32)


_tc_loss = pl.pallas_call(
    _tc_loss_body,
    out_shape=jax.ShapeDtypeStruct((1, 1), jnp.float32),
    in_specs=[
        pl.BlockSpec(memory_space=pltpu.SMEM),
        pl.BlockSpec(memory_space=pltpu.VMEM),
        pl.BlockSpec(memory_space=pltpu.VMEM),
        pl.BlockSpec(memory_space=pltpu.VMEM),
    ],
    out_specs=pl.BlockSpec(memory_space=pltpu.VMEM),
)


def kernel(output, input, psedo_curve, step):
    x = (jnp.transpose(input, (0, 3, 1, 2))
         .reshape(B * C, TBLK, 8, UBLK, 128)
         .transpose(0, 1, 3, 2, 4)
         .reshape(B * C * H * UBLK, 128))
    hist_parts = _sc_hist(x)
    step_arr = jnp.asarray(step, jnp.int32).reshape(1)
    loss = _tc_loss(step_arr, hist_parts, output, psedo_curve)
    return loss.reshape(())

# --- scband reference (transcript-rebuilt; emitter-appended) ---
"""Pipeline reference for scband-histogram-prior-loss-72954314490321 (READ-ONLY COPY).

The authoritative reference and input builder live on the scoring server;
editing this copy changes nothing except your own understanding.
"""

import jax, jax.numpy as jnp
import numpy as np

B = 32
H = 512
W = 512
NBINS = 255
LAMBDA_SMOOTH = 0.1


def setup_inputs(seed: int = 0) -> dict:
    key = jax.random.key(seed)
    k1, k2, k3 = jax.random.split(key, 3)
    output = jax.random.uniform(k1, (B, NBINS), dtype=jnp.float32)
    inp = jax.random.uniform(k2, (B, H, W, 3), dtype=jnp.float32)
    psedo_curve = jax.random.uniform(k3, (B, NBINS), dtype=jnp.float32)
    return {"output": output, "input": inp, "psedo_curve": psedo_curve, "step": 1000}


def _hist_eq_prior(inp):
    # type='rgb' path: NHWC -> NCHW, nearest-neighbor downsample scale_factor=0.25,
    # mean over channel dim, flatten, 255-bin histogram on [0,1], normalized CDF.
    x = jnp.transpose(inp, (0, 3, 1, 2))
    # torch F.interpolate(mode='nearest', scale_factor=0.25): out[i] = in[4*i]
    x = x[:, :, ::4, ::4]
    x = jnp.mean(x, axis=1)
    flat = jax.lax.stop_gradient(x.reshape(-1))  # torch.histc is non-differentiable
    hist, _ = jnp.histogram(flat, bins=NBINS, range=(0.0, 1.0))
    hist = hist.astype(jnp.float32)
    cdf = jnp.cumsum(hist)
    cdf = cdf / cdf[-1]
    return cdf[None, :]


def reference(output, input, psedo_curve, step):
    hist_eq_prior = _hist_eq_prior(input)
    curve_loss = jnp.mean((output - hist_eq_prior) ** 2)
    psedo_curve_loss = jnp.mean((psedo_curve - output) ** 2) + 0.01 * jnp.mean((psedo_curve - hist_eq_prior) ** 2)
    smooth_loss = jnp.mean((output[:, 1:] - output[:, :-1]) ** 2)
    total_loss = curve_loss + LAMBDA_SMOOTH * smooth_loss + 0.5 * psedo_curve_loss
    total_loss = jnp.where(step >= 3000,
                           0.5 * curve_loss + LAMBDA_SMOOTH * smooth_loss + 0.5 * psedo_curve_loss,
                           total_loss)
    return total_loss

if __name__ == "__main__":
    import jax
    _d = setup_inputs()
    print(jax.jit(kernel)(*tuple(_d.values())))

</pallas_src>

<mosaic_0001>
#map = affine_map<(d0, d1) -> (0, 0)>
module attributes {stable_mosaic.version = 14 : i64} {
  func.func @_sc_hist(%arg0: i32, %arg1: i32, %arg2: memref<196608x128xf32, #tpu.memory_space<hbm>>, %arg3: memref<32x256xf32, #tpu.memory_space<hbm>>, %arg4: memref<384xi32, #tpu.memory_space<vmem>>, %arg5: memref<384xi32, #tpu.memory_space<vmem>>, %arg6: memref<384x128xf32, #tpu.memory_space<vmem>>, %arg7: memref<384x128xf32, #tpu.memory_space<vmem>>, %arg8: memref<256xf32, #tpu.memory_space<vmem>>, %arg9: memref<!tpu.dma_semaphore, #tpu.memory_space<semaphore_mem>>, %arg10: memref<!tpu.dma_semaphore, #tpu.memory_space<semaphore_mem>>) attributes {dimension_semantics = [#tpu.dimension_semantics<core_parallel>, #tpu.dimension_semantics<subcore_parallel>], iteration_bounds = array<i64: 2, 16>, scalar_prefetch = 0 : i64, scratch_operands = 7 : i64, tpu.core_type = #tpu.core_type<sc_vector_subcore>, window_params = [{transform_indices = #map}, {transform_indices = #map}]} {
    %mul3A = arith.constant 2 : i32
    %mul3A_0 = arith.muli %arg1, %mul3A : i32
    %add3A = arith.addi %mul3A_0, %arg0 : i32
    %iota3A = tpu.iota {dimensions = array<i32: 0>} : vector<16xi32>
    %broadcast_in_dim3A = arith.constant 1.000000e+00 : f32
    %broadcast_in_dim3A_1 = vector.broadcast %broadcast_in_dim3A : f32 to vector<16xf32>
    %broadcast_in_dim3A_2 = arith.constant 0.000000e+00 : f32
    %broadcast_in_dim3A_3 = vector.broadcast %broadcast_in_dim3A_2 : f32 to vector<16xf32>
    %swap3A = arith.constant 0 : index
    %swap3A_4 = tpu.vector_load %arg8[%swap3A] {strides = array<i32>} : memref<256xf32, #tpu.memory_space<vmem>>, vector<16xf32>,
    tpu.vector_store %arg8[%swap3A], %broadcast_in_dim3A_3 {strides = array<i32>} : memref<256xf32, #tpu.memory_space<vmem>>, vector<16xf32>,
    %swap3A_5 = arith.constant 16 : index
    %swap3A_6 = tpu.vector_load %arg8[%swap3A_5] {strides = array<i32>} : memref<256xf32, #tpu.memory_space<vmem>>, vector<16xf32>,
    tpu.vector_store %arg8[%swap3A_5], %broadcast_in_dim3A_3 {strides = array<i32>} : memref<256xf32, #tpu.memory_space<vmem>>, vector<16xf32>,
    %swap3A_7 = arith.constant 32 : index
    %swap3A_8 = tpu.vector_load %arg8[%swap3A_7] {strides = array<i32>} : memref<256xf32, #tpu.memory_space<vmem>>, vector<16xf32>,
    tpu.vector_store %arg8[%swap3A_7], %broadcast_in_dim3A_3 {strides = array<i32>} : memref<256xf32, #tpu.memory_space<vmem>>, vector<16xf32>,
    %swap3A_9 = arith.constant 48 : index
    %swap3A_10 = tpu.vector_load %arg8[%swap3A_9] {strides = array<i32>} : memref<256xf32, #tpu.memory_space<vmem>>, vector<16xf32>,
    tpu.vector_store %arg8[%swap3A_9], %broadcast_in_dim3A_3 {strides = array<i32>} : memref<256xf32, #tpu.memory_space<vmem>>, vector<16xf32>,
    %swap3A_11 = arith.constant 64 : index
    %swap3A_12 = tpu.vector_load %arg8[%swap3A_11] {strides = array<i32>} : memref<256xf32, #tpu.memory_space<vmem>>, vector<16xf32>,
    tpu.vector_store %arg8[%swap3A_11], %broadcast_in_dim3A_3 {strides = array<i32>} : memref<256xf32, #tpu.memory_space<vmem>>, vector<16xf32>,
    %swap3A_13 = arith.constant 80 : index
    %swap3A_14 = tpu.vector_load %arg8[%swap3A_13] {strides = array<i32>} : memref<256xf32, #tpu.memory_space<vmem>>, vector<16xf32>,
    tpu.vector_store %arg8[%swap3A_13], %broadcast_in_dim3A_3 {strides = array<i32>} : memref<256xf32, #tpu.memory_space<vmem>>, vector<16xf32>,
    %swap3A_15 = arith.constant 96 : index
    %swap3A_16 = tpu.vector_load %arg8[%swap3A_15] {strides = array<i32>} : memref<256xf32, #tpu.memory_space<vmem>>, vector<16xf32>,
    tpu.vector_store %arg8[%swap3A_15], %broadcast_in_dim3A_3 {strides = array<i32>} : memref<256xf32, #tpu.memory_space<vmem>>, vector<16xf32>,
    %swap3A_17 = arith.constant 112 : index
    %swap3A_18 = tpu.vector_load %arg8[%swap3A_17] {strides = array<i32>} : memref<256xf32, #tpu.memory_space<vmem>>, vector<16xf32>,
    tpu.vector_store %arg8[%swap3A_17], %broadcast_in_dim3A_3 {strides = array<i32>} : memref<256xf32, #tpu.memory_space<vmem>>, vector<16xf32>,
    %swap3A_19 = arith.constant 128 : index
    %swap3A_20 = tpu.vector_load %arg8[%swap3A_19] {strides = array<i32>} : memref<256xf32, #tpu.memory_space<vmem>>, vector<16xf32>,
    tpu.vector_store %arg8[%swap3A_19], %broadcast_in_dim3A_3 {strides = array<i32>} : memref<256xf32, #tpu.memory_space<vmem>>, vector<16xf32>,
    %swap3A_21 = arith.constant 144 : index
    %swap3A_22 = tpu.vector_load %arg8[%swap3A_21] {strides = array<i32>} : memref<256xf32, #tpu.memory_space<vmem>>, vector<16xf32>,
    tpu.vector_store %arg8[%swap3A_21], %broadcast_in_dim3A_3 {strides = array<i32>} : memref<256xf32, #tpu.memory_space<vmem>>, vector<16xf32>,
    %swap3A_23 = arith.constant 160 : index
    %swap3A_24 = tpu.vector_load %arg8[%swap3A_23] {strides = array<i32>} : memref<256xf32, #tpu.memory_space<vmem>>, vector<16xf32>,
    tpu.vector_store %arg8[%swap3A_23], %broadcast_in_dim3A_3 {strides = array<i32>} : memref<256xf32, #tpu.memory_space<vmem>>, vector<16xf32>,
    %swap3A_25 = arith.constant 176 : index
    %swap3A_26 = tpu.vector_load %arg8[%swap3A_25] {strides = array<i32>} : memref<256xf32, #tpu.memory_space<vmem>>, vector<16xf32>,
    tpu.vector_store %arg8[%swap3A_25], %broadcast_in_dim3A_3 {strides = array<i32>} : memref<256xf32, #tpu.memory_space<vmem>>, vector<16xf32>,
    %swap3A_27 = arith.constant 192 : index
    %swap3A_28 = tpu.vector_load %arg8[%swap3A_27] {strides = array<i32>} : memref<256xf32, #tpu.memory_space<vmem>>, vector<16xf32>,
    tpu.vector_store %arg8[%swap3A_27], %broadcast_in_dim3A_3 {strides = array<i32>} : memref<256xf32, #tpu.memory_space<vmem>>, vector<16xf32>,
    %swap3A_29 = arith.constant 208 : index
    %swap3A_30 = tpu.vector_load %arg8[%swap3A_29] {strides = array<i32>} : memref<256xf32, #tpu.memory_space<vmem>>, vector<16xf32>,
    tpu.vector_store %arg8[%swap3A_29], %broadcast_in_dim3A_3 {strides = array<i32>} : memref<256xf32, #tpu.memory_space<vmem>>, vector<16xf32>,
    %swap3A_31 = arith.constant 224 : index
    %swap3A_32 = tpu.vector_load %arg8[%swap3A_31] {strides = array<i32>} : memref<256xf32, #tpu.memory_space<vmem>>, vector<16xf32>,
    tpu.vector_store %arg8[%swap3A_31], %broadcast_in_dim3A_3 {strides = array<i32>} : memref<256xf32, #tpu.memory_space<vmem>>, vector<16xf32>,
    %swap3A_33 = arith.constant 240 : index
    %swap3A_34 = tpu.vector_load %arg8[%swap3A_33] {strides = array<i32>} : memref<256xf32, #tpu.memory_space<vmem>>, vector<16xf32>,
    tpu.vector_store %arg8[%swap3A_33], %broadcast_in_dim3A_3 {strides = array<i32>} : memref<256xf32, #tpu.memory_space<vmem>>, vector<16xf32>,
    %add3A_35 = arith.constant 0 : i32
    %add3A_36 = vector.broadcast %add3A_35 : i32 to vector<16xi32>
    %add3A_37 = arith.addi %add3A_36, %iota3A : vector<16xi32>
    %mul3A_38 = arith.constant 3 : i32
    %mul3A_39 = arith.muli %add3A, %mul3A_38 : i32
    %add3A_40 = arith.constant 0 : i32
    %add3A_41 = arith.addi %mul3A_39, %add3A_40 : i32
    %mul3A_42 = arith.constant 2048 : i32
    %mul3A_43 = arith.muli %add3A_41, %mul3A_42 : i32
    %shift_right_arithmetic3A = arith.constant 3 : i32
    %shift_right_arithmetic3A_44 = vector.broadcast %shift_right_arithmetic3A : i32 to vector<16xi32>
    %shift_right_arithmetic3A_45 = arith.shrsi %add3A_37, %shift_right_arithmetic3A_44 : vector<16xi32>
    %add3A_46 = arith.constant 0 : i32
    %add3A_47 = vector.broadcast %add3A_46 : i32 to vector<16xi32>
    %add3A_48 = arith.addi %add3A_47, %shift_right_arithmetic3A_45 : vector<16xi32>
    %mul3A_49 = arith.constant 32 : i32
    %mul3A_50 = vector.broadcast %mul3A_49 : i32 to vector<16xi32>
    %mul3A_51 = arith.muli %add3A_48, %mul3A_50 : vector<16xi32>
    %add3A_52 = vector.broadcast %mul3A_43 : i32 to vector<16xi32>
    %add3A_53 = arith.addi %add3A_52, %mul3A_51 : vector<16xi32>
    %shift_right_arithmetic3A_54 = arith.constant 1 : i32
    %shift_right_arithmetic3A_55 = vector.broadcast %shift_right_arithmetic3A_54 : i32 to vector<16xi32>
    %shift_right_arithmetic3A_56 = arith.shrsi %add3A_37, %shift_right_arithmetic3A_55 : vector<16xi32>
    %and3A = arith.constant 3 : i32
    %and3A_57 = vector.broadcast %and3A : i32 to vector<16xi32>
    %and3A_58 = arith.andi %shift_right_arithmetic3A_56, %and3A_57 : vector<16xi32>
    %mul3A_59 = arith.constant 8 : i32
    %mul3A_60 = vector.broadcast %mul3A_59 : i32 to vector<16xi32>
    %mul3A_61 = arith.muli %and3A_58, %mul3A_60 : vector<16xi32>
    %add3A_62 = arith.addi %add3A_53, %mul3A_61 : vector<16xi32>
    %and3A_63 = arith.constant 1 : i32
    %and3A_64 = vector.broadcast %and3A_63 : i32 to vector<16xi32>
    %and3A_65 = arith.andi %add3A_37, %and3A_64 : vector<16xi32>
    %mul3A_66 = arith.constant 4 : i32
    %mul3A_67 = vector.broadcast %mul3A_66 : i32 to vector<16xi32>
    %mul3A_68 = arith.muli %and3A_65, %mul3A_67 : vector<16xi32>
    %add3A_69 = arith.addi %add3A_62, %mul3A_68 : vector<16xi32>
    %swap3A_70 = arith.constant 0 : index
    %swap3A_71 = tpu.vector_load %arg4[%swap3A_70] {strides = array<i32>} : memref<384xi32, #tpu.memory_space<vmem>>, vector<16xi32>,
    tpu.vector_store %arg4[%swap3A_70], %add3A_69 {strides = array<i32>} : memref<384xi32, #tpu.memory_space<vmem>>, vector<16xi32>,
    %add3A_72 = arith.constant 16 : i32
    %add3A_73 = vector.broadcast %add3A_72 : i32 to vector<16xi32>
    %add3A_74 = arith.addi %add3A_73, %iota3A : vector<16xi32>
    %mul3A_75 = arith.constant 3 : i32
    %mul3A_76 = arith.muli %add3A, %mul3A_75 : i32
    %add3A_77 = arith.constant 0 : i32
    %add3A_78 = arith.addi %mul3A_76, %add3A_77 : i32
    %mul3A_79 = arith.constant 2048 : i32
    %mul3A_80 = arith.muli %add3A_78, %mul3A_79 : i32
    %shift_right_arithmetic3A_81 = arith.constant 3 : i32
    %shift_right_arithmetic3A_82 = vector.broadcast %shift_right_arithmetic3A_81 : i32 to vector<16xi32>
    %shift_right_arithmetic3A_83 = arith.shrsi %add3A_74, %shift_right_arithmetic3A_82 : vector<16xi32>
    %add3A_84 = arith.constant 0 : i32
    %add3A_85 = vector.broadcast %add3A_84 : i32 to vector<16xi32>
    %add3A_86 = arith.addi %add3A_85, %shift_right_arithmetic3A_83 : vector<16xi32>
    %mul3A_87 = arith.constant 32 : i32
    %mul3A_88 = vector.broadcast %mul3A_87 : i32 to vector<16xi32>
    %mul3A_89 = arith.muli %add3A_86, %mul3A_88 : vector<16xi32>
    %add3A_90 = vector.broadcast %mul3A_80 : i32 to vector<16xi32>
    %add3A_91 = arith.addi %add3A_90, %mul3A_89 : vector<16xi32>
    %shift_right_arithmetic3A_92 = arith.constant 1 : i32
    %shift_right_arithmetic3A_93 = vector.broadcast %shift_right_arithmetic3A_92 : i32 to vector<16xi32>
    %shift_right_arithmetic3A_94 = arith.shrsi %add3A_74, %shift_right_arithmetic3A_93 : vector<16xi32>
    %and3A_95 = arith.constant 3 : i32
    %and3A_96 = vector.broadcast %and3A_95 : i32 to vector<16xi32>
    %and3A_97 = arith.andi %shift_right_arithmetic3A_94, %and3A_96 : vector<16xi32>
    %mul3A_98 = arith.constant 8 : i32
    %mul3A_99 = vector.broadcast %mul3A_98 : i32 to vector<16xi32>
    %mul3A_100 = arith.muli %and3A_97, %mul3A_99 : vector<16xi32>
    %add3A_101 = arith.addi %add3A_91, %mul3A_100 : vector<16xi32>
    %and3A_102 = arith.constant 1 : i32
    %and3A_103 = vector.broadcast %and3A_102 : i32 to vector<16xi32>
    %and3A_104 = arith.andi %add3A_74, %and3A_103 : vector<16xi32>
    %mul3A_105 = arith.constant 4 : i32
    %mul3A_106 = vector.broadcast %mul3A_105 : i32 to vector<16xi32>
    %mul3A_107 = arith.muli %and3A_104, %mul3A_106 : vector<16xi32>
    %add3A_108 = arith.addi %add3A_101, %mul3A_107 : vector<16xi32>
    %swap3A_109 = arith.constant 16 : index
    %swap3A_110 = tpu.vector_load %arg4[%swap3A_109] {strides = array<i32>} : memref<384xi32, #tpu.memory_space<vmem>>, vector<16xi32>,
    tpu.vector_store %arg4[%swap3A_109], %add3A_108 {strides = array<i32>} : memref<384xi32, #tpu.memory_space<vmem>>, vector<16xi32>,
    %add3A_111 = arith.constant 32 : i32
    %add3A_112 = vector.broadcast %add3A_111 : i32 to vector<16xi32>
    %add3A_113 = arith.addi %add3A_112, %iota3A : vector<16xi32>
    %mul3A_114 = arith.constant 3 : i32
    %mul3A_115 = arith.muli %add3A, %mul3A_114 : i32
    %add3A_116 = arith.constant 0 : i32
    %add3A_117 = arith.addi %mul3A_115, %add3A_116 : i32
    %mul3A_118 = arith.constant 2048 : i32
    %mul3A_119 = arith.muli %add3A_117, %mul3A_118 : i32
    %shift_right_arithmetic3A_120 = arith.constant 3 : i32
    %shift_right_arithmetic3A_121 = vector.broadcast %shift_right_arithmetic3A_120 : i32 to vector<16xi32>
    %shift_right_arithmetic3A_122 = arith.shrsi %add3A_113, %shift_right_arithmetic3A_121 : vector<16xi32>
    %add3A_123 = arith.constant 0 : i32
    %add3A_124 = vector.broadcast %add3A_123 : i32 to vector<16xi32>
    %add3A_125 = arith.addi %add3A_124, %shift_right_arithmetic3A_122 : vector<16xi32>
    %mul3A_126 = arith.constant 32 : i32
    %mul3A_127 = vector.broadcast %mul3A_126 : i32 to vector<16xi32>
    %mul3A_128 = arith.muli %add3A_125, %mul3A_127 : vector<16xi32>
    %add3A_129 = vector.broadcast %mul3A_119 : i32 to vector<16xi32>
    %add3A_130 = arith.addi %add3A_129, %mul3A_128 : vector<16xi32>
    %shift_right_arithmetic3A_131 = arith.constant 1 : i32
    %shift_right_arithmetic3A_132 = vector.broadcast %shift_right_arithmetic3A_131 : i32 to vector<16xi32>
    %shift_right_arithmetic3A_133 = arith.shrsi %add3A_113, %shift_right_arithmetic3A_132 : vector<16xi32>
    %and3A_134 = arith.constant 3 : i32
    %and3A_135 = vector.broadcast %and3A_134 : i32 to vector<16xi32>
    %and3A_136 = arith.andi %shift_right_arithmetic3A_133, %and3A_135 : vector<16xi32>
    %mul3A_137 = arith.constant 8 : i32
    %mul3A_138 = vector.broadcast %mul3A_137 : i32 to vector<16xi32>
    %mul3A_139 = arith.muli %and3A_136, %mul3A_138 : vector<16xi32>
    %add3A_140 = arith.addi %add3A_130, %mul3A_139 : vector<16xi32>
    %and3A_141 = arith.constant 1 : i32
    %and3A_142 = vector.broadcast %and3A_141 : i32 to vector<16xi32>
    %and3A_143 = arith.andi %add3A_113, %and3A_142 : vector<16xi32>
    %mul3A_144 = arith.constant 4 : i32
    %mul3A_145 = vector.broadcast %mul3A_144 : i32 to vector<16xi32>
    %mul3A_146 = arith.muli %and3A_143, %mul3A_145 : vector<16xi32>
    %add3A_147 = arith.addi %add3A_140, %mul3A_146 : vector<16xi32>
    %swap3A_148 = arith.constant 32 : index
    %swap3A_149 = tpu.vector_load %arg4[%swap3A_148] {strides = array<i32>} : memref<384xi32, #tpu.memory_space<vmem>>, vector<16xi32>,
    tpu.vector_store %arg4[%swap3A_148], %add3A_147 {strides = array<i32>} : memref<384xi32, #tpu.memory_space<vmem>>, vector<16xi32>,
    %add3A_150 = arith.constant 48 : i32
    %add3A_151 = vector.broadcast %add3A_150 : i32 to vector<16xi32>
    %add3A_152 = arith.addi %add3A_151, %iota3A : vector<16xi32>
    %mul3A_153 = arith.constant 3 : i32
    %mul3A_154 = arith.muli %add3A, %mul3A_153 : i32
    %add3A_155 = arith.constant 0 : i32
    %add3A_156 = arith.addi %mul3A_154, %add3A_155 : i32
    %mul3A_157 = arith.constant 2048 : i32
    %mul3A_158 = arith.muli %add3A_156, %mul3A_157 : i32
    %shift_right_arithmetic3A_159 = arith.constant 3 : i32
    %shift_right_arithmetic3A_160 = vector.broadcast %shift_right_arithmetic3A_159 : i32 to vector<16xi32>
    %shift_right_arithmetic3A_161 = arith.shrsi %add3A_152, %shift_right_arithmetic3A_160 : vector<16xi32>
    %add3A_162 = arith.constant 0 : i32
    %add3A_163 = vector.broadcast %add3A_162 : i32 to vector<16xi32>
    %add3A_164 = arith.addi %add3A_163, %shift_right_arithmetic3A_161 : vector<16xi32>
    %mul3A_165 = arith.constant 32 : i32
    %mul3A_166 = vector.broadcast %mul3A_165 : i32 to vector<16xi32>
    %mul3A_167 = arith.muli %add3A_164, %mul3A_166 : vector<16xi32>
    %add3A_168 = vector.broadcast %mul3A_158 : i32 to vector<16xi32>
    %add3A_169 = arith.addi %add3A_168, %mul3A_167 : vector<16xi32>
    %shift_right_arithmetic3A_170 = arith.constant 1 : i32
    %shift_right_arithmetic3A_171 = vector.broadcast %shift_right_arithmetic3A_170 : i32 to vector<16xi32>
    %shift_right_arithmetic3A_172 = arith.shrsi %add3A_152, %shift_right_arithmetic3A_171 : vector<16xi32>
    %and3A_173 = arith.constant 3 : i32
    %and3A_174 = vector.broadcast %and3A_173 : i32 to vector<16xi32>
    %and3A_175 = arith.andi %shift_right_arithmetic3A_172, %and3A_174 : vector<16xi32>
    %mul3A_176 = arith.constant 8 : i32
    %mul3A_177 = vector.broadcast %mul3A_176 : i32 to vector<16xi32>
    %mul3A_178 = arith.muli %and3A_175, %mul3A_177 : vector<16xi32>
    %add3A_179 = arith.addi %add3A_169, %mul3A_178 : vector<16xi32>
    %and3A_180 = arith.constant 1 : i32
    %and3A_181 = vector.broadcast %and3A_180 : i32 to vector<16xi32>
    %and3A_182 = arith.andi %add3A_152, %and3A_181 : vector<16xi32>
    %mul3A_183 = arith.constant 4 : i32
    %mul3A_184 = vector.broadcast %mul3A_183 : i32 to vector<16xi32>
    %mul3A_185 = arith.muli %and3A_182, %mul3A_184 : vector<16xi32>
    %add3A_186 = arith.addi %add3A_179, %mul3A_185 : vector<16xi32>
    %swap3A_187 = arith.constant 48 : index
    %swap3A_188 = tpu.vector_load %arg4[%swap3A_187] {strides = array<i32>} : memref<384xi32, #tpu.memory_space<vmem>>, vector<16xi32>,
    tpu.vector_store %arg4[%swap3A_187], %add3A_186 {strides = array<i32>} : memref<384xi32, #tpu.memory_space<vmem>>, vector<16xi32>,
    %add3A_189 = arith.constant 64 : i32
    %add3A_190 = vector.broadcast %add3A_189 : i32 to vector<16xi32>
    %add3A_191 = arith.addi %add3A_190, %iota3A : vector<16xi32>
    %mul3A_192 = arith.constant 3 : i32
    %mul3A_193 = arith.muli %add3A, %mul3A_192 : i32
    %add3A_194 = arith.constant 0 : i32
    %add3A_195 = arith.addi %mul3A_193, %add3A_194 : i32
    %mul3A_196 = arith.constant 2048 : i32
    %mul3A_197 = arith.muli %add3A_195, %mul3A_196 : i32
    %shift_right_arithmetic3A_198 = arith.constant 3 : i32
    %shift_right_arithmetic3A_199 = vector.broadcast %shift_right_arithmetic3A_198 : i32 to vector<16xi32>
    %shift_right_arithmetic3A_200 = arith.shrsi %add3A_191, %shift_right_arithmetic3A_199 : vector<16xi32>
    %add3A_201 = arith.constant 0 : i32
    %add3A_202 = vector.broadcast %add3A_201 : i32 to vector<16xi32>
    %add3A_203 = arith.addi %add3A_202, %shift_right_arithmetic3A_200 : vector<16xi32>
    %mul3A_204 = arith.constant 32 : i32
    %mul3A_205 = vector.broadcast %mul3A_204 : i32 to vector<16xi32>
    %mul3A_206 = arith.muli %add3A_203, %mul3A_205 : vector<16xi32>
    %add3A_207 = vector.broadcast %mul3A_197 : i32 to vector<16xi32>
    %add3A_208 = arith.addi %add3A_207, %mul3A_206 : vector<16xi32>
    %shift_right_arithmetic3A_209 = arith.constant 1 : i32
    %shift_right_arithmetic3A_210 = vector.broadcast %shift_right_arithmetic3A_209 : i32 to vector<16xi32>
    %shift_right_arithmetic3A_211 = arith.shrsi %add3A_191, %shift_right_arithmetic3A_210 : vector<16xi32>
    %and3A_212 = arith.constant 3 : i32
    %and3A_213 = vector.broadcast %and3A_212 : i32 to vector<16xi32>
    %and3A_214 = arith.andi %shift_right_arithmetic3A_211, %and3A_213 : vector<16xi32>
    %mul3A_215 = arith.constant 8 : i32
    %mul3A_216 = vector.broadcast %mul3A_215 : i32 to vector<16xi32>
    %mul3A_217 = arith.muli %and3A_214, %mul3A_216 : vector<16xi32>
    %add3A_218 = arith.addi %add3A_208, %mul3A_217 : vector<16xi32>
    %and3A_219 = arith.constant 1 : i32
    %and3A_220 = vector.broadcast %and3A_219 : i32 to vector<16xi32>
    %and3A_221 = arith.andi %add3A_191, %and3A_220 : vector<16xi32>
    %mul3A_222 = arith.constant 4 : i32
    %mul3A_223 = vector.broadcast %mul3A_222 : i32 to vector<16xi32>
    %mul3A_224 = arith.muli %and3A_221, %mul3A_223 : vector<16xi32>
    %add3A_225 = arith.addi %add3A_218, %mul3A_224 : vector<16xi32>
    %swap3A_226 = arith.constant 64 : index
    %swap3A_227 = tpu.vector_load %arg4[%swap3A_226] {strides = array<i32>} : memref<384xi32, #tpu.memory_space<vmem>>, vector<16xi32>,
    tpu.vector_store %arg4[%swap3A_226], %add3A_225 {strides = array<i32>} : memref<384xi32, #tpu.memory_space<vmem>>, vector<16xi32>,
    %add3A_228 = arith.constant 80 : i32
    %add3A_229 = vector.broadcast %add3A_228 : i32 to vector<16xi32>
    %add3A_230 = arith.addi %add3A_229, %iota3A : vector<16xi32>
    %mul3A_231 = arith.constant 3 : i32
    %mul3A_232 = arith.muli %add3A, %mul3A_231 : i32
    %add3A_233 = arith.constant 0 : i32
    %add3A_234 = arith.addi %mul3A_232, %add3A_233 : i32
    %mul3A_235 = arith.constant 2048 : i32
    %mul3A_236 = arith.muli %add3A_234, %mul3A_235 : i32
    %shift_right_arithmetic3A_237 = arith.constant 3 : i32
    %shift_right_arithmetic3A_238 = vector.broadcast %shift_right_arithmetic3A_237 : i32 to vector<16xi32>
    %shift_right_arithmetic3A_239 = arith.shrsi %add3A_230, %shift_right_arithmetic3A_238 : vector<16xi32>
    %add3A_240 = arith.constant 0 : i32
    %add3A_241 = vector.broadcast %add3A_240 : i32 to vector<16xi32>
    %add3A_242 = arith.addi %add3A_241, %shift_right_arithmetic3A_239 : vector<16xi32>
    %mul3A_243 = arith.constant 32 : i32
    %mul3A_244 = vector.broadcast %mul3A_243 : i32 to vector<16xi32>
    %mul3A_245 = arith.muli %add3A_242, %mul3A_244 : vector<16xi32>
    %add3A_246 = vector.broadcast %mul3A_236 : i32 to vector<16xi32>
    %add3A_247 = arith.addi %add3A_246, %mul3A_245 : vector<16xi32>
    %shift_right_arithmetic3A_248 = arith.constant 1 : i32
    %shift_right_arithmetic3A_249 = vector.broadcast %shift_right_arithmetic3A_248 : i32 to vector<16xi32>
    %shift_right_arithmetic3A_250 = arith.shrsi %add3A_230, %shift_right_arithmetic3A_249 : vector<16xi32>
    %and3A_251 = arith.constant 3 : i32
    %and3A_252 = vector.broadcast %and3A_251 : i32 to vector<16xi32>
    %and3A_253 = arith.andi %shift_right_arithmetic3A_250, %and3A_252 : vector<16xi32>
    %mul3A_254 = arith.constant 8 : i32
    %mul3A_255 = vector.broadcast %mul3A_254 : i32 to vector<16xi32>
    %mul3A_256 = arith.muli %and3A_253, %mul3A_255 : vector<16xi32>
    %add3A_257 = arith.addi %add3A_247, %mul3A_256 : vector<16xi32>
    %and3A_258 = arith.constant 1 : i32
    %and3A_259 = vector.broadcast %and3A_258 : i32 to vector<16xi32>
    %and3A_260 = arith.andi %add3A_230, %and3A_259 : vector<16xi32>
    %mul3A_261 = arith.constant 4 : i32
    %mul3A_262 = vector.broadcast %mul3A_261 : i32 to vector<16xi32>
    %mul3A_263 = arith.muli %and3A_260, %mul3A_262 : vector<16xi32>
    %add3A_264 = arith.addi %add3A_257, %mul3A_263 : vector<16xi32>
    %swap3A_265 = arith.constant 80 : index
    %swap3A_266 = tpu.vector_load %arg4[%swap3A_265] {strides = array<i32>} : memref<384xi32, #tpu.memory_space<vmem>>, vector<16xi32>,
    tpu.vector_store %arg4[%swap3A_265], %add3A_264 {strides = array<i32>} : memref<384xi32, #tpu.memory_space<vmem>>, vector<16xi32>,
    %add3A_267 = arith.constant 96 : i32
    %add3A_268 = vector.broadcast %add3A_267 : i32 to vector<16xi32>
    %add3A_269 = arith.addi %add3A_268, %iota3A : vector<16xi32>
    %mul3A_270 = arith.constant 3 : i32
    %mul3A_271 = arith.muli %add3A, %mul3A_270 : i32
    %add3A_272 = arith.constant 0 : i32
    %add3A_273 = arith.addi %mul3A_271, %add3A_272 : i32
    %mul3A_274 = arith.constant 2048 : i32
    %mul3A_275 = arith.muli %add3A_273, %mul3A_274 : i32
    %shift_right_arithmetic3A_276 = arith.constant 3 : i32
    %shift_right_arithmetic3A_277 = vector.broadcast %shift_right_arithmetic3A_276 : i32 to vector<16xi32>
    %shift_right_arithmetic3A_278 = arith.shrsi %add3A_269, %shift_right_arithmetic3A_277 : vector<16xi32>
    %add3A_279 = arith.constant 0 : i32
    %add3A_280 = vector.broadcast %add3A_279 : i32 to vector<16xi32>
    %add3A_281 = arith.addi %add3A_280, %shift_right_arithmetic3A_278 : vector<16xi32>
    %mul3A_282 = arith.constant 32 : i32
    %mul3A_283 = vector.broadcast %mul3A_282 : i32 to vector<16xi32>
    %mul3A_284 = arith.muli %add3A_281, %mul3A_283 : vector<16xi32>
    %add3A_285 = vector.broadcast %mul3A_275 : i32 to vector<16xi32>
    %add3A_286 = arith.addi %add3A_285, %mul3A_284 : vector<16xi32>
    %shift_right_arithmetic3A_287 = arith.constant 1 : i32
    %shift_right_arithmetic3A_288 = vector.broadcast %shift_right_arithmetic3A_287 : i32 to vector<16xi32>
    %shift_right_arithmetic3A_289 = arith.shrsi %add3A_269, %shift_right_arithmetic3A_288 : vector<16xi32>
    %and3A_290 = arith.constant 3 : i32
    %and3A_291 = vector.broadcast %and3A_290 : i32 to vector<16xi32>
    %and3A_292 = arith.andi %shift_right_arithmetic3A_289, %and3A_291 : vector<16xi32>
    %mul3A_293 = arith.constant 8 : i32
    %mul3A_294 = vector.broadcast %mul3A_293 : i32 to vector<16xi32>
    %mul3A_295 = arith.muli %and3A_292, %mul3A_294 : vector<16xi32>
    %add3A_296 = arith.addi %add3A_286, %mul3A_295 : vector<16xi32>
    %and3A_297 = arith.constant 1 : i32
    %and3A_298 = vector.broadcast %and3A_297 : i32 to vector<16xi32>
    %and3A_299 = arith.andi %add3A_269, %and3A_298 : vector<16xi32>
    %mul3A_300 = arith.constant 4 : i32
    %mul3A_301 = vector.broadcast %mul3A_300 : i32 to vector<16xi32>
    %mul3A_302 = arith.muli %and3A_299, %mul3A_301 : vector<16xi32>
    %add3A_303 = arith.addi %add3A_296, %mul3A_302 : vector<16xi32>
    %swap3A_304 = arith.constant 96 : index
    %swap3A_305 = tpu.vector_load %arg4[%swap3A_304] {strides = array<i32>} : memref<384xi32, #tpu.memory_space<vmem>>, vector<16xi32>,
    tpu.vector_store %arg4[%swap3A_304], %add3A_303 {strides = array<i32>} : memref<384xi32, #tpu.memory_space<vmem>>, vector<16xi32>,
    %add3A_306 = arith.constant 112 : i32
    %add3A_307 = vector.broadcast %add3A_306 : i32 to vector<16xi32>
    %add3A_308 = arith.addi %add3A_307, %iota3A : vector<16xi32>
    %mul3A_309 = arith.constant 3 : i32
    %mul3A_310 = arith.muli %add3A, %mul3A_309 : i32
    %add3A_311 = arith.constant 0 : i32
    %add3A_312 = arith.addi %mul3A_310, %add3A_311 : i32
    %mul3A_313 = arith.constant 2048 : i32
    %mul3A_314 = arith.muli %add3A_312, %mul3A_313 : i32
    %shift_right_arithmetic3A_315 = arith.constant 3 : i32
    %shift_right_arithmetic3A_316 = vector.broadcast %shift_right_arithmetic3A_315 : i32 to vector<16xi32>
    %shift_right_arithmetic3A_317 = arith.shrsi %add3A_308, %shift_right_arithmetic3A_316 : vector<16xi32>
    %add3A_318 = arith.constant 0 : i32
    %add3A_319 = vector.broadcast %add3A_318 : i32 to vector<16xi32>
    %add3A_320 = arith.addi %add3A_319, %shift_right_arithmetic3A_317 : vector<16xi32>
    %mul3A_321 = arith.constant 32 : i32
    %mul3A_322 = vector.broadcast %mul3A_321 : i32 to vector<16xi32>
    %mul3A_323 = arith.muli %add3A_320, %mul3A_322 : vector<16xi32>
    %add3A_324 = vector.broadcast %mul3A_314 : i32 to vector<16xi32>
    %add3A_325 = arith.addi %add3A_324, %mul3A_323 : vector<16xi32>
    %shift_right_arithmetic3A_326 = arith.constant 1 : i32
    %shift_right_arithmetic3A_327 = vector.broadcast %shift_right_arithmetic3A_326 : i32 to vector<16xi32>
    %shift_right_arithmetic3A_328 = arith.shrsi %add3A_308, %shift_right_arithmetic3A_327 : vector<16xi32>
    %and3A_329 = arith.constant 3 : i32
    %and3A_330 = vector.broadcast %and3A_329 : i32 to vector<16xi32>
    %and3A_331 = arith.andi %shift_right_arithmetic3A_328, %and3A_330 : vector<16xi32>
    %mul3A_332 = arith.constant 8 : i32
    %mul3A_333 = vector.broadcast %mul3A_332 : i32 to vector<16xi32>
    %mul3A_334 = arith.muli %and3A_331, %mul3A_333 : vector<16xi32>
    %add3A_335 = arith.addi %add3A_325, %mul3A_334 : vector<16xi32>
    %and3A_336 = arith.constant 1 : i32
    %and3A_337 = vector.broadcast %and3A_336 : i32 to vector<16xi32>
    %and3A_338 = arith.andi %add3A_308, %and3A_337 : vector<16xi32>
    %mul3A_339 = arith.constant 4 : i32
    %mul3A_340 = vector.broadcast %mul3A_339 : i32 to vector<16xi32>
    %mul3A_341 = arith.muli %and3A_338, %mul3A_340 : vector<16xi32>
    %add3A_342 = arith.addi %add3A_335, %mul3A_341 : vector<16xi32>
    %swap3A_343 = arith.constant 112 : index
    %swap3A_344 = tpu.vector_load %arg4[%swap3A_343] {strides = array<i32>} : memref<384xi32, #tpu.memory_space<vmem>>, vector<16xi32>,
    tpu.vector_store %arg4[%swap3A_343], %add3A_342 {strides = array<i32>} : memref<384xi32, #tpu.memory_space<vmem>>, vector<16xi32>,
    %add3A_345 = arith.constant 0 : i32
    %add3A_346 = vector.broadcast %add3A_345 : i32 to vector<16xi32>
    %add3A_347 = arith.addi %add3A_346, %iota3A : vector<16xi32>
    %mul3A_348 = arith.constant 3 : i32
    %mul3A_349 = arith.muli %add3A, %mul3A_348 : i32
    %add3A_350 = arith.constant 1 : i32
    %add3A_351 = arith.addi %mul3A_349, %add3A_350 : i32
    %mul3A_352 = arith.constant 2048 : i32
    %mul3A_353 = arith.muli %add3A_351, %mul3A_352 : i32
    %shift_right_arithmetic3A_354 = arith.constant 3 : i32
    %shift_right_arithmetic3A_355 = vector.broadcast %shift_right_arithmetic3A_354 : i32 to vector<16xi32>
    %shift_right_arithmetic3A_356 = arith.shrsi %add3A_347, %shift_right_arithmetic3A_355 : vector<16xi32>
    %add3A_357 = arith.constant 0 : i32
    %add3A_358 = vector.broadcast %add3A_357 : i32 to vector<16xi32>
    %add3A_359 = arith.addi %add3A_358, %shift_right_arithmetic3A_356 : vector<16xi32>
    %mul3A_360 = arith.constant 32 : i32
    %mul3A_361 = vector.broadcast %mul3A_360 : i32 to vector<16xi32>
    %mul3A_362 = arith.muli %add3A_359, %mul3A_361 : vector<16xi32>
    %add3A_363 = vector.broadcast %mul3A_353 : i32 to vector<16xi32>
    %add3A_364 = arith.addi %add3A_363, %mul3A_362 : vector<16xi32>
    %shift_right_arithmetic3A_365 = arith.constant 1 : i32
    %shift_right_arithmetic3A_366 = vector.broadcast %shift_right_arithmetic3A_365 : i32 to vector<16xi32>
    %shift_right_arithmetic3A_367 = arith.shrsi %add3A_347, %shift_right_arithmetic3A_366 : vector<16xi32>
    %and3A_368 = arith.constant 3 : i32
    %and3A_369 = vector.broadcast %and3A_368 : i32 to vector<16xi32>
    %and3A_370 = arith.andi %shift_right_arithmetic3A_367, %and3A_369 : vector<16xi32>
    %mul3A_371 = arith.constant 8 : i32
    %mul3A_372 = vector.broadcast %mul3A_371 : i32 to vector<16xi32>
    %mul3A_373 = arith.muli %and3A_370, %mul3A_372 : vector<16xi32>
    %add3A_374 = arith.addi %add3A_364, %mul3A_373 : vector<16xi32>
    %and3A_375 = arith.constant 1 : i32
    %and3A_376 = vector.broadcast %and3A_375 : i32 to vector<16xi32>
    %and3A_377 = arith.andi %add3A_347, %and3A_376 : vector<16xi32>
    %mul3A_378 = arith.constant 4 : i32
    %mul3A_379 = vector.broadcast %mul3A_378 : i32 to vector<16xi32>
    %mul3A_380 = arith.muli %and3A_377, %mul3A_379 : vector<16xi32>
    %add3A_381 = arith.addi %add3A_374, %mul3A_380 : vector<16xi32>
    %swap3A_382 = arith.constant 128 : index
    %swap3A_383 = tpu.vector_load %arg4[%swap3A_382] {strides = array<i32>} : memref<384xi32, #tpu.memory_space<vmem>>, vector<16xi32>,
    tpu.vector_store %arg4[%swap3A_382], %add3A_381 {strides = array<i32>} : memref<384xi32, #tpu.memory_space<vmem>>, vector<16xi32>,
    %add3A_384 = arith.constant 16 : i32
    %add3A_385 = vector.broadcast %add3A_384 : i32 to vector<16xi32>
    %add3A_386 = arith.addi %add3A_385, %iota3A : vector<16xi32>
    %mul3A_387 = arith.constant 3 : i32
    %mul3A_388 = arith.muli %add3A, %mul3A_387 : i32
    %add3A_389 = arith.constant 1 : i32
    %add3A_390 = arith.addi %mul3A_388, %add3A_389 : i32
    %mul3A_391 = arith.constant 2048 : i32
    %mul3A_392 = arith.muli %add3A_390, %mul3A_391 : i32
    %shift_right_arithmetic3A_393 = arith.constant 3 : i32
    %shift_right_arithmetic3A_394 = vector.broadcast %shift_right_arithmetic3A_393 : i32 to vector<16xi32>
    %shift_right_arithmetic3A_395 = arith.shrsi %add3A_386, %shift_right_arithmetic3A_394 : vector<16xi32>
    %add3A_396 = arith.constant 0 : i32
    %add3A_397 = vector.broadcast %add3A_396 : i32 to vector<16xi32>
    %add3A_398 = arith.addi %add3A_397, %shift_right_arithmetic3A_395 : vector<16xi32>
    %mul3A_399 = arith.constant 32 : i32
    %mul3A_400 = vector.broadcast %mul3A_399 : i32 to vector<16xi32>
    %mul3A_401 = arith.muli %add3A_398, %mul3A_400 : vector<16xi32>
    %add3A_402 = vector.broadcast %mul3A_392 : i32 to vector<16xi32>
    %add3A_403 = arith.addi %add3A_402, %mul3A_401 : vector<16xi32>
    %shift_right_arithmetic3A_404 = arith.constant 1 : i32
    %shift_right_arithmetic3A_405 = vector.broadcast %shift_right_arithmetic3A_404 : i32 to vector<16xi32>
    %shift_right_arithmetic3A_406 = arith.shrsi %add3A_386, %shift_right_arithmetic3A_405 : vector<16xi32>
    %and3A_407 = arith.constant 3 : i32
    %and3A_408 = vector.broadcast %and3A_407 : i32 to vector<16xi32>
    %and3A_409 = arith.andi %shift_right_arithmetic3A_406, %and3A_408 : vector<16xi32>
    %mul3A_410 = arith.constant 8 : i32
    %mul3A_411 = vector.broadcast %mul3A_410 : i32 to vector<16xi32>
    %mul3A_412 = arith.muli %and3A_409, %mul3A_411 : vector<16xi32>
    %add3A_413 = arith.addi %add3A_403, %mul3A_412 : vector<16xi32>
    %and3A_414 = arith.constant 1 : i32
    %and3A_415 = vector.broadcast %and3A_414 : i32 to vector<16xi32>
    %and3A_416 = arith.andi %add3A_386, %and3A_415 : vector<16xi32>
    %mul3A_417 = arith.constant 4 : i32
    %mul3A_418 = vector.broadcast %mul3A_417 : i32 to vector<16xi32>
    %mul3A_419 = arith.muli %and3A_416, %mul3A_418 : vector<16xi32>
    %add3A_420 = arith.addi %add3A_413, %mul3A_419 : vector<16xi32>
    %swap3A_421 = arith.constant 144 : index
    %swap3A_422 = tpu.vector_load %arg4[%swap3A_421] {strides = array<i32>} : memref<384xi32, #tpu.memory_space<vmem>>, vector<16xi32>,
    tpu.vector_store %arg4[%swap3A_421], %add3A_420 {strides = array<i32>} : memref<384xi32, #tpu.memory_space<vmem>>, vector<16xi32>,
    %add3A_423 = arith.constant 32 : i32
    %add3A_424 = vector.broadcast %add3A_423 : i32 to vector<16xi32>
    %add3A_425 = arith.addi %add3A_424, %iota3A : vector<16xi32>
    %mul3A_426 = arith.constant 3 : i32
    %mul3A_427 = arith.muli %add3A, %mul3A_426 : i32
    %add3A_428 = arith.constant 1 : i32
    %add3A_429 = arith.addi %mul3A_427, %add3A_428 : i32
    %mul3A_430 = arith.constant 2048 : i32
    %mul3A_431 = arith.muli %add3A_429, %mul3A_430 : i32
    %shift_right_arithmetic3A_432 = arith.constant 3 : i32
    %shift_right_arithmetic3A_433 = vector.broadcast %shift_right_arithmetic3A_432 : i32 to vector<16xi32>
    %shift_right_arithmetic3A_434 = arith.shrsi %add3A_425, %shift_right_arithmetic3A_433 : vector<16xi32>
    %add3A_435 = arith.constant 0 : i32
    %add3A_436 = vector.broadcast %add3A_435 : i32 to vector<16xi32>
    %add3A_437 = arith.addi %add3A_436, %shift_right_arithmetic3A_434 : vector<16xi32>
    %mul3A_438 = arith.constant 32 : i32
    %mul3A_439 = vector.broadcast %mul3A_438 : i32 to vector<16xi32>
    %mul3A_440 = arith.muli %add3A_437, %mul3A_439 : vector<16xi32>
    %add3A_441 = vector.broadcast %mul3A_431 : i32 to vector<16xi32>
    %add3A_442 = arith.addi %add3A_441, %mul3A_440 : vector<16xi32>
    %shift_right_arithmetic3A_443 = arith.constant 1 : i32
    %shift_right_arithmetic3A_444 = vector.broadcast %shift_right_arithmetic3A_443 : i32 to vector<16xi32>
    %shift_right_arithmetic3A_445 = arith.shrsi %add3A_425, %shift_right_arithmetic3A_444 : vector<16xi32>
    %and3A_446 = arith.constant 3 : i32
    %and3A_447 = vector.broadcast %and3A_446 : i32 to vector<16xi32>
    %and3A_448 = arith.andi %shift_right_arithmetic3A_445, %and3A_447 : vector<16xi32>
    %mul3A_449 = arith.constant 8 : i32
    %mul3A_450 = vector.broadcast %mul3A_449 : i32 to vector<16xi32>
    %mul3A_451 = arith.muli %and3A_448, %mul3A_450 : vector<16xi32>
    %add3A_452 = arith.addi %add3A_442, %mul3A_451 : vector<16xi32>
    %and3A_453 = arith.constant 1 : i32
    %and3A_454 = vector.broadcast %and3A_453 : i32 to vector<16xi32>
    %and3A_455 = arith.andi %add3A_425, %and3A_454 : vector<16xi32>
    %mul3A_456 = arith.constant 4 : i32
    %mul3A_457 = vector.broadcast %mul3A_456 : i32 to vector<16xi32>
    %mul3A_458 = arith.muli %and3A_455, %mul3A_457 : vector<16xi32>
    %add3A_459 = arith.addi %add3A_452, %mul3A_458 : vector<16xi32>
    %swap3A_460 = arith.constant 160 : index
    %swap3A_461 = tpu.vector_load %arg4[%swap3A_460] {strides = array<i32>} : memref<384xi32, #tpu.memory_space<vmem>>, vector<16xi32>,
    tpu.vector_store %arg4[%swap3A_460], %add3A_459 {strides = array<i32>} : memref<384xi32, #tpu.memory_space<vmem>>, vector<16xi32>,
    %add3A_462 = arith.constant 48 : i32
    %add3A_463 = vector.broadcast %add3A_462 : i32 to vector<16xi32>
    %add3A_464 = arith.addi %add3A_463, %iota3A : vector<16xi32>
    %mul3A_465 = arith.constant 3 : i32
    %mul3A_466 = arith.muli %add3A, %mul3A_465 : i32
    %add3A_467 = arith.constant 1 : i32
    %add3A_468 = arith.addi %mul3A_466, %add3A_467 : i32
    %mul3A_469 = arith.constant 2048 : i32
    %mul3A_470 = arith.muli %add3A_468, %mul3A_469 : i32
    %shift_right_arithmetic3A_471 = arith.constant 3 : i32
    %shift_right_arithmetic3A_472 = vector.broadcast %shift_right_arithmetic3A_471 : i32 to vector<16xi32>
    %shift_right_arithmetic3A_473 = arith.shrsi %add3A_464, %shift_right_arithmetic3A_472 : vector<16xi32>
    %add3A_474 = arith.constant 0 : i32
    %add3A_475 = vector.broadcast %add3A_474 : i32 to vector<16xi32>
    %add3A_476 = arith.addi %add3A_475, %shift_right_arithmetic3A_473 : vector<16xi32>
    %mul3A_477 = arith.constant 32 : i32
    %mul3A_478 = vector.broadcast %mul3A_477 : i32 to vector<16xi32>
    %mul3A_479 = arith.muli %add3A_476, %mul3A_478 : vector<16xi32>
    %add3A_480 = vector.broadcast %mul3A_470 : i32 to vector<16xi32>
    %add3A_481 = arith.addi %add3A_480, %mul3A_479 : vector<16xi32>
    %shift_right_arithmetic3A_482 = arith.constant 1 : i32
    %shift_right_arithmetic3A_483 = vector.broadcast %shift_right_arithmetic3A_482 : i32 to vector<16xi32>
    %shift_right_arithmetic3A_484 = arith.shrsi %add3A_464, %shift_right_arithmetic3A_483 : vector<16xi32>
    %and3A_485 = arith.constant 3 : i32
    %and3A_486 = vector.broadcast %and3A_485 : i32 to vector<16xi32>
    %and3A_487 = arith.andi %shift_right_arithmetic3A_484, %and3A_486 : vector<16xi32>
    %mul3A_488 = arith.constant 8 : i32
    %mul3A_489 = vector.broadcast %mul3A_488 : i32 to vector<16xi32>
    %mul3A_490 = arith.muli %and3A_487, %mul3A_489 : vector<16xi32>
    %add3A_491 = arith.addi %add3A_481, %mul3A_490 : vector<16xi32>
    %and3A_492 = arith.constant 1 : i32
    %and3A_493 = vector.broadcast %and3A_492 : i32 to vector<16xi32>
    %and3A_494 = arith.andi %add3A_464, %and3A_493 : vector<16xi32>
    %mul3A_495 = arith.constant 4 : i32
    %mul3A_496 = vector.broadcast %mul3A_495 : i32 to vector<16xi32>
    %mul3A_497 = arith.muli %and3A_494, %mul3A_496 : vector<16xi32>
    %add3A_498 = arith.addi %add3A_491, %mul3A_497 : vector<16xi32>
    %swap3A_499 = arith.constant 176 : index
    %swap3A_500 = tpu.vector_load %arg4[%swap3A_499] {strides = array<i32>} : memref<384xi32, #tpu.memory_space<vmem>>, vector<16xi32>,
    tpu.vector_store %arg4[%swap3A_499], %add3A_498 {strides = array<i32>} : memref<384xi32, #tpu.memory_space<vmem>>, vector<16xi32>,
    %add3A_501 = arith.constant 64 : i32
    %add3A_502 = vector.broadcast %add3A_501 : i32 to vector<16xi32>
    %add3A_503 = arith.addi %add3A_502, %iota3A : vector<16xi32>
    %mul3A_504 = arith.constant 3 : i32
    %mul3A_505 = arith.muli %add3A, %mul3A_504 : i32
    %add3A_506 = arith.constant 1 : i32
    %add3A_507 = arith.addi %mul3A_505, %add3A_506 : i32
    %mul3A_508 = arith.constant 2048 : i32
    %mul3A_509 = arith.muli %add3A_507, %mul3A_508 : i32
    %shift_right_arithmetic3A_510 = arith.constant 3 : i32
    %shift_right_arithmetic3A_511 = vector.broadcast %shift_right_arithmetic3A_510 : i32 to vector<16xi32>
    %shift_right_arithmetic3A_512 = arith.shrsi %add3A_503, %shift_right_arithmetic3A_511 : vector<16xi32>
    %add3A_513 = arith.constant 0 : i32
    %add3A_514 = vector.broadcast %add3A_513 : i32 to vector<16xi32>
    %add3A_515 = arith.addi %add3A_514, %shift_right_arithmetic3A_512 : vector<16xi32>
    %mul3A_516 = arith.constant 32 : i32
    %mul3A_517 = vector.broadcast %mul3A_516 : i32 to vector<16xi32>
    %mul3A_518 = arith.muli %add3A_515, %mul3A_517 : vector<16xi32>
    %add3A_519 = vector.broadcast %mul3A_509 : i32 to vector<16xi32>
    %add3A_520 = arith.addi %add3A_519, %mul3A_518 : vector<16xi32>
    %shift_right_arithmetic3A_521 = arith.constant 1 : i32
    %shift_right_arithmetic3A_522 = vector.broadcast %shift_right_arithmetic3A_521 : i32 to vector<16xi32>
    %shift_right_arithmetic3A_523 = arith.shrsi %add3A_503, %shift_right_arithmetic3A_522 : vector<16xi32>
    %and3A_524 = arith.constant 3 : i32
    %and3A_525 = vector.broadcast %and3A_524 : i32 to vector<16xi32>
    %and3A_526 = arith.andi %shift_right_arithmetic3A_523, %and3A_525 : vector<16xi32>
    %mul3A_527 = arith.constant 8 : i32
    %mul3A_528 = vector.broadcast %mul3A_527 : i32 to vector<16xi32>
    %mul3A_529 = arith.muli %and3A_526, %mul3A_528 : vector<16xi32>
    %add3A_530 = arith.addi %add3A_520, %mul3A_529 : vector<16xi32>
    %and3A_531 = arith.constant 1 : i32
    %and3A_532 = vector.broadcast %and3A_531 : i32 to vector<16xi32>
    %and3A_533 = arith.andi %add3A_503, %and3A_532 : vector<16xi32>
    %mul3A_534 = arith.constant 4 : i32
    %mul3A_535 = vector.broadcast %mul3A_534 : i32 to vector<16xi32>
    %mul3A_536 = arith.muli %and3A_533, %mul3A_535 : vector<16xi32>
    %add3A_537 = arith.addi %add3A_530, %mul3A_536 : vector<16xi32>
    %swap3A_538 = arith.constant 192 : index
    %swap3A_539 = tpu.vector_load %arg4[%swap3A_538] {strides = array<i32>} : memref<384xi32, #tpu.memory_space<vmem>>, vector<16xi32>,
    tpu.vector_store %arg4[%swap3A_538], %add3A_537 {strides = array<i32>} : memref<384xi32, #tpu.memory_space<vmem>>, vector<16xi32>,
    %add3A_540 = arith.constant 80 : i32
    %add3A_541 = vector.broadcast %add3A_540 : i32 to vector<16xi32>
    %add3A_542 = arith.addi %add3A_541, %iota3A : vector<16xi32>
    %mul3A_543 = arith.constant 3 : i32
    %mul3A_544 = arith.muli %add3A, %mul3A_543 : i32
    %add3A_545 = arith.constant 1 : i32
    %add3A_546 = arith.addi %mul3A_544, %add3A_545 : i32
    %mul3A_547 = arith.constant 2048 : i32
    %mul3A_548 = arith.muli %add3A_546, %mul3A_547 : i32
    %shift_right_arithmetic3A_549 = arith.constant 3 : i32
    %shift_right_arithmetic3A_550 = vector.broadcast %shift_right_arithmetic3A_549 : i32 to vector<16xi32>
    %shift_right_arithmetic3A_551 = arith.shrsi %add3A_542, %shift_right_arithmetic3A_550 : vector<16xi32>
    %add3A_552 = arith.constant 0 : i32
    %add3A_553 = vector.broadcast %add3A_552 : i32 to vector<16xi32>
    %add3A_554 = arith.addi %add3A_553, %shift_right_arithmetic3A_551 : vector<16xi32>
    %mul3A_555 = arith.constant 32 : i32
    %mul3A_556 = vector.broadcast %mul3A_555 : i32 to vector<16xi32>
    %mul3A_557 = arith.muli %add3A_554, %mul3A_556 : vector<16xi32>
    %add3A_558 = vector.broadcast %mul3A_548 : i32 to vector<16xi32>
    %add3A_559 = arith.addi %add3A_558, %mul3A_557 : vector<16xi32>
    %shift_right_arithmetic3A_560 = arith.constant 1 : i32
    %shift_right_arithmetic3A_561 = vector.broadcast %shift_right_arithmetic3A_560 : i32 to vector<16xi32>
    %shift_right_arithmetic3A_562 = arith.shrsi %add3A_542, %shift_right_arithmetic3A_561 : vector<16xi32>
    %and3A_563 = arith.constant 3 : i32
    %and3A_564 = vector.broadcast %and3A_563 : i32 to vector<16xi32>
    %and3A_565 = arith.andi %shift_right_arithmetic3A_562, %and3A_564 : vector<16xi32>
    %mul3A_566 = arith.constant 8 : i32
    %mul3A_567 = vector.broadcast %mul3A_566 : i32 to vector<16xi32>
    %mul3A_568 = arith.muli %and3A_565, %mul3A_567 : vector<16xi32>
    %add3A_569 = arith.addi %add3A_559, %mul3A_568 : vector<16xi32>
    %and3A_570 = arith.constant 1 : i32
    %and3A_571 = vector.broadcast %and3A_570 : i32 to vector<16xi32>
    %and3A_572 = arith.andi %add3A_542, %and3A_571 : vector<16xi32>
    %mul3A_573 = arith.constant 4 : i32
    %mul3A_574 = vector.broadcast %mul3A_573 : i32 to vector<16xi32>
    %mul3A_575 = arith.muli %and3A_572, %mul3A_574 : vector<16xi32>
    %add3A_576 = arith.addi %add3A_569, %mul3A_575 : vector<16xi32>
    %swap3A_577 = arith.constant 208 : index
    %swap3A_578 = tpu.vector_load %arg4[%swap3A_577] {strides = array<i32>} : memref<384xi32, #tpu.memory_space<vmem>>, vector<16xi32>,
    tpu.vector_store %arg4[%swap3A_577], %add3A_576 {strides = array<i32>} : memref<384xi32, #tpu.memory_space<vmem>>, vector<16xi32>,
    %add3A_579 = arith.constant 96 : i32
    %add3A_580 = vector.broadcast %add3A_579 : i32 to vector<16xi32>
    %add3A_581 = arith.addi %add3A_580, %iota3A : vector<16xi32>
    %mul3A_582 = arith.constant 3 : i32
    %mul3A_583 = arith.muli %add3A, %mul3A_582 : i32
    %add3A_584 = arith.constant 1 : i32
    %add3A_585 = arith.addi %mul3A_583, %add3A_584 : i32
    %mul3A_586 = arith.constant 2048 : i32
    %mul3A_587 = arith.muli %add3A_585, %mul3A_586 : i32
    %shift_right_arithmetic3A_588 = arith.constant 3 : i32
    %shift_right_arithmetic3A_589 = vector.broadcast %shift_right_arithmetic3A_588 : i32 to vector<16xi32>
    %shift_right_arithmetic3A_590 = arith.shrsi %add3A_581, %shift_right_arithmetic3A_589 : vector<16xi32>
    %add3A_591 = arith.constant 0 : i32
    %add3A_592 = vector.broadcast %add3A_591 : i32 to vector<16xi32>
    %add3A_593 = arith.addi %add3A_592, %shift_right_arithmetic3A_590 : vector<16xi32>
    %mul3A_594 = arith.constant 32 : i32
    %mul3A_595 = vector.broadcast %mul3A_594 : i32 to vector<16xi32>
    %mul3A_596 = arith.muli %add3A_593, %mul3A_595 : vector<16xi32>
    %add3A_597 = vector.broadcast %mul3A_587 : i32 to vector<16xi32>
    %add3A_598 = arith.addi %add3A_597, %mul3A_596 : vector<16xi32>
    %shift_right_arithmetic3A_599 = arith.constant 1 : i32
    %shift_right_arithmetic3A_600 = vector.broadcast %shift_right_arithmetic3A_599 : i32 to vector<16xi32>
    %shift_right_arithmetic3A_601 = arith.shrsi %add3A_581, %shift_right_arithmetic3A_600 : vector<16xi32>
    %and3A_602 = arith.constant 3 : i32
    %and3A_603 = vector.broadcast %and3A_602 : i32 to vector<16xi32>
    %and3A_604 = arith.andi %shift_right_arithmetic3A_601, %and3A_603 : vector<16xi32>
    %mul3A_605 = arith.constant 8 : i32
    %mul3A_606 = vector.broadcast %mul3A_605 : i32 to vector<16xi32>
    %mul3A_607 = arith.muli %and3A_604, %mul3A_606 : vector<16xi32>
    %add3A_608 = arith.addi %add3A_598, %mul3A_607 : vector<16xi32>
    %and3A_609 = arith.constant 1 : i32
    %and3A_610 = vector.broadcast %and3A_609 : i32 to vector<16xi32>
    %and3A_611 = arith.andi %add3A_581, %and3A_610 : vector<16xi32>
    %mul3A_612 = arith.constant 4 : i32
    %mul3A_613 = vector.broadcast %mul3A_612 : i32 to vector<16xi32>
    %mul3A_614 = arith.muli %and3A_611, %mul3A_613 : vector<16xi32>
    %add3A_615 = arith.addi %add3A_608, %mul3A_614 : vector<16xi32>
    %swap3A_616 = arith.constant 224 : index
    %swap3A_617 = tpu.vector_load %arg4[%swap3A_616] {strides = array<i32>} : memref<384xi32, #tpu.memory_space<vmem>>, vector<16xi32>,
    tpu.vector_store %arg4[%swap3A_616], %add3A_615 {strides = array<i32>} : memref<384xi32, #tpu.memory_space<vmem>>, vector<16xi32>,
    %add3A_618 = arith.constant 112 : i32
    %add3A_619 = vector.broadcast %add3A_618 : i32 to vector<16xi32>
    %add3A_620 = arith.addi %add3A_619, %iota3A : vector<16xi32>
    %mul3A_621 = arith.constant 3 : i32
    %mul3A_622 = arith.muli %add3A, %mul3A_621 : i32
    %add3A_623 = arith.constant 1 : i32
    %add3A_624 = arith.addi %mul3A_622, %add3A_623 : i32
    %mul3A_625 = arith.constant 2048 : i32
    %mul3A_626 = arith.muli %add3A_624, %mul3A_625 : i32
    %shift_right_arithmetic3A_627 = arith.constant 3 : i32
    %shift_right_arithmetic3A_628 = vector.broadcast %shift_right_arithmetic3A_627 : i32 to vector<16xi32>
    %shift_right_arithmetic3A_629 = arith.shrsi %add3A_620, %shift_right_arithmetic3A_628 : vector<16xi32>
    %add3A_630 = arith.constant 0 : i32
    %add3A_631 = vector.broadcast %add3A_630 : i32 to vector<16xi32>
    %add3A_632 = arith.addi %add3A_631, %shift_right_arithmetic3A_629 : vector<16xi32>
    %mul3A_633 = arith.constant 32 : i32
    %mul3A_634 = vector.broadcast %mul3A_633 : i32 to vector<16xi32>
    %mul3A_635 = arith.muli %add3A_632, %mul3A_634 : vector<16xi32>
    %add3A_636 = vector.broadcast %mul3A_626 : i32 to vector<16xi32>
    %add3A_637 = arith.addi %add3A_636, %mul3A_635 : vector<16xi32>
    %shift_right_arithmetic3A_638 = arith.constant 1 : i32
    %shift_right_arithmetic3A_639 = vector.broadcast %shift_right_arithmetic3A_638 : i32 to vector<16xi32>
    %shift_right_arithmetic3A_640 = arith.shrsi %add3A_620, %shift_right_arithmetic3A_639 : vector<16xi32>
    %and3A_641 = arith.constant 3 : i32
    %and3A_642 = vector.broadcast %and3A_641 : i32 to vector<16xi32>
    %and3A_643 = arith.andi %shift_right_arithmetic3A_640, %and3A_642 : vector<16xi32>
    %mul3A_644 = arith.constant 8 : i32
    %mul3A_645 = vector.broadcast %mul3A_644 : i32 to vector<16xi32>
    %mul3A_646 = arith.muli %and3A_643, %mul3A_645 : vector<16xi32>
    %add3A_647 = arith.addi %add3A_637, %mul3A_646 : vector<16xi32>
    %and3A_648 = arith.constant 1 : i32
    %and3A_649 = vector.broadcast %and3A_648 : i32 to vector<16xi32>
    %and3A_650 = arith.andi %add3A_620, %and3A_649 : vector<16xi32>
    %mul3A_651 = arith.constant 4 : i32
    %mul3A_652 = vector.broadcast %mul3A_651 : i32 to vector<16xi32>
    %mul3A_653 = arith.muli %and3A_650, %mul3A_652 : vector<16xi32>
    %add3A_654 = arith.addi %add3A_647, %mul3A_653 : vector<16xi32>
    %swap3A_655 = arith.constant 240 : index
    %swap3A_656 = tpu.vector_load %arg4[%swap3A_655] {strides = array<i32>} : memref<384xi32, #tpu.memory_space<vmem>>, vector<16xi32>,
    tpu.vector_store %arg4[%swap3A_655], %add3A_654 {strides = array<i32>} : memref<384xi32, #tpu.memory_space<vmem>>, vector<16xi32>,
    %add3A_657 = arith.constant 0 : i32
    %add3A_658 = vector.broadcast %add3A_657 : i32 to vector<16xi32>
    %add3A_659 = arith.addi %add3A_658, %iota3A : vector<16xi32>
    %mul3A_660 = arith.constant 3 : i32
    %mul3A_661 = arith.muli %add3A, %mul3A_660 : i32
    %add3A_662 = arith.constant 2 : i32
    %add3A_663 = arith.addi %mul3A_661, %add3A_662 : i32
    %mul3A_664 = arith.constant 2048 : i32
    %mul3A_665 = arith.muli %add3A_663, %mul3A_664 : i32
    %shift_right_arithmetic3A_666 = arith.constant 3 : i32
    %shift_right_arithmetic3A_667 = vector.broadcast %shift_right_arithmetic3A_666 : i32 to vector<16xi32>
    %shift_right_arithmetic3A_668 = arith.shrsi %add3A_659, %shift_right_arithmetic3A_667 : vector<16xi32>
    %add3A_669 = arith.constant 0 : i32
    %add3A_670 = vector.broadcast %add3A_669 : i32 to vector<16xi32>
    %add3A_671 = arith.addi %add3A_670, %shift_right_arithmetic3A_668 : vector<16xi32>
    %mul3A_672 = arith.constant 32 : i32
    %mul3A_673 = vector.broadcast %mul3A_672 : i32 to vector<16xi32>
    %mul3A_674 = arith.muli %add3A_671, %mul3A_673 : vector<16xi32>
    %add3A_675 = vector.broadcast %mul3A_665 : i32 to vector<16xi32>
    %add3A_676 = arith.addi %add3A_675, %mul3A_674 : vector<16xi32>
    %shift_right_arithmetic3A_677 = arith.constant 1 : i32
    %shift_right_arithmetic3A_678 = vector.broadcast %shift_right_arithmetic3A_677 : i32 to vector<16xi32>
    %shift_right_arithmetic3A_679 = arith.shrsi %add3A_659, %shift_right_arithmetic3A_678 : vector<16xi32>
    %and3A_680 = arith.constant 3 : i32
    %and3A_681 = vector.broadcast %and3A_680 : i32 to vector<16xi32>
    %and3A_682 = arith.andi %shift_right_arithmetic3A_679, %and3A_681 : vector<16xi32>
    %mul3A_683 = arith.constant 8 : i32
    %mul3A_684 = vector.broadcast %mul3A_683 : i32 to vector<16xi32>
    %mul3A_685 = arith.muli %and3A_682, %mul3A_684 : vector<16xi32>
    %add3A_686 = arith.addi %add3A_676, %mul3A_685 : vector<16xi32>
    %and3A_687 = arith.constant 1 : i32
    %and3A_688 = vector.broadcast %and3A_687 : i32 to vector<16xi32>
    %and3A_689 = arith.andi %add3A_659, %and3A_688 : vector<16xi32>
    %mul3A_690 = arith.constant 4 : i32
    %mul3A_691 = vector.broadcast %mul3A_690 : i32 to vector<16xi32>
    %mul3A_692 = arith.muli %and3A_689, %mul3A_691 : vector<16xi32>
    %add3A_693 = arith.addi %add3A_686, %mul3A_692 : vector<16xi32>
    %swap3A_694 = arith.constant 256 : index
    %swap3A_695 = tpu.vector_load %arg4[%swap3A_694] {strides = array<i32>} : memref<384xi32, #tpu.memory_space<vmem>>, vector<16xi32>,
    tpu.vector_store %arg4[%swap3A_694], %add3A_693 {strides = array<i32>} : memref<384xi32, #tpu.memory_space<vmem>>, vector<16xi32>,
    %add3A_696 = arith.constant 16 : i32
    %add3A_697 = vector.broadcast %add3A_696 : i32 to vector<16xi32>
    %add3A_698 = arith.addi %add3A_697, %iota3A : vector<16xi32>
    %mul3A_699 = arith.constant 3 : i32
    %mul3A_700 = arith.muli %add3A, %mul3A_699 : i32
    %add3A_701 = arith.constant 2 : i32
    %add3A_702 = arith.addi %mul3A_700, %add3A_701 : i32
    %mul3A_703 = arith.constant 2048 : i32
    %mul3A_704 = arith.muli %add3A_702, %mul3A_703 : i32
    %shift_right_arithmetic3A_705 = arith.constant 3 : i32
    %shift_right_arithmetic3A_706 = vector.broadcast %shift_right_arithmetic3A_705 : i32 to vector<16xi32>
    %shift_right_arithmetic3A_707 = arith.shrsi %add3A_698, %shift_right_arithmetic3A_706 : vector<16xi32>
    %add3A_708 = arith.constant 0 : i32
    %add3A_709 = vector.broadcast %add3A_708 : i32 to vector<16xi32>
    %add3A_710 = arith.addi %add3A_709, %shift_right_arithmetic3A_707 : vector<16xi32>
    %mul3A_711 = arith.constant 32 : i32
    %mul3A_712 = vector.broadcast %mul3A_711 : i32 to vector<16xi32>
    %mul3A_713 = arith.muli %add3A_710, %mul3A_712 : vector<16xi32>
    %add3A_714 = vector.broadcast %mul3A_704 : i32 to vector<16xi32>
    %add3A_715 = arith.addi %add3A_714, %mul3A_713 : vector<16xi32>
    %shift_right_arithmetic3A_716 = arith.constant 1 : i32
    %shift_right_arithmetic3A_717 = vector.broadcast %shift_right_arithmetic3A_716 : i32 to vector<16xi32>
    %shift_right_arithmetic3A_718 = arith.shrsi %add3A_698, %shift_right_arithmetic3A_717 : vector<16xi32>
    %and3A_719 = arith.constant 3 : i32
    %and3A_720 = vector.broadcast %and3A_719 : i32 to vector<16xi32>
    %and3A_721 = arith.andi %shift_right_arithmetic3A_718, %and3A_720 : vector<16xi32>
    %mul3A_722 = arith.constant 8 : i32
    %mul3A_723 = vector.broadcast %mul3A_722 : i32 to vector<16xi32>
    %mul3A_724 = arith.muli %and3A_721, %mul3A_723 : vector<16xi32>
    %add3A_725 = arith.addi %add3A_715, %mul3A_724 : vector<16xi32>
    %and3A_726 = arith.constant 1 : i32
    %and3A_727 = vector.broadcast %and3A_726 : i32 to vector<16xi32>
    %and3A_728 = arith.andi %add3A_698, %and3A_727 : vector<16xi32>
    %mul3A_729 = arith.constant 4 : i32
    %mul3A_730 = vector.broadcast %mul3A_729 : i32 to vector<16xi32>
    %mul3A_731 = arith.muli %and3A_728, %mul3A_730 : vector<16xi32>
    %add3A_732 = arith.addi %add3A_725, %mul3A_731 : vector<16xi32>
    %swap3A_733 = arith.constant 272 : index
    %swap3A_734 = tpu.vector_load %arg4[%swap3A_733] {strides = array<i32>} : memref<384xi32, #tpu.memory_space<vmem>>, vector<16xi32>,
    tpu.vector_store %arg4[%swap3A_733], %add3A_732 {strides = array<i32>} : memref<384xi32, #tpu.memory_space<vmem>>, vector<16xi32>,
    %add3A_735 = arith.constant 32 : i32
    %add3A_736 = vector.broadcast %add3A_735 : i32 to vector<16xi32>
    %add3A_737 = arith.addi %add3A_736, %iota3A : vector<16xi32>
    %mul3A_738 = arith.constant 3 : i32
    %mul3A_739 = arith.muli %add3A, %mul3A_738 : i32
    %add3A_740 = arith.constant 2 : i32
    %add3A_741 = arith.addi %mul3A_739, %add3A_740 : i32
    %mul3A_742 = arith.constant 2048 : i32
    %mul3A_743 = arith.muli %add3A_741, %mul3A_742 : i32
    %shift_right_arithmetic3A_744 = arith.constant 3 : i32
    %shift_right_arithmetic3A_745 = vector.broadcast %shift_right_arithmetic3A_744 : i32 to vector<16xi32>
    %shift_right_arithmetic3A_746 = arith.shrsi %add3A_737, %shift_right_arithmetic3A_745 : vector<16xi32>
    %add3A_747 = arith.constant 0 : i32
    %add3A_748 = vector.broadcast %add3A_747 : i32 to vector<16xi32>
    %add3A_749 = arith.addi %add3A_748, %shift_right_arithmetic3A_746 : vector<16xi32>
    %mul3A_750 = arith.constant 32 : i32
    %mul3A_751 = vector.broadcast %mul3A_750 : i32 to vector<16xi32>
    %mul3A_752 = arith.muli %add3A_749, %mul3A_751 : vector<16xi32>
    %add3A_753 = vector.broadcast %mul3A_743 : i32 to vector<16xi32>
    %add3A_754 = arith.addi %add3A_753, %mul3A_752 : vector<16xi32>
    %shift_right_arithmetic3A_755 = arith.constant 1 : i32
    %shift_right_arithmetic3A_756 = vector.broadcast %shift_right_arithmetic3A_755 : i32 to vector<16xi32>
    %shift_right_arithmetic3A_757 = arith.shrsi %add3A_737, %shift_right_arithmetic3A_756 : vector<16xi32>
    %and3A_758 = arith.constant 3 : i32
    %and3A_759 = vector.broadcast %and3A_758 : i32 to vector<16xi32>
    %and3A_760 = arith.andi %shift_right_arithmetic3A_757, %and3A_759 : vector<16xi32>
    %mul3A_761 = arith.constant 8 : i32
    %mul3A_762 = vector.broadcast %mul3A_761 : i32 to vector<16xi32>
    %mul3A_763 = arith.muli %and3A_760, %mul3A_762 : vector<16xi32>
    %add3A_764 = arith.addi %add3A_754, %mul3A_763 : vector<16xi32>
    %and3A_765 = arith.constant 1 : i32
    %and3A_766 = vector.broadcast %and3A_765 : i32 to vector<16xi32>
    %and3A_767 = arith.andi %add3A_737, %and3A_766 : vector<16xi32>
    %mul3A_768 = arith.constant 4 : i32
    %mul3A_769 = vector.broadcast %mul3A_768 : i32 to vector<16xi32>
    %mul3A_770 = arith.muli %and3A_767, %mul3A_769 : vector<16xi32>
    %add3A_771 = arith.addi %add3A_764, %mul3A_770 : vector<16xi32>
    %swap3A_772 = arith.constant 288 : index
    %swap3A_773 = tpu.vector_load %arg4[%swap3A_772] {strides = array<i32>} : memref<384xi32, #tpu.memory_space<vmem>>, vector<16xi32>,
    tpu.vector_store %arg4[%swap3A_772], %add3A_771 {strides = array<i32>} : memref<384xi32, #tpu.memory_space<vmem>>, vector<16xi32>,
    %add3A_774 = arith.constant 48 : i32
    %add3A_775 = vector.broadcast %add3A_774 : i32 to vector<16xi32>
    %add3A_776 = arith.addi %add3A_775, %iota3A : vector<16xi32>
    %mul3A_777 = arith.constant 3 : i32
    %mul3A_778 = arith.muli %add3A, %mul3A_777 : i32
    %add3A_779 = arith.constant 2 : i32
    %add3A_780 = arith.addi %mul3A_778, %add3A_779 : i32
    %mul3A_781 = arith.constant 2048 : i32
    %mul3A_782 = arith.muli %add3A_780, %mul3A_781 : i32
    %shift_right_arithmetic3A_783 = arith.constant 3 : i32
    %shift_right_arithmetic3A_784 = vector.broadcast %shift_right_arithmetic3A_783 : i32 to vector<16xi32>
    %shift_right_arithmetic3A_785 = arith.shrsi %add3A_776, %shift_right_arithmetic3A_784 : vector<16xi32>
    %add3A_786 = arith.constant 0 : i32
    %add3A_787 = vector.broadcast %add3A_786 : i32 to vector<16xi32>
    %add3A_788 = arith.addi %add3A_787, %shift_right_arithmetic3A_785 : vector<16xi32>
    %mul3A_789 = arith.constant 32 : i32
    %mul3A_790 = vector.broadcast %mul3A_789 : i32 to vector<16xi32>
    %mul3A_791 = arith.muli %add3A_788, %mul3A_790 : vector<16xi32>
    %add3A_792 = vector.broadcast %mul3A_782 : i32 to vector<16xi32>
    %add3A_793 = arith.addi %add3A_792, %mul3A_791 : vector<16xi32>
    %shift_right_arithmetic3A_794 = arith.constant 1 : i32
    %shift_right_arithmetic3A_795 = vector.broadcast %shift_right_arithmetic3A_794 : i32 to vector<16xi32>
    %shift_right_arithmetic3A_796 = arith.shrsi %add3A_776, %shift_right_arithmetic3A_795 : vector<16xi32>
    %and3A_797 = arith.constant 3 : i32
    %and3A_798 = vector.broadcast %and3A_797 : i32 to vector<16xi32>
    %and3A_799 = arith.andi %shift_right_arithmetic3A_796, %and3A_798 : vector<16xi32>
    %mul3A_800 = arith.constant 8 : i32
    %mul3A_801 = vector.broadcast %mul3A_800 : i32 to vector<16xi32>
    %mul3A_802 = arith.muli %and3A_799, %mul3A_801 : vector<16xi32>
    %add3A_803 = arith.addi %add3A_793, %mul3A_802 : vector<16xi32>
    %and3A_804 = arith.constant 1 : i32
    %and3A_805 = vector.broadcast %and3A_804 : i32 to vector<16xi32>
    %and3A_806 = arith.andi %add3A_776, %and3A_805 : vector<16xi32>
    %mul3A_807 = arith.constant 4 : i32
    %mul3A_808 = vector.broadcast %mul3A_807 : i32 to vector<16xi32>
    %mul3A_809 = arith.muli %and3A_806, %mul3A_808 : vector<16xi32>
    %add3A_810 = arith.addi %add3A_803, %mul3A_809 : vector<16xi32>
    %swap3A_811 = arith.constant 304 : index
    %swap3A_812 = tpu.vector_load %arg4[%swap3A_811] {strides = array<i32>} : memref<384xi32, #tpu.memory_space<vmem>>, vector<16xi32>,
    tpu.vector_store %arg4[%swap3A_811], %add3A_810 {strides = array<i32>} : memref<384xi32, #tpu.memory_space<vmem>>, vector<16xi32>,
    %add3A_813 = arith.constant 64 : i32
    %add3A_814 = vector.broadcast %add3A_813 : i32 to vector<16xi32>
    %add3A_815 = arith.addi %add3A_814, %iota3A : vector<16xi32>
    %mul3A_816 = arith.constant 3 : i32
    %mul3A_817 = arith.muli %add3A, %mul3A_816 : i32
    %add3A_818 = arith.constant 2 : i32
    %add3A_819 = arith.addi %mul3A_817, %add3A_818 : i32
    %mul3A_820 = arith.constant 2048 : i32
    %mul3A_821 = arith.muli %add3A_819, %mul3A_820 : i32
    %shift_right_arithmetic3A_822 = arith.constant 3 : i32
    %shift_right_arithmetic3A_823 = vector.broadcast %shift_right_arithmetic3A_822 : i32 to vector<16xi32>
    %shift_right_arithmetic3A_824 = arith.shrsi %add3A_815, %shift_right_arithmetic3A_823 : vector<16xi32>
    %add3A_825 = arith.constant 0 : i32
    %add3A_826 = vector.broadcast %add3A_825 : i32 to vector<16xi32>
    %add3A_827 = arith.addi %add3A_826, %shift_right_arithmetic3A_824 : vector<16xi32>
    %mul3A_828 = arith.constant 32 : i32
    %mul3A_829 = vector.broadcast %mul3A_828 : i32 to vector<16xi32>
    %mul3A_830 = arith.muli %add3A_827, %mul3A_829 : vector<16xi32>
    %add3A_831 = vector.broadcast %mul3A_821 : i32 to vector<16xi32>
    %add3A_832 = arith.addi %add3A_831, %mul3A_830 : vector<16xi32>
    %shift_right_arithmetic3A_833 = arith.constant 1 : i32
    %shift_right_arithmetic3A_834 = vector.broadcast %shift_right_arithmetic3A_833 : i32 to vector<16xi32>
    %shift_right_arithmetic3A_835 = arith.shrsi %add3A_815, %shift_right_arithmetic3A_834 : vector<16xi32>
    %and3A_836 = arith.constant 3 : i32
    %and3A_837 = vector.broadcast %and3A_836 : i32 to vector<16xi32>
    %and3A_838 = arith.andi %shift_right_arithmetic3A_835, %and3A_837 : vector<16xi32>
    %mul3A_839 = arith.constant 8 : i32
    %mul3A_840 = vector.broadcast %mul3A_839 : i32 to vector<16xi32>
    %mul3A_841 = arith.muli %and3A_838, %mul3A_840 : vector<16xi32>
    %add3A_842 = arith.addi %add3A_832, %mul3A_841 : vector<16xi32>
    %and3A_843 = arith.constant 1 : i32
    %and3A_844 = vector.broadcast %and3A_843 : i32 to vector<16xi32>
    %and3A_845 = arith.andi %add3A_815, %and3A_844 : vector<16xi32>
    %mul3A_846 = arith.constant 4 : i32
    %mul3A_847 = vector.broadcast %mul3A_846 : i32 to vector<16xi32>
    %mul3A_848 = arith.muli %and3A_845, %mul3A_847 : vector<16xi32>
    %add3A_849 = arith.addi %add3A_842, %mul3A_848 : vector<16xi32>
    %swap3A_850 = arith.constant 320 : index
    %swap3A_851 = tpu.vector_load %arg4[%swap3A_850] {strides = array<i32>} : memref<384xi32, #tpu.memory_space<vmem>>, vector<16xi32>,
    tpu.vector_store %arg4[%swap3A_850], %add3A_849 {strides = array<i32>} : memref<384xi32, #tpu.memory_space<vmem>>, vector<16xi32>,
    %add3A_852 = arith.constant 80 : i32
    %add3A_853 = vector.broadcast %add3A_852 : i32 to vector<16xi32>
    %add3A_854 = arith.addi %add3A_853, %iota3A : vector<16xi32>
    %mul3A_855 = arith.constant 3 : i32
    %mul3A_856 = arith.muli %add3A, %mul3A_855 : i32
    %add3A_857 = arith.constant 2 : i32
    %add3A_858 = arith.addi %mul3A_856, %add3A_857 : i32
    %mul3A_859 = arith.constant 2048 : i32
    %mul3A_860 = arith.muli %add3A_858, %mul3A_859 : i32
    %shift_right_arithmetic3A_861 = arith.constant 3 : i32
    %shift_right_arithmetic3A_862 = vector.broadcast %shift_right_arithmetic3A_861 : i32 to vector<16xi32>
    %shift_right_arithmetic3A_863 = arith.shrsi %add3A_854, %shift_right_arithmetic3A_862 : vector<16xi32>
    %add3A_864 = arith.constant 0 : i32
    %add3A_865 = vector.broadcast %add3A_864 : i32 to vector<16xi32>
    %add3A_866 = arith.addi %add3A_865, %shift_right_arithmetic3A_863 : vector<16xi32>
    %mul3A_867 = arith.constant 32 : i32
    %mul3A_868 = vector.broadcast %mul3A_867 : i32 to vector<16xi32>
    %mul3A_869 = arith.muli %add3A_866, %mul3A_868 : vector<16xi32>
    %add3A_870 = vector.broadcast %mul3A_860 : i32 to vector<16xi32>
    %add3A_871 = arith.addi %add3A_870, %mul3A_869 : vector<16xi32>
    %shift_right_arithmetic3A_872 = arith.constant 1 : i32
    %shift_right_arithmetic3A_873 = vector.broadcast %shift_right_arithmetic3A_872 : i32 to vector<16xi32>
    %shift_right_arithmetic3A_874 = arith.shrsi %add3A_854, %shift_right_arithmetic3A_873 : vector<16xi32>
    %and3A_875 = arith.constant 3 : i32
    %and3A_876 = vector.broadcast %and3A_875 : i32 to vector<16xi32>
    %and3A_877 = arith.andi %shift_right_arithmetic3A_874, %and3A_876 : vector<16xi32>
    %mul3A_878 = arith.constant 8 : i32
    %mul3A_879 = vector.broadcast %mul3A_878 : i32 to vector<16xi32>
    %mul3A_880 = arith.muli %and3A_877, %mul3A_879 : vector<16xi32>
    %add3A_881 = arith.addi %add3A_871, %mul3A_880 : vector<16xi32>
    %and3A_882 = arith.constant 1 : i32
    %and3A_883 = vector.broadcast %and3A_882 : i32 to vector<16xi32>
    %and3A_884 = arith.andi %add3A_854, %and3A_883 : vector<16xi32>
    %mul3A_885 = arith.constant 4 : i32
    %mul3A_886 = vector.broadcast %mul3A_885 : i32 to vector<16xi32>
    %mul3A_887 = arith.muli %and3A_884, %mul3A_886 : vector<16xi32>
    %add3A_888 = arith.addi %add3A_881, %mul3A_887 : vector<16xi32>
    %swap3A_889 = arith.constant 336 : index
    %swap3A_890 = tpu.vector_load %arg4[%swap3A_889] {strides = array<i32>} : memref<384xi32, #tpu.memory_space<vmem>>, vector<16xi32>,
    tpu.vector_store %arg4[%swap3A_889], %add3A_888 {strides = array<i32>} : memref<384xi32, #tpu.memory_space<vmem>>, vector<16xi32>,
    %add3A_891 = arith.constant 96 : i32
    %add3A_892 = vector.broadcast %add3A_891 : i32 to vector<16xi32>
    %add3A_893 = arith.addi %add3A_892, %iota3A : vector<16xi32>
    %mul3A_894 = arith.constant 3 : i32
    %mul3A_895 = arith.muli %add3A, %mul3A_894 : i32
    %add3A_896 = arith.constant 2 : i32
    %add3A_897 = arith.addi %mul3A_895, %add3A_896 : i32
    %mul3A_898 = arith.constant 2048 : i32
    %mul3A_899 = arith.muli %add3A_897, %mul3A_898 : i32
    %shift_right_arithmetic3A_900 = arith.constant 3 : i32
    %shift_right_arithmetic3A_901 = vector.broadcast %shift_right_arithmetic3A_900 : i32 to vector<16xi32>
    %shift_right_arithmetic3A_902 = arith.shrsi %add3A_893, %shift_right_arithmetic3A_901 : vector<16xi32>
    %add3A_903 = arith.constant 0 : i32
    %add3A_904 = vector.broadcast %add3A_903 : i32 to vector<16xi32>
    %add3A_905 = arith.addi %add3A_904, %shift_right_arithmetic3A_902 : vector<16xi32>
    %mul3A_906 = arith.constant 32 : i32
    %mul3A_907 = vector.broadcast %mul3A_906 : i32 to vector<16xi32>
    %mul3A_908 = arith.muli %add3A_905, %mul3A_907 : vector<16xi32>
    %add3A_909 = vector.broadcast %mul3A_899 : i32 to vector<16xi32>
    %add3A_910 = arith.addi %add3A_909, %mul3A_908 : vector<16xi32>
    %shift_right_arithmetic3A_911 = arith.constant 1 : i32
    %shift_right_arithmetic3A_912 = vector.broadcast %shift_right_arithmetic3A_911 : i32 to vector<16xi32>
    %shift_right_arithmetic3A_913 = arith.shrsi %add3A_893, %shift_right_arithmetic3A_912 : vector<16xi32>
    %and3A_914 = arith.constant 3 : i32
    %and3A_915 = vector.broadcast %and3A_914 : i32 to vector<16xi32>
    %and3A_916 = arith.andi %shift_right_arithmetic3A_913, %and3A_915 : vector<16xi32>
    %mul3A_917 = arith.constant 8 : i32
    %mul3A_918 = vector.broadcast %mul3A_917 : i32 to vector<16xi32>
    %mul3A_919 = arith.muli %and3A_916, %mul3A_918 : vector<16xi32>
    %add3A_920 = arith.addi %add3A_910, %mul3A_919 : vector<16xi32>
    %and3A_921 = arith.constant 1 : i32
    %and3A_922 = vector.broadcast %and3A_921 : i32 to vector<16xi32>
    %and3A_923 = arith.andi %add3A_893, %and3A_922 : vector<16xi32>
    %mul3A_924 = arith.constant 4 : i32
    %mul3A_925 = vector.broadcast %mul3A_924 : i32 to vector<16xi32>
    %mul3A_926 = arith.muli %and3A_923, %mul3A_925 : vector<16xi32>
    %add3A_927 = arith.addi %add3A_920, %mul3A_926 : vector<16xi32>
    %swap3A_928 = arith.constant 352 : index
    %swap3A_929 = tpu.vector_load %arg4[%swap3A_928] {strides = array<i32>} : memref<384xi32, #tpu.memory_space<vmem>>, vector<16xi32>,
    tpu.vector_store %arg4[%swap3A_928], %add3A_927 {strides = array<i32>} : memref<384xi32, #tpu.memory_space<vmem>>, vector<16xi32>,
    %add3A_930 = arith.constant 112 : i32
    %add3A_931 = vector.broadcast %add3A_930 : i32 to vector<16xi32>
    %add3A_932 = arith.addi %add3A_931, %iota3A : vector<16xi32>
    %mul3A_933 = arith.constant 3 : i32
    %mul3A_934 = arith.muli %add3A, %mul3A_933 : i32
    %add3A_935 = arith.constant 2 : i32
    %add3A_936 = arith.addi %mul3A_934, %add3A_935 : i32
    %mul3A_937 = arith.constant 2048 : i32
    %mul3A_938 = arith.muli %add3A_936, %mul3A_937 : i32
    %shift_right_arithmetic3A_939 = arith.constant 3 : i32
    %shift_right_arithmetic3A_940 = vector.broadcast %shift_right_arithmetic3A_939 : i32 to vector<16xi32>
    %shift_right_arithmetic3A_941 = arith.shrsi %add3A_932, %shift_right_arithmetic3A_940 : vector<16xi32>
    %add3A_942 = arith.constant 0 : i32
    %add3A_943 = vector.broadcast %add3A_942 : i32 to vector<16xi32>
    %add3A_944 = arith.addi %add3A_943, %shift_right_arithmetic3A_941 : vector<16xi32>
    %mul3A_945 = arith.constant 32 : i32
    %mul3A_946 = vector.broadcast %mul3A_945 : i32 to vector<16xi32>
    %mul3A_947 = arith.muli %add3A_944, %mul3A_946 : vector<16xi32>
    %add3A_948 = vector.broadcast %mul3A_938 : i32 to vector<16xi32>
    %add3A_949 = arith.addi %add3A_948, %mul3A_947 : vector<16xi32>
    %shift_right_arithmetic3A_950 = arith.constant 1 : i32
    %shift_right_arithmetic3A_951 = vector.broadcast %shift_right_arithmetic3A_950 : i32 to vector<16xi32>
    %shift_right_arithmetic3A_952 = arith.shrsi %add3A_932, %shift_right_arithmetic3A_951 : vector<16xi32>
    %and3A_953 = arith.constant 3 : i32
    %and3A_954 = vector.broadcast %and3A_953 : i32 to vector<16xi32>
    %and3A_955 = arith.andi %shift_right_arithmetic3A_952, %and3A_954 : vector<16xi32>
    %mul3A_956 = arith.constant 8 : i32
    %mul3A_957 = vector.broadcast %mul3A_956 : i32 to vector<16xi32>
    %mul3A_958 = arith.muli %and3A_955, %mul3A_957 : vector<16xi32>
    %add3A_959 = arith.addi %add3A_949, %mul3A_958 : vector<16xi32>
    %and3A_960 = arith.constant 1 : i32
    %and3A_961 = vector.broadcast %and3A_960 : i32 to vector<16xi32>
    %and3A_962 = arith.andi %add3A_932, %and3A_961 : vector<16xi32>
    %mul3A_963 = arith.constant 4 : i32
    %mul3A_964 = vector.broadcast %mul3A_963 : i32 to vector<16xi32>
    %mul3A_965 = arith.muli %and3A_962, %mul3A_964 : vector<16xi32>
    %add3A_966 = arith.addi %add3A_959, %mul3A_965 : vector<16xi32>
    %swap3A_967 = arith.constant 368 : index
    %swap3A_968 = tpu.vector_load %arg4[%swap3A_967] {strides = array<i32>} : memref<384xi32, #tpu.memory_space<vmem>>, vector<16xi32>,
    tpu.vector_store %arg4[%swap3A_967], %add3A_966 {strides = array<i32>} : memref<384xi32, #tpu.memory_space<vmem>>, vector<16xi32>,
    %dma_start3A = arith.constant 0 : i32
    %dma_start3A_969 = arith.constant 0 : i32
    %dma_start3A_970 = tpu.memref_slice %arg2[%dma_start3A, %dma_start3A_969] : memref<196608x128xf32, #tpu.memory_space<hbm>> -> memref<196608x128xf32, #tpu.memory_space<hbm>>
    tpu.enqueue_indirect_dma source(%dma_start3A_970 : memref<196608x128xf32, #tpu.memory_space<hbm>>) target(%arg6 : memref<384x128xf32, #tpu.memory_space<vmem>>) offsets(%arg4 : memref<384xi32, #tpu.memory_space<vmem>>) semaphore(%arg9 : memref<!tpu.dma_semaphore, #tpu.memory_space<semaphore_mem>>)
    %add3A_971 = arith.constant 0 : i32
    %add3A_972 = vector.broadcast %add3A_971 : i32 to vector<16xi32>
    %add3A_973 = arith.addi %add3A_972, %iota3A : vector<16xi32>
    %mul3A_974 = arith.constant 3 : i32
    %mul3A_975 = arith.muli %add3A, %mul3A_974 : i32
    %add3A_976 = arith.constant 0 : i32
    %add3A_977 = arith.addi %mul3A_975, %add3A_976 : i32
    %mul3A_978 = arith.constant 2048 : i32
    %mul3A_979 = arith.muli %add3A_977, %mul3A_978 : i32
    %shift_right_arithmetic3A_980 = arith.constant 3 : i32
    %shift_right_arithmetic3A_981 = vector.broadcast %shift_right_arithmetic3A_980 : i32 to vector<16xi32>
    %shift_right_arithmetic3A_982 = arith.shrsi %add3A_973, %shift_right_arithmetic3A_981 : vector<16xi32>
    %add3A_983 = arith.constant 16 : i32
    %add3A_984 = vector.broadcast %add3A_983 : i32 to vector<16xi32>
    %add3A_985 = arith.addi %add3A_984, %shift_right_arithmetic3A_982 : vector<16xi32>
    %mul3A_986 = arith.constant 32 : i32
    %mul3A_987 = vector.broadcast %mul3A_986 : i32 to vector<16xi32>
    %mul3A_988 = arith.muli %add3A_985, %mul3A_987 : vector<16xi32>
    %add3A_989 = vector.broadcast %mul3A_979 : i32 to vector<16xi32>
    %add3A_990 = arith.addi %add3A_989, %mul3A_988 : vector<16xi32>
    %shift_right_arithmetic3A_991 = arith.constant 1 : i32
    %shift_right_arithmetic3A_992 = vector.broadcast %shift_right_arithmetic3A_991 : i32 to vector<16xi32>
    %shift_right_arithmetic3A_993 = arith.shrsi %add3A_973, %shift_right_arithmetic3A_992 : vector<16xi32>
    %and3A_994 = arith.constant 3 : i32
    %and3A_995 = vector.broadcast %and3A_994 : i32 to vector<16xi32>
    %and3A_996 = arith.andi %shift_right_arithmetic3A_993, %and3A_995 : vector<16xi32>
    %mul3A_997 = arith.constant 8 : i32
    %mul3A_998 = vector.broadcast %mul3A_997 : i32 to vector<16xi32>
    %mul3A_999 = arith.muli %and3A_996, %mul3A_998 : vector<16xi32>
    %add3A_1000 = arith.addi %add3A_990, %mul3A_999 : vector<16xi32>
    %and3A_1001 = arith.constant 1 : i32
    %and3A_1002 = vector.broadcast %and3A_1001 : i32 to vector<16xi32>
    %and3A_1003 = arith.andi %add3A_973, %and3A_1002 : vector<16xi32>
    %mul3A_1004 = arith.constant 4 : i32
    %mul3A_1005 = vector.broadcast %mul3A_1004 : i32 to vector<16xi32>
    %mul3A_1006 = arith.muli %and3A_1003, %mul3A_1005 : vector<16xi32>
    %add3A_1007 = arith.addi %add3A_1000, %mul3A_1006 : vector<16xi32>
    %swap3A_1008 = arith.constant 0 : index
    %swap3A_1009 = tpu.vector_load %arg5[%swap3A_1008] {strides = array<i32>} : memref<384xi32, #tpu.memory_space<vmem>>, vector<16xi32>,
    tpu.vector_store %arg5[%swap3A_1008], %add3A_1007 {strides = array<i32>} : memref<384xi32, #tpu.memory_space<vmem>>, vector<16xi32>,
    %add3A_1010 = arith.constant 16 : i32
    %add3A_1011 = vector.broadcast %add3A_1010 : i32 to vector<16xi32>
    %add3A_1012 = arith.addi %add3A_1011, %iota3A : vector<16xi32>
    %mul3A_1013 = arith.constant 3 : i32
    %mul3A_1014 = arith.muli %add3A, %mul3A_1013 : i32
    %add3A_1015 = arith.constant 0 : i32
    %add3A_1016 = arith.addi %mul3A_1014, %add3A_1015 : i32
    %mul3A_1017 = arith.constant 2048 : i32
    %mul3A_1018 = arith.muli %add3A_1016, %mul3A_1017 : i32
    %shift_right_arithmetic3A_1019 = arith.constant 3 : i32
    %shift_right_arithmetic3A_1020 = vector.broadcast %shift_right_arithmetic3A_1019 : i32 to vector<16xi32>
    %shift_right_arithmetic3A_1021 = arith.shrsi %add3A_1012, %shift_right_arithmetic3A_1020 : vector<16xi32>
    %add3A_1022 = arith.constant 16 : i32
    %add3A_1023 = vector.broadcast %add3A_1022 : i32 to vector<16xi32>
    %add3A_1024 = arith.addi %add3A_1023, %shift_right_arithmetic3A_1021 : vector<16xi32>
    %mul3A_1025 = arith.constant 32 : i32
    %mul3A_1026 = vector.broadcast %mul3A_1025 : i32 to vector<16xi32>
    %mul3A_1027 = arith.muli %add3A_1024, %mul3A_1026 : vector<16xi32>
    %add3A_1028 = vector.broadcast %mul3A_1018 : i32 to vector<16xi32>
    %add3A_1029 = arith.addi %add3A_1028, %mul3A_1027 : vector<16xi32>
    %shift_right_arithmetic3A_1030 = arith.constant 1 : i32
    %shift_right_arithmetic3A_1031 = vector.broadcast %shift_right_arithmetic3A_1030 : i32 to vector<16xi32>
    %shift_right_arithmetic3A_1032 = arith.shrsi %add3A_1012, %shift_right_arithmetic3A_1031 : vector<16xi32>
    %and3A_1033 = arith.constant 3 : i32
    %and3A_1034 = vector.broadcast %and3A_1033 : i32 to vector<16xi32>
    %and3A_1035 = arith.andi %shift_right_arithmetic3A_1032, %and3A_1034 : vector<16xi32>
    %mul3A_1036 = arith.constant 8 : i32
    %mul3A_1037 = vector.broadcast %mul3A_1036 : i32 to vector<16xi32>
    %mul3A_1038 = arith.muli %and3A_1035, %mul3A_1037 : vector<16xi32>
    %add3A_1039 = arith.addi %add3A_1029, %mul3A_1038 : vector<16xi32>
    %and3A_1040 = arith.constant 1 : i32
    %and3A_1041 = vector.broadcast %and3A_1040 : i32 to vector<16xi32>
    %and3A_1042 = arith.andi %add3A_1012, %and3A_1041 : vector<16xi32>
    %mul3A_1043 = arith.constant 4 : i32
    %mul3A_1044 = vector.broadcast %mul3A_1043 : i32 to vector<16xi32>
    %mul3A_1045 = arith.muli %and3A_1042, %mul3A_1044 : vector<16xi32>
    %add3A_1046 = arith.addi %add3A_1039, %mul3A_1045 : vector<16xi32>
    %swap3A_1047 = arith.constant 16 : index
    %swap3A_1048 = tpu.vector_load %arg5[%swap3A_1047] {strides = array<i32>} : memref<384xi32, #tpu.memory_space<vmem>>, vector<16xi32>,
    tpu.vector_store %arg5[%swap3A_1047], %add3A_1046 {strides = array<i32>} : memref<384xi32, #tpu.memory_space<vmem>>, vector<16xi32>,
    %add3A_1049 = arith.constant 32 : i32
    %add3A_1050 = vector.broadcast %add3A_1049 : i32 to vector<16xi32>
    %add3A_1051 = arith.addi %add3A_1050, %iota3A : vector<16xi32>
    %mul3A_1052 = arith.constant 3 : i32
    %mul3A_1053 = arith.muli %add3A, %mul3A_1052 : i32
    %add3A_1054 = arith.constant 0 : i32
    %add3A_1055 = arith.addi %mul3A_1053, %add3A_1054 : i32
    %mul3A_1056 = arith.constant 2048 : i32
    %mul3A_1057 = arith.muli %add3A_1055, %mul3A_1056 : i32
    %shift_right_arithmetic3A_1058 = arith.constant 3 : i32
    %shift_right_arithmetic3A_1059 = vector.broadcast %shift_right_arithmetic3A_1058 : i32 to vector<16xi32>
    %shift_right_arithmetic3A_1060 = arith.shrsi %add3A_1051, %shift_right_arithmetic3A_1059 : vector<16xi32>
    %add3A_1061 = arith.constant 16 : i32
    %add3A_1062 = vector.broadcast %add3A_1061 : i32 to vector<16xi32>
    %add3A_1063 = arith.addi %add3A_1062, %shift_right_arithmetic3A_1060 : vector<16xi32>
    %mul3A_1064 = arith.constant 32 : i32
    %mul3A_1065 = vector.broadcast %mul3A_1064 : i32 to vector<16xi32>
    %mul3A_1066 = arith.muli %add3A_1063, %mul3A_1065 : vector<16xi32>
    %add3A_1067 = vector.broadcast %mul3A_1057 : i32 to vector<16xi32>
    %add3A_1068 = arith.addi %add3A_1067, %mul3A_1066 : vector<16xi32>
    %shift_right_arithmetic3A_1069 = arith.constant 1 : i32
    %shift_right_arithmetic3A_1070 = vector.broadcast %shift_right_arithmetic3A_1069 : i32 to vector<16xi32>
    %shift_right_arithmetic3A_1071 = arith.shrsi %add3A_1051, %shift_right_arithmetic3A_1070 : vector<16xi32>
    %and3A_1072 = arith.constant 3 : i32
    %and3A_1073 = vector.broadcast %and3A_1072 : i32 to vector<16xi32>
    %and3A_1074 = arith.andi %shift_right_arithmetic3A_1071, %and3A_1073 : vector<16xi32>
    %mul3A_1075 = arith.constant 8 : i32
    %mul3A_1076 = vector.broadcast %mul3A_1075 : i32 to vector<16xi32>
    %mul3A_1077 = arith.muli %and3A_1074, %mul3A_1076 : vector<16xi32>
    %add3A_1078 = arith.addi %add3A_1068, %mul3A_1077 : vector<16xi32>
    %and3A_1079 = arith.constant 1 : i32
    %and3A_1080 = vector.broadcast %and3A_1079 : i32 to vector<16xi32>
    %and3A_1081 = arith.andi %add3A_1051, %and3A_1080 : vector<16xi32>
    %mul3A_1082 = arith.constant 4 : i32
    %mul3A_1083 = vector.broadcast %mul3A_1082 : i32 to vector<16xi32>
    %mul3A_1084 = arith.muli %and3A_1081, %mul3A_1083 : vector<16xi32>
    %add3A_1085 = arith.addi %add3A_1078, %mul3A_1084 : vector<16xi32>
    %swap3A_1086 = arith.constant 32 : index
    %swap3A_1087 = tpu.vector_load %arg5[%swap3A_1086] {strides = array<i32>} : memref<384xi32, #tpu.memory_space<vmem>>, vector<16xi32>,
    tpu.vector_store %arg5[%swap3A_1086], %add3A_1085 {strides = array<i32>} : memref<384xi32, #tpu.memory_space<vmem>>, vector<16xi32>,
    %add3A_1088 = arith.constant 48 : i32
    %add3A_1089 = vector.broadcast %add3A_1088 : i32 to vector<16xi32>
    %add3A_1090 = arith.addi %add3A_1089, %iota3A : vector<16xi32>
    %mul3A_1091 = arith.constant 3 : i32
    %mul3A_1092 = arith.muli %add3A, %mul3A_1091 : i32
    %add3A_1093 = arith.constant 0 : i32
    %add3A_1094 = arith.addi %mul3A_1092, %add3A_1093 : i32
    %mul3A_1095 = arith.constant 2048 : i32
    %mul3A_1096 = arith.muli %add3A_1094, %mul3A_1095 : i32
    %shift_right_arithmetic3A_1097 = arith.constant 3 : i32
    %shift_right_arithmetic3A_1098 = vector.broadcast %shift_right_arithmetic3A_1097 : i32 to vector<16xi32>
    %shift_right_arithmetic3A_1099 = arith.shrsi %add3A_1090, %shift_right_arithmetic3A_1098 : vector<16xi32>
    %add3A_1100 = arith.constant 16 : i32
    %add3A_1101 = vector.broadcast %add3A_1100 : i32 to vector<16xi32>
    %add3A_1102 = arith.addi %add3A_1101, %shift_right_arithmetic3A_1099 : vector<16xi32>
    %mul3A_1103 = arith.constant 32 : i32
    %mul3A_1104 = vector.broadcast %mul3A_1103 : i32 to vector<16xi32>
    %mul3A_1105 = arith.muli %add3A_1102, %mul3A_1104 : vector<16xi32>
    %add3A_1106 = vector.broadcast %mul3A_1096 : i32 to vector<16xi32>
    %add3A_1107 = arith.addi %add3A_1106, %mul3A_1105 : vector<16xi32>
    %shift_right_arithmetic3A_1108 = arith.constant 1 : i32
    %shift_right_arithmetic3A_1109 = vector.broadcast %shift_right_arithmetic3A_1108 : i32 to vector<16xi32>
    %shift_right_arithmetic3A_1110 = arith.shrsi %add3A_1090, %shift_right_arithmetic3A_1109 : vector<16xi32>
    %and3A_1111 = arith.constant 3 : i32
    %and3A_1112 = vector.broadcast %and3A_1111 : i32 to vector<16xi32>
    %and3A_1113 = arith.andi %shift_right_arithmetic3A_1110, %and3A_1112 : vector<16xi32>
    %mul3A_1114 = arith.constant 8 : i32
    %mul3A_1115 = vector.broadcast %mul3A_1114 : i32 to vector<16xi32>
    %mul3A_1116 = arith.muli %and3A_1113, %mul3A_1115 : vector<16xi32>
    %add3A_1117 = arith.addi %add3A_1107, %mul3A_1116 : vector<16xi32>
    %and3A_1118 = arith.constant 1 : i32
    %and3A_1119 = vector.broadcast %and3A_1118 : i32 to vector<16xi32>
    %and3A_1120 = arith.andi %add3A_1090, %and3A_1119 : vector<16xi32>
    %mul3A_1121 = arith.constant 4 : i32
    %mul3A_1122 = vector.broadcast %mul3A_1121 : i32 to vector<16xi32>
    %mul3A_1123 = arith.muli %and3A_1120, %mul3A_1122 : vector<16xi32>
    %add3A_1124 = arith.addi %add3A_1117, %mul3A_1123 : vector<16xi32>
    %swap3A_1125 = arith.constant 48 : index
    %swap3A_1126 = tpu.vector_load %arg5[%swap3A_1125] {strides = array<i32>} : memref<384xi32, #tpu.memory_space<vmem>>, vector<16xi32>,
    tpu.vector_store %arg5[%swap3A_1125], %add3A_1124 {strides = array<i32>} : memref<384xi32, #tpu.memory_space<vmem>>, vector<16xi32>,
    %add3A_1127 = arith.constant 64 : i32
    %add3A_1128 = vector.broadcast %add3A_1127 : i32 to vector<16xi32>
    %add3A_1129 = arith.addi %add3A_1128, %iota3A : vector<16xi32>
    %mul3A_1130 = arith.constant 3 : i32
    %mul3A_1131 = arith.muli %add3A, %mul3A_1130 : i32
    %add3A_1132 = arith.constant 0 : i32
    %add3A_1133 = arith.addi %mul3A_1131, %add3A_1132 : i32
    %mul3A_1134 = arith.constant 2048 : i32
    %mul3A_1135 = arith.muli %add3A_1133, %mul3A_1134 : i32
    %shift_right_arithmetic3A_1136 = arith.constant 3 : i32
    %shift_right_arithmetic3A_1137 = vector.broadcast %shift_right_arithmetic3A_1136 : i32 to vector<16xi32>
    %shift_right_arithmetic3A_1138 = arith.shrsi %add3A_1129, %shift_right_arithmetic3A_1137 : vector<16xi32>
    %add3A_1139 = arith.constant 16 : i32
    %add3A_1140 = vector.broadcast %add3A_1139 : i32 to vector<16xi32>
    %add3A_1141 = arith.addi %add3A_1140, %shift_right_arithmetic3A_1138 : vector<16xi32>
    %mul3A_1142 = arith.constant 32 : i32
    %mul3A_1143 = vector.broadcast %mul3A_1142 : i32 to vector<16xi32>
    %mul3A_1144 = arith.muli %add3A_1141, %mul3A_1143 : vector<16xi32>
    %add3A_1145 = vector.broadcast %mul3A_1135 : i32 to vector<16xi32>
    %add3A_1146 = arith.addi %add3A_1145, %mul3A_1144 : vector<16xi32>
    %shift_right_arithmetic3A_1147 = arith.constant 1 : i32
    %shift_right_arithmetic3A_1148 = vector.broadcast %shift_right_arithmetic3A_1147 : i32 to vector<16xi32>
    %shift_right_arithmetic3A_1149 = arith.shrsi %add3A_1129, %shift_right_arithmetic3A_1148 : vector<16xi32>
    %and3A_1150 = arith.constant 3 : i32
    %and3A_1151 = vector.broadcast %and3A_1150 : i32 to vector<16xi32>
    %and3A_1152 = arith.andi %shift_right_arithmetic3A_1149, %and3A_1151 : vector<16xi32>
    %mul3A_1153 = arith.constant 8 : i32
    %mul3A_1154 = vector.broadcast %mul3A_1153 : i32 to vector<16xi32>
    %mul3A_1155 = arith.muli %and3A_1152, %mul3A_1154 : vector<16xi32>
    %add3A_1156 = arith.addi %add3A_1146, %mul3A_1155 : vector<16xi32>
    %and3A_1157 = arith.constant 1 : i32
    %and3A_1158 = vector.broadcast %and3A_1157 : i32 to vector<16xi32>
    %and3A_1159 = arith.andi %add3A_1129, %and3A_1158 : vector<16xi32>
    %mul3A_1160 = arith.constant 4 : i32
    %mul3A_1161 = vector.broadcast %mul3A_1160 : i32 to vector<16xi32>
    %mul3A_1162 = arith.muli %and3A_1159, %mul3A_1161 : vector<16xi32>
    %add3A_1163 = arith.addi %add3A_1156, %mul3A_1162 : vector<16xi32>
    %swap3A_1164 = arith.constant 64 : index
    %swap3A_1165 = tpu.vector_load %arg5[%swap3A_1164] {strides = array<i32>} : memref<384xi32, #tpu.memory_space<vmem>>, vector<16xi32>,
    tpu.vector_store %arg5[%swap3A_1164], %add3A_1163 {strides = array<i32>} : memref<384xi32, #tpu.memory_space<vmem>>, vector<16xi32>,
    %add3A_1166 = arith.constant 80 : i32
    %add3A_1167 = vector.broadcast %add3A_1166 : i32 to vector<16xi32>
    %add3A_1168 = arith.addi %add3A_1167, %iota3A : vector<16xi32>
    %mul3A_1169 = arith.constant 3 : i32
    %mul3A_1170 = arith.muli %add3A, %mul3A_1169 : i32
    %add3A_1171 = arith.constant 0 : i32
    %add3A_1172 = arith.addi %mul3A_1170, %add3A_1171 : i32
    %mul3A_1173 = arith.constant 2048 : i32
    %mul3A_1174 = arith.muli %add3A_1172, %mul3A_1173 : i32
    %shift_right_arithmetic3A_1175 = arith.constant 3 : i32
    %shift_right_arithmetic3A_1176 = vector.broadcast %shift_right_arithmetic3A_1175 : i32 to vector<16xi32>
    %shift_right_arithmetic3A_1177 = arith.shrsi %add3A_1168, %shift_right_arithmetic3A_1176 : vector<16xi32>
    %add3A_1178 = arith.constant 16 : i32
    %add3A_1179 = vector.broadcast %add3A_1178 : i32 to vector<16xi32>
    %add3A_1180 = arith.addi %add3A_1179, %shift_right_arithmetic3A_1177 : vector<16xi32>
    %mul3A_1181 = arith.constant 32 : i32
    %mul3A_1182 = vector.broadcast %mul3A_1181 : i32 to vector<16xi32>
    %mul3A_1183 = arith.muli %add3A_1180, %mul3A_1182 : vector<16xi32>
    %add3A_1184 = vector.broadcast %mul3A_1174 : i32 to vector<16xi32>
    %add3A_1185 = arith.addi %add3A_1184, %mul3A_1183 : vector<16xi32>
    %shift_right_arithmetic3A_1186 = arith.constant 1 : i32
    %shift_right_arithmetic3A_1187 = vector.broadcast %shift_right_arithmetic3A_1186 : i32 to vector<16xi32>
    %shift_right_arithmetic3A_1188 = arith.shrsi %add3A_1168, %shift_right_arithmetic3A_1187 : vector<16xi32>
    %and3A_1189 = arith.constant 3 : i32
    %and3A_1190 = vector.broadcast %and3A_1189 : i32 to vector<16xi32>
    %and3A_1191 = arith.andi %shift_right_arithmetic3A_1188, %and3A_1190 : vector<16xi32>
    %mul3A_1192 = arith.constant 8 : i32
    %mul3A_1193 = vector.broadcast %mul3A_1192 : i32 to vector<16xi32>
    %mul3A_1194 = arith.muli %and3A_1191, %mul3A_1193 : vector<16xi32>
    %add3A_1195 = arith.addi %add3A_1185, %mul3A_1194 : vector<16xi32>
    %and3A_1196 = arith.constant 1 : i32
    %and3A_1197 = vector.broadcast %and3A_1196 : i32 to vector<16xi32>
    %and3A_1198 = arith.andi %add3A_1168, %and3A_1197 : vector<16xi32>
    %mul3A_1199 = arith.constant 4 : i32
    %mul3A_1200 = vector.broadcast %mul3A_1199 : i32 to vector<16xi32>
    %mul3A_1201 = arith.muli %and3A_1198, %mul3A_1200 : vector<16xi32>
    %add3A_1202 = arith.addi %add3A_1195, %mul3A_1201 : vector<16xi32>
    %swap3A_1203 = arith.constant 80 : index
    %swap3A_1204 = tpu.vector_load %arg5[%swap3A_1203] {strides = array<i32>} : memref<384xi32, #tpu.memory_space<vmem>>, vector<16xi32>,
    tpu.vector_store %arg5[%swap3A_1203], %add3A_1202 {strides = array<i32>} : memref<384xi32, #tpu.memory_space<vmem>>, vector<16xi32>,
    %add3A_1205 = arith.constant 96 : i32
    %add3A_1206 = vector.broadcast %add3A_1205 : i32 to vector<16xi32>
    %add3A_1207 = arith.addi %add3A_1206, %iota3A : vector<16xi32>
    %mul3A_1208 = arith.constant 3 : i32
    %mul3A_1209 = arith.muli %add3A, %mul3A_1208 : i32
    %add3A_1210 = arith.constant 0 : i32
    %add3A_1211 = arith.addi %mul3A_1209, %add3A_1210 : i32
    %mul3A_1212 = arith.constant 2048 : i32
    %mul3A_1213 = arith.muli %add3A_1211, %mul3A_1212 : i32
    %shift_right_arithmetic3A_1214 = arith.constant 3 : i32
    %shift_right_arithmetic3A_1215 = vector.broadcast %shift_right_arithmetic3A_1214 : i32 to vector<16xi32>
    %shift_right_arithmetic3A_1216 = arith.shrsi %add3A_1207, %shift_right_arithmetic3A_1215 : vector<16xi32>
    %add3A_1217 = arith.constant 16 : i32
    %add3A_1218 = vector.broadcast %add3A_1217 : i32 to vector<16xi32>
    %add3A_1219 = arith.addi %add3A_1218, %shift_right_arithmetic3A_1216 : vector<16xi32>
    %mul3A_1220 = arith.constant 32 : i32
    %mul3A_1221 = vector.broadcast %mul3A_1220 : i32 to vector<16xi32>
    %mul3A_1222 = arith.muli %add3A_1219, %mul3A_1221 : vector<16xi32>
    %add3A_1223 = vector.broadcast %mul3A_1213 : i32 to vector<16xi32>
    %add3A_1224 = arith.addi %add3A_1223, %mul3A_1222 : vector<16xi32>
    %shift_right_arithmetic3A_1225 = arith.constant 1 : i32
    %shift_right_arithmetic3A_1226 = vector.broadcast %shift_right_arithmetic3A_1225 : i32 to vector<16xi32>
    %shift_right_arithmetic3A_1227 = arith.shrsi %add3A_1207, %shift_right_arithmetic3A_1226 : vector<16xi32>
    %and3A_1228 = arith.constant 3 : i32
    %and3A_1229 = vector.broadcast %and3A_1228 : i32 to vector<16xi32>
    %and3A_1230 = arith.andi %shift_right_arithmetic3A_1227, %and3A_1229 : vector<16xi32>
    %mul3A_1231 = arith.constant 8 : i32
    %mul3A_1232 = vector.broadcast %mul3A_1231 : i32 to vector<16xi32>
    %mul3A_1233 = arith.muli %and3A_1230, %mul3A_1232 : vector<16xi32>
    %add3A_1234 = arith.addi %add3A_1224, %mul3A_1233 : vector<16xi32>
    %and3A_1235 = arith.constant 1 : i32
    %and3A_1236 = vector.broadcast %and3A_1235 : i32 to vector<16xi32>
    %and3A_1237 = arith.andi %add3A_1207, %and3A_1236 : vector<16xi32>
    %mul3A_1238 = arith.constant 4 : i32
    %mul3A_1239 = vector.broadcast %mul3A_1238 : i32 to vector<16xi32>
    %mul3A_1240 = arith.muli %and3A_1237, %mul3A_1239 : vector<16xi32>
    %add3A_1241 = arith.addi %add3A_1234, %mul3A_1240 : vector<16xi32>
    %swap3A_1242 = arith.constant 96 : index
    %swap3A_1243 = tpu.vector_load %arg5[%swap3A_1242] {strides = array<i32>} : memref<384xi32, #tpu.memory_space<vmem>>, vector<16xi32>,
    tpu.vector_store %arg5[%swap3A_1242], %add3A_1241 {strides = array<i32>} : memref<384xi32, #tpu.memory_space<vmem>>, vector<16xi32>,
    %add3A_1244 = arith.constant 112 : i32
    %add3A_1245 = vector.broadcast %add3A_1244 : i32 to vector<16xi32>
    %add3A_1246 = arith.addi %add3A_1245, %iota3A : vector<16xi32>
    %mul3A_1247 = arith.constant 3 : i32
    %mul3A_1248 = arith.muli %add3A, %mul3A_1247 : i32
    %add3A_1249 = arith.constant 0 : i32
    %add3A_1250 = arith.addi %mul3A_1248, %add3A_1249 : i32
    %mul3A_1251 = arith.constant 2048 : i32
    %mul3A_1252 = arith.muli %add3A_1250, %mul3A_1251 : i32
    %shift_right_arithmetic3A_1253 = arith.constant 3 : i32
    %shift_right_arithmetic3A_1254 = vector.broadcast %shift_right_arithmetic3A_1253 : i32 to vector<16xi32>
    %shift_right_arithmetic3A_1255 = arith.shrsi %add3A_1246, %shift_right_arithmetic3A_1254 : vector<16xi32>
    %add3A_1256 = arith.constant 16 : i32
    %add3A_1257 = vector.broadcast %add3A_1256 : i32 to vector<16xi32>
    %add3A_1258 = arith.addi %add3A_1257, %shift_right_arithmetic3A_1255 : vector<16xi32>
    %mul3A_1259 = arith.constant 32 : i32
    %mul3A_1260 = vector.broadcast %mul3A_1259 : i32 to vector<16xi32>
    %mul3A_1261 = arith.muli %add3A_1258, %mul3A_1260 : vector<16xi32>
    %add3A_1262 = vector.broadcast %mul3A_1252 : i32 to vector<16xi32>
    %add3A_1263 = arith.addi %add3A_1262, %mul3A_1261 : vector<16xi32>
    %shift_right_arithmetic3A_1264 = arith.constant 1 : i32
    %shift_right_arithmetic3A_1265 = vector.broadcast %shift_right_arithmetic3A_1264 : i32 to vector<16xi32>
    %shift_right_arithmetic3A_1266 = arith.shrsi %add3A_1246, %shift_right_arithmetic3A_1265 : vector<16xi32>
    %and3A_1267 = arith.constant 3 : i32
    %and3A_1268 = vector.broadcast %and3A_1267 : i32 to vector<16xi32>
    %and3A_1269 = arith.andi %shift_right_arithmetic3A_1266, %and3A_1268 : vector<16xi32>
    %mul3A_1270 = arith.constant 8 : i32
    %mul3A_1271 = vector.broadcast %mul3A_1270 : i32 to vector<16xi32>
    %mul3A_1272 = arith.muli %and3A_1269, %mul3A_1271 : vector<16xi32>
    %add3A_1273 = arith.addi %add3A_1263, %mul3A_1272 : vector<16xi32>
    %and3A_1274 = arith.constant 1 : i32
    %and3A_1275 = vector.broadcast %and3A_1274 : i32 to vector<16xi32>
    %and3A_1276 = arith.andi %add3A_1246, %and3A_1275 : vector<16xi32>
    %mul3A_1277 = arith.constant 4 : i32
    %mul3A_1278 = vector.broadcast %mul3A_1277 : i32 to vector<16xi32>
    %mul3A_1279 = arith.muli %and3A_1276, %mul3A_1278 : vector<16xi32>
    %add3A_1280 = arith.addi %add3A_1273, %mul3A_1279 : vector<16xi32>
    %swap3A_1281 = arith.constant 112 : index
    %swap3A_1282 = tpu.vector_load %arg5[%swap3A_1281] {strides = array<i32>} : memref<384xi32, #tpu.memory_space<vmem>>, vector<16xi32>,
    tpu.vector_store %arg5[%swap3A_1281], %add3A_1280 {strides = array<i32>} : memref<384xi32, #tpu.memory_space<vmem>>, vector<16xi32>,
    %add3A_1283 = arith.constant 0 : i32
    %add3A_1284 = vector.broadcast %add3A_1283 : i32 to vector<16xi32>
    %add3A_1285 = arith.addi %add3A_1284, %iota3A : vector<16xi32>
    %mul3A_1286 = arith.constant 3 : i32
    %mul3A_1287 = arith.muli %add3A, %mul3A_1286 : i32
    %add3A_1288 = arith.constant 1 : i32
    %add3A_1289 = arith.addi %mul3A_1287, %add3A_1288 : i32
    %mul3A_1290 = arith.constant 2048 : i32
    %mul3A_1291 = arith.muli %add3A_1289, %mul3A_1290 : i32
    %shift_right_arithmetic3A_1292 = arith.constant 3 : i32
    %shift_right_arithmetic3A_1293 = vector.broadcast %shift_right_arithmetic3A_1292 : i32 to vector<16xi32>
    %shift_right_arithmetic3A_1294 = arith.shrsi %add3A_1285, %shift_right_arithmetic3A_1293 : vector<16xi32>
    %add3A_1295 = arith.constant 16 : i32
    %add3A_1296 = vector.broadcast %add3A_1295 : i32 to vector<16xi32>
    %add3A_1297 = arith.addi %add3A_1296, %shift_right_arithmetic3A_1294 : vector<16xi32>
    %mul3A_1298 = arith.constant 32 : i32
    %mul3A_1299 = vector.broadcast %mul3A_1298 : i32 to vector<16xi32>
    %mul3A_1300 = arith.muli %add3A_1297, %mul3A_1299 : vector<16xi32>
    %add3A_1301 = vector.broadcast %mul3A_1291 : i32 to vector<16xi32>
    %add3A_1302 = arith.addi %add3A_1301, %mul3A_1300 : vector<16xi32>
    %shift_right_arithmetic3A_1303 = arith.constant 1 : i32
    %shift_right_arithmetic3A_1304 = vector.broadcast %shift_right_arithmetic3A_1303 : i32 to vector<16xi32>
    %shift_right_arithmetic3A_1305 = arith.shrsi %add3A_1285, %shift_right_arithmetic3A_1304 : vector<16xi32>
    %and3A_1306 = arith.constant 3 : i32
    %and3A_1307 = vector.broadcast %and3A_1306 : i32 to vector<16xi32>
    %and3A_1308 = arith.andi %shift_right_arithmetic3A_1305, %and3A_1307 : vector<16xi32>
    %mul3A_1309 = arith.constant 8 : i32
    %mul3A_1310 = vector.broadcast %mul3A_1309 : i32 to vector<16xi32>
    %mul3A_1311 = arith.muli %and3A_1308, %mul3A_1310 : vector<16xi32>
    %add3A_1312 = arith.addi %add3A_1302, %mul3A_1311 : vector<16xi32>
    %and3A_1313 = arith.constant 1 : i32
    %and3A_1314 = vector.broadcast %and3A_1313 : i32 to vector<16xi32>
    %and3A_1315 = arith.andi %add3A_1285, %and3A_1314 : vector<16xi32>
    %mul3A_1316 = arith.constant 4 : i32
    %mul3A_1317 = vector.broadcast %mul3A_1316 : i32 to vector<16xi32>
    %mul3A_1318 = arith.muli %and3A_1315, %mul3A_1317 : vector<16xi32>
    %add3A_1319 = arith.addi %add3A_1312, %mul3A_1318 : vector<16xi32>
    %swap3A_1320 = arith.constant 128 : index
    %swap3A_1321 = tpu.vector_load %arg5[%swap3A_1320] {strides = array<i32>} : memref<384xi32, #tpu.memory_space<vmem>>, vector<16xi32>,
    tpu.vector_store %arg5[%swap3A_1320], %add3A_1319 {strides = array<i32>} : memref<384xi32, #tpu.memory_space<vmem>>, vector<16xi32>,
    %add3A_1322 = arith.constant 16 : i32
    %add3A_1323 = vector.broadcast %add3A_1322 : i32 to vector<16xi32>
    %add3A_1324 = arith.addi %add3A_1323, %iota3A : vector<16xi32>
    %mul3A_1325 = arith.constant 3 : i32
    %mul3A_1326 = arith.muli %add3A, %mul3A_1325 : i32
    %add3A_1327 = arith.constant 1 : i32
    %add3A_1328 = arith.addi %mul3A_1326, %add3A_1327 : i32
    %mul3A_1329 = arith.constant 2048 : i32
    %mul3A_1330 = arith.muli %add3A_1328, %mul3A_1329 : i32
    %shift_right_arithmetic3A_1331 = arith.constant 3 : i32
    %shift_right_arithmetic3A_1332 = vector.broadcast %shift_right_arithmetic3A_1331 : i32 to vector<16xi32>
    %shift_right_arithmetic3A_1333 = arith.shrsi %add3A_1324, %shift_right_arithmetic3A_1332 : vector<16xi32>
    %add3A_1334 = arith.constant 16 : i32
    %add3A_1335 = vector.broadcast %add3A_1334 : i32 to vector<16xi32>
    %add3A_1336 = arith.addi %add3A_1335, %shift_right_arithmetic3A_1333 : vector<16xi32>
    %mul3A_1337 = arith.constant 32 : i32
    %mul3A_1338 = vector.broadcast %mul3A_1337 : i32 to vector<16xi32>
    %mul3A_1339 = arith.muli %add3A_1336, %mul3A_1338 : vector<16xi32>
    %add3A_1340 = vector.broadcast %mul3A_1330 : i32 to vector<16xi32>
    %add3A_1341 = arith.addi %add3A_1340, %mul3A_1339 : vector<16xi32>
    %shift_right_arithmetic3A_1342 = arith.constant 1 : i32
    %shift_right_arithmetic3A_1343 = vector.broadcast %shift_right_arithmetic3A_1342 : i32 to vector<16xi32>
    %shift_right_arithmetic3A_1344 = arith.shrsi %add3A_1324, %shift_right_arithmetic3A_1343 : vector<16xi32>
    %and3A_1345 = arith.constant 3 : i32
    %and3A_1346 = vector.broadcast %and3A_1345 : i32 to vector<16xi32>
    %and3A_1347 = arith.andi %shift_right_arithmetic3A_1344, %and3A_1346 : vector<16xi32>
    %mul3A_1348 = arith.constant 8 : i32
    %mul3A_1349 = vector.broadcast %mul3A_1348 : i32 to vector<16xi32>
    %mul3A_1350 = arith.muli %and3A_1347, %mul3A_1349 : vector<16xi32>
    %add3A_1351 = arith.addi %add3A_1341, %mul3A_1350 : vector<16xi32>
    %and3A_1352 = arith.constant 1 : i32
    %and3A_1353 = vector.broadcast %and3A_1352 : i32 to vector<16xi32>
    %and3A_1354 = arith.andi %add3A_1324, %and3A_1353 : vector<16xi32>
    %mul3A_1355 = arith.constant 4 : i32
    %mul3A_1356 = vector.broadcast %mul3A_1355 : i32 to vector<16xi32>
    %mul3A_1357 = arith.muli %and3A_1354, %mul3A_1356 : vector<16xi32>
    %add3A_1358 = arith.addi %add3A_1351, %mul3A_1357 : vector<16xi32>
    %swap3A_1359 = arith.constant 144 : index
    %swap3A_1360 = tpu.vector_load %arg5[%swap3A_1359] {strides = array<i32>} : memref<384xi32, #tpu.memory_space<vmem>>, vector<16xi32>,
    tpu.vector_store %arg5[%swap3A_1359], %add3A_1358 {strides = array<i32>} : memref<384xi32, #tpu.memory_space<vmem>>, vector<16xi32>,
    %add3A_1361 = arith.constant 32 : i32
    %add3A_1362 = vector.broadcast %add3A_1361 : i32 to vector<16xi32>
    %add3A_1363 = arith.addi %add3A_1362, %iota3A : vector<16xi32>
    %mul3A_1364 = arith.constant 3 : i32
    %mul3A_1365 = arith.muli %add3A, %mul3A_1364 : i32
    %add3A_1366 = arith.constant 1 : i32
    %add3A_1367 = arith.addi %mul3A_1365, %add3A_1366 : i32
    %mul3A_1368 = arith.constant 2048 : i32
    %mul3A_1369 = arith.muli %add3A_1367, %mul3A_1368 : i32
    %shift_right_arithmetic3A_1370 = arith.constant 3 : i32
    %shift_right_arithmetic3A_1371 = vector.broadcast %shift_right_arithmetic3A_1370 : i32 to vector<16xi32>
    %shift_right_arithmetic3A_1372 = arith.shrsi %add3A_1363, %shift_right_arithmetic3A_1371 : vector<16xi32>
    %add3A_1373 = arith.constant 16 : i32
    %add3A_1374 = vector.broadcast %add3A_1373 : i32 to vector<16xi32>
    %add3A_1375 = arith.addi %add3A_1374, %shift_right_arithmetic3A_1372 : vector<16xi32>
    %mul3A_1376 = arith.constant 32 : i32
    %mul3A_1377 = vector.broadcast %mul3A_1376 : i32 to vector<16xi32>
    %mul3A_1378 = arith.muli %add3A_1375, %mul3A_1377 : vector<16xi32>
    %add3A_1379 = vector.broadcast %mul3A_1369 : i32 to vector<16xi32>
    %add3A_1380 = arith.addi %add3A_1379, %mul3A_1378 : vector<16xi32>
    %shift_right_arithmetic3A_1381 = arith.constant 1 : i32
    %shift_right_arithmetic3A_1382 = vector.broadcast %shift_right_arithmetic3A_1381 : i32 to vector<16xi32>
    %shift_right_arithmetic3A_1383 = arith.shrsi %add3A_1363, %shift_right_arithmetic3A_1382 : vector<16xi32>
    %and3A_1384 = arith.constant 3 : i32
    %and3A_1385 = vector.broadcast %and3A_1384 : i32 to vector<16xi32>
    %and3A_1386 = arith.andi %shift_right_arithmetic3A_1383, %and3A_1385 : vector<16xi32>
    %mul3A_1387 = arith.constant 8 : i32
    %mul3A_1388 = vector.broadcast %mul3A_1387 : i32 to vector<16xi32>
    %mul3A_1389 = arith.muli %and3A_1386, %mul3A_1388 : vector<16xi32>
    %add3A_1390 = arith.addi %add3A_1380, %mul3A_1389 : vector<16xi32>
    %and3A_1391 = arith.constant 1 : i32
    %and3A_1392 = vector.broadcast %and3A_1391 : i32 to vector<16xi32>
    %and3A_1393 = arith.andi %add3A_1363, %and3A_1392 : vector<16xi32>
    %mul3A_1394 = arith.constant 4 : i32
    %mul3A_1395 = vector.broadcast %mul3A_1394 : i32 to vector<16xi32>
    %mul3A_1396 = arith.muli %and3A_1393, %mul3A_1395 : vector<16xi32>
    %add3A_1397 = arith.addi %add3A_1390, %mul3A_1396 : vector<16xi32>
    %swap3A_1398 = arith.constant 160 : index
    %swap3A_1399 = tpu.vector_load %arg5[%swap3A_1398] {strides = array<i32>} : memref<384xi32, #tpu.memory_space<vmem>>, vector<16xi32>,
    tpu.vector_store %arg5[%swap3A_1398], %add3A_1397 {strides = array<i32>} : memref<384xi32, #tpu.memory_space<vmem>>, vector<16xi32>,
    %add3A_1400 = arith.constant 48 : i32
    %add3A_1401 = vector.broadcast %add3A_1400 : i32 to vector<16xi32>
    %add3A_1402 = arith.addi %add3A_1401, %iota3A : vector<16xi32>
    %mul3A_1403 = arith.constant 3 : i32
    %mul3A_1404 = arith.muli %add3A, %mul3A_1403 : i32
    %add3A_1405 = arith.constant 1 : i32
    %add3A_1406 = arith.addi %mul3A_1404, %add3A_1405 : i32
    %mul3A_1407 = arith.constant 2048 : i32
    %mul3A_1408 = arith.muli %add3A_1406, %mul3A_1407 : i32
    %shift_right_arithmetic3A_1409 = arith.constant 3 : i32
    %shift_right_arithmetic3A_1410 = vector.broadcast %shift_right_arithmetic3A_1409 : i32 to vector<16xi32>
    %shift_right_arithmetic3A_1411 = arith.shrsi %add3A_1402, %shift_right_arithmetic3A_1410 : vector<16xi32>
    %add3A_1412 = arith.constant 16 : i32
    %add3A_1413 = vector.broadcast %add3A_1412 : i32 to vector<16xi32>
    %add3A_1414 = arith.addi %add3A_1413, %shift_right_arithmetic3A_1411 : vector<16xi32>
    %mul3A_1415 = arith.constant 32 : i32
    %mul3A_1416 = vector.broadcast %mul3A_1415 : i32 to vector<16xi32>
    %mul3A_1417 = arith.muli %add3A_1414, %mul3A_1416 : vector<16xi32>
    %add3A_1418 = vector.broadcast %mul3A_1408 : i32 to vector<16xi32>
    %add3A_1419 = arith.addi %add3A_1418, %mul3A_1417 : vector<16xi32>
    %shift_right_arithmetic3A_1420 = arith.constant 1 : i32
    %shift_right_arithmetic3A_1421 = vector.broadcast %shift_right_arithmetic3A_1420 : i32 to vector<16xi32>
    %shift_right_arithmetic3A_1422 = arith.shrsi %add3A_1402, %shift_right_arithmetic3A_1421 : vector<16xi32>
    %and3A_1423 = arith.constant 3 : i32
    %and3A_1424 = vector.broadcast %and3A_1423 : i32 to vector<16xi32>
    %and3A_1425 = arith.andi %shift_right_arithmetic3A_1422, %and3A_1424 : vector<16xi32>
    %mul3A_1426 = arith.constant 8 : i32
    %mul3A_1427 = vector.broadcast %mul3A_1426 : i32 to vector<16xi32>
    %mul3A_1428 = arith.muli %and3A_1425, %mul3A_1427 : vector<16xi32>
    %add3A_1429 = arith.addi %add3A_1419, %mul3A_1428 : vector<16xi32>
    %and3A_1430 = arith.constant 1 : i32
    %and3A_1431 = vector.broadcast %and3A_1430 : i32 to vector<16xi32>
    %and3A_1432 = arith.andi %add3A_1402, %and3A_1431 : vector<16xi32>
    %mul3A_1433 = arith.constant 4 : i32
    %mul3A_1434 = vector.broadcast %mul3A_1433 : i32 to vector<16xi32>
    %mul3A_1435 = arith.muli %and3A_1432, %mul3A_1434 : vector<16xi32>
    %add3A_1436 = arith.addi %add3A_1429, %mul3A_1435 : vector<16xi32>
    %swap3A_1437 = arith.constant 176 : index
    %swap3A_1438 = tpu.vector_load %arg5[%swap3A_1437] {strides = array<i32>} : memref<384xi32, #tpu.memory_space<vmem>>, vector<16xi32>,
    tpu.vector_store %arg5[%swap3A_1437], %add3A_1436 {strides = array<i32>} : memref<384xi32, #tpu.memory_space<vmem>>, vector<16xi32>,
    %add3A_1439 = arith.constant 64 : i32
    %add3A_1440 = vector.broadcast %add3A_1439 : i32 to vector<16xi32>
    %add3A_1441 = arith.addi %add3A_1440, %iota3A : vector<16xi32>
    %mul3A_1442 = arith.constant 3 : i32
    %mul3A_1443 = arith.muli %add3A, %mul3A_1442 : i32
    %add3A_1444 = arith.constant 1 : i32
    %add3A_1445 = arith.addi %mul3A_1443, %add3A_1444 : i32
    %mul3A_1446 = arith.constant 2048 : i32
    %mul3A_1447 = arith.muli %add3A_1445, %mul3A_1446 : i32
    %shift_right_arithmetic3A_1448 = arith.constant 3 : i32
    %shift_right_arithmetic3A_1449 = vector.broadcast %shift_right_arithmetic3A_1448 : i32 to vector<16xi32>
    %shift_right_arithmetic3A_1450 = arith.shrsi %add3A_1441, %shift_right_arithmetic3A_1449 : vector<16xi32>
    %add3A_1451 = arith.constant 16 : i32
    %add3A_1452 = vector.broadcast %add3A_1451 : i32 to vector<16xi32>
    %add3A_1453 = arith.addi %add3A_1452, %shift_right_arithmetic3A_1450 : vector<16xi32>
    %mul3A_1454 = arith.constant 32 : i32
    %mul3A_1455 = vector.broadcast %mul3A_1454 : i32 to vector<16xi32>
    %mul3A_1456 = arith.muli %add3A_1453, %mul3A_1455 : vector<16xi32>
    %add3A_1457 = vector.broadcast %mul3A_1447 : i32 to vector<16xi32>
    %add3A_1458 = arith.addi %add3A_1457, %mul3A_1456 : vector<16xi32>
    %shift_right_arithmetic3A_1459 = arith.constant 1 : i32
    %shift_right_arithmetic3A_1460 = vector.broadcast %shift_right_arithmetic3A_1459 : i32 to vector<16xi32>
    %shift_right_arithmetic3A_1461 = arith.shrsi %add3A_1441, %shift_right_arithmetic3A_1460 : vector<16xi32>
    %and3A_1462 = arith.constant 3 : i32
    %and3A_1463 = vector.broadcast %and3A_1462 : i32 to vector<16xi32>
    %and3A_1464 = arith.andi %shift_right_arithmetic3A_1461, %and3A_1463 : vector<16xi32>
    %mul3A_1465 = arith.constant 8 : i32
    %mul3A_1466 = vector.broadcast %mul3A_1465 : i32 to vector<16xi32>
    %mul3A_1467 = arith.muli %and3A_1464, %mul3A_1466 : vector<16xi32>
    %add3A_1468 = arith.addi %add3A_1458, %mul3A_1467 : vector<16xi32>
    %and3A_1469 = arith.constant 1 : i32
    %and3A_1470 = vector.broadcast %and3A_1469 : i32 to vector<16xi32>
    %and3A_1471 = arith.andi %add3A_1441, %and3A_1470 : vector<16xi32>
    %mul3A_1472 = arith.constant 4 : i32
    %mul3A_1473 = vector.broadcast %mul3A_1472 : i32 to vector<16xi32>
    %mul3A_1474 = arith.muli %and3A_1471, %mul3A_1473 : vector<16xi32>
    %add3A_1475 = arith.addi %add3A_1468, %mul3A_1474 : vector<16xi32>
    %swap3A_1476 = arith.constant 192 : index
    %swap3A_1477 = tpu.vector_load %arg5[%swap3A_1476] {strides = array<i32>} : memref<384xi32, #tpu.memory_space<vmem>>, vector<16xi32>,
    tpu.vector_store %arg5[%swap3A_1476], %add3A_1475 {strides = array<i32>} : memref<384xi32, #tpu.memory_space<vmem>>, vector<16xi32>,
    %add3A_1478 = arith.constant 80 : i32
    %add3A_1479 = vector.broadcast %add3A_1478 : i32 to vector<16xi32>
    %add3A_1480 = arith.addi %add3A_1479, %iota3A : vector<16xi32>
    %mul3A_1481 = arith.constant 3 : i32
    %mul3A_1482 = arith.muli %add3A, %mul3A_1481 : i32
    %add3A_1483 = arith.constant 1 : i32
    %add3A_1484 = arith.addi %mul3A_1482, %add3A_1483 : i32
    %mul3A_1485 = arith.constant 2048 : i32
    %mul3A_1486 = arith.muli %add3A_1484, %mul3A_1485 : i32
    %shift_right_arithmetic3A_1487 = arith.constant 3 : i32
    %shift_right_arithmetic3A_1488 = vector.broadcast %shift_right_arithmetic3A_1487 : i32 to vector<16xi32>
    %shift_right_arithmetic3A_1489 = arith.shrsi %add3A_1480, %shift_right_arithmetic3A_1488 : vector<16xi32>
    %add3A_1490 = arith.constant 16 : i32
    %add3A_1491 = vector.broadcast %add3A_1490 : i32 to vector<16xi32>
    %add3A_1492 = arith.addi %add3A_1491, %shift_right_arithmetic3A_1489 : vector<16xi32>
    %mul3A_1493 = arith.constant 32 : i32
    %mul3A_1494 = vector.broadcast %mul3A_1493 : i32 to vector<16xi32>
    %mul3A_1495 = arith.muli %add3A_1492, %mul3A_1494 : vector<16xi32>
    %add3A_1496 = vector.broadcast %mul3A_1486 : i32 to vector<16xi32>
    %add3A_1497 = arith.addi %add3A_1496, %mul3A_1495 : vector<16xi32>
    %shift_right_arithmetic3A_1498 = arith.constant 1 : i32
    %shift_right_arithmetic3A_1499 = vector.broadcast %shift_right_arithmetic3A_1498 : i32 to vector<16xi32>
    %shift_right_arithmetic3A_1500 = arith.shrsi %add3A_1480, %shift_right_arithmetic3A_1499 : vector<16xi32>
    %and3A_1501 = arith.constant 3 : i32
    %and3A_1502 = vector.broadcast %and3A_1501 : i32 to vector<16xi32>
    %and3A_1503 = arith.andi %shift_right_arithmetic3A_1500, %and3A_1502 : vector<16xi32>
    %mul3A_1504 = arith.constant 8 : i32
    %mul3A_1505 = vector.broadcast %mul3A_1504 : i32 to vector<16xi32>
    %mul3A_1506 = arith.muli %and3A_1503, %mul3A_1505 : vector<16xi32>
    %add3A_1507 = arith.addi %add3A_1497, %mul3A_1506 : vector<16xi32>
    %and3A_1508 = arith.constant 1 : i32
    %and3A_1509 = vector.broadcast %and3A_1508 : i32 to vector<16xi32>
    %and3A_1510 = arith.andi %add3A_1480, %and3A_1509 : vector<16xi32>
    %mul3A_1511 = arith.constant 4 : i32
    %mul3A_1512 = vector.broadcast %mul3A_1511 : i32 to vector<16xi32>
    %mul3A_1513 = arith.muli %and3A_1510, %mul3A_1512 : vector<16xi32>
    %add3A_1514 = arith.addi %add3A_1507, %mul3A_1513 : vector<16xi32>
    %swap3A_1515 = arith.constant 208 : index
    %swap3A_1516 = tpu.vector_load %arg5[%swap3A_1515] {strides = array<i32>} : memref<384xi32, #tpu.memory_space<vmem>>, vector<16xi32>,
    tpu.vector_store %arg5[%swap3A_1515], %add3A_1514 {strides = array<i32>} : memref<384xi32, #tpu.memory_space<vmem>>, vector<16xi32>,
    %add3A_1517 = arith.constant 96 : i32
    %add3A_1518 = vector.broadcast %add3A_1517 : i32 to vector<16xi32>
    %add3A_1519 = arith.addi %add3A_1518, %iota3A : vector<16xi32>
    %mul3A_1520 = arith.constant 3 : i32
    %mul3A_1521 = arith.muli %add3A, %mul3A_1520 : i32
    %add3A_1522 = arith.constant 1 : i32
    %add3A_1523 = arith.addi %mul3A_1521, %add3A_1522 : i32
    %mul3A_1524 = arith.constant 2048 : i32
    %mul3A_1525 = arith.muli %add3A_1523, %mul3A_1524 : i32
    %shift_right_arithmetic3A_1526 = arith.constant 3 : i32
    %shift_right_arithmetic3A_1527 = vector.broadcast %shift_right_arithmetic3A_1526 : i32 to vector<16xi32>
    %shift_right_arithmetic3A_1528 = arith.shrsi %add3A_1519, %shift_right_arithmetic3A_1527 : vector<16xi32>
    %add3A_1529 = arith.constant 16 : i32
    %add3A_1530 = vector.broadcast %add3A_1529 : i32 to vector<16xi32>
    %add3A_1531 = arith.addi %add3A_1530, %shift_right_arithmetic3A_1528 : vector<16xi32>
    %mul3A_1532 = arith.constant 32 : i32
    %mul3A_1533 = vector.broadcast %mul3A_1532 : i32 to vector<16xi32>
    %mul3A_1534 = arith.muli %add3A_1531, %mul3A_1533 : vector<16xi32>
    %add3A_1535 = vector.broadcast %mul3A_1525 : i32 to vector<16xi32>
    %add3A_1536 = arith.addi %add3A_1535, %mul3A_1534 : vector<16xi32>
    %shift_right_arithmetic3A_1537 = arith.constant 1 : i32
    %shift_right_arithmetic3A_1538 = vector.broadcast %shift_right_arithmetic3A_1537 : i32 to vector<16xi32>
    %shift_right_arithmetic3A_1539 = arith.shrsi %add3A_1519, %shift_right_arithmetic3A_1538 : vector<16xi32>
    %and3A_1540 = arith.constant 3 : i32
    %and3A_1541 = vector.broadcast %and3A_1540 : i32 to vector<16xi32>
    %and3A_1542 = arith.andi %shift_right_arithmetic3A_1539, %and3A_1541 : vector<16xi32>
    %mul3A_1543 = arith.constant 8 : i32
    %mul3A_1544 = vector.broadcast %mul3A_1543 : i32 to vector<16xi32>
    %mul3A_1545 = arith.muli %and3A_1542, %mul3A_1544 : vector<16xi32>
    %add3A_1546 = arith.addi %add3A_1536, %mul3A_1545 : vector<16xi32>
    %and3A_1547 = arith.constant 1 : i32
    %and3A_1548 = vector.broadcast %and3A_1547 : i32 to vector<16xi32>
    %and3A_1549 = arith.andi %add3A_1519, %and3A_1548 : vector<16xi32>
    %mul3A_1550 = arith.constant 4 : i32
    %mul3A_1551 = vector.broadcast %mul3A_1550 : i32 to vector<16xi32>
    %mul3A_1552 = arith.muli %and3A_1549, %mul3A_1551 : vector<16xi32>
    %add3A_1553 = arith.addi %add3A_1546, %mul3A_1552 : vector<16xi32>
    %swap3A_1554 = arith.constant 224 : index
    %swap3A_1555 = tpu.vector_load %arg5[%swap3A_1554] {strides = array<i32>} : memref<384xi32, #tpu.memory_space<vmem>>, vector<16xi32>,
    tpu.vector_store %arg5[%swap3A_1554], %add3A_1553 {strides = array<i32>} : memref<384xi32, #tpu.memory_space<vmem>>, vector<16xi32>,
    %add3A_1556 = arith.constant 112 : i32
    %add3A_1557 = vector.broadcast %add3A_1556 : i32 to vector<16xi32>
    %add3A_1558 = arith.addi %add3A_1557, %iota3A : vector<16xi32>
    %mul3A_1559 = arith.constant 3 : i32
    %mul3A_1560 = arith.muli %add3A, %mul3A_1559 : i32
    %add3A_1561 = arith.constant 1 : i32
    %add3A_1562 = arith.addi %mul3A_1560, %add3A_1561 : i32
    %mul3A_1563 = arith.constant 2048 : i32
    %mul3A_1564 = arith.muli %add3A_1562, %mul3A_1563 : i32
    %shift_right_arithmetic3A_1565 = arith.constant 3 : i32
    %shift_right_arithmetic3A_1566 = vector.broadcast %shift_right_arithmetic3A_1565 : i32 to vector<16xi32>
    %shift_right_arithmetic3A_1567 = arith.shrsi %add3A_1558, %shift_right_arithmetic3A_1566 : vector<16xi32>
    %add3A_1568 = arith.constant 16 : i32
    %add3A_1569 = vector.broadcast %add3A_1568 : i32 to vector<16xi32>
    %add3A_1570 = arith.addi %add3A_1569, %shift_right_arithmetic3A_1567 : vector<16xi32>
    %mul3A_1571 = arith.constant 32 : i32
    %mul3A_1572 = vector.broadcast %mul3A_1571 : i32 to vector<16xi32>
    %mul3A_1573 = arith.muli %add3A_1570, %mul3A_1572 : vector<16xi32>
    %add3A_1574 = vector.broadcast %mul3A_1564 : i32 to vector<16xi32>
    %add3A_1575 = arith.addi %add3A_1574, %mul3A_1573 : vector<16xi32>
    %shift_right_arithmetic3A_1576 = arith.constant 1 : i32
    %shift_right_arithmetic3A_1577 = vector.broadcast %shift_right_arithmetic3A_1576 : i32 to vector<16xi32>
    %shift_right_arithmetic3A_1578 = arith.shrsi %add3A_1558, %shift_right_arithmetic3A_1577 : vector<16xi32>
    %and3A_1579 = arith.constant 3 : i32
    %and3A_1580 = vector.broadcast %and3A_1579 : i32 to vector<16xi32>
    %and3A_1581 = arith.andi %shift_right_arithmetic3A_1578, %and3A_1580 : vector<16xi32>
    %mul3A_1582 = arith.constant 8 : i32
    %mul3A_1583 = vector.broadcast %mul3A_1582 : i32 to vector<16xi32>
    %mul3A_1584 = arith.muli %and3A_1581, %mul3A_1583 : vector<16xi32>
    %add3A_1585 = arith.addi %add3A_1575, %mul3A_1584 : vector<16xi32>
    %and3A_1586 = arith.constant 1 : i32
    %and3A_1587 = vector.broadcast %and3A_1586 : i32 to vector<16xi32>
    %and3A_1588 = arith.andi %add3A_1558, %and3A_1587 : vector<16xi32>
    %mul3A_1589 = arith.constant 4 : i32
    %mul3A_1590 = vector.broadcast %mul3A_1589 : i32 to vector<16xi32>
    %mul3A_1591 = arith.muli %and3A_1588, %mul3A_1590 : vector<16xi32>
    %add3A_1592 = arith.addi %add3A_1585, %mul3A_1591 : vector<16xi32>
    %swap3A_1593 = arith.constant 240 : index
    %swap3A_1594 = tpu.vector_load %arg5[%swap3A_1593] {strides = array<i32>} : memref<384xi32, #tpu.memory_space<vmem>>, vector<16xi32>,
    tpu.vector_store %arg5[%swap3A_1593], %add3A_1592 {strides = array<i32>} : memref<384xi32, #tpu.memory_space<vmem>>, vector<16xi32>,
    %add3A_1595 = arith.constant 0 : i32
    %add3A_1596 = vector.broadcast %add3A_1595 : i32 to vector<16xi32>
    %add3A_1597 = arith.addi %add3A_1596, %iota3A : vector<16xi32>
    %mul3A_1598 = arith.constant 3 : i32
    %mul3A_1599 = arith.muli %add3A, %mul3A_1598 : i32
    %add3A_1600 = arith.constant 2 : i32
    %add3A_1601 = arith.addi %mul3A_1599, %add3A_1600 : i32
    %mul3A_1602 = arith.constant 2048 : i32
    %mul3A_1603 = arith.muli %add3A_1601, %mul3A_1602 : i32
    %shift_right_arithmetic3A_1604 = arith.constant 3 : i32
    %shift_right_arithmetic3A_1605 = vector.broadcast %shift_right_arithmetic3A_1604 : i32 to vector<16xi32>
    %shift_right_arithmetic3A_1606 = arith.shrsi %add3A_1597, %shift_right_arithmetic3A_1605 : vector<16xi32>
    %add3A_1607 = arith.constant 16 : i32
    %add3A_1608 = vector.broadcast %add3A_1607 : i32 to vector<16xi32>
    %add3A_1609 = arith.addi %add3A_1608, %shift_right_arithmetic3A_1606 : vector<16xi32>
    %mul3A_1610 = arith.constant 32 : i32
    %mul3A_1611 = vector.broadcast %mul3A_1610 : i32 to vector<16xi32>
    %mul3A_1612 = arith.muli %add3A_1609, %mul3A_1611 : vector<16xi32>
    %add3A_1613 = vector.broadcast %mul3A_1603 : i32 to vector<16xi32>
    %add3A_1614 = arith.addi %add3A_1613, %mul3A_1612 : vector<16xi32>
    %shift_right_arithmetic3A_1615 = arith.constant 1 : i32
    %shift_right_arithmetic3A_1616 = vector.broadcast %shift_right_arithmetic3A_1615 : i32 to vector<16xi32>
    %shift_right_arithmetic3A_1617 = arith.shrsi %add3A_1597, %shift_right_arithmetic3A_1616 : vector<16xi32>
    %and3A_1618 = arith.constant 3 : i32
    %and3A_1619 = vector.broadcast %and3A_1618 : i32 to vector<16xi32>
    %and3A_1620 = arith.andi %shift_right_arithmetic3A_1617, %and3A_1619 : vector<16xi32>
    %mul3A_1621 = arith.constant 8 : i32
    %mul3A_1622 = vector.broadcast %mul3A_1621 : i32 to vector<16xi32>
    %mul3A_1623 = arith.muli %and3A_1620, %mul3A_1622 : vector<16xi32>
    %add3A_1624 = arith.addi %add3A_1614, %mul3A_1623 : vector<16xi32>
    %and3A_1625 = arith.constant 1 : i32
    %and3A_1626 = vector.broadcast %and3A_1625 : i32 to vector<16xi32>
    %and3A_1627 = arith.andi %add3A_1597, %and3A_1626 : vector<16xi32>
    %mul3A_1628 = arith.constant 4 : i32
    %mul3A_1629 = vector.broadcast %mul3A_1628 : i32 to vector<16xi32>
    %mul3A_1630 = arith.muli %and3A_1627, %mul3A_1629 : vector<16xi32>
    %add3A_1631 = arith.addi %add3A_1624, %mul3A_1630 : vector<16xi32>
    %swap3A_1632 = arith.constant 256 : index
    %swap3A_1633 = tpu.vector_load %arg5[%swap3A_1632] {strides = array<i32>} : memref<384xi32, #tpu.memory_space<vmem>>, vector<16xi32>,
    tpu.vector_store %arg5[%swap3A_1632], %add3A_1631 {strides = array<i32>} : memref<384xi32, #tpu.memory_space<vmem>>, vector<16xi32>,
    %add3A_1634 = arith.constant 16 : i32
    %add3A_1635 = vector.broadcast %add3A_1634 : i32 to vector<16xi32>
    %add3A_1636 = arith.addi %add3A_1635, %iota3A : vector<16xi32>
    %mul3A_1637 = arith.constant 3 : i32
    %mul3A_1638 = arith.muli %add3A, %mul3A_1637 : i32
    %add3A_1639 = arith.constant 2 : i32
    %add3A_1640 = arith.addi %mul3A_1638, %add3A_1639 : i32
    %mul3A_1641 = arith.constant 2048 : i32
    %mul3A_1642 = arith.muli %add3A_1640, %mul3A_1641 : i32
    %shift_right_arithmetic3A_1643 = arith.constant 3 : i32
    %shift_right_arithmetic3A_1644 = vector.broadcast %shift_right_arithmetic3A_1643 : i32 to vector<16xi32>
    %shift_right_arithmetic3A_1645 = arith.shrsi %add3A_1636, %shift_right_arithmetic3A_1644 : vector<16xi32>
    %add3A_1646 = arith.constant 16 : i32
    %add3A_1647 = vector.broadcast %add3A_1646 : i32 to vector<16xi32>
    %add3A_1648 = arith.addi %add3A_1647, %shift_right_arithmetic3A_1645 : vector<16xi32>
    %mul3A_1649 = arith.constant 32 : i32
    %mul3A_1650 = vector.broadcast %mul3A_1649 : i32 to vector<16xi32>
    %mul3A_1651 = arith.muli %add3A_1648, %mul3A_1650 : vector<16xi32>
    %add3A_1652 = vector.broadcast %mul3A_1642 : i32 to vector<16xi32>
    %add3A_1653 = arith.addi %add3A_1652, %mul3A_1651 : vector<16xi32>
    %shift_right_arithmetic3A_1654 = arith.constant 1 : i32
    %shift_right_arithmetic3A_1655 = vector.broadcast %shift_right_arithmetic3A_1654 : i32 to vector<16xi32>
    %shift_right_arithmetic3A_1656 = arith.shrsi %add3A_1636, %shift_right_arithmetic3A_1655 : vector<16xi32>
    %and3A_1657 = arith.constant 3 : i32
    %and3A_1658 = vector.broadcast %and3A_1657 : i32 to vector<16xi32>
    %and3A_1659 = arith.andi %shift_right_arithmetic3A_1656, %and3A_1658 : vector<16xi32>
    %mul3A_1660 = arith.constant 8 : i32
    %mul3A_1661 = vector.broadcast %mul3A_1660 : i32 to vector<16xi32>
    %mul3A_1662 = arith.muli %and3A_1659, %mul3A_1661 : vector<16xi32>
    %add3A_1663 = arith.addi %add3A_1653, %mul3A_1662 : vector<16xi32>
    %and3A_1664 = arith.constant 1 : i32
    %and3A_1665 = vector.broadcast %and3A_1664 : i32 to vector<16xi32>
    %and3A_1666 = arith.andi %add3A_1636, %and3A_1665 : vector<16xi32>
    %mul3A_1667 = arith.constant 4 : i32
    %mul3A_1668 = vector.broadcast %mul3A_1667 : i32 to vector<16xi32>
    %mul3A_1669 = arith.muli %and3A_1666, %mul3A_1668 : vector<16xi32>
    %add3A_1670 = arith.addi %add3A_1663, %mul3A_1669 : vector<16xi32>
    %swap3A_1671 = arith.constant 272 : index
    %swap3A_1672 = tpu.vector_load %arg5[%swap3A_1671] {strides = array<i32>} : memref<384xi32, #tpu.memory_space<vmem>>, vector<16xi32>,
    tpu.vector_store %arg5[%swap3A_1671], %add3A_1670 {strides = array<i32>} : memref<384xi32, #tpu.memory_space<vmem>>, vector<16xi32>,
    %add3A_1673 = arith.constant 32 : i32
    %add3A_1674 = vector.broadcast %add3A_1673 : i32 to vector<16xi32>
    %add3A_1675 = arith.addi %add3A_1674, %iota3A : vector<16xi32>
    %mul3A_1676 = arith.constant 3 : i32
    %mul3A_1677 = arith.muli %add3A, %mul3A_1676 : i32
    %add3A_1678 = arith.constant 2 : i32
    %add3A_1679 = arith.addi %mul3A_1677, %add3A_1678 : i32
    %mul3A_1680 = arith.constant 2048 : i32
    %mul3A_1681 = arith.muli %add3A_1679, %mul3A_1680 : i32
    %shift_right_arithmetic3A_1682 = arith.constant 3 : i32
    %shift_right_arithmetic3A_1683 = vector.broadcast %shift_right_arithmetic3A_1682 : i32 to vector<16xi32>
    %shift_right_arithmetic3A_1684 = arith.shrsi %add3A_1675, %shift_right_arithmetic3A_1683 : vector<16xi32>
    %add3A_1685 = arith.constant 16 : i32
    %add3A_1686 = vector.broadcast %add3A_1685 : i32 to vector<16xi32>
    %add3A_1687 = arith.addi %add3A_1686, %shift_right_arithmetic3A_1684 : vector<16xi32>
    %mul3A_1688 = arith.constant 32 : i32
    %mul3A_1689 = vector.broadcast %mul3A_1688 : i32 to vector<16xi32>
    %mul3A_1690 = arith.muli %add3A_1687, %mul3A_1689 : vector<16xi32>
    %add3A_1691 = vector.broadcast %mul3A_1681 : i32 to vector<16xi32>
    %add3A_1692 = arith.addi %add3A_1691, %mul3A_1690 : vector<16xi32>
    %shift_right_arithmetic3A_1693 = arith.constant 1 : i32
    %shift_right_arithmetic3A_1694 = vector.broadcast %shift_right_arithmetic3A_1693 : i32 to vector<16xi32>
    %shift_right_arithmetic3A_1695 = arith.shrsi %add3A_1675, %shift_right_arithmetic3A_1694 : vector<16xi32>
    %and3A_1696 = arith.constant 3 : i32
    %and3A_1697 = vector.broadcast %and3A_1696 : i32 to vector<16xi32>
    %and3A_1698 = arith.andi %shift_right_arithmetic3A_1695, %and3A_1697 : vector<16xi32>
    %mul3A_1699 = arith.constant 8 : i32
    %mul3A_1700 = vector.broadcast %mul3A_1699 : i32 to vector<16xi32>
    %mul3A_1701 = arith.muli %and3A_1698, %mul3A_1700 : vector<16xi32>
    %add3A_1702 = arith.addi %add3A_1692, %mul3A_1701 : vector<16xi32>
    %and3A_1703 = arith.constant 1 : i32
    %and3A_1704 = vector.broadcast %and3A_1703 : i32 to vector<16xi32>
    %and3A_1705 = arith.andi %add3A_1675, %and3A_1704 : vector<16xi32>
    %mul3A_1706 = arith.constant 4 : i32
    %mul3A_1707 = vector.broadcast %mul3A_1706 : i32 to vector<16xi32>
    %mul3A_1708 = arith.muli %and3A_1705, %mul3A_1707 : vector<16xi32>
    %add3A_1709 = arith.addi %add3A_1702, %mul3A_1708 : vector<16xi32>
    %swap3A_1710 = arith.constant 288 : index
    %swap3A_1711 = tpu.vector_load %arg5[%swap3A_1710] {strides = array<i32>} : memref<384xi32, #tpu.memory_space<vmem>>, vector<16xi32>,
    tpu.vector_store %arg5[%swap3A_1710], %add3A_1709 {strides = array<i32>} : memref<384xi32, #tpu.memory_space<vmem>>, vector<16xi32>,
    %add3A_1712 = arith.constant 48 : i32
    %add3A_1713 = vector.broadcast %add3A_1712 : i32 to vector<16xi32>
    %add3A_1714 = arith.addi %add3A_1713, %iota3A : vector<16xi32>
    %mul3A_1715 = arith.constant 3 : i32
    %mul3A_1716 = arith.muli %add3A, %mul3A_1715 : i32
    %add3A_1717 = arith.constant 2 : i32
    %add3A_1718 = arith.addi %mul3A_1716, %add3A_1717 : i32
    %mul3A_1719 = arith.constant 2048 : i32
    %mul3A_1720 = arith.muli %add3A_1718, %mul3A_1719 : i32
    %shift_right_arithmetic3A_1721 = arith.constant 3 : i32
    %shift_right_arithmetic3A_1722 = vector.broadcast %shift_right_arithmetic3A_1721 : i32 to vector<16xi32>
    %shift_right_arithmetic3A_1723 = arith.shrsi %add3A_1714, %shift_right_arithmetic3A_1722 : vector<16xi32>
    %add3A_1724 = arith.constant 16 : i32
    %add3A_1725 = vector.broadcast %add3A_1724 : i32 to vector<16xi32>
    %add3A_1726 = arith.addi %add3A_1725, %shift_right_arithmetic3A_1723 : vector<16xi32>
    %mul3A_1727 = arith.constant 32 : i32
    %mul3A_1728 = vector.broadcast %mul3A_1727 : i32 to vector<16xi32>
    %mul3A_1729 = arith.muli %add3A_1726, %mul3A_1728 : vector<16xi32>
    %add3A_1730 = vector.broadcast %mul3A_1720 : i32 to vector<16xi32>
    %add3A_1731 = arith.addi %add3A_1730, %mul3A_1729 : vector<16xi32>
    %shift_right_arithmetic3A_1732 = arith.constant 1 : i32
    %shift_right_arithmetic3A_1733 = vector.broadcast %shift_right_arithmetic3A_1732 : i32 to vector<16xi32>
    %shift_right_arithmetic3A_1734 = arith.shrsi %add3A_1714, %shift_right_arithmetic3A_1733 : vector<16xi32>
    %and3A_1735 = arith.constant 3 : i32
    %and3A_1736 = vector.broadcast %and3A_1735 : i32 to vector<16xi32>
    %and3A_1737 = arith.andi %shift_right_arithmetic3A_1734, %and3A_1736 : vector<16xi32>
    %mul3A_1738 = arith.constant 8 : i32
    %mul3A_1739 = vector.broadcast %mul3A_1738 : i32 to vector<16xi32>
    %mul3A_1740 = arith.muli %and3A_1737, %mul3A_1739 : vector<16xi32>
    %add3A_1741 = arith.addi %add3A_1731, %mul3A_1740 : vector<16xi32>
    %and3A_1742 = arith.constant 1 : i32
    %and3A_1743 = vector.broadcast %and3A_1742 : i32 to vector<16xi32>
    %and3A_1744 = arith.andi %add3A_1714, %and3A_1743 : vector<16xi32>
    %mul3A_1745 = arith.constant 4 : i32
    %mul3A_1746 = vector.broadcast %mul3A_1745 : i32 to vector<16xi32>
    %mul3A_1747 = arith.muli %and3A_1744, %mul3A_1746 : vector<16xi32>
    %add3A_1748 = arith.addi %add3A_1741, %mul3A_1747 : vector<16xi32>
    %swap3A_1749 = arith.constant 304 : index
    %swap3A_1750 = tpu.vector_load %arg5[%swap3A_1749] {strides = array<i32>} : memref<384xi32, #tpu.memory_space<vmem>>, vector<16xi32>,
    tpu.vector_store %arg5[%swap3A_1749], %add3A_1748 {strides = array<i32>} : memref<384xi32, #tpu.memory_space<vmem>>, vector<16xi32>,
    %add3A_1751 = arith.constant 64 : i32
    %add3A_1752 = vector.broadcast %add3A_1751 : i32 to vector<16xi32>
    %add3A_1753 = arith.addi %add3A_1752, %iota3A : vector<16xi32>
    %mul3A_1754 = arith.constant 3 : i32
    %mul3A_1755 = arith.muli %add3A, %mul3A_1754 : i32
    %add3A_1756 = arith.constant 2 : i32
    %add3A_1757 = arith.addi %mul3A_1755, %add3A_1756 : i32
    %mul3A_1758 = arith.constant 2048 : i32
    %mul3A_1759 = arith.muli %add3A_1757, %mul3A_1758 : i32
    %shift_right_arithmetic3A_1760 = arith.constant 3 : i32
    %shift_right_arithmetic3A_1761 = vector.broadcast %shift_right_arithmetic3A_1760 : i32 to vector<16xi32>
    %shift_right_arithmetic3A_1762 = arith.shrsi %add3A_1753, %shift_right_arithmetic3A_1761 : vector<16xi32>
    %add3A_1763 = arith.constant 16 : i32
    %add3A_1764 = vector.broadcast %add3A_1763 : i32 to vector<16xi32>
    %add3A_1765 = arith.addi %add3A_1764, %shift_right_arithmetic3A_1762 : vector<16xi32>
    %mul3A_1766 = arith.constant 32 : i32
    %mul3A_1767 = vector.broadcast %mul3A_1766 : i32 to vector<16xi32>
    %mul3A_1768 = arith.muli %add3A_1765, %mul3A_1767 : vector<16xi32>
    %add3A_1769 = vector.broadcast %mul3A_1759 : i32 to vector<16xi32>
    %add3A_1770 = arith.addi %add3A_1769, %mul3A_1768 : vector<16xi32>
    %shift_right_arithmetic3A_1771 = arith.constant 1 : i32
    %shift_right_arithmetic3A_1772 = vector.broadcast %shift_right_arithmetic3A_1771 : i32 to vector<16xi32>
    %shift_right_arithmetic3A_1773 = arith.shrsi %add3A_1753, %shift_right_arithmetic3A_1772 : vector<16xi32>
    %and3A_1774 = arith.constant 3 : i32
    %and3A_1775 = vector.broadcast %and3A_1774 : i32 to vector<16xi32>
    %and3A_1776 = arith.andi %shift_right_arithmetic3A_1773, %and3A_1775 : vector<16xi32>
    %mul3A_1777 = arith.constant 8 : i32
    %mul3A_1778 = vector.broadcast %mul3A_1777 : i32 to vector<16xi32>
    %mul3A_1779 = arith.muli %and3A_1776, %mul3A_1778 : vector<16xi32>
    %add3A_1780 = arith.addi %add3A_1770, %mul3A_1779 : vector<16xi32>
    %and3A_1781 = arith.constant 1 : i32
    %and3A_1782 = vector.broadcast %and3A_1781 : i32 to vector<16xi32>
    %and3A_1783 = arith.andi %add3A_1753, %and3A_1782 : vector<16xi32>
    %mul3A_1784 = arith.constant 4 : i32
    %mul3A_1785 = vector.broadcast %mul3A_1784 : i32 to vector<16xi32>
    %mul3A_1786 = arith.muli %and3A_1783, %mul3A_1785 : vector<16xi32>
    %add3A_1787 = arith.addi %add3A_1780, %mul3A_1786 : vector<16xi32>
    %swap3A_1788 = arith.constant 320 : index
    %swap3A_1789 = tpu.vector_load %arg5[%swap3A_1788] {strides = array<i32>} : memref<384xi32, #tpu.memory_space<vmem>>, vector<16xi32>,
    tpu.vector_store %arg5[%swap3A_1788], %add3A_1787 {strides = array<i32>} : memref<384xi32, #tpu.memory_space<vmem>>, vector<16xi32>,
    %add3A_1790 = arith.constant 80 : i32
    %add3A_1791 = vector.broadcast %add3A_1790 : i32 to vector<16xi32>
    %add3A_1792 = arith.addi %add3A_1791, %iota3A : vector<16xi32>
    %mul3A_1793 = arith.constant 3 : i32
    %mul3A_1794 = arith.muli %add3A, %mul3A_1793 : i32
    %add3A_1795 = arith.constant 2 : i32
    %add3A_1796 = arith.addi %mul3A_1794, %add3A_1795 : i32
    %mul3A_1797 = arith.constant 2048 : i32
    %mul3A_1798 = arith.muli %add3A_1796, %mul3A_1797 : i32
    %shift_right_arithmetic3A_1799 = arith.constant 3 : i32
    %shift_right_arithmetic3A_1800 = vector.broadcast %shift_right_arithmetic3A_1799 : i32 to vector<16xi32>
    %shift_right_arithmetic3A_1801 = arith.shrsi %add3A_1792, %shift_right_arithmetic3A_1800 : vector<16xi32>
    %add3A_1802 = arith.constant 16 : i32
    %add3A_1803 = vector.broadcast %add3A_1802 : i32 to vector<16xi32>
    %add3A_1804 = arith.addi %add3A_1803, %shift_right_arithmetic3A_1801 : vector<16xi32>
    %mul3A_1805 = arith.constant 32 : i32
    %mul3A_1806 = vector.broadcast %mul3A_1805 : i32 to vector<16xi32>
    %mul3A_1807 = arith.muli %add3A_1804, %mul3A_1806 : vector<16xi32>
    %add3A_1808 = vector.broadcast %mul3A_1798 : i32 to vector<16xi32>
    %add3A_1809 = arith.addi %add3A_1808, %mul3A_1807 : vector<16xi32>
    %shift_right_arithmetic3A_1810 = arith.constant 1 : i32
    %shift_right_arithmetic3A_1811 = vector.broadcast %shift_right_arithmetic3A_1810 : i32 to vector<16xi32>
    %shift_right_arithmetic3A_1812 = arith.shrsi %add3A_1792, %shift_right_arithmetic3A_1811 : vector<16xi32>
    %and3A_1813 = arith.constant 3 : i32
    %and3A_1814 = vector.broadcast %and3A_1813 : i32 to vector<16xi32>
    %and3A_1815 = arith.andi %shift_right_arithmetic3A_1812, %and3A_1814 : vector<16xi32>
    %mul3A_1816 = arith.constant 8 : i32
    %mul3A_1817 = vector.broadcast %mul3A_1816 : i32 to vector<16xi32>
    %mul3A_1818 = arith.muli %and3A_1815, %mul3A_1817 : vector<16xi32>
    %add3A_1819 = arith.addi %add3A_1809, %mul3A_1818 : vector<16xi32>
    %and3A_1820 = arith.constant 1 : i32
    %and3A_1821 = vector.broadcast %and3A_1820 : i32 to vector<16xi32>
    %and3A_1822 = arith.andi %add3A_1792, %and3A_1821 : vector<16xi32>
    %mul3A_1823 = arith.constant 4 : i32
    %mul3A_1824 = vector.broadcast %mul3A_1823 : i32 to vector<16xi32>
    %mul3A_1825 = arith.muli %and3A_1822, %mul3A_1824 : vector<16xi32>
    %add3A_1826 = arith.addi %add3A_1819, %mul3A_1825 : vector<16xi32>
    %swap3A_1827 = arith.constant 336 : index
    %swap3A_1828 = tpu.vector_load %arg5[%swap3A_1827] {strides = array<i32>} : memref<384xi32, #tpu.memory_space<vmem>>, vector<16xi32>,
    tpu.vector_store %arg5[%swap3A_1827], %add3A_1826 {strides = array<i32>} : memref<384xi32, #tpu.memory_space<vmem>>, vector<16xi32>,
    %add3A_1829 = arith.constant 96 : i32
    %add3A_1830 = vector.broadcast %add3A_1829 : i32 to vector<16xi32>
    %add3A_1831 = arith.addi %add3A_1830, %iota3A : vector<16xi32>
    %mul3A_1832 = arith.constant 3 : i32
    %mul3A_1833 = arith.muli %add3A, %mul3A_1832 : i32
    %add3A_1834 = arith.constant 2 : i32
    %add3A_1835 = arith.addi %mul3A_1833, %add3A_1834 : i32
    %mul3A_1836 = arith.constant 2048 : i32
    %mul3A_1837 = arith.muli %add3A_1835, %mul3A_1836 : i32
    %shift_right_arithmetic3A_1838 = arith.constant 3 : i32
    %shift_right_arithmetic3A_1839 = vector.broadcast %shift_right_arithmetic3A_1838 : i32 to vector<16xi32>
    %shift_right_arithmetic3A_1840 = arith.shrsi %add3A_1831, %shift_right_arithmetic3A_1839 : vector<16xi32>
    %add3A_1841 = arith.constant 16 : i32
    %add3A_1842 = vector.broadcast %add3A_1841 : i32 to vector<16xi32>
    %add3A_1843 = arith.addi %add3A_1842, %shift_right_arithmetic3A_1840 : vector<16xi32>
    %mul3A_1844 = arith.constant 32 : i32
    %mul3A_1845 = vector.broadcast %mul3A_1844 : i32 to vector<16xi32>
    %mul3A_1846 = arith.muli %add3A_1843, %mul3A_1845 : vector<16xi32>
    %add3A_1847 = vector.broadcast %mul3A_1837 : i32 to vector<16xi32>
    %add3A_1848 = arith.addi %add3A_1847, %mul3A_1846 : vector<16xi32>
    %shift_right_arithmetic3A_1849 = arith.constant 1 : i32
    %shift_right_arithmetic3A_1850 = vector.broadcast %shift_right_arithmetic3A_1849 : i32 to vector<16xi32>
    %shift_right_arithmetic3A_1851 = arith.shrsi %add3A_1831, %shift_right_arithmetic3A_1850 : vector<16xi32>
    %and3A_1852 = arith.constant 3 : i32
    %and3A_1853 = vector.broadcast %and3A_1852 : i32 to vector<16xi32>
    %and3A_1854 = arith.andi %shift_right_arithmetic3A_1851, %and3A_1853 : vector<16xi32>
    %mul3A_1855 = arith.constant 8 : i32
    %mul3A_1856 = vector.broadcast %mul3A_1855 : i32 to vector<16xi32>
    %mul3A_1857 = arith.muli %and3A_1854, %mul3A_1856 : vector<16xi32>
    %add3A_1858 = arith.addi %add3A_1848, %mul3A_1857 : vector<16xi32>
    %and3A_1859 = arith.constant 1 : i32
    %and3A_1860 = vector.broadcast %and3A_1859 : i32 to vector<16xi32>
    %and3A_1861 = arith.andi %add3A_1831, %and3A_1860 : vector<16xi32>
    %mul3A_1862 = arith.constant 4 : i32
    %mul3A_1863 = vector.broadcast %mul3A_1862 : i32 to vector<16xi32>
    %mul3A_1864 = arith.muli %and3A_1861, %mul3A_1863 : vector<16xi32>
    %add3A_1865 = arith.addi %add3A_1858, %mul3A_1864 : vector<16xi32>
    %swap3A_1866 = arith.constant 352 : index
    %swap3A_1867 = tpu.vector_load %arg5[%swap3A_1866] {strides = array<i32>} : memref<384xi32, #tpu.memory_space<vmem>>, vector<16xi32>,
    tpu.vector_store %arg5[%swap3A_1866], %add3A_1865 {strides = array<i32>} : memref<384xi32, #tpu.memory_space<vmem>>, vector<16xi32>,
    %add3A_1868 = arith.constant 112 : i32
    %add3A_1869 = vector.broadcast %add3A_1868 : i32 to vector<16xi32>
    %add3A_1870 = arith.addi %add3A_1869, %iota3A : vector<16xi32>
    %mul3A_1871 = arith.constant 3 : i32
    %mul3A_1872 = arith.muli %add3A, %mul3A_1871 : i32
    %add3A_1873 = arith.constant 2 : i32
    %add3A_1874 = arith.addi %mul3A_1872, %add3A_1873 : i32
    %mul3A_1875 = arith.constant 2048 : i32
    %mul3A_1876 = arith.muli %add3A_1874, %mul3A_1875 : i32
    %shift_right_arithmetic3A_1877 = arith.constant 3 : i32
    %shift_right_arithmetic3A_1878 = vector.broadcast %shift_right_arithmetic3A_1877 : i32 to vector<16xi32>
    %shift_right_arithmetic3A_1879 = arith.shrsi %add3A_1870, %shift_right_arithmetic3A_1878 : vector<16xi32>
    %add3A_1880 = arith.constant 16 : i32
    %add3A_1881 = vector.broadcast %add3A_1880 : i32 to vector<16xi32>
    %add3A_1882 = arith.addi %add3A_1881, %shift_right_arithmetic3A_1879 : vector<16xi32>
    %mul3A_1883 = arith.constant 32 : i32
    %mul3A_1884 = vector.broadcast %mul3A_1883 : i32 to vector<16xi32>
    %mul3A_1885 = arith.muli %add3A_1882, %mul3A_1884 : vector<16xi32>
    %add3A_1886 = vector.broadcast %mul3A_1876 : i32 to vector<16xi32>
    %add3A_1887 = arith.addi %add3A_1886, %mul3A_1885 : vector<16xi32>
    %shift_right_arithmetic3A_1888 = arith.constant 1 : i32
    %shift_right_arithmetic3A_1889 = vector.broadcast %shift_right_arithmetic3A_1888 : i32 to vector<16xi32>
    %shift_right_arithmetic3A_1890 = arith.shrsi %add3A_1870, %shift_right_arithmetic3A_1889 : vector<16xi32>
    %and3A_1891 = arith.constant 3 : i32
    %and3A_1892 = vector.broadcast %and3A_1891 : i32 to vector<16xi32>
    %and3A_1893 = arith.andi %shift_right_arithmetic3A_1890, %and3A_1892 : vector<16xi32>
    %mul3A_1894 = arith.constant 8 : i32
    %mul3A_1895 = vector.broadcast %mul3A_1894 : i32 to vector<16xi32>
    %mul3A_1896 = arith.muli %and3A_1893, %mul3A_1895 : vector<16xi32>
    %add3A_1897 = arith.addi %add3A_1887, %mul3A_1896 : vector<16xi32>
    %and3A_1898 = arith.constant 1 : i32
    %and3A_1899 = vector.broadcast %and3A_1898 : i32 to vector<16xi32>
    %and3A_1900 = arith.andi %add3A_1870, %and3A_1899 : vector<16xi32>
    %mul3A_1901 = arith.constant 4 : i32
    %mul3A_1902 = vector.broadcast %mul3A_1901 : i32 to vector<16xi32>
    %mul3A_1903 = arith.muli %and3A_1900, %mul3A_1902 : vector<16xi32>
    %add3A_1904 = arith.addi %add3A_1897, %mul3A_1903 : vector<16xi32>
    %swap3A_1905 = arith.constant 368 : index
    %swap3A_1906 = tpu.vector_load %arg5[%swap3A_1905] {strides = array<i32>} : memref<384xi32, #tpu.memory_space<vmem>>, vector<16xi32>,
    tpu.vector_store %arg5[%swap3A_1905], %add3A_1904 {strides = array<i32>} : memref<384xi32, #tpu.memory_space<vmem>>, vector<16xi32>,
    %dma_start3A_1907 = arith.constant 0 : i32
    %dma_start3A_1908 = arith.constant 0 : i32
    %dma_start3A_1909 = tpu.memref_slice %arg2[%dma_start3A_1907, %dma_start3A_1908] : memref<196608x128xf32, #tpu.memory_space<hbm>> -> memref<196608x128xf32, #tpu.memory_space<hbm>>
    tpu.enqueue_indirect_dma source(%dma_start3A_1909 : memref<196608x128xf32, #tpu.memory_space<hbm>>) target(%arg7 : memref<384x128xf32, #tpu.memory_space<vmem>>) offsets(%arg5 : memref<384xi32, #tpu.memory_space<vmem>>) semaphore(%arg10 : memref<!tpu.dma_semaphore, #tpu.memory_space<semaphore_mem>>)
    %dma_wait3A = arith.constant 0 : i32
    %dma_wait3A_1910 = arith.constant 0 : i32
    %dma_wait3A_1911 = tpu.memref_slice %arg2[%dma_wait3A, %dma_wait3A_1910] : memref<196608x128xf32, #tpu.memory_space<hbm>> -> memref<196608x128xf32, #tpu.memory_space<hbm>>
    tpu.wait_indirect_dma semaphore(%arg9 : memref<!tpu.dma_semaphore, #tpu.memory_space<semaphore_mem>>) src(%dma_wait3A_1911 : memref<196608x128xf32, #tpu.memory_space<hbm>>) dst(%arg6 : memref<384x128xf32, #tpu.memory_space<vmem>>)
    %scan3A = arith.constant 0 : i32
    %scan3A_1912 = arith.constant 0 : i32
    %scan3A_1913 = arith.constant 64 : i32
    %scan3A_1914 = arith.addi %scan3A_1912, %scan3A_1913 : i32
    %scan3A_1915 = arith.constant 1 : i32
    scf.for %scan3A_3822 = %scan3A_1912 to %scan3A_1914 step %scan3A_1915  : i32 {
      %broadcast_in_dim3A_3823 = arith.constant 0 : i32
      %broadcast_in_dim3A_3824 = vector.broadcast %broadcast_in_dim3A_3823 : i32 to vector<16xi32>
      %mul3A_3825 = arith.constant 2 : i32
      %mul3A_3826 = arith.muli %scan3A_3822, %mul3A_3825 : i32
      %add3A_3827 = arith.constant 0 : i32
      %add3A_3828 = arith.addi %mul3A_3826, %add3A_3827 : i32
      %add3A_3829 = vector.broadcast %add3A_3828 : i32 to vector<16xi32>
      %add3A_3830 = arith.addi %broadcast_in_dim3A_3824, %add3A_3829 : vector<16xi32>
      %add3A_3831 = arith.constant 0 : i32
      %add3A_3832 = vector.broadcast %add3A_3831 : i32 to vector<16xi32>
      %add3A_3833 = arith.addi %add3A_3832, %iota3A : vector<16xi32>
      %mul3A_3834 = arith.constant 4 : i32
      %mul3A_3835 = vector.broadcast %mul3A_3834 : i32 to vector<16xi32>
      %mul3A_3836 = arith.muli %add3A_3833, %mul3A_3835 : vector<16xi32>
      %gather3A = tpu.vector_load_idx %arg6[%add3A_3830, %mul3A_3836] : memref<384x128xf32, #tpu.memory_space<vmem>>[vector<16xi32>, vector<16xi32>], vector<16xf32>,
      %add3A_3837 = arith.constant 128 : i32
      %add3A_3838 = vector.broadcast %add3A_3837 : i32 to vector<16xi32>
      %add3A_3839 = arith.addi %add3A_3830, %add3A_3838 : vector<16xi32>
      %gather3A_3840 = tpu.vector_load_idx %arg6[%add3A_3839, %mul3A_3836] : memref<384x128xf32, #tpu.memory_space<vmem>>[vector<16xi32>, vector<16xi32>], vector<16xf32>,
      %add3A_3841 = arith.addf %gather3A, %gather3A_3840 : vector<16xf32>
      %add3A_3842 = arith.constant 256 : i32
      %add3A_3843 = vector.broadcast %add3A_3842 : i32 to vector<16xi32>
      %add3A_3844 = arith.addi %add3A_3830, %add3A_3843 : vector<16xi32>
      %gather3A_3845 = tpu.vector_load_idx %arg6[%add3A_3844, %mul3A_3836] : memref<384x128xf32, #tpu.memory_space<vmem>>[vector<16xi32>, vector<16xi32>], vector<16xf32>,
      %add3A_3846 = arith.addf %add3A_3841, %gather3A_3845 : vector<16xf32>
      %mul3A_3847 = arith.constant 8.500000e+01 : f32
      %mul3A_3848 = vector.broadcast %mul3A_3847 : f32 to vector<16xf32>
      %mul3A_3849 = arith.mulf %add3A_3846, %mul3A_3848 : vector<16xf32>
      %convert_element_type3A = arith.fptosi %mul3A_3849 : vector<16xf32> to vector<16xi32>
      %max3A = arith.constant 0 : i32
      %max3A_3850 = vector.broadcast %max3A : i32 to vector<16xi32>
      %max3A_3851 = arith.maxsi %convert_element_type3A, %max3A_3850 : vector<16xi32>
      %min3A = arith.constant 254 : i32
      %min3A_3852 = vector.broadcast %min3A : i32 to vector<16xi32>
      %min3A_3853 = arith.minsi %max3A_3851, %min3A_3852 : vector<16xi32>
      tpu.vector_store_idx %arg8[%min3A_3853], %broadcast_in_dim3A_1 {add = true} : memref<256xf32, #tpu.memory_space<vmem>>[vector<16xi32>], vector<16xf32>,
      %add3A_3854 = arith.constant 16 : i32
      %add3A_3855 = vector.broadcast %add3A_3854 : i32 to vector<16xi32>
      %add3A_3856 = arith.addi %add3A_3855, %iota3A : vector<16xi32>
      %mul3A_3857 = arith.constant 4 : i32
      %mul3A_3858 = vector.broadcast %mul3A_3857 : i32 to vector<16xi32>
      %mul3A_3859 = arith.muli %add3A_3856, %mul3A_3858 : vector<16xi32>
      %gather3A_3860 = tpu.vector_load_idx %arg6[%add3A_3830, %mul3A_3859] : memref<384x128xf32, #tpu.memory_space<vmem>>[vector<16xi32>, vector<16xi32>], vector<16xf32>,
      %add3A_3861 = arith.constant 128 : i32
      %add3A_3862 = vector.broadcast %add3A_3861 : i32 to vector<16xi32>
      %add3A_3863 = arith.addi %add3A_3830, %add3A_3862 : vector<16xi32>
      %gather3A_3864 = tpu.vector_load_idx %arg6[%add3A_3863, %mul3A_3859] : memref<384x128xf32, #tpu.memory_space<vmem>>[vector<16xi32>, vector<16xi32>], vector<16xf32>,
      %add3A_3865 = arith.addf %gather3A_3860, %gather3A_3864 : vector<16xf32>
      %add3A_3866 = arith.constant 256 : i32
      %add3A_3867 = vector.broadcast %add3A_3866 : i32 to vector<16xi32>
      %add3A_3868 = arith.addi %add3A_3830, %add3A_3867 : vector<16xi32>
      %gather3A_3869 = tpu.vector_load_idx %arg6[%add3A_3868, %mul3A_3859] : memref<384x128xf32, #tpu.memory_space<vmem>>[vector<16xi32>, vector<16xi32>], vector<16xf32>,
      %add3A_3870 = arith.addf %add3A_3865, %gather3A_3869 : vector<16xf32>
      %mul3A_3871 = arith.constant 8.500000e+01 : f32
      %mul3A_3872 = vector.broadcast %mul3A_3871 : f32 to vector<16xf32>
      %mul3A_3873 = arith.mulf %add3A_3870, %mul3A_3872 : vector<16xf32>
      %convert_element_type3A_3874 = arith.fptosi %mul3A_3873 : vector<16xf32> to vector<16xi32>
      %max3A_3875 = arith.constant 0 : i32
      %max3A_3876 = vector.broadcast %max3A_3875 : i32 to vector<16xi32>
      %max3A_3877 = arith.maxsi %convert_element_type3A_3874, %max3A_3876 : vector<16xi32>
      %min3A_3878 = arith.constant 254 : i32
      %min3A_3879 = vector.broadcast %min3A_3878 : i32 to vector<16xi32>
      %min3A_3880 = arith.minsi %max3A_3877, %min3A_3879 : vector<16xi32>
      tpu.vector_store_idx %arg8[%min3A_3880], %broadcast_in_dim3A_1 {add = true} : memref<256xf32, #tpu.memory_space<vmem>>[vector<16xi32>], vector<16xf32>,
      %broadcast_in_dim3A_3881 = arith.constant 0 : i32
      %broadcast_in_dim3A_3882 = vector.broadcast %broadcast_in_dim3A_3881 : i32 to vector<16xi32>
      %mul3A_3883 = arith.constant 2 : i32
      %mul3A_3884 = arith.muli %scan3A_3822, %mul3A_3883 : i32
      %add3A_3885 = arith.constant 1 : i32
      %add3A_3886 = arith.addi %mul3A_3884, %add3A_3885 : i32
      %add3A_3887 = vector.broadcast %add3A_3886 : i32 to vector<16xi32>
      %add3A_3888 = arith.addi %broadcast_in_dim3A_3882, %add3A_3887 : vector<16xi32>
      %add3A_3889 = arith.constant 0 : i32
      %add3A_3890 = vector.broadcast %add3A_3889 : i32 to vector<16xi32>
      %add3A_3891 = arith.addi %add3A_3890, %iota3A : vector<16xi32>
      %mul3A_3892 = arith.constant 4 : i32
      %mul3A_3893 = vector.broadcast %mul3A_3892 : i32 to vector<16xi32>
      %mul3A_3894 = arith.muli %add3A_3891, %mul3A_3893 : vector<16xi32>
      %gather3A_3895 = tpu.vector_load_idx %arg6[%add3A_3888, %mul3A_3894] : memref<384x128xf32, #tpu.memory_space<vmem>>[vector<16xi32>, vector<16xi32>], vector<16xf32>,
      %add3A_3896 = arith.constant 128 : i32
      %add3A_3897 = vector.broadcast %add3A_3896 : i32 to vector<16xi32>
      %add3A_3898 = arith.addi %add3A_3888, %add3A_3897 : vector<16xi32>
      %gather3A_3899 = tpu.vector_load_idx %arg6[%add3A_3898, %mul3A_3894] : memref<384x128xf32, #tpu.memory_space<vmem>>[vector<16xi32>, vector<16xi32>], vector<16xf32>,
      %add3A_3900 = arith.addf %gather3A_3895, %gather3A_3899 : vector<16xf32>
      %add3A_3901 = arith.constant 256 : i32
      %add3A_3902 = vector.broadcast %add3A_3901 : i32 to vector<16xi32>
      %add3A_3903 = arith.addi %add3A_3888, %add3A_3902 : vector<16xi32>
      %gather3A_3904 = tpu.vector_load_idx %arg6[%add3A_3903, %mul3A_3894] : memref<384x128xf32, #tpu.memory_space<vmem>>[vector<16xi32>, vector<16xi32>], vector<16xf32>,
      %add3A_3905 = arith.addf %add3A_3900, %gather3A_3904 : vector<16xf32>
      %mul3A_3906 = arith.constant 8.500000e+01 : f32
      %mul3A_3907 = vector.broadcast %mul3A_3906 : f32 to vector<16xf32>
      %mul3A_3908 = arith.mulf %add3A_3905, %mul3A_3907 : vector<16xf32>
      %convert_element_type3A_3909 = arith.fptosi %mul3A_3908 : vector<16xf32> to vector<16xi32>
      %max3A_3910 = arith.constant 0 : i32
      %max3A_3911 = vector.broadcast %max3A_3910 : i32 to vector<16xi32>
      %max3A_3912 = arith.maxsi %convert_element_type3A_3909, %max3A_3911 : vector<16xi32>
      %min3A_3913 = arith.constant 254 : i32
      %min3A_3914 = vector.broadcast %min3A_3913 : i32 to vector<16xi32>
      %min3A_3915 = arith.minsi %max3A_3912, %min3A_3914 : vector<16xi32>
      tpu.vector_store_idx %arg8[%min3A_3915], %broadcast_in_dim3A_1 {add = true} : memref<256xf32, #tpu.memory_space<vmem>>[vector<16xi32>], vector<16xf32>,
      %add3A_3916 = arith.constant 16 : i32
      %add3A_3917 = vector.broadcast %add3A_3916 : i32 to vector<16xi32>
      %add3A_3918 = arith.addi %add3A_3917, %iota3A : vector<16xi32>
      %mul3A_3919 = arith.constant 4 : i32
      %mul3A_3920 = vector.broadcast %mul3A_3919 : i32 to vector<16xi32>
      %mul3A_3921 = arith.muli %add3A_3918, %mul3A_3920 : vector<16xi32>
      %gather3A_3922 = tpu.vector_load_idx %arg6[%add3A_3888, %mul3A_3921] : memref<384x128xf32, #tpu.memory_space<vmem>>[vector<16xi32>, vector<16xi32>], vector<16xf32>,
      %add3A_3923 = arith.constant 128 : i32
      %add3A_3924 = vector.broadcast %add3A_3923 : i32 to vector<16xi32>
      %add3A_3925 = arith.addi %add3A_3888, %add3A_3924 : vector<16xi32>
      %gather3A_3926 = tpu.vector_load_idx %arg6[%add3A_3925, %mul3A_3921] : memref<384x128xf32, #tpu.memory_space<vmem>>[vector<16xi32>, vector<16xi32>], vector<16xf32>,
      %add3A_3927 = arith.addf %gather3A_3922, %gather3A_3926 : vector<16xf32>
      %add3A_3928 = arith.constant 256 : i32
      %add3A_3929 = vector.broadcast %add3A_3928 : i32 to vector<16xi32>
      %add3A_3930 = arith.addi %add3A_3888, %add3A_3929 : vector<16xi32>
      %gather3A_3931 = tpu.vector_load_idx %arg6[%add3A_3930, %mul3A_3921] : memref<384x128xf32, #tpu.memory_space<vmem>>[vector<16xi32>, vector<16xi32>], vector<16xf32>,
      %add3A_3932 = arith.addf %add3A_3927, %gather3A_3931 : vector<16xf32>
      %mul3A_3933 = arith.constant 8.500000e+01 : f32
      %mul3A_3934 = vector.broadcast %mul3A_3933 : f32 to vector<16xf32>
      %mul3A_3935 = arith.mulf %add3A_3932, %mul3A_3934 : vector<16xf32>
      %convert_element_type3A_3936 = arith.fptosi %mul3A_3935 : vector<16xf32> to vector<16xi32>
      %max3A_3937 = arith.constant 0 : i32
      %max3A_3938 = vector.broadcast %max3A_3937 : i32 to vector<16xi32>
      %max3A_3939 = arith.maxsi %convert_element_type3A_3936, %max3A_3938 : vector<16xi32>
      %min3A_3940 = arith.constant 254 : i32
      %min3A_3941 = vector.broadcast %min3A_3940 : i32 to vector<16xi32>
      %min3A_3942 = arith.minsi %max3A_3939, %min3A_3941 : vector<16xi32>
      tpu.vector_store_idx %arg8[%min3A_3942], %broadcast_in_dim3A_1 {add = true} : memref<256xf32, #tpu.memory_space<vmem>>[vector<16xi32>], vector<16xf32>,
    }
    %scan3A_1916 = arith.constant 64 : i32
    %add3A_1917 = arith.constant 0 : i32
    %add3A_1918 = vector.broadcast %add3A_1917 : i32 to vector<16xi32>
    %add3A_1919 = arith.addi %add3A_1918, %iota3A : vector<16xi32>
    %mul3A_1920 = arith.constant 3 : i32
    %mul3A_1921 = arith.muli %add3A, %mul3A_1920 : i32
    %add3A_1922 = arith.constant 0 : i32
    %add3A_1923 = arith.addi %mul3A_1921, %add3A_1922 : i32
    %mul3A_1924 = arith.constant 2048 : i32
    %mul3A_1925 = arith.muli %add3A_1923, %mul3A_1924 : i32
    %shift_right_arithmetic3A_1926 = arith.constant 3 : i32
    %shift_right_arithmetic3A_1927 = vector.broadcast %shift_right_arithmetic3A_1926 : i32 to vector<16xi32>
    %shift_right_arithmetic3A_1928 = arith.shrsi %add3A_1919, %shift_right_arithmetic3A_1927 : vector<16xi32>
    %add3A_1929 = arith.constant 32 : i32
    %add3A_1930 = vector.broadcast %add3A_1929 : i32 to vector<16xi32>
    %add3A_1931 = arith.addi %add3A_1930, %shift_right_arithmetic3A_1928 : vector<16xi32>
    %mul3A_1932 = arith.constant 32 : i32
    %mul3A_1933 = vector.broadcast %mul3A_1932 : i32 to vector<16xi32>
    %mul3A_1934 = arith.muli %add3A_1931, %mul3A_1933 : vector<16xi32>
    %add3A_1935 = vector.broadcast %mul3A_1925 : i32 to vector<16xi32>
    %add3A_1936 = arith.addi %add3A_1935, %mul3A_1934 : vector<16xi32>
    %shift_right_arithmetic3A_1937 = arith.constant 1 : i32
    %shift_right_arithmetic3A_1938 = vector.broadcast %shift_right_arithmetic3A_1937 : i32 to vector<16xi32>
    %shift_right_arithmetic3A_1939 = arith.shrsi %add3A_1919, %shift_right_arithmetic3A_1938 : vector<16xi32>
    %and3A_1940 = arith.constant 3 : i32
    %and3A_1941 = vector.broadcast %and3A_1940 : i32 to vector<16xi32>
    %and3A_1942 = arith.andi %shift_right_arithmetic3A_1939, %and3A_1941 : vector<16xi32>
    %mul3A_1943 = arith.constant 8 : i32
    %mul3A_1944 = vector.broadcast %mul3A_1943 : i32 to vector<16xi32>
    %mul3A_1945 = arith.muli %and3A_1942, %mul3A_1944 : vector<16xi32>
    %add3A_1946 = arith.addi %add3A_1936, %mul3A_1945 : vector<16xi32>
    %and3A_1947 = arith.constant 1 : i32
    %and3A_1948 = vector.broadcast %and3A_1947 : i32 to vector<16xi32>
    %and3A_1949 = arith.andi %add3A_1919, %and3A_1948 : vector<16xi32>
    %mul3A_1950 = arith.constant 4 : i32
    %mul3A_1951 = vector.broadcast %mul3A_1950 : i32 to vector<16xi32>
    %mul3A_1952 = arith.muli %and3A_1949, %mul3A_1951 : vector<16xi32>
    %add3A_1953 = arith.addi %add3A_1946, %mul3A_1952 : vector<16xi32>
    %swap3A_1954 = arith.constant 0 : index
    %swap3A_1955 = tpu.vector_load %arg4[%swap3A_1954] {strides = array<i32>} : memref<384xi32, #tpu.memory_space<vmem>>, vector<16xi32>,
    tpu.vector_store %arg4[%swap3A_1954], %add3A_1953 {strides = array<i32>} : memref<384xi32, #tpu.memory_space<vmem>>, vector<16xi32>,
    %add3A_1956 = arith.constant 16 : i32
    %add3A_1957 = vector.broadcast %add3A_1956 : i32 to vector<16xi32>
    %add3A_1958 = arith.addi %add3A_1957, %iota3A : vector<16xi32>
    %mul3A_1959 = arith.constant 3 : i32
    %mul3A_1960 = arith.muli %add3A, %mul3A_1959 : i32
    %add3A_1961 = arith.constant 0 : i32
    %add3A_1962 = arith.addi %mul3A_1960, %add3A_1961 : i32
    %mul3A_1963 = arith.constant 2048 : i32
    %mul3A_1964 = arith.muli %add3A_1962, %mul3A_1963 : i32
    %shift_right_arithmetic3A_1965 = arith.constant 3 : i32
    %shift_right_arithmetic3A_1966 = vector.broadcast %shift_right_arithmetic3A_1965 : i32 to vector<16xi32>
    %shift_right_arithmetic3A_1967 = arith.shrsi %add3A_1958, %shift_right_arithmetic3A_1966 : vector<16xi32>
    %add3A_1968 = arith.constant 32 : i32
    %add3A_1969 = vector.broadcast %add3A_1968 : i32 to vector<16xi32>
    %add3A_1970 = arith.addi %add3A_1969, %shift_right_arithmetic3A_1967 : vector<16xi32>
    %mul3A_1971 = arith.constant 32 : i32
    %mul3A_1972 = vector.broadcast %mul3A_1971 : i32 to vector<16xi32>
    %mul3A_1973 = arith.muli %add3A_1970, %mul3A_1972 : vector<16xi32>
    %add3A_1974 = vector.broadcast %mul3A_1964 : i32 to vector<16xi32>
    %add3A_1975 = arith.addi %add3A_1974, %mul3A_1973 : vector<16xi32>
    %shift_right_arithmetic3A_1976 = arith.constant 1 : i32
    %shift_right_arithmetic3A_1977 = vector.broadcast %shift_right_arithmetic3A_1976 : i32 to vector<16xi32>
    %shift_right_arithmetic3A_1978 = arith.shrsi %add3A_1958, %shift_right_arithmetic3A_1977 : vector<16xi32>
    %and3A_1979 = arith.constant 3 : i32
    %and3A_1980 = vector.broadcast %and3A_1979 : i32 to vector<16xi32>
    %and3A_1981 = arith.andi %shift_right_arithmetic3A_1978, %and3A_1980 : vector<16xi32>
    %mul3A_1982 = arith.constant 8 : i32
    %mul3A_1983 = vector.broadcast %mul3A_1982 : i32 to vector<16xi32>
    %mul3A_1984 = arith.muli %and3A_1981, %mul3A_1983 : vector<16xi32>
    %add3A_1985 = arith.addi %add3A_1975, %mul3A_1984 : vector<16xi32>
    %and3A_1986 = arith.constant 1 : i32
    %and3A_1987 = vector.broadcast %and3A_1986 : i32 to vector<16xi32>
    %and3A_1988 = arith.andi %add3A_1958, %and3A_1987 : vector<16xi32>
    %mul3A_1989 = arith.constant 4 : i32
    %mul3A_1990 = vector.broadcast %mul3A_1989 : i32 to vector<16xi32>
    %mul3A_1991 = arith.muli %and3A_1988, %mul3A_1990 : vector<16xi32>
    %add3A_1992 = arith.addi %add3A_1985, %mul3A_1991 : vector<16xi32>
    %swap3A_1993 = arith.constant 16 : index
    %swap3A_1994 = tpu.vector_load %arg4[%swap3A_1993] {strides = array<i32>} : memref<384xi32, #tpu.memory_space<vmem>>, vector<16xi32>,
    tpu.vector_store %arg4[%swap3A_1993], %add3A_1992 {strides = array<i32>} : memref<384xi32, #tpu.memory_space<vmem>>, vector<16xi32>,
    %add3A_1995 = arith.constant 32 : i32
    %add3A_1996 = vector.broadcast %add3A_1995 : i32 to vector<16xi32>
    %add3A_1997 = arith.addi %add3A_1996, %iota3A : vector<16xi32>
    %mul3A_1998 = arith.constant 3 : i32
    %mul3A_1999 = arith.muli %add3A, %mul3A_1998 : i32
    %add3A_2000 = arith.constant 0 : i32
    %add3A_2001 = arith.addi %mul3A_1999, %add3A_2000 : i32
    %mul3A_2002 = arith.constant 2048 : i32
    %mul3A_2003 = arith.muli %add3A_2001, %mul3A_2002 : i32
    %shift_right_arithmetic3A_2004 = arith.constant 3 : i32
    %shift_right_arithmetic3A_2005 = vector.broadcast %shift_right_arithmetic3A_2004 : i32 to vector<16xi32>
    %shift_right_arithmetic3A_2006 = arith.shrsi %add3A_1997, %shift_right_arithmetic3A_2005 : vector<16xi32>
    %add3A_2007 = arith.constant 32 : i32
    %add3A_2008 = vector.broadcast %add3A_2007 : i32 to vector<16xi32>
    %add3A_2009 = arith.addi %add3A_2008, %shift_right_arithmetic3A_2006 : vector<16xi32>
    %mul3A_2010 = arith.constant 32 : i32
    %mul3A_2011 = vector.broadcast %mul3A_2010 : i32 to vector<16xi32>
    %mul3A_2012 = arith.muli %add3A_2009, %mul3A_2011 : vector<16xi32>
    %add3A_2013 = vector.broadcast %mul3A_2003 : i32 to vector<16xi32>
    %add3A_2014 = arith.addi %add3A_2013, %mul3A_2012 : vector<16xi32>
    %shift_right_arithmetic3A_2015 = arith.constant 1 : i32
    %shift_right_arithmetic3A_2016 = vector.broadcast %shift_right_arithmetic3A_2015 : i32 to vector<16xi32>
    %shift_right_arithmetic3A_2017 = arith.shrsi %add3A_1997, %shift_right_arithmetic3A_2016 : vector<16xi32>
    %and3A_2018 = arith.constant 3 : i32
    %and3A_2019 = vector.broadcast %and3A_2018 : i32 to vector<16xi32>
    %and3A_2020 = arith.andi %shift_right_arithmetic3A_2017, %and3A_2019 : vector<16xi32>
    %mul3A_2021 = arith.constant 8 : i32
    %mul3A_2022 = vector.broadcast %mul3A_2021 : i32 to vector<16xi32>
    %mul3A_2023 = arith.muli %and3A_2020, %mul3A_2022 : vector<16xi32>
    %add3A_2024 = arith.addi %add3A_2014, %mul3A_2023 : vector<16xi32>
    %and3A_2025 = arith.constant 1 : i32
    %and3A_2026 = vector.broadcast %and3A_2025 : i32 to vector<16xi32>
    %and3A_2027 = arith.andi %add3A_1997, %and3A_2026 : vector<16xi32>
    %mul3A_2028 = arith.constant 4 : i32
    %mul3A_2029 = vector.broadcast %mul3A_2028 : i32 to vector<16xi32>
    %mul3A_2030 = arith.muli %and3A_2027, %mul3A_2029 : vector<16xi32>
    %add3A_2031 = arith.addi %add3A_2024, %mul3A_2030 : vector<16xi32>
    %swap3A_2032 = arith.constant 32 : index
    %swap3A_2033 = tpu.vector_load %arg4[%swap3A_2032] {strides = array<i32>} : memref<384xi32, #tpu.memory_space<vmem>>, vector<16xi32>,
    tpu.vector_store %arg4[%swap3A_2032], %add3A_2031 {strides = array<i32>} : memref<384xi32, #tpu.memory_space<vmem>>, vector<16xi32>,
    %add3A_2034 = arith.constant 48 : i32
    %add3A_2035 = vector.broadcast %add3A_2034 : i32 to vector<16xi32>
    %add3A_2036 = arith.addi %add3A_2035, %iota3A : vector<16xi32>
    %mul3A_2037 = arith.constant 3 : i32
    %mul3A_2038 = arith.muli %add3A, %mul3A_2037 : i32
    %add3A_2039 = arith.constant 0 : i32
    %add3A_2040 = arith.addi %mul3A_2038, %add3A_2039 : i32
    %mul3A_2041 = arith.constant 2048 : i32
    %mul3A_2042 = arith.muli %add3A_2040, %mul3A_2041 : i32
    %shift_right_arithmetic3A_2043 = arith.constant 3 : i32
    %shift_right_arithmetic3A_2044 = vector.broadcast %shift_right_arithmetic3A_2043 : i32 to vector<16xi32>
    %shift_right_arithmetic3A_2045 = arith.shrsi %add3A_2036, %shift_right_arithmetic3A_2044 : vector<16xi32>
    %add3A_2046 = arith.constant 32 : i32
    %add3A_2047 = vector.broadcast %add3A_2046 : i32 to vector<16xi32>
    %add3A_2048 = arith.addi %add3A_2047, %shift_right_arithmetic3A_2045 : vector<16xi32>
    %mul3A_2049 = arith.constant 32 : i32
    %mul3A_2050 = vector.broadcast %mul3A_2049 : i32 to vector<16xi32>
    %mul3A_2051 = arith.muli %add3A_2048, %mul3A_2050 : vector<16xi32>
    %add3A_2052 = vector.broadcast %mul3A_2042 : i32 to vector<16xi32>
    %add3A_2053 = arith.addi %add3A_2052, %mul3A_2051 : vector<16xi32>
    %shift_right_arithmetic3A_2054 = arith.constant 1 : i32
    %shift_right_arithmetic3A_2055 = vector.broadcast %shift_right_arithmetic3A_2054 : i32 to vector<16xi32>
    %shift_right_arithmetic3A_2056 = arith.shrsi %add3A_2036, %shift_right_arithmetic3A_2055 : vector<16xi32>
    %and3A_2057 = arith.constant 3 : i32
    %and3A_2058 = vector.broadcast %and3A_2057 : i32 to vector<16xi32>
    %and3A_2059 = arith.andi %shift_right_arithmetic3A_2056, %and3A_2058 : vector<16xi32>
    %mul3A_2060 = arith.constant 8 : i32
    %mul3A_2061 = vector.broadcast %mul3A_2060 : i32 to vector<16xi32>
    %mul3A_2062 = arith.muli %and3A_2059, %mul3A_2061 : vector<16xi32>
    %add3A_2063 = arith.addi %add3A_2053, %mul3A_2062 : vector<16xi32>
    %and3A_2064 = arith.constant 1 : i32
    %and3A_2065 = vector.broadcast %and3A_2064 : i32 to vector<16xi32>
    %and3A_2066 = arith.andi %add3A_2036, %and3A_2065 : vector<16xi32>
    %mul3A_2067 = arith.constant 4 : i32
    %mul3A_2068 = vector.broadcast %mul3A_2067 : i32 to vector<16xi32>
    %mul3A_2069 = arith.muli %and3A_2066, %mul3A_2068 : vector<16xi32>
    %add3A_2070 = arith.addi %add3A_2063, %mul3A_2069 : vector<16xi32>
    %swap3A_2071 = arith.constant 48 : index
    %swap3A_2072 = tpu.vector_load %arg4[%swap3A_2071] {strides = array<i32>} : memref<384xi32, #tpu.memory_space<vmem>>, vector<16xi32>,
    tpu.vector_store %arg4[%swap3A_2071], %add3A_2070 {strides = array<i32>} : memref<384xi32, #tpu.memory_space<vmem>>, vector<16xi32>,
    %add3A_2073 = arith.constant 64 : i32
    %add3A_2074 = vector.broadcast %add3A_2073 : i32 to vector<16xi32>
    %add3A_2075 = arith.addi %add3A_2074, %iota3A : vector<16xi32>
    %mul3A_2076 = arith.constant 3 : i32
    %mul3A_2077 = arith.muli %add3A, %mul3A_2076 : i32
    %add3A_2078 = arith.constant 0 : i32
    %add3A_2079 = arith.addi %mul3A_2077, %add3A_2078 : i32
    %mul3A_2080 = arith.constant 2048 : i32
    %mul3A_2081 = arith.muli %add3A_2079, %mul3A_2080 : i32
    %shift_right_arithmetic3A_2082 = arith.constant 3 : i32
    %shift_right_arithmetic3A_2083 = vector.broadcast %shift_right_arithmetic3A_2082 : i32 to vector<16xi32>
    %shift_right_arithmetic3A_2084 = arith.shrsi %add3A_2075, %shift_right_arithmetic3A_2083 : vector<16xi32>
    %add3A_2085 = arith.constant 32 : i32
    %add3A_2086 = vector.broadcast %add3A_2085 : i32 to vector<16xi32>
    %add3A_2087 = arith.addi %add3A_2086, %shift_right_arithmetic3A_2084 : vector<16xi32>
    %mul3A_2088 = arith.constant 32 : i32
    %mul3A_2089 = vector.broadcast %mul3A_2088 : i32 to vector<16xi32>
    %mul3A_2090 = arith.muli %add3A_2087, %mul3A_2089 : vector<16xi32>
    %add3A_2091 = vector.broadcast %mul3A_2081 : i32 to vector<16xi32>
    %add3A_2092 = arith.addi %add3A_2091, %mul3A_2090 : vector<16xi32>
    %shift_right_arithmetic3A_2093 = arith.constant 1 : i32
    %shift_right_arithmetic3A_2094 = vector.broadcast %shift_right_arithmetic3A_2093 : i32 to vector<16xi32>
    %shift_right_arithmetic3A_2095 = arith.shrsi %add3A_2075, %shift_right_arithmetic3A_2094 : vector<16xi32>
    %and3A_2096 = arith.constant 3 : i32
    %and3A_2097 = vector.broadcast %and3A_2096 : i32 to vector<16xi32>
    %and3A_2098 = arith.andi %shift_right_arithmetic3A_2095, %and3A_2097 : vector<16xi32>
    %mul3A_2099 = arith.constant 8 : i32
    %mul3A_2100 = vector.broadcast %mul3A_2099 : i32 to vector<16xi32>
    %mul3A_2101 = arith.muli %and3A_2098, %mul3A_2100 : vector<16xi32>
    %add3A_2102 = arith.addi %add3A_2092, %mul3A_2101 : vector<16xi32>
    %and3A_2103 = arith.constant 1 : i32
    %and3A_2104 = vector.broadcast %and3A_2103 : i32 to vector<16xi32>
    %and3A_2105 = arith.andi %add3A_2075, %and3A_2104 : vector<16xi32>
    %mul3A_2106 = arith.constant 4 : i32
    %mul3A_2107 = vector.broadcast %mul3A_2106 : i32 to vector<16xi32>
    %mul3A_2108 = arith.muli %and3A_2105, %mul3A_2107 : vector<16xi32>
    %add3A_2109 = arith.addi %add3A_2102, %mul3A_2108 : vector<16xi32>
    %swap3A_2110 = arith.constant 64 : index
    %swap3A_2111 = tpu.vector_load %arg4[%swap3A_2110] {strides = array<i32>} : memref<384xi32, #tpu.memory_space<vmem>>, vector<16xi32>,
    tpu.vector_store %arg4[%swap3A_2110], %add3A_2109 {strides = array<i32>} : memref<384xi32, #tpu.memory_space<vmem>>, vector<16xi32>,
    %add3A_2112 = arith.constant 80 : i32
    %add3A_2113 = vector.broadcast %add3A_2112 : i32 to vector<16xi32>
    %add3A_2114 = arith.addi %add3A_2113, %iota3A : vector<16xi32>
    %mul3A_2115 = arith.constant 3 : i32
    %mul3A_2116 = arith.muli %add3A, %mul3A_2115 : i32
    %add3A_2117 = arith.constant 0 : i32
    %add3A_2118 = arith.addi %mul3A_2116, %add3A_2117 : i32
    %mul3A_2119 = arith.constant 2048 : i32
    %mul3A_2120 = arith.muli %add3A_2118, %mul3A_2119 : i32
    %shift_right_arithmetic3A_2121 = arith.constant 3 : i32
    %shift_right_arithmetic3A_2122 = vector.broadcast %shift_right_arithmetic3A_2121 : i32 to vector<16xi32>
    %shift_right_arithmetic3A_2123 = arith.shrsi %add3A_2114, %shift_right_arithmetic3A_2122 : vector<16xi32>
    %add3A_2124 = arith.constant 32 : i32
    %add3A_2125 = vector.broadcast %add3A_2124 : i32 to vector<16xi32>
    %add3A_2126 = arith.addi %add3A_2125, %shift_right_arithmetic3A_2123 : vector<16xi32>
    %mul3A_2127 = arith.constant 32 : i32
    %mul3A_2128 = vector.broadcast %mul3A_2127 : i32 to vector<16xi32>
    %mul3A_2129 = arith.muli %add3A_2126, %mul3A_2128 : vector<16xi32>
    %add3A_2130 = vector.broadcast %mul3A_2120 : i32 to vector<16xi32>
    %add3A_2131 = arith.addi %add3A_2130, %mul3A_2129 : vector<16xi32>
    %shift_right_arithmetic3A_2132 = arith.constant 1 : i32
    %shift_right_arithmetic3A_2133 = vector.broadcast %shift_right_arithmetic3A_2132 : i32 to vector<16xi32>
    %shift_right_arithmetic3A_2134 = arith.shrsi %add3A_2114, %shift_right_arithmetic3A_2133 : vector<16xi32>
    %and3A_2135 = arith.constant 3 : i32
    %and3A_2136 = vector.broadcast %and3A_2135 : i32 to vector<16xi32>
    %and3A_2137 = arith.andi %shift_right_arithmetic3A_2134, %and3A_2136 : vector<16xi32>
    %mul3A_2138 = arith.constant 8 : i32
    %mul3A_2139 = vector.broadcast %mul3A_2138 : i32 to vector<16xi32>
    %mul3A_2140 = arith.muli %and3A_2137, %mul3A_2139 : vector<16xi32>
    %add3A_2141 = arith.addi %add3A_2131, %mul3A_2140 : vector<16xi32>
    %and3A_2142 = arith.constant 1 : i32
    %and3A_2143 = vector.broadcast %and3A_2142 : i32 to vector<16xi32>
    %and3A_2144 = arith.andi %add3A_2114, %and3A_2143 : vector<16xi32>
    %mul3A_2145 = arith.constant 4 : i32
    %mul3A_2146 = vector.broadcast %mul3A_2145 : i32 to vector<16xi32>
    %mul3A_2147 = arith.muli %and3A_2144, %mul3A_2146 : vector<16xi32>
    %add3A_2148 = arith.addi %add3A_2141, %mul3A_2147 : vector<16xi32>
    %swap3A_2149 = arith.constant 80 : index
    %swap3A_2150 = tpu.vector_load %arg4[%swap3A_2149] {strides = array<i32>} : memref<384xi32, #tpu.memory_space<vmem>>, vector<16xi32>,
    tpu.vector_store %arg4[%swap3A_2149], %add3A_2148 {strides = array<i32>} : memref<384xi32, #tpu.memory_space<vmem>>, vector<16xi32>,
    %add3A_2151 = arith.constant 96 : i32
    %add3A_2152 = vector.broadcast %add3A_2151 : i32 to vector<16xi32>
    %add3A_2153 = arith.addi %add3A_2152, %iota3A : vector<16xi32>
    %mul3A_2154 = arith.constant 3 : i32
    %mul3A_2155 = arith.muli %add3A, %mul3A_2154 : i32
    %add3A_2156 = arith.constant 0 : i32
    %add3A_2157 = arith.addi %mul3A_2155, %add3A_2156 : i32
    %mul3A_2158 = arith.constant 2048 : i32
    %mul3A_2159 = arith.muli %add3A_2157, %mul3A_2158 : i32
    %shift_right_arithmetic3A_2160 = arith.constant 3 : i32
    %shift_right_arithmetic3A_2161 = vector.broadcast %shift_right_arithmetic3A_2160 : i32 to vector<16xi32>
    %shift_right_arithmetic3A_2162 = arith.shrsi %add3A_2153, %shift_right_arithmetic3A_2161 : vector<16xi32>
    %add3A_2163 = arith.constant 32 : i32
    %add3A_2164 = vector.broadcast %add3A_2163 : i32 to vector<16xi32>
    %add3A_2165 = arith.addi %add3A_2164, %shift_right_arithmetic3A_2162 : vector<16xi32>
    %mul3A_2166 = arith.constant 32 : i32
    %mul3A_2167 = vector.broadcast %mul3A_2166 : i32 to vector<16xi32>
    %mul3A_2168 = arith.muli %add3A_2165, %mul3A_2167 : vector<16xi32>
    %add3A_2169 = vector.broadcast %mul3A_2159 : i32 to vector<16xi32>
    %add3A_2170 = arith.addi %add3A_2169, %mul3A_2168 : vector<16xi32>
    %shift_right_arithmetic3A_2171 = arith.constant 1 : i32
    %shift_right_arithmetic3A_2172 = vector.broadcast %shift_right_arithmetic3A_2171 : i32 to vector<16xi32>
    %shift_right_arithmetic3A_2173 = arith.shrsi %add3A_2153, %shift_right_arithmetic3A_2172 : vector<16xi32>
    %and3A_2174 = arith.constant 3 : i32
    %and3A_2175 = vector.broadcast %and3A_2174 : i32 to vector<16xi32>
    %and3A_2176 = arith.andi %shift_right_arithmetic3A_2173, %and3A_2175 : vector<16xi32>
    %mul3A_2177 = arith.constant 8 : i32
    %mul3A_2178 = vector.broadcast %mul3A_2177 : i32 to vector<16xi32>
    %mul3A_2179 = arith.muli %and3A_2176, %mul3A_2178 : vector<16xi32>
    %add3A_2180 = arith.addi %add3A_2170, %mul3A_2179 : vector<16xi32>
    %and3A_2181 = arith.constant 1 : i32
    %and3A_2182 = vector.broadcast %and3A_2181 : i32 to vector<16xi32>
    %and3A_2183 = arith.andi %add3A_2153, %and3A_2182 : vector<16xi32>
    %mul3A_2184 = arith.constant 4 : i32
    %mul3A_2185 = vector.broadcast %mul3A_2184 : i32 to vector<16xi32>
    %mul3A_2186 = arith.muli %and3A_2183, %mul3A_2185 : vector<16xi32>
    %add3A_2187 = arith.addi %add3A_2180, %mul3A_2186 : vector<16xi32>
    %swap3A_2188 = arith.constant 96 : index
    %swap3A_2189 = tpu.vector_load %arg4[%swap3A_2188] {strides = array<i32>} : memref<384xi32, #tpu.memory_space<vmem>>, vector<16xi32>,
    tpu.vector_store %arg4[%swap3A_2188], %add3A_2187 {strides = array<i32>} : memref<384xi32, #tpu.memory_space<vmem>>, vector<16xi32>,
    %add3A_2190 = arith.constant 112 : i32
    %add3A_2191 = vector.broadcast %add3A_2190 : i32 to vector<16xi32>
    %add3A_2192 = arith.addi %add3A_2191, %iota3A : vector<16xi32>
    %mul3A_2193 = arith.constant 3 : i32
    %mul3A_2194 = arith.muli %add3A, %mul3A_2193 : i32
    %add3A_2195 = arith.constant 0 : i32
    %add3A_2196 = arith.addi %mul3A_2194, %add3A_2195 : i32
    %mul3A_2197 = arith.constant 2048 : i32
    %mul3A_2198 = arith.muli %add3A_2196, %mul3A_2197 : i32
    %shift_right_arithmetic3A_2199 = arith.constant 3 : i32
    %shift_right_arithmetic3A_2200 = vector.broadcast %shift_right_arithmetic3A_2199 : i32 to vector<16xi32>
    %shift_right_arithmetic3A_2201 = arith.shrsi %add3A_2192, %shift_right_arithmetic3A_2200 : vector<16xi32>
    %add3A_2202 = arith.constant 32 : i32
    %add3A_2203 = vector.broadcast %add3A_2202 : i32 to vector<16xi32>
    %add3A_2204 = arith.addi %add3A_2203, %shift_right_arithmetic3A_2201 : vector<16xi32>
    %mul3A_2205 = arith.constant 32 : i32
    %mul3A_2206 = vector.broadcast %mul3A_2205 : i32 to vector<16xi32>
    %mul3A_2207 = arith.muli %add3A_2204, %mul3A_2206 : vector<16xi32>
    %add3A_2208 = vector.broadcast %mul3A_2198 : i32 to vector<16xi32>
    %add3A_2209 = arith.addi %add3A_2208, %mul3A_2207 : vector<16xi32>
    %shift_right_arithmetic3A_2210 = arith.constant 1 : i32
    %shift_right_arithmetic3A_2211 = vector.broadcast %shift_right_arithmetic3A_2210 : i32 to vector<16xi32>
    %shift_right_arithmetic3A_2212 = arith.shrsi %add3A_2192, %shift_right_arithmetic3A_2211 : vector<16xi32>
    %and3A_2213 = arith.constant 3 : i32
    %and3A_2214 = vector.broadcast %and3A_2213 : i32 to vector<16xi32>
    %and3A_2215 = arith.andi %shift_right_arithmetic3A_2212, %and3A_2214 : vector<16xi32>
    %mul3A_2216 = arith.constant 8 : i32
    %mul3A_2217 = vector.broadcast %mul3A_2216 : i32 to vector<16xi32>
    %mul3A_2218 = arith.muli %and3A_2215, %mul3A_2217 : vector<16xi32>
    %add3A_2219 = arith.addi %add3A_2209, %mul3A_2218 : vector<16xi32>
    %and3A_2220 = arith.constant 1 : i32
    %and3A_2221 = vector.broadcast %and3A_2220 : i32 to vector<16xi32>
    %and3A_2222 = arith.andi %add3A_2192, %and3A_2221 : vector<16xi32>
    %mul3A_2223 = arith.constant 4 : i32
    %mul3A_2224 = vector.broadcast %mul3A_2223 : i32 to vector<16xi32>
    %mul3A_2225 = arith.muli %and3A_2222, %mul3A_2224 : vector<16xi32>
    %add3A_2226 = arith.addi %add3A_2219, %mul3A_2225 : vector<16xi32>
    %swap3A_2227 = arith.constant 112 : index
    %swap3A_2228 = tpu.vector_load %arg4[%swap3A_2227] {strides = array<i32>} : memref<384xi32, #tpu.memory_space<vmem>>, vector<16xi32>,
    tpu.vector_store %arg4[%swap3A_2227], %add3A_2226 {strides = array<i32>} : memref<384xi32, #tpu.memory_space<vmem>>, vector<16xi32>,
    %add3A_2229 = arith.constant 0 : i32
    %add3A_2230 = vector.broadcast %add3A_2229 : i32 to vector<16xi32>
    %add3A_2231 = arith.addi %add3A_2230, %iota3A : vector<16xi32>
    %mul3A_2232 = arith.constant 3 : i32
    %mul3A_2233 = arith.muli %add3A, %mul3A_2232 : i32
    %add3A_2234 = arith.constant 1 : i32
    %add3A_2235 = arith.addi %mul3A_2233, %add3A_2234 : i32
    %mul3A_2236 = arith.constant 2048 : i32
    %mul3A_2237 = arith.muli %add3A_2235, %mul3A_2236 : i32
    %shift_right_arithmetic3A_2238 = arith.constant 3 : i32
    %shift_right_arithmetic3A_2239 = vector.broadcast %shift_right_arithmetic3A_2238 : i32 to vector<16xi32>
    %shift_right_arithmetic3A_2240 = arith.shrsi %add3A_2231, %shift_right_arithmetic3A_2239 : vector<16xi32>
    %add3A_2241 = arith.constant 32 : i32
    %add3A_2242 = vector.broadcast %add3A_2241 : i32 to vector<16xi32>
    %add3A_2243 = arith.addi %add3A_2242, %shift_right_arithmetic3A_2240 : vector<16xi32>
    %mul3A_2244 = arith.constant 32 : i32
    %mul3A_2245 = vector.broadcast %mul3A_2244 : i32 to vector<16xi32>
    %mul3A_2246 = arith.muli %add3A_2243, %mul3A_2245 : vector<16xi32>
    %add3A_2247 = vector.broadcast %mul3A_2237 : i32 to vector<16xi32>
    %add3A_2248 = arith.addi %add3A_2247, %mul3A_2246 : vector<16xi32>
    %shift_right_arithmetic3A_2249 = arith.constant 1 : i32
    %shift_right_arithmetic3A_2250 = vector.broadcast %shift_right_arithmetic3A_2249 : i32 to vector<16xi32>
    %shift_right_arithmetic3A_2251 = arith.shrsi %add3A_2231, %shift_right_arithmetic3A_2250 : vector<16xi32>
    %and3A_2252 = arith.constant 3 : i32
    %and3A_2253 = vector.broadcast %and3A_2252 : i32 to vector<16xi32>
    %and3A_2254 = arith.andi %shift_right_arithmetic3A_2251, %and3A_2253 : vector<16xi32>
    %mul3A_2255 = arith.constant 8 : i32
    %mul3A_2256 = vector.broadcast %mul3A_2255 : i32 to vector<16xi32>
    %mul3A_2257 = arith.muli %and3A_2254, %mul3A_2256 : vector<16xi32>
    %add3A_2258 = arith.addi %add3A_2248, %mul3A_2257 : vector<16xi32>
    %and3A_2259 = arith.constant 1 : i32
    %and3A_2260 = vector.broadcast %and3A_2259 : i32 to vector<16xi32>
    %and3A_2261 = arith.andi %add3A_2231, %and3A_2260 : vector<16xi32>
    %mul3A_2262 = arith.constant 4 : i32
    %mul3A_2263 = vector.broadcast %mul3A_2262 : i32 to vector<16xi32>
    %mul3A_2264 = arith.muli %and3A_2261, %mul3A_2263 : vector<16xi32>
    %add3A_2265 = arith.addi %add3A_2258, %mul3A_2264 : vector<16xi32>
    %swap3A_2266 = arith.constant 128 : index
    %swap3A_2267 = tpu.vector_load %arg4[%swap3A_2266] {strides = array<i32>} : memref<384xi32, #tpu.memory_space<vmem>>, vector<16xi32>,
    tpu.vector_store %arg4[%swap3A_2266], %add3A_2265 {strides = array<i32>} : memref<384xi32, #tpu.memory_space<vmem>>, vector<16xi32>,
    %add3A_2268 = arith.constant 16 : i32
    %add3A_2269 = vector.broadcast %add3A_2268 : i32 to vector<16xi32>
    %add3A_2270 = arith.addi %add3A_2269, %iota3A : vector<16xi32>
    %mul3A_2271 = arith.constant 3 : i32
    %mul3A_2272 = arith.muli %add3A, %mul3A_2271 : i32
    %add3A_2273 = arith.constant 1 : i32
    %add3A_2274 = arith.addi %mul3A_2272, %add3A_2273 : i32
    %mul3A_2275 = arith.constant 2048 : i32
    %mul3A_2276 = arith.muli %add3A_2274, %mul3A_2275 : i32
    %shift_right_arithmetic3A_2277 = arith.constant 3 : i32
    %shift_right_arithmetic3A_2278 = vector.broadcast %shift_right_arithmetic3A_2277 : i32 to vector<16xi32>
    %shift_right_arithmetic3A_2279 = arith.shrsi %add3A_2270, %shift_right_arithmetic3A_2278 : vector<16xi32>
    %add3A_2280 = arith.constant 32 : i32
    %add3A_2281 = vector.broadcast %add3A_2280 : i32 to vector<16xi32>
    %add3A_2282 = arith.addi %add3A_2281, %shift_right_arithmetic3A_2279 : vector<16xi32>
    %mul3A_2283 = arith.constant 32 : i32
    %mul3A_2284 = vector.broadcast %mul3A_2283 : i32 to vector<16xi32>
    %mul3A_2285 = arith.muli %add3A_2282, %mul3A_2284 : vector<16xi32>
    %add3A_2286 = vector.broadcast %mul3A_2276 : i32 to vector<16xi32>
    %add3A_2287 = arith.addi %add3A_2286, %mul3A_2285 : vector<16xi32>
    %shift_right_arithmetic3A_2288 = arith.constant 1 : i32
    %shift_right_arithmetic3A_2289 = vector.broadcast %shift_right_arithmetic3A_2288 : i32 to vector<16xi32>
    %shift_right_arithmetic3A_2290 = arith.shrsi %add3A_2270, %shift_right_arithmetic3A_2289 : vector<16xi32>
    %and3A_2291 = arith.constant 3 : i32
    %and3A_2292 = vector.broadcast %and3A_2291 : i32 to vector<16xi32>
    %and3A_2293 = arith.andi %shift_right_arithmetic3A_2290, %and3A_2292 : vector<16xi32>
    %mul3A_2294 = arith.constant 8 : i32
    %mul3A_2295 = vector.broadcast %mul3A_2294 : i32 to vector<16xi32>
    %mul3A_2296 = arith.muli %and3A_2293, %mul3A_2295 : vector<16xi32>
    %add3A_2297 = arith.addi %add3A_2287, %mul3A_2296 : vector<16xi32>
    %and3A_2298 = arith.constant 1 : i32
    %and3A_2299 = vector.broadcast %and3A_2298 : i32 to vector<16xi32>
    %and3A_2300 = arith.andi %add3A_2270, %and3A_2299 : vector<16xi32>
    %mul3A_2301 = arith.constant 4 : i32
    %mul3A_2302 = vector.broadcast %mul3A_2301 : i32 to vector<16xi32>
    %mul3A_2303 = arith.muli %and3A_2300, %mul3A_2302 : vector<16xi32>
    %add3A_2304 = arith.addi %add3A_2297, %mul3A_2303 : vector<16xi32>
    %swap3A_2305 = arith.constant 144 : index
    %swap3A_2306 = tpu.vector_load %arg4[%swap3A_2305] {strides = array<i32>} : memref<384xi32, #tpu.memory_space<vmem>>, vector<16xi32>,
    tpu.vector_store %arg4[%swap3A_2305], %add3A_2304 {strides = array<i32>} : memref<384xi32, #tpu.memory_space<vmem>>, vector<16xi32>,
    %add3A_2307 = arith.constant 32 : i32
    %add3A_2308 = vector.broadcast %add3A_2307 : i32 to vector<16xi32>
    %add3A_2309 = arith.addi %add3A_2308, %iota3A : vector<16xi32>
    %mul3A_2310 = arith.constant 3 : i32
    %mul3A_2311 = arith.muli %add3A, %mul3A_2310 : i32
    %add3A_2312 = arith.constant 1 : i32
    %add3A_2313 = arith.addi %mul3A_2311, %add3A_2312 : i32
    %mul3A_2314 = arith.constant 2048 : i32
    %mul3A_2315 = arith.muli %add3A_2313, %mul3A_2314 : i32
    %shift_right_arithmetic3A_2316 = arith.constant 3 : i32
    %shift_right_arithmetic3A_2317 = vector.broadcast %shift_right_arithmetic3A_2316 : i32 to vector<16xi32>
    %shift_right_arithmetic3A_2318 = arith.shrsi %add3A_2309, %shift_right_arithmetic3A_2317 : vector<16xi32>
    %add3A_2319 = arith.constant 32 : i32
    %add3A_2320 = vector.broadcast %add3A_2319 : i32 to vector<16xi32>
    %add3A_2321 = arith.addi %add3A_2320, %shift_right_arithmetic3A_2318 : vector<16xi32>
    %mul3A_2322 = arith.constant 32 : i32
    %mul3A_2323 = vector.broadcast %mul3A_2322 : i32 to vector<16xi32>
    %mul3A_2324 = arith.muli %add3A_2321, %mul3A_2323 : vector<16xi32>
    %add3A_2325 = vector.broadcast %mul3A_2315 : i32 to vector<16xi32>
    %add3A_2326 = arith.addi %add3A_2325, %mul3A_2324 : vector<16xi32>
    %shift_right_arithmetic3A_2327 = arith.constant 1 : i32
    %shift_right_arithmetic3A_2328 = vector.broadcast %shift_right_arithmetic3A_2327 : i32 to vector<16xi32>
    %shift_right_arithmetic3A_2329 = arith.shrsi %add3A_2309, %shift_right_arithmetic3A_2328 : vector<16xi32>
    %and3A_2330 = arith.constant 3 : i32
    %and3A_2331 = vector.broadcast %and3A_2330 : i32 to vector<16xi32>
    %and3A_2332 = arith.andi %shift_right_arithmetic3A_2329, %and3A_2331 : vector<16xi32>
    %mul3A_2333 = arith.constant 8 : i32
    %mul3A_2334 = vector.broadcast %mul3A_2333 : i32 to vector<16xi32>
    %mul3A_2335 = arith.muli %and3A_2332, %mul3A_2334 : vector<16xi32>
    %add3A_2336 = arith.addi %add3A_2326, %mul3A_2335 : vector<16xi32>
    %and3A_2337 = arith.constant 1 : i32
    %and3A_2338 = vector.broadcast %and3A_2337 : i32 to vector<16xi32>
    %and3A_2339 = arith.andi %add3A_2309, %and3A_2338 : vector<16xi32>
    %mul3A_2340 = arith.constant 4 : i32
    %mul3A_2341 = vector.broadcast %mul3A_2340 : i32 to vector<16xi32>
    %mul3A_2342 = arith.muli %and3A_2339, %mul3A_2341 : vector<16xi32>
    %add3A_2343 = arith.addi %add3A_2336, %mul3A_2342 : vector<16xi32>
    %swap3A_2344 = arith.constant 160 : index
    %swap3A_2345 = tpu.vector_load %arg4[%swap3A_2344] {strides = array<i32>} : memref<384xi32, #tpu.memory_space<vmem>>, vector<16xi32>,
    tpu.vector_store %arg4[%swap3A_2344], %add3A_2343 {strides = array<i32>} : memref<384xi32, #tpu.memory_space<vmem>>, vector<16xi32>,
    %add3A_2346 = arith.constant 48 : i32
    %add3A_2347 = vector.broadcast %add3A_2346 : i32 to vector<16xi32>
    %add3A_2348 = arith.addi %add3A_2347, %iota3A : vector<16xi32>
    %mul3A_2349 = arith.constant 3 : i32
    %mul3A_2350 = arith.muli %add3A, %mul3A_2349 : i32
    %add3A_2351 = arith.constant 1 : i32
    %add3A_2352 = arith.addi %mul3A_2350, %add3A_2351 : i32
    %mul3A_2353 = arith.constant 2048 : i32
    %mul3A_2354 = arith.muli %add3A_2352, %mul3A_2353 : i32
    %shift_right_arithmetic3A_2355 = arith.constant 3 : i32
    %shift_right_arithmetic3A_2356 = vector.broadcast %shift_right_arithmetic3A_2355 : i32 to vector<16xi32>
    %shift_right_arithmetic3A_2357 = arith.shrsi %add3A_2348, %shift_right_arithmetic3A_2356 : vector<16xi32>
    %add3A_2358 = arith.constant 32 : i32
    %add3A_2359 = vector.broadcast %add3A_2358 : i32 to vector<16xi32>
    %add3A_2360 = arith.addi %add3A_2359, %shift_right_arithmetic3A_2357 : vector<16xi32>
    %mul3A_2361 = arith.constant 32 : i32
    %mul3A_2362 = vector.broadcast %mul3A_2361 : i32 to vector<16xi32>
    %mul3A_2363 = arith.muli %add3A_2360, %mul3A_2362 : vector<16xi32>
    %add3A_2364 = vector.broadcast %mul3A_2354 : i32 to vector<16xi32>
    %add3A_2365 = arith.addi %add3A_2364, %mul3A_2363 : vector<16xi32>
    %shift_right_arithmetic3A_2366 = arith.constant 1 : i32
    %shift_right_arithmetic3A_2367 = vector.broadcast %shift_right_arithmetic3A_2366 : i32 to vector<16xi32>
    %shift_right_arithmetic3A_2368 = arith.shrsi %add3A_2348, %shift_right_arithmetic3A_2367 : vector<16xi32>
    %and3A_2369 = arith.constant 3 : i32
    %and3A_2370 = vector.broadcast %and3A_2369 : i32 to vector<16xi32>
    %and3A_2371 = arith.andi %shift_right_arithmetic3A_2368, %and3A_2370 : vector<16xi32>
    %mul3A_2372 = arith.constant 8 : i32
    %mul3A_2373 = vector.broadcast %mul3A_2372 : i32 to vector<16xi32>
    %mul3A_2374 = arith.muli %and3A_2371, %mul3A_2373 : vector<16xi32>
    %add3A_2375 = arith.addi %add3A_2365, %mul3A_2374 : vector<16xi32>
    %and3A_2376 = arith.constant 1 : i32
    %and3A_2377 = vector.broadcast %and3A_2376 : i32 to vector<16xi32>
    %and3A_2378 = arith.andi %add3A_2348, %and3A_2377 : vector<16xi32>
    %mul3A_2379 = arith.constant 4 : i32
    %mul3A_2380 = vector.broadcast %mul3A_2379 : i32 to vector<16xi32>
    %mul3A_2381 = arith.muli %and3A_2378, %mul3A_2380 : vector<16xi32>
    %add3A_2382 = arith.addi %add3A_2375, %mul3A_2381 : vector<16xi32>
    %swap3A_2383 = arith.constant 176 : index
    %swap3A_2384 = tpu.vector_load %arg4[%swap3A_2383] {strides = array<i32>} : memref<384xi32, #tpu.memory_space<vmem>>, vector<16xi32>,
    tpu.vector_store %arg4[%swap3A_2383], %add3A_2382 {strides = array<i32>} : memref<384xi32, #tpu.memory_space<vmem>>, vector<16xi32>,
    %add3A_2385 = arith.constant 64 : i32
    %add3A_2386 = vector.broadcast %add3A_2385 : i32 to vector<16xi32>
    %add3A_2387 = arith.addi %add3A_2386, %iota3A : vector<16xi32>
    %mul3A_2388 = arith.constant 3 : i32
    %mul3A_2389 = arith.muli %add3A, %mul3A_2388 : i32
    %add3A_2390 = arith.constant 1 : i32
    %add3A_2391 = arith.addi %mul3A_2389, %add3A_2390 : i32
    %mul3A_2392 = arith.constant 2048 : i32
    %mul3A_2393 = arith.muli %add3A_2391, %mul3A_2392 : i32
    %shift_right_arithmetic3A_2394 = arith.constant 3 : i32
    %shift_right_arithmetic3A_2395 = vector.broadcast %shift_right_arithmetic3A_2394 : i32 to vector<16xi32>
    %shift_right_arithmetic3A_2396 = arith.shrsi %add3A_2387, %shift_right_arithmetic3A_2395 : vector<16xi32>
    %add3A_2397 = arith.constant 32 : i32
    %add3A_2398 = vector.broadcast %add3A_2397 : i32 to vector<16xi32>
    %add3A_2399 = arith.addi %add3A_2398, %shift_right_arithmetic3A_2396 : vector<16xi32>
    %mul3A_2400 = arith.constant 32 : i32
    %mul3A_2401 = vector.broadcast %mul3A_2400 : i32 to vector<16xi32>
    %mul3A_2402 = arith.muli %add3A_2399, %mul3A_2401 : vector<16xi32>
    %add3A_2403 = vector.broadcast %mul3A_2393 : i32 to vector<16xi32>
    %add3A_2404 = arith.addi %add3A_2403, %mul3A_2402 : vector<16xi32>
    %shift_right_arithmetic3A_2405 = arith.constant 1 : i32
    %shift_right_arithmetic3A_2406 = vector.broadcast %shift_right_arithmetic3A_2405 : i32 to vector<16xi32>
    %shift_right_arithmetic3A_2407 = arith.shrsi %add3A_2387, %shift_right_arithmetic3A_2406 : vector<16xi32>
    %and3A_2408 = arith.constant 3 : i32
    %and3A_2409 = vector.broadcast %and3A_2408 : i32 to vector<16xi32>
    %and3A_2410 = arith.andi %shift_right_arithmetic3A_2407, %and3A_2409 : vector<16xi32>
    %mul3A_2411 = arith.constant 8 : i32
    %mul3A_2412 = vector.broadcast %mul3A_2411 : i32 to vector<16xi32>
    %mul3A_2413 = arith.muli %and3A_2410, %mul3A_2412 : vector<16xi32>
    %add3A_2414 = arith.addi %add3A_2404, %mul3A_2413 : vector<16xi32>
    %and3A_2415 = arith.constant 1 : i32
    %and3A_2416 = vector.broadcast %and3A_2415 : i32 to vector<16xi32>
    %and3A_2417 = arith.andi %add3A_2387, %and3A_2416 : vector<16xi32>
    %mul3A_2418 = arith.constant 4 : i32
    %mul3A_2419 = vector.broadcast %mul3A_2418 : i32 to vector<16xi32>
    %mul3A_2420 = arith.muli %and3A_2417, %mul3A_2419 : vector<16xi32>
    %add3A_2421 = arith.addi %add3A_2414, %mul3A_2420 : vector<16xi32>
    %swap3A_2422 = arith.constant 192 : index
    %swap3A_2423 = tpu.vector_load %arg4[%swap3A_2422] {strides = array<i32>} : memref<384xi32, #tpu.memory_space<vmem>>, vector<16xi32>,
    tpu.vector_store %arg4[%swap3A_2422], %add3A_2421 {strides = array<i32>} : memref<384xi32, #tpu.memory_space<vmem>>, vector<16xi32>,
    %add3A_2424 = arith.constant 80 : i32
    %add3A_2425 = vector.broadcast %add3A_2424 : i32 to vector<16xi32>
    %add3A_2426 = arith.addi %add3A_2425, %iota3A : vector<16xi32>
    %mul3A_2427 = arith.constant 3 : i32
    %mul3A_2428 = arith.muli %add3A, %mul3A_2427 : i32
    %add3A_2429 = arith.constant 1 : i32
    %add3A_2430 = arith.addi %mul3A_2428, %add3A_2429 : i32
    %mul3A_2431 = arith.constant 2048 : i32
    %mul3A_2432 = arith.muli %add3A_2430, %mul3A_2431 : i32
    %shift_right_arithmetic3A_2433 = arith.constant 3 : i32
    %shift_right_arithmetic3A_2434 = vector.broadcast %shift_right_arithmetic3A_2433 : i32 to vector<16xi32>
    %shift_right_arithmetic3A_2435 = arith.shrsi %add3A_2426, %shift_right_arithmetic3A_2434 : vector<16xi32>
    %add3A_2436 = arith.constant 32 : i32
    %add3A_2437 = vector.broadcast %add3A_2436 : i32 to vector<16xi32>
    %add3A_2438 = arith.addi %add3A_2437, %shift_right_arithmetic3A_2435 : vector<16xi32>
    %mul3A_2439 = arith.constant 32 : i32
    %mul3A_2440 = vector.broadcast %mul3A_2439 : i32 to vector<16xi32>
    %mul3A_2441 = arith.muli %add3A_2438, %mul3A_2440 : vector<16xi32>
    %add3A_2442 = vector.broadcast %mul3A_2432 : i32 to vector<16xi32>
    %add3A_2443 = arith.addi %add3A_2442, %mul3A_2441 : vector<16xi32>
    %shift_right_arithmetic3A_2444 = arith.constant 1 : i32
    %shift_right_arithmetic3A_2445 = vector.broadcast %shift_right_arithmetic3A_2444 : i32 to vector<16xi32>
    %shift_right_arithmetic3A_2446 = arith.shrsi %add3A_2426, %shift_right_arithmetic3A_2445 : vector<16xi32>
    %and3A_2447 = arith.constant 3 : i32
    %and3A_2448 = vector.broadcast %and3A_2447 : i32 to vector<16xi32>
    %and3A_2449 = arith.andi %shift_right_arithmetic3A_2446, %and3A_2448 : vector<16xi32>
    %mul3A_2450 = arith.constant 8 : i32
    %mul3A_2451 = vector.broadcast %mul3A_2450 : i32 to vector<16xi32>
    %mul3A_2452 = arith.muli %and3A_2449, %mul3A_2451 : vector<16xi32>
    %add3A_2453 = arith.addi %add3A_2443, %mul3A_2452 : vector<16xi32>
    %and3A_2454 = arith.constant 1 : i32
    %and3A_2455 = vector.broadcast %and3A_2454 : i32 to vector<16xi32>
    %and3A_2456 = arith.andi %add3A_2426, %and3A_2455 : vector<16xi32>
    %mul3A_2457 = arith.constant 4 : i32
    %mul3A_2458 = vector.broadcast %mul3A_2457 : i32 to vector<16xi32>
    %mul3A_2459 = arith.muli %and3A_2456, %mul3A_2458 : vector<16xi32>
    %add3A_2460 = arith.addi %add3A_2453, %mul3A_2459 : vector<16xi32>
    %swap3A_2461 = arith.constant 208 : index
    %swap3A_2462 = tpu.vector_load %arg4[%swap3A_2461] {strides = array<i32>} : memref<384xi32, #tpu.memory_space<vmem>>, vector<16xi32>,
    tpu.vector_store %arg4[%swap3A_2461], %add3A_2460 {strides = array<i32>} : memref<384xi32, #tpu.memory_space<vmem>>, vector<16xi32>,
    %add3A_2463 = arith.constant 96 : i32
    %add3A_2464 = vector.broadcast %add3A_2463 : i32 to vector<16xi32>
    %add3A_2465 = arith.addi %add3A_2464, %iota3A : vector<16xi32>
    %mul3A_2466 = arith.constant 3 : i32
    %mul3A_2467 = arith.muli %add3A, %mul3A_2466 : i32
    %add3A_2468 = arith.constant 1 : i32
    %add3A_2469 = arith.addi %mul3A_2467, %add3A_2468 : i32
    %mul3A_2470 = arith.constant 2048 : i32
    %mul3A_2471 = arith.muli %add3A_2469, %mul3A_2470 : i32
    %shift_right_arithmetic3A_2472 = arith.constant 3 : i32
    %shift_right_arithmetic3A_2473 = vector.broadcast %shift_right_arithmetic3A_2472 : i32 to vector<16xi32>
    %shift_right_arithmetic3A_2474 = arith.shrsi %add3A_2465, %shift_right_arithmetic3A_2473 : vector<16xi32>
    %add3A_2475 = arith.constant 32 : i32
    %add3A_2476 = vector.broadcast %add3A_2475 : i32 to vector<16xi32>
    %add3A_2477 = arith.addi %add3A_2476, %shift_right_arithmetic3A_2474 : vector<16xi32>
    %mul3A_2478 = arith.constant 32 : i32
    %mul3A_2479 = vector.broadcast %mul3A_2478 : i32 to vector<16xi32>
    %mul3A_2480 = arith.muli %add3A_2477, %mul3A_2479 : vector<16xi32>
    %add3A_2481 = vector.broadcast %mul3A_2471 : i32 to vector<16xi32>
    %add3A_2482 = arith.addi %add3A_2481, %mul3A_2480 : vector<16xi32>
    %shift_right_arithmetic3A_2483 = arith.constant 1 : i32
    %shift_right_arithmetic3A_2484 = vector.broadcast %shift_right_arithmetic3A_2483 : i32 to vector<16xi32>
    %shift_right_arithmetic3A_2485 = arith.shrsi %add3A_2465, %shift_right_arithmetic3A_2484 : vector<16xi32>
    %and3A_2486 = arith.constant 3 : i32
    %and3A_2487 = vector.broadcast %and3A_2486 : i32 to vector<16xi32>
    %and3A_2488 = arith.andi %shift_right_arithmetic3A_2485, %and3A_2487 : vector<16xi32>
    %mul3A_2489 = arith.constant 8 : i32
    %mul3A_2490 = vector.broadcast %mul3A_2489 : i32 to vector<16xi32>
    %mul3A_2491 = arith.muli %and3A_2488, %mul3A_2490 : vector<16xi32>
    %add3A_2492 = arith.addi %add3A_2482, %mul3A_2491 : vector<16xi32>
    %and3A_2493 = arith.constant 1 : i32
    %and3A_2494 = vector.broadcast %and3A_2493 : i32 to vector<16xi32>
    %and3A_2495 = arith.andi %add3A_2465, %and3A_2494 : vector<16xi32>
    %mul3A_2496 = arith.constant 4 : i32
    %mul3A_2497 = vector.broadcast %mul3A_2496 : i32 to vector<16xi32>
    %mul3A_2498 = arith.muli %and3A_2495, %mul3A_2497 : vector<16xi32>
    %add3A_2499 = arith.addi %add3A_2492, %mul3A_2498 : vector<16xi32>
    %swap3A_2500 = arith.constant 224 : index
    %swap3A_2501 = tpu.vector_load %arg4[%swap3A_2500] {strides = array<i32>} : memref<384xi32, #tpu.memory_space<vmem>>, vector<16xi32>,
    tpu.vector_store %arg4[%swap3A_2500], %add3A_2499 {strides = array<i32>} : memref<384xi32, #tpu.memory_space<vmem>>, vector<16xi32>,
    %add3A_2502 = arith.constant 112 : i32
    %add3A_2503 = vector.broadcast %add3A_2502 : i32 to vector<16xi32>
    %add3A_2504 = arith.addi %add3A_2503, %iota3A : vector<16xi32>
    %mul3A_2505 = arith.constant 3 : i32
    %mul3A_2506 = arith.muli %add3A, %mul3A_2505 : i32
    %add3A_2507 = arith.constant 1 : i32
    %add3A_2508 = arith.addi %mul3A_2506, %add3A_2507 : i32
    %mul3A_2509 = arith.constant 2048 : i32
    %mul3A_2510 = arith.muli %add3A_2508, %mul3A_2509 : i32
    %shift_right_arithmetic3A_2511 = arith.constant 3 : i32
    %shift_right_arithmetic3A_2512 = vector.broadcast %shift_right_arithmetic3A_2511 : i32 to vector<16xi32>
    %shift_right_arithmetic3A_2513 = arith.shrsi %add3A_2504, %shift_right_arithmetic3A_2512 : vector<16xi32>
    %add3A_2514 = arith.constant 32 : i32
    %add3A_2515 = vector.broadcast %add3A_2514 : i32 to vector<16xi32>
    %add3A_2516 = arith.addi %add3A_2515, %shift_right_arithmetic3A_2513 : vector<16xi32>
    %mul3A_2517 = arith.constant 32 : i32
    %mul3A_2518 = vector.broadcast %mul3A_2517 : i32 to vector<16xi32>
    %mul3A_2519 = arith.muli %add3A_2516, %mul3A_2518 : vector<16xi32>
    %add3A_2520 = vector.broadcast %mul3A_2510 : i32 to vector<16xi32>
    %add3A_2521 = arith.addi %add3A_2520, %mul3A_2519 : vector<16xi32>
    %shift_right_arithmetic3A_2522 = arith.constant 1 : i32
    %shift_right_arithmetic3A_2523 = vector.broadcast %shift_right_arithmetic3A_2522 : i32 to vector<16xi32>
    %shift_right_arithmetic3A_2524 = arith.shrsi %add3A_2504, %shift_right_arithmetic3A_2523 : vector<16xi32>
    %and3A_2525 = arith.constant 3 : i32
    %and3A_2526 = vector.broadcast %and3A_2525 : i32 to vector<16xi32>
    %and3A_2527 = arith.andi %shift_right_arithmetic3A_2524, %and3A_2526 : vector<16xi32>
    %mul3A_2528 = arith.constant 8 : i32
    %mul3A_2529 = vector.broadcast %mul3A_2528 : i32 to vector<16xi32>
    %mul3A_2530 = arith.muli %and3A_2527, %mul3A_2529 : vector<16xi32>
    %add3A_2531 = arith.addi %add3A_2521, %mul3A_2530 : vector<16xi32>
    %and3A_2532 = arith.constant 1 : i32
    %and3A_2533 = vector.broadcast %and3A_2532 : i32 to vector<16xi32>
    %and3A_2534 = arith.andi %add3A_2504, %and3A_2533 : vector<16xi32>
    %mul3A_2535 = arith.constant 4 : i32
    %mul3A_2536 = vector.broadcast %mul3A_2535 : i32 to vector<16xi32>
    %mul3A_2537 = arith.muli %and3A_2534, %mul3A_2536 : vector<16xi32>
    %add3A_2538 = arith.addi %add3A_2531, %mul3A_2537 : vector<16xi32>
    %swap3A_2539 = arith.constant 240 : index
    %swap3A_2540 = tpu.vector_load %arg4[%swap3A_2539] {strides = array<i32>} : memref<384xi32, #tpu.memory_space<vmem>>, vector<16xi32>,
    tpu.vector_store %arg4[%swap3A_2539], %add3A_2538 {strides = array<i32>} : memref<384xi32, #tpu.memory_space<vmem>>, vector<16xi32>,
    %add3A_2541 = arith.constant 0 : i32
    %add3A_2542 = vector.broadcast %add3A_2541 : i32 to vector<16xi32>
    %add3A_2543 = arith.addi %add3A_2542, %iota3A : vector<16xi32>
    %mul3A_2544 = arith.constant 3 : i32
    %mul3A_2545 = arith.muli %add3A, %mul3A_2544 : i32
    %add3A_2546 = arith.constant 2 : i32
    %add3A_2547 = arith.addi %mul3A_2545, %add3A_2546 : i32
    %mul3A_2548 = arith.constant 2048 : i32
    %mul3A_2549 = arith.muli %add3A_2547, %mul3A_2548 : i32
    %shift_right_arithmetic3A_2550 = arith.constant 3 : i32
    %shift_right_arithmetic3A_2551 = vector.broadcast %shift_right_arithmetic3A_2550 : i32 to vector<16xi32>
    %shift_right_arithmetic3A_2552 = arith.shrsi %add3A_2543, %shift_right_arithmetic3A_2551 : vector<16xi32>
    %add3A_2553 = arith.constant 32 : i32
    %add3A_2554 = vector.broadcast %add3A_2553 : i32 to vector<16xi32>
    %add3A_2555 = arith.addi %add3A_2554, %shift_right_arithmetic3A_2552 : vector<16xi32>
    %mul3A_2556 = arith.constant 32 : i32
    %mul3A_2557 = vector.broadcast %mul3A_2556 : i32 to vector<16xi32>
    %mul3A_2558 = arith.muli %add3A_2555, %mul3A_2557 : vector<16xi32>
    %add3A_2559 = vector.broadcast %mul3A_2549 : i32 to vector<16xi32>
    %add3A_2560 = arith.addi %add3A_2559, %mul3A_2558 : vector<16xi32>
    %shift_right_arithmetic3A_2561 = arith.constant 1 : i32
    %shift_right_arithmetic3A_2562 = vector.broadcast %shift_right_arithmetic3A_2561 : i32 to vector<16xi32>
    %shift_right_arithmetic3A_2563 = arith.shrsi %add3A_2543, %shift_right_arithmetic3A_2562 : vector<16xi32>
    %and3A_2564 = arith.constant 3 : i32
    %and3A_2565 = vector.broadcast %and3A_2564 : i32 to vector<16xi32>
    %and3A_2566 = arith.andi %shift_right_arithmetic3A_2563, %and3A_2565 : vector<16xi32>
    %mul3A_2567 = arith.constant 8 : i32
    %mul3A_2568 = vector.broadcast %mul3A_2567 : i32 to vector<16xi32>
    %mul3A_2569 = arith.muli %and3A_2566, %mul3A_2568 : vector<16xi32>
    %add3A_2570 = arith.addi %add3A_2560, %mul3A_2569 : vector<16xi32>
    %and3A_2571 = arith.constant 1 : i32
    %and3A_2572 = vector.broadcast %and3A_2571 : i32 to vector<16xi32>
    %and3A_2573 = arith.andi %add3A_2543, %and3A_2572 : vector<16xi32>
    %mul3A_2574 = arith.constant 4 : i32
    %mul3A_2575 = vector.broadcast %mul3A_2574 : i32 to vector<16xi32>
    %mul3A_2576 = arith.muli %and3A_2573, %mul3A_2575 : vector<16xi32>
    %add3A_2577 = arith.addi %add3A_2570, %mul3A_2576 : vector<16xi32>
    %swap3A_2578 = arith.constant 256 : index
    %swap3A_2579 = tpu.vector_load %arg4[%swap3A_2578] {strides = array<i32>} : memref<384xi32, #tpu.memory_space<vmem>>, vector<16xi32>,
    tpu.vector_store %arg4[%swap3A_2578], %add3A_2577 {strides = array<i32>} : memref<384xi32, #tpu.memory_space<vmem>>, vector<16xi32>,
    %add3A_2580 = arith.constant 16 : i32
    %add3A_2581 = vector.broadcast %add3A_2580 : i32 to vector<16xi32>
    %add3A_2582 = arith.addi %add3A_2581, %iota3A : vector<16xi32>
    %mul3A_2583 = arith.constant 3 : i32
    %mul3A_2584 = arith.muli %add3A, %mul3A_2583 : i32
    %add3A_2585 = arith.constant 2 : i32
    %add3A_2586 = arith.addi %mul3A_2584, %add3A_2585 : i32
    %mul3A_2587 = arith.constant 2048 : i32
    %mul3A_2588 = arith.muli %add3A_2586, %mul3A_2587 : i32
    %shift_right_arithmetic3A_2589 = arith.constant 3 : i32
    %shift_right_arithmetic3A_2590 = vector.broadcast %shift_right_arithmetic3A_2589 : i32 to vector<16xi32>
    %shift_right_arithmetic3A_2591 = arith.shrsi %add3A_2582, %shift_right_arithmetic3A_2590 : vector<16xi32>
    %add3A_2592 = arith.constant 32 : i32
    %add3A_2593 = vector.broadcast %add3A_2592 : i32 to vector<16xi32>
    %add3A_2594 = arith.addi %add3A_2593, %shift_right_arithmetic3A_2591 : vector<16xi32>
    %mul3A_2595 = arith.constant 32 : i32
    %mul3A_2596 = vector.broadcast %mul3A_2595 : i32 to vector<16xi32>
    %mul3A_2597 = arith.muli %add3A_2594, %mul3A_2596 : vector<16xi32>
    %add3A_2598 = vector.broadcast %mul3A_2588 : i32 to vector<16xi32>
    %add3A_2599 = arith.addi %add3A_2598, %mul3A_2597 : vector<16xi32>
    %shift_right_arithmetic3A_2600 = arith.constant 1 : i32
    %shift_right_arithmetic3A_2601 = vector.broadcast %shift_right_arithmetic3A_2600 : i32 to vector<16xi32>
    %shift_right_arithmetic3A_2602 = arith.shrsi %add3A_2582, %shift_right_arithmetic3A_2601 : vector<16xi32>
    %and3A_2603 = arith.constant 3 : i32
    %and3A_2604 = vector.broadcast %and3A_2603 : i32 to vector<16xi32>
    %and3A_2605 = arith.andi %shift_right_arithmetic3A_2602, %and3A_2604 : vector<16xi32>
    %mul3A_2606 = arith.constant 8 : i32
    %mul3A_2607 = vector.broadcast %mul3A_2606 : i32 to vector<16xi32>
    %mul3A_2608 = arith.muli %and3A_2605, %mul3A_2607 : vector<16xi32>
    %add3A_2609 = arith.addi %add3A_2599, %mul3A_2608 : vector<16xi32>
    %and3A_2610 = arith.constant 1 : i32
    %and3A_2611 = vector.broadcast %and3A_2610 : i32 to vector<16xi32>
    %and3A_2612 = arith.andi %add3A_2582, %and3A_2611 : vector<16xi32>
    %mul3A_2613 = arith.constant 4 : i32
    %mul3A_2614 = vector.broadcast %mul3A_2613 : i32 to vector<16xi32>
    %mul3A_2615 = arith.muli %and3A_2612, %mul3A_2614 : vector<16xi32>
    %add3A_2616 = arith.addi %add3A_2609, %mul3A_2615 : vector<16xi32>
    %swap3A_2617 = arith.constant 272 : index
    %swap3A_2618 = tpu.vector_load %arg4[%swap3A_2617] {strides = array<i32>} : memref<384xi32, #tpu.memory_space<vmem>>, vector<16xi32>,
    tpu.vector_store %arg4[%swap3A_2617], %add3A_2616 {strides = array<i32>} : memref<384xi32, #tpu.memory_space<vmem>>, vector<16xi32>,
    %add3A_2619 = arith.constant 32 : i32
    %add3A_2620 = vector.broadcast %add3A_2619 : i32 to vector<16xi32>
    %add3A_2621 = arith.addi %add3A_2620, %iota3A : vector<16xi32>
    %mul3A_2622 = arith.constant 3 : i32
    %mul3A_2623 = arith.muli %add3A, %mul3A_2622 : i32
    %add3A_2624 = arith.constant 2 : i32
    %add3A_2625 = arith.addi %mul3A_2623, %add3A_2624 : i32
    %mul3A_2626 = arith.constant 2048 : i32
    %mul3A_2627 = arith.muli %add3A_2625, %mul3A_2626 : i32
    %shift_right_arithmetic3A_2628 = arith.constant 3 : i32
    %shift_right_arithmetic3A_2629 = vector.broadcast %shift_right_arithmetic3A_2628 : i32 to vector<16xi32>
    %shift_right_arithmetic3A_2630 = arith.shrsi %add3A_2621, %shift_right_arithmetic3A_2629 : vector<16xi32>
    %add3A_2631 = arith.constant 32 : i32
    %add3A_2632 = vector.broadcast %add3A_2631 : i32 to vector<16xi32>
    %add3A_2633 = arith.addi %add3A_2632, %shift_right_arithmetic3A_2630 : vector<16xi32>
    %mul3A_2634 = arith.constant 32 : i32
    %mul3A_2635 = vector.broadcast %mul3A_2634 : i32 to vector<16xi32>
    %mul3A_2636 = arith.muli %add3A_2633, %mul3A_2635 : vector<16xi32>
    %add3A_2637 = vector.broadcast %mul3A_2627 : i32 to vector<16xi32>
    %add3A_2638 = arith.addi %add3A_2637, %mul3A_2636 : vector<16xi32>
    %shift_right_arithmetic3A_2639 = arith.constant 1 : i32
    %shift_right_arithmetic3A_2640 = vector.broadcast %shift_right_arithmetic3A_2639 : i32 to vector<16xi32>
    %shift_right_arithmetic3A_2641 = arith.shrsi %add3A_2621, %shift_right_arithmetic3A_2640 : vector<16xi32>
    %and3A_2642 = arith.constant 3 : i32
    %and3A_2643 = vector.broadcast %and3A_2642 : i32 to vector<16xi32>
    %and3A_2644 = arith.andi %shift_right_arithmetic3A_2641, %and3A_2643 : vector<16xi32>
    %mul3A_2645 = arith.constant 8 : i32
    %mul3A_2646 = vector.broadcast %mul3A_2645 : i32 to vector<16xi32>
    %mul3A_2647 = arith.muli %and3A_2644, %mul3A_2646 : vector<16xi32>
    %add3A_2648 = arith.addi %add3A_2638, %mul3A_2647 : vector<16xi32>
    %and3A_2649 = arith.constant 1 : i32
    %and3A_2650 = vector.broadcast %and3A_2649 : i32 to vector<16xi32>
    %and3A_2651 = arith.andi %add3A_2621, %and3A_2650 : vector<16xi32>
    %mul3A_2652 = arith.constant 4 : i32
    %mul3A_2653 = vector.broadcast %mul3A_2652 : i32 to vector<16xi32>
    %mul3A_2654 = arith.muli %and3A_2651, %mul3A_2653 : vector<16xi32>
    %add3A_2655 = arith.addi %add3A_2648, %mul3A_2654 : vector<16xi32>
    %swap3A_2656 = arith.constant 288 : index
    %swap3A_2657 = tpu.vector_load %arg4[%swap3A_2656] {strides = array<i32>} : memref<384xi32, #tpu.memory_space<vmem>>, vector<16xi32>,
    tpu.vector_store %arg4[%swap3A_2656], %add3A_2655 {strides = array<i32>} : memref<384xi32, #tpu.memory_space<vmem>>, vector<16xi32>,
    %add3A_2658 = arith.constant 48 : i32
    %add3A_2659 = vector.broadcast %add3A_2658 : i32 to vector<16xi32>
    %add3A_2660 = arith.addi %add3A_2659, %iota3A : vector<16xi32>
    %mul3A_2661 = arith.constant 3 : i32
    %mul3A_2662 = arith.muli %add3A, %mul3A_2661 : i32
    %add3A_2663 = arith.constant 2 : i32
    %add3A_2664 = arith.addi %mul3A_2662, %add3A_2663 : i32
    %mul3A_2665 = arith.constant 2048 : i32
    %mul3A_2666 = arith.muli %add3A_2664, %mul3A_2665 : i32
    %shift_right_arithmetic3A_2667 = arith.constant 3 : i32
    %shift_right_arithmetic3A_2668 = vector.broadcast %shift_right_arithmetic3A_2667 : i32 to vector<16xi32>
    %shift_right_arithmetic3A_2669 = arith.shrsi %add3A_2660, %shift_right_arithmetic3A_2668 : vector<16xi32>
    %add3A_2670 = arith.constant 32 : i32
    %add3A_2671 = vector.broadcast %add3A_2670 : i32 to vector<16xi32>
    %add3A_2672 = arith.addi %add3A_2671, %shift_right_arithmetic3A_2669 : vector<16xi32>
    %mul3A_2673 = arith.constant 32 : i32
    %mul3A_2674 = vector.broadcast %mul3A_2673 : i32 to vector<16xi32>
    %mul3A_2675 = arith.muli %add3A_2672, %mul3A_2674 : vector<16xi32>
    %add3A_2676 = vector.broadcast %mul3A_2666 : i32 to vector<16xi32>
    %add3A_2677 = arith.addi %add3A_2676, %mul3A_2675 : vector<16xi32>
    %shift_right_arithmetic3A_2678 = arith.constant 1 : i32
    %shift_right_arithmetic3A_2679 = vector.broadcast %shift_right_arithmetic3A_2678 : i32 to vector<16xi32>
    %shift_right_arithmetic3A_2680 = arith.shrsi %add3A_2660, %shift_right_arithmetic3A_2679 : vector<16xi32>
    %and3A_2681 = arith.constant 3 : i32
    %and3A_2682 = vector.broadcast %and3A_2681 : i32 to vector<16xi32>
    %and3A_2683 = arith.andi %shift_right_arithmetic3A_2680, %and3A_2682 : vector<16xi32>
    %mul3A_2684 = arith.constant 8 : i32
    %mul3A_2685 = vector.broadcast %mul3A_2684 : i32 to vector<16xi32>
    %mul3A_2686 = arith.muli %and3A_2683, %mul3A_2685 : vector<16xi32>
    %add3A_2687 = arith.addi %add3A_2677, %mul3A_2686 : vector<16xi32>
    %and3A_2688 = arith.constant 1 : i32
    %and3A_2689 = vector.broadcast %and3A_2688 : i32 to vector<16xi32>
    %and3A_2690 = arith.andi %add3A_2660, %and3A_2689 : vector<16xi32>
    %mul3A_2691 = arith.constant 4 : i32
    %mul3A_2692 = vector.broadcast %mul3A_2691 : i32 to vector<16xi32>
    %mul3A_2693 = arith.muli %and3A_2690, %mul3A_2692 : vector<16xi32>
    %add3A_2694 = arith.addi %add3A_2687, %mul3A_2693 : vector<16xi32>
    %swap3A_2695 = arith.constant 304 : index
    %swap3A_2696 = tpu.vector_load %arg4[%swap3A_2695] {strides = array<i32>} : memref<384xi32, #tpu.memory_space<vmem>>, vector<16xi32>,
    tpu.vector_store %arg4[%swap3A_2695], %add3A_2694 {strides = array<i32>} : memref<384xi32, #tpu.memory_space<vmem>>, vector<16xi32>,
    %add3A_2697 = arith.constant 64 : i32
    %add3A_2698 = vector.broadcast %add3A_2697 : i32 to vector<16xi32>
    %add3A_2699 = arith.addi %add3A_2698, %iota3A : vector<16xi32>
    %mul3A_2700 = arith.constant 3 : i32
    %mul3A_2701 = arith.muli %add3A, %mul3A_2700 : i32
    %add3A_2702 = arith.constant 2 : i32
    %add3A_2703 = arith.addi %mul3A_2701, %add3A_2702 : i32
    %mul3A_2704 = arith.constant 2048 : i32
    %mul3A_2705 = arith.muli %add3A_2703, %mul3A_2704 : i32
    %shift_right_arithmetic3A_2706 = arith.constant 3 : i32
    %shift_right_arithmetic3A_2707 = vector.broadcast %shift_right_arithmetic3A_2706 : i32 to vector<16xi32>
    %shift_right_arithmetic3A_2708 = arith.shrsi %add3A_2699, %shift_right_arithmetic3A_2707 : vector<16xi32>
    %add3A_2709 = arith.constant 32 : i32
    %add3A_2710 = vector.broadcast %add3A_2709 : i32 to vector<16xi32>
    %add3A_2711 = arith.addi %add3A_2710, %shift_right_arithmetic3A_2708 : vector<16xi32>
    %mul3A_2712 = arith.constant 32 : i32
    %mul3A_2713 = vector.broadcast %mul3A_2712 : i32 to vector<16xi32>
    %mul3A_2714 = arith.muli %add3A_2711, %mul3A_2713 : vector<16xi32>
    %add3A_2715 = vector.broadcast %mul3A_2705 : i32 to vector<16xi32>
    %add3A_2716 = arith.addi %add3A_2715, %mul3A_2714 : vector<16xi32>
    %shift_right_arithmetic3A_2717 = arith.constant 1 : i32
    %shift_right_arithmetic3A_2718 = vector.broadcast %shift_right_arithmetic3A_2717 : i32 to vector<16xi32>
    %shift_right_arithmetic3A_2719 = arith.shrsi %add3A_2699, %shift_right_arithmetic3A_2718 : vector<16xi32>
    %and3A_2720 = arith.constant 3 : i32
    %and3A_2721 = vector.broadcast %and3A_2720 : i32 to vector<16xi32>
    %and3A_2722 = arith.andi %shift_right_arithmetic3A_2719, %and3A_2721 : vector<16xi32>
    %mul3A_2723 = arith.constant 8 : i32
    %mul3A_2724 = vector.broadcast %mul3A_2723 : i32 to vector<16xi32>
    %mul3A_2725 = arith.muli %and3A_2722, %mul3A_2724 : vector<16xi32>
    %add3A_2726 = arith.addi %add3A_2716, %mul3A_2725 : vector<16xi32>
    %and3A_2727 = arith.constant 1 : i32
    %and3A_2728 = vector.broadcast %and3A_2727 : i32 to vector<16xi32>
    %and3A_2729 = arith.andi %add3A_2699, %and3A_2728 : vector<16xi32>
    %mul3A_2730 = arith.constant 4 : i32
    %mul3A_2731 = vector.broadcast %mul3A_2730 : i32 to vector<16xi32>
    %mul3A_2732 = arith.muli %and3A_2729, %mul3A_2731 : vector<16xi32>
    %add3A_2733 = arith.addi %add3A_2726, %mul3A_2732 : vector<16xi32>
    %swap3A_2734 = arith.constant 320 : index
    %swap3A_2735 = tpu.vector_load %arg4[%swap3A_2734] {strides = array<i32>} : memref<384xi32, #tpu.memory_space<vmem>>, vector<16xi32>,
    tpu.vector_store %arg4[%swap3A_2734], %add3A_2733 {strides = array<i32>} : memref<384xi32, #tpu.memory_space<vmem>>, vector<16xi32>,
    %add3A_2736 = arith.constant 80 : i32
    %add3A_2737 = vector.broadcast %add3A_2736 : i32 to vector<16xi32>
    %add3A_2738 = arith.addi %add3A_2737, %iota3A : vector<16xi32>
    %mul3A_2739 = arith.constant 3 : i32
    %mul3A_2740 = arith.muli %add3A, %mul3A_2739 : i32
    %add3A_2741 = arith.constant 2 : i32
    %add3A_2742 = arith.addi %mul3A_2740, %add3A_2741 : i32
    %mul3A_2743 = arith.constant 2048 : i32
    %mul3A_2744 = arith.muli %add3A_2742, %mul3A_2743 : i32
    %shift_right_arithmetic3A_2745 = arith.constant 3 : i32
    %shift_right_arithmetic3A_2746 = vector.broadcast %shift_right_arithmetic3A_2745 : i32 to vector<16xi32>
    %shift_right_arithmetic3A_2747 = arith.shrsi %add3A_2738, %shift_right_arithmetic3A_2746 : vector<16xi32>
    %add3A_2748 = arith.constant 32 : i32
    %add3A_2749 = vector.broadcast %add3A_2748 : i32 to vector<16xi32>
    %add3A_2750 = arith.addi %add3A_2749, %shift_right_arithmetic3A_2747 : vector<16xi32>
    %mul3A_2751 = arith.constant 32 : i32
    %mul3A_2752 = vector.broadcast %mul3A_2751 : i32 to vector<16xi32>
    %mul3A_2753 = arith.muli %add3A_2750, %mul3A_2752 : vector<16xi32>
    %add3A_2754 = vector.broadcast %mul3A_2744 : i32 to vector<16xi32>
    %add3A_2755 = arith.addi %add3A_2754, %mul3A_2753 : vector<16xi32>
    %shift_right_arithmetic3A_2756 = arith.constant 1 : i32
    %shift_right_arithmetic3A_2757 = vector.broadcast %shift_right_arithmetic3A_2756 : i32 to vector<16xi32>
    %shift_right_arithmetic3A_2758 = arith.shrsi %add3A_2738, %shift_right_arithmetic3A_2757 : vector<16xi32>
    %and3A_2759 = arith.constant 3 : i32
    %and3A_2760 = vector.broadcast %and3A_2759 : i32 to vector<16xi32>
    %and3A_2761 = arith.andi %shift_right_arithmetic3A_2758, %and3A_2760 : vector<16xi32>
    %mul3A_2762 = arith.constant 8 : i32
    %mul3A_2763 = vector.broadcast %mul3A_2762 : i32 to vector<16xi32>
    %mul3A_2764 = arith.muli %and3A_2761, %mul3A_2763 : vector<16xi32>
    %add3A_2765 = arith.addi %add3A_2755, %mul3A_2764 : vector<16xi32>
    %and3A_2766 = arith.constant 1 : i32
    %and3A_2767 = vector.broadcast %and3A_2766 : i32 to vector<16xi32>
    %and3A_2768 = arith.andi %add3A_2738, %and3A_2767 : vector<16xi32>
    %mul3A_2769 = arith.constant 4 : i32
    %mul3A_2770 = vector.broadcast %mul3A_2769 : i32 to vector<16xi32>
    %mul3A_2771 = arith.muli %and3A_2768, %mul3A_2770 : vector<16xi32>
    %add3A_2772 = arith.addi %add3A_2765, %mul3A_2771 : vector<16xi32>
    %swap3A_2773 = arith.constant 336 : index
    %swap3A_2774 = tpu.vector_load %arg4[%swap3A_2773] {strides = array<i32>} : memref<384xi32, #tpu.memory_space<vmem>>, vector<16xi32>,
    tpu.vector_store %arg4[%swap3A_2773], %add3A_2772 {strides = array<i32>} : memref<384xi32, #tpu.memory_space<vmem>>, vector<16xi32>,
    %add3A_2775 = arith.constant 96 : i32
    %add3A_2776 = vector.broadcast %add3A_2775 : i32 to vector<16xi32>
    %add3A_2777 = arith.addi %add3A_2776, %iota3A : vector<16xi32>
    %mul3A_2778 = arith.constant 3 : i32
    %mul3A_2779 = arith.muli %add3A, %mul3A_2778 : i32
    %add3A_2780 = arith.constant 2 : i32
    %add3A_2781 = arith.addi %mul3A_2779, %add3A_2780 : i32
    %mul3A_2782 = arith.constant 2048 : i32
    %mul3A_2783 = arith.muli %add3A_2781, %mul3A_2782 : i32
    %shift_right_arithmetic3A_2784 = arith.constant 3 : i32
    %shift_right_arithmetic3A_2785 = vector.broadcast %shift_right_arithmetic3A_2784 : i32 to vector<16xi32>
    %shift_right_arithmetic3A_2786 = arith.shrsi %add3A_2777, %shift_right_arithmetic3A_2785 : vector<16xi32>
    %add3A_2787 = arith.constant 32 : i32
    %add3A_2788 = vector.broadcast %add3A_2787 : i32 to vector<16xi32>
    %add3A_2789 = arith.addi %add3A_2788, %shift_right_arithmetic3A_2786 : vector<16xi32>
    %mul3A_2790 = arith.constant 32 : i32
    %mul3A_2791 = vector.broadcast %mul3A_2790 : i32 to vector<16xi32>
    %mul3A_2792 = arith.muli %add3A_2789, %mul3A_2791 : vector<16xi32>
    %add3A_2793 = vector.broadcast %mul3A_2783 : i32 to vector<16xi32>
    %add3A_2794 = arith.addi %add3A_2793, %mul3A_2792 : vector<16xi32>
    %shift_right_arithmetic3A_2795 = arith.constant 1 : i32
    %shift_right_arithmetic3A_2796 = vector.broadcast %shift_right_arithmetic3A_2795 : i32 to vector<16xi32>
    %shift_right_arithmetic3A_2797 = arith.shrsi %add3A_2777, %shift_right_arithmetic3A_2796 : vector<16xi32>
    %and3A_2798 = arith.constant 3 : i32
    %and3A_2799 = vector.broadcast %and3A_2798 : i32 to vector<16xi32>
    %and3A_2800 = arith.andi %shift_right_arithmetic3A_2797, %and3A_2799 : vector<16xi32>
    %mul3A_2801 = arith.constant 8 : i32
    %mul3A_2802 = vector.broadcast %mul3A_2801 : i32 to vector<16xi32>
    %mul3A_2803 = arith.muli %and3A_2800, %mul3A_2802 : vector<16xi32>
    %add3A_2804 = arith.addi %add3A_2794, %mul3A_2803 : vector<16xi32>
    %and3A_2805 = arith.constant 1 : i32
    %and3A_2806 = vector.broadcast %and3A_2805 : i32 to vector<16xi32>
    %and3A_2807 = arith.andi %add3A_2777, %and3A_2806 : vector<16xi32>
    %mul3A_2808 = arith.constant 4 : i32
    %mul3A_2809 = vector.broadcast %mul3A_2808 : i32 to vector<16xi32>
    %mul3A_2810 = arith.muli %and3A_2807, %mul3A_2809 : vector<16xi32>
    %add3A_2811 = arith.addi %add3A_2804, %mul3A_2810 : vector<16xi32>
    %swap3A_2812 = arith.constant 352 : index
    %swap3A_2813 = tpu.vector_load %arg4[%swap3A_2812] {strides = array<i32>} : memref<384xi32, #tpu.memory_space<vmem>>, vector<16xi32>,
    tpu.vector_store %arg4[%swap3A_2812], %add3A_2811 {strides = array<i32>} : memref<384xi32, #tpu.memory_space<vmem>>, vector<16xi32>,
    %add3A_2814 = arith.constant 112 : i32
    %add3A_2815 = vector.broadcast %add3A_2814 : i32 to vector<16xi32>
    %add3A_2816 = arith.addi %add3A_2815, %iota3A : vector<16xi32>
    %mul3A_2817 = arith.constant 3 : i32
    %mul3A_2818 = arith.muli %add3A, %mul3A_2817 : i32
    %add3A_2819 = arith.constant 2 : i32
    %add3A_2820 = arith.addi %mul3A_2818, %add3A_2819 : i32
    %mul3A_2821 = arith.constant 2048 : i32
    %mul3A_2822 = arith.muli %add3A_2820, %mul3A_2821 : i32
    %shift_right_arithmetic3A_2823 = arith.constant 3 : i32
    %shift_right_arithmetic3A_2824 = vector.broadcast %shift_right_arithmetic3A_2823 : i32 to vector<16xi32>
    %shift_right_arithmetic3A_2825 = arith.shrsi %add3A_2816, %shift_right_arithmetic3A_2824 : vector<16xi32>
    %add3A_2826 = arith.constant 32 : i32
    %add3A_2827 = vector.broadcast %add3A_2826 : i32 to vector<16xi32>
    %add3A_2828 = arith.addi %add3A_2827, %shift_right_arithmetic3A_2825 : vector<16xi32>
    %mul3A_2829 = arith.constant 32 : i32
    %mul3A_2830 = vector.broadcast %mul3A_2829 : i32 to vector<16xi32>
    %mul3A_2831 = arith.muli %add3A_2828, %mul3A_2830 : vector<16xi32>
    %add3A_2832 = vector.broadcast %mul3A_2822 : i32 to vector<16xi32>
    %add3A_2833 = arith.addi %add3A_2832, %mul3A_2831 : vector<16xi32>
    %shift_right_arithmetic3A_2834 = arith.constant 1 : i32
    %shift_right_arithmetic3A_2835 = vector.broadcast %shift_right_arithmetic3A_2834 : i32 to vector<16xi32>
    %shift_right_arithmetic3A_2836 = arith.shrsi %add3A_2816, %shift_right_arithmetic3A_2835 : vector<16xi32>
    %and3A_2837 = arith.constant 3 : i32
    %and3A_2838 = vector.broadcast %and3A_2837 : i32 to vector<16xi32>
    %and3A_2839 = arith.andi %shift_right_arithmetic3A_2836, %and3A_2838 : vector<16xi32>
    %mul3A_2840 = arith.constant 8 : i32
    %mul3A_2841 = vector.broadcast %mul3A_2840 : i32 to vector<16xi32>
    %mul3A_2842 = arith.muli %and3A_2839, %mul3A_2841 : vector<16xi32>
    %add3A_2843 = arith.addi %add3A_2833, %mul3A_2842 : vector<16xi32>
    %and3A_2844 = arith.constant 1 : i32
    %and3A_2845 = vector.broadcast %and3A_2844 : i32 to vector<16xi32>
    %and3A_2846 = arith.andi %add3A_2816, %and3A_2845 : vector<16xi32>
    %mul3A_2847 = arith.constant 4 : i32
    %mul3A_2848 = vector.broadcast %mul3A_2847 : i32 to vector<16xi32>
    %mul3A_2849 = arith.muli %and3A_2846, %mul3A_2848 : vector<16xi32>
    %add3A_2850 = arith.addi %add3A_2843, %mul3A_2849 : vector<16xi32>
    %swap3A_2851 = arith.constant 368 : index
    %swap3A_2852 = tpu.vector_load %arg4[%swap3A_2851] {strides = array<i32>} : memref<384xi32, #tpu.memory_space<vmem>>, vector<16xi32>,
    tpu.vector_store %arg4[%swap3A_2851], %add3A_2850 {strides = array<i32>} : memref<384xi32, #tpu.memory_space<vmem>>, vector<16xi32>,
    %dma_start3A_2853 = arith.constant 0 : i32
    %dma_start3A_2854 = arith.constant 0 : i32
    %dma_start3A_2855 = tpu.memref_slice %arg2[%dma_start3A_2853, %dma_start3A_2854] : memref<196608x128xf32, #tpu.memory_space<hbm>> -> memref<196608x128xf32, #tpu.memory_space<hbm>>
    tpu.enqueue_indirect_dma source(%dma_start3A_2855 : memref<196608x128xf32, #tpu.memory_space<hbm>>) target(%arg6 : memref<384x128xf32, #tpu.memory_space<vmem>>) offsets(%arg4 : memref<384xi32, #tpu.memory_space<vmem>>) semaphore(%arg9 : memref<!tpu.dma_semaphore, #tpu.memory_space<semaphore_mem>>)
    %dma_wait3A_2856 = arith.constant 0 : i32
    %dma_wait3A_2857 = arith.constant 0 : i32
    %dma_wait3A_2858 = tpu.memref_slice %arg2[%dma_wait3A_2856, %dma_wait3A_2857] : memref<196608x128xf32, #tpu.memory_space<hbm>> -> memref<196608x128xf32, #tpu.memory_space<hbm>>
    tpu.wait_indirect_dma semaphore(%arg10 : memref<!tpu.dma_semaphore, #tpu.memory_space<semaphore_mem>>) src(%dma_wait3A_2858 : memref<196608x128xf32, #tpu.memory_space<hbm>>) dst(%arg7 : memref<384x128xf32, #tpu.memory_space<vmem>>)
    %scan3A_2859 = arith.constant 0 : i32
    %scan3A_2860 = arith.constant 0 : i32
    %scan3A_2861 = arith.constant 64 : i32
    %scan3A_2862 = arith.addi %scan3A_2860, %scan3A_2861 : i32
    %scan3A_2863 = arith.constant 1 : i32
    scf.for %scan3A_3822 = %scan3A_2860 to %scan3A_2862 step %scan3A_2863  : i32 {
      %broadcast_in_dim3A_3823 = arith.constant 0 : i32
      %broadcast_in_dim3A_3824 = vector.broadcast %broadcast_in_dim3A_3823 : i32 to vector<16xi32>
      %mul3A_3825 = arith.constant 2 : i32
      %mul3A_3826 = arith.muli %scan3A_3822, %mul3A_3825 : i32
      %add3A_3827 = arith.constant 0 : i32
      %add3A_3828 = arith.addi %mul3A_3826, %add3A_3827 : i32
      %add3A_3829 = vector.broadcast %add3A_3828 : i32 to vector<16xi32>
      %add3A_3830 = arith.addi %broadcast_in_dim3A_3824, %add3A_3829 : vector<16xi32>
      %add3A_3831 = arith.constant 0 : i32
      %add3A_3832 = vector.broadcast %add3A_3831 : i32 to vector<16xi32>
      %add3A_3833 = arith.addi %add3A_3832, %iota3A : vector<16xi32>
      %mul3A_3834 = arith.constant 4 : i32
      %mul3A_3835 = vector.broadcast %mul3A_3834 : i32 to vector<16xi32>
      %mul3A_3836 = arith.muli %add3A_3833, %mul3A_3835 : vector<16xi32>
      %gather3A = tpu.vector_load_idx %arg7[%add3A_3830, %mul3A_3836] : memref<384x128xf32, #tpu.memory_space<vmem>>[vector<16xi32>, vector<16xi32>], vector<16xf32>,
      %add3A_3837 = arith.constant 128 : i32
      %add3A_3838 = vector.broadcast %add3A_3837 : i32 to vector<16xi32>
      %add3A_3839 = arith.addi %add3A_3830, %add3A_3838 : vector<16xi32>
      %gather3A_3840 = tpu.vector_load_idx %arg7[%add3A_3839, %mul3A_3836] : memref<384x128xf32, #tpu.memory_space<vmem>>[vector<16xi32>, vector<16xi32>], vector<16xf32>,
      %add3A_3841 = arith.addf %gather3A, %gather3A_3840 : vector<16xf32>
      %add3A_3842 = arith.constant 256 : i32
      %add3A_3843 = vector.broadcast %add3A_3842 : i32 to vector<16xi32>
      %add3A_3844 = arith.addi %add3A_3830, %add3A_3843 : vector<16xi32>
      %gather3A_3845 = tpu.vector_load_idx %arg7[%add3A_3844, %mul3A_3836] : memref<384x128xf32, #tpu.memory_space<vmem>>[vector<16xi32>, vector<16xi32>], vector<16xf32>,
      %add3A_3846 = arith.addf %add3A_3841, %gather3A_3845 : vector<16xf32>
      %mul3A_3847 = arith.constant 8.500000e+01 : f32
      %mul3A_3848 = vector.broadcast %mul3A_3847 : f32 to vector<16xf32>
      %mul3A_3849 = arith.mulf %add3A_3846, %mul3A_3848 : vector<16xf32>
      %convert_element_type3A = arith.fptosi %mul3A_3849 : vector<16xf32> to vector<16xi32>
      %max3A = arith.constant 0 : i32
      %max3A_3850 = vector.broadcast %max3A : i32 to vector<16xi32>
      %max3A_3851 = arith.maxsi %convert_element_type3A, %max3A_3850 : vector<16xi32>
      %min3A = arith.constant 254 : i32
      %min3A_3852 = vector.broadcast %min3A : i32 to vector<16xi32>
      %min3A_3853 = arith.minsi %max3A_3851, %min3A_3852 : vector<16xi32>
      tpu.vector_store_idx %arg8[%min3A_3853], %broadcast_in_dim3A_1 {add = true} : memref<256xf32, #tpu.memory_space<vmem>>[vector<16xi32>], vector<16xf32>,
      %add3A_3854 = arith.constant 16 : i32
      %add3A_3855 = vector.broadcast %add3A_3854 : i32 to vector<16xi32>
      %add3A_3856 = arith.addi %add3A_3855, %iota3A : vector<16xi32>
      %mul3A_3857 = arith.constant 4 : i32
      %mul3A_3858 = vector.broadcast %mul3A_3857 : i32 to vector<16xi32>
      %mul3A_3859 = arith.muli %add3A_3856, %mul3A_3858 : vector<16xi32>
      %gather3A_3860 = tpu.vector_load_idx %arg7[%add3A_3830, %mul3A_3859] : memref<384x128xf32, #tpu.memory_space<vmem>>[vector<16xi32>, vector<16xi32>], vector<16xf32>,
      %add3A_3861 = arith.constant 128 : i32
      %add3A_3862 = vector.broadcast %add3A_3861 : i32 to vector<16xi32>
      %add3A_3863 = arith.addi %add3A_3830, %add3A_3862 : vector<16xi32>
      %gather3A_3864 = tpu.vector_load_idx %arg7[%add3A_3863, %mul3A_3859] : memref<384x128xf32, #tpu.memory_space<vmem>>[vector<16xi32>, vector<16xi32>], vector<16xf32>,
      %add3A_3865 = arith.addf %gather3A_3860, %gather3A_3864 : vector<16xf32>
      %add3A_3866 = arith.constant 256 : i32
      %add3A_3867 = vector.broadcast %add3A_3866 : i32 to vector<16xi32>
      %add3A_3868 = arith.addi %add3A_3830, %add3A_3867 : vector<16xi32>
      %gather3A_3869 = tpu.vector_load_idx %arg7[%add3A_3868, %mul3A_3859] : memref<384x128xf32, #tpu.memory_space<vmem>>[vector<16xi32>, vector<16xi32>], vector<16xf32>,
      %add3A_3870 = arith.addf %add3A_3865, %gather3A_3869 : vector<16xf32>
      %mul3A_3871 = arith.constant 8.500000e+01 : f32
      %mul3A_3872 = vector.broadcast %mul3A_3871 : f32 to vector<16xf32>
      %mul3A_3873 = arith.mulf %add3A_3870, %mul3A_3872 : vector<16xf32>
      %convert_element_type3A_3874 = arith.fptosi %mul3A_3873 : vector<16xf32> to vector<16xi32>
      %max3A_3875 = arith.constant 0 : i32
      %max3A_3876 = vector.broadcast %max3A_3875 : i32 to vector<16xi32>
      %max3A_3877 = arith.maxsi %convert_element_type3A_3874, %max3A_3876 : vector<16xi32>
      %min3A_3878 = arith.constant 254 : i32
      %min3A_3879 = vector.broadcast %min3A_3878 : i32 to vector<16xi32>
      %min3A_3880 = arith.minsi %max3A_3877, %min3A_3879 : vector<16xi32>
      tpu.vector_store_idx %arg8[%min3A_3880], %broadcast_in_dim3A_1 {add = true} : memref<256xf32, #tpu.memory_space<vmem>>[vector<16xi32>], vector<16xf32>,
      %broadcast_in_dim3A_3881 = arith.constant 0 : i32
      %broadcast_in_dim3A_3882 = vector.broadcast %broadcast_in_dim3A_3881 : i32 to vector<16xi32>
      %mul3A_3883 = arith.constant 2 : i32
      %mul3A_3884 = arith.muli %scan3A_3822, %mul3A_3883 : i32
      %add3A_3885 = arith.constant 1 : i32
      %add3A_3886 = arith.addi %mul3A_3884, %add3A_3885 : i32
      %add3A_3887 = vector.broadcast %add3A_3886 : i32 to vector<16xi32>
      %add3A_3888 = arith.addi %broadcast_in_dim3A_3882, %add3A_3887 : vector<16xi32>
      %add3A_3889 = arith.constant 0 : i32
      %add3A_3890 = vector.broadcast %add3A_3889 : i32 to vector<16xi32>
      %add3A_3891 = arith.addi %add3A_3890, %iota3A : vector<16xi32>
      %mul3A_3892 = arith.constant 4 : i32
      %mul3A_3893 = vector.broadcast %mul3A_3892 : i32 to vector<16xi32>
      %mul3A_3894 = arith.muli %add3A_3891, %mul3A_3893 : vector<16xi32>
      %gather3A_3895 = tpu.vector_load_idx %arg7[%add3A_3888, %mul3A_3894] : memref<384x128xf32, #tpu.memory_space<vmem>>[vector<16xi32>, vector<16xi32>], vector<16xf32>,
      %add3A_3896 = arith.constant 128 : i32
      %add3A_3897 = vector.broadcast %add3A_3896 : i32 to vector<16xi32>
      %add3A_3898 = arith.addi %add3A_3888, %add3A_3897 : vector<16xi32>
      %gather3A_3899 = tpu.vector_load_idx %arg7[%add3A_3898, %mul3A_3894] : memref<384x128xf32, #tpu.memory_space<vmem>>[vector<16xi32>, vector<16xi32>], vector<16xf32>,
      %add3A_3900 = arith.addf %gather3A_3895, %gather3A_3899 : vector<16xf32>
      %add3A_3901 = arith.constant 256 : i32
      %add3A_3902 = vector.broadcast %add3A_3901 : i32 to vector<16xi32>
      %add3A_3903 = arith.addi %add3A_3888, %add3A_3902 : vector<16xi32>
      %gather3A_3904 = tpu.vector_load_idx %arg7[%add3A_3903, %mul3A_3894] : memref<384x128xf32, #tpu.memory_space<vmem>>[vector<16xi32>, vector<16xi32>], vector<16xf32>,
      %add3A_3905 = arith.addf %add3A_3900, %gather3A_3904 : vector<16xf32>
      %mul3A_3906 = arith.constant 8.500000e+01 : f32
      %mul3A_3907 = vector.broadcast %mul3A_3906 : f32 to vector<16xf32>
      %mul3A_3908 = arith.mulf %add3A_3905, %mul3A_3907 : vector<16xf32>
      %convert_element_type3A_3909 = arith.fptosi %mul3A_3908 : vector<16xf32> to vector<16xi32>
      %max3A_3910 = arith.constant 0 : i32
      %max3A_3911 = vector.broadcast %max3A_3910 : i32 to vector<16xi32>
      %max3A_3912 = arith.maxsi %convert_element_type3A_3909, %max3A_3911 : vector<16xi32>
      %min3A_3913 = arith.constant 254 : i32
      %min3A_3914 = vector.broadcast %min3A_3913 : i32 to vector<16xi32>
      %min3A_3915 = arith.minsi %max3A_3912, %min3A_3914 : vector<16xi32>
      tpu.vector_store_idx %arg8[%min3A_3915], %broadcast_in_dim3A_1 {add = true} : memref<256xf32, #tpu.memory_space<vmem>>[vector<16xi32>], vector<16xf32>,
      %add3A_3916 = arith.constant 16 : i32
      %add3A_3917 = vector.broadcast %add3A_3916 : i32 to vector<16xi32>
      %add3A_3918 = arith.addi %add3A_3917, %iota3A : vector<16xi32>
      %mul3A_3919 = arith.constant 4 : i32
      %mul3A_3920 = vector.broadcast %mul3A_3919 : i32 to vector<16xi32>
      %mul3A_3921 = arith.muli %add3A_3918, %mul3A_3920 : vector<16xi32>
      %gather3A_3922 = tpu.vector_load_idx %arg7[%add3A_3888, %mul3A_3921] : memref<384x128xf32, #tpu.memory_space<vmem>>[vector<16xi32>, vector<16xi32>], vector<16xf32>,
      %add3A_3923 = arith.constant 128 : i32
      %add3A_3924 = vector.broadcast %add3A_3923 : i32 to vector<16xi32>
      %add3A_3925 = arith.addi %add3A_3888, %add3A_3924 : vector<16xi32>
      %gather3A_3926 = tpu.vector_load_idx %arg7[%add3A_3925, %mul3A_3921] : memref<384x128xf32, #tpu.memory_space<vmem>>[vector<16xi32>, vector<16xi32>], vector<16xf32>,
      %add3A_3927 = arith.addf %gather3A_3922, %gather3A_3926 : vector<16xf32>
      %add3A_3928 = arith.constant 256 : i32
      %add3A_3929 = vector.broadcast %add3A_3928 : i32 to vector<16xi32>
      %add3A_3930 = arith.addi %add3A_3888, %add3A_3929 : vector<16xi32>
      %gather3A_3931 = tpu.vector_load_idx %arg7[%add3A_3930, %mul3A_3921] : memref<384x128xf32, #tpu.memory_space<vmem>>[vector<16xi32>, vector<16xi32>], vector<16xf32>,
      %add3A_3932 = arith.addf %add3A_3927, %gather3A_3931 : vector<16xf32>
      %mul3A_3933 = arith.constant 8.500000e+01 : f32
      %mul3A_3934 = vector.broadcast %mul3A_3933 : f32 to vector<16xf32>
      %mul3A_3935 = arith.mulf %add3A_3932, %mul3A_3934 : vector<16xf32>
      %convert_element_type3A_3936 = arith.fptosi %mul3A_3935 : vector<16xf32> to vector<16xi32>
      %max3A_3937 = arith.constant 0 : i32
      %max3A_3938 = vector.broadcast %max3A_3937 : i32 to vector<16xi32>
      %max3A_3939 = arith.maxsi %convert_element_type3A_3936, %max3A_3938 : vector<16xi32>
      %min3A_3940 = arith.constant 254 : i32
      %min3A_3941 = vector.broadcast %min3A_3940 : i32 to vector<16xi32>
      %min3A_3942 = arith.minsi %max3A_3939, %min3A_3941 : vector<16xi32>
      tpu.vector_store_idx %arg8[%min3A_3942], %broadcast_in_dim3A_1 {add = true} : memref<256xf32, #tpu.memory_space<vmem>>[vector<16xi32>], vector<16xf32>,
    }
    %scan3A_2864 = arith.constant 64 : i32
    %add3A_2865 = arith.constant 0 : i32
    %add3A_2866 = vector.broadcast %add3A_2865 : i32 to vector<16xi32>
    %add3A_2867 = arith.addi %add3A_2866, %iota3A : vector<16xi32>
    %mul3A_2868 = arith.constant 3 : i32
    %mul3A_2869 = arith.muli %add3A, %mul3A_2868 : i32
    %add3A_2870 = arith.constant 0 : i32
    %add3A_2871 = arith.addi %mul3A_2869, %add3A_2870 : i32
    %mul3A_2872 = arith.constant 2048 : i32
    %mul3A_2873 = arith.muli %add3A_2871, %mul3A_2872 : i32
    %shift_right_arithmetic3A_2874 = arith.constant 3 : i32
    %shift_right_arithmetic3A_2875 = vector.broadcast %shift_right_arithmetic3A_2874 : i32 to vector<16xi32>
    %shift_right_arithmetic3A_2876 = arith.shrsi %add3A_2867, %shift_right_arithmetic3A_2875 : vector<16xi32>
    %add3A_2877 = arith.constant 48 : i32
    %add3A_2878 = vector.broadcast %add3A_2877 : i32 to vector<16xi32>
    %add3A_2879 = arith.addi %add3A_2878, %shift_right_arithmetic3A_2876 : vector<16xi32>
    %mul3A_2880 = arith.constant 32 : i32
    %mul3A_2881 = vector.broadcast %mul3A_2880 : i32 to vector<16xi32>
    %mul3A_2882 = arith.muli %add3A_2879, %mul3A_2881 : vector<16xi32>
    %add3A_2883 = vector.broadcast %mul3A_2873 : i32 to vector<16xi32>
    %add3A_2884 = arith.addi %add3A_2883, %mul3A_2882 : vector<16xi32>
    %shift_right_arithmetic3A_2885 = arith.constant 1 : i32
    %shift_right_arithmetic3A_2886 = vector.broadcast %shift_right_arithmetic3A_2885 : i32 to vector<16xi32>
    %shift_right_arithmetic3A_2887 = arith.shrsi %add3A_2867, %shift_right_arithmetic3A_2886 : vector<16xi32>
    %and3A_2888 = arith.constant 3 : i32
    %and3A_2889 = vector.broadcast %and3A_2888 : i32 to vector<16xi32>
    %and3A_2890 = arith.andi %shift_right_arithmetic3A_2887, %and3A_2889 : vector<16xi32>
    %mul3A_2891 = arith.constant 8 : i32
    %mul3A_2892 = vector.broadcast %mul3A_2891 : i32 to vector<16xi32>
    %mul3A_2893 = arith.muli %and3A_2890, %mul3A_2892 : vector<16xi32>
    %add3A_2894 = arith.addi %add3A_2884, %mul3A_2893 : vector<16xi32>
    %and3A_2895 = arith.constant 1 : i32
    %and3A_2896 = vector.broadcast %and3A_2895 : i32 to vector<16xi32>
    %and3A_2897 = arith.andi %add3A_2867, %and3A_2896 : vector<16xi32>
    %mul3A_2898 = arith.constant 4 : i32
    %mul3A_2899 = vector.broadcast %mul3A_2898 : i32 to vector<16xi32>
    %mul3A_2900 = arith.muli %and3A_2897, %mul3A_2899 : vector<16xi32>
    %add3A_2901 = arith.addi %add3A_2894, %mul3A_2900 : vector<16xi32>
    %swap3A_2902 = arith.constant 0 : index
    %swap3A_2903 = tpu.vector_load %arg5[%swap3A_2902] {strides = array<i32>} : memref<384xi32, #tpu.memory_space<vmem>>, vector<16xi32>,
    tpu.vector_store %arg5[%swap3A_2902], %add3A_2901 {strides = array<i32>} : memref<384xi32, #tpu.memory_space<vmem>>, vector<16xi32>,
    %add3A_2904 = arith.constant 16 : i32
    %add3A_2905 = vector.broadcast %add3A_2904 : i32 to vector<16xi32>
    %add3A_2906 = arith.addi %add3A_2905, %iota3A : vector<16xi32>
    %mul3A_2907 = arith.constant 3 : i32
    %mul3A_2908 = arith.muli %add3A, %mul3A_2907 : i32
    %add3A_2909 = arith.constant 0 : i32
    %add3A_2910 = arith.addi %mul3A_2908, %add3A_2909 : i32
    %mul3A_2911 = arith.constant 2048 : i32
    %mul3A_2912 = arith.muli %add3A_2910, %mul3A_2911 : i32
    %shift_right_arithmetic3A_2913 = arith.constant 3 : i32
    %shift_right_arithmetic3A_2914 = vector.broadcast %shift_right_arithmetic3A_2913 : i32 to vector<16xi32>
    %shift_right_arithmetic3A_2915 = arith.shrsi %add3A_2906, %shift_right_arithmetic3A_2914 : vector<16xi32>
    %add3A_2916 = arith.constant 48 : i32
    %add3A_2917 = vector.broadcast %add3A_2916 : i32 to vector<16xi32>
    %add3A_2918 = arith.addi %add3A_2917, %shift_right_arithmetic3A_2915 : vector<16xi32>
    %mul3A_2919 = arith.constant 32 : i32
    %mul3A_2920 = vector.broadcast %mul3A_2919 : i32 to vector<16xi32>
    %mul3A_2921 = arith.muli %add3A_2918, %mul3A_2920 : vector<16xi32>
    %add3A_2922 = vector.broadcast %mul3A_2912 : i32 to vector<16xi32>
    %add3A_2923 = arith.addi %add3A_2922, %mul3A_2921 : vector<16xi32>
    %shift_right_arithmetic3A_2924 = arith.constant 1 : i32
    %shift_right_arithmetic3A_2925 = vector.broadcast %shift_right_arithmetic3A_2924 : i32 to vector<16xi32>
    %shift_right_arithmetic3A_2926 = arith.shrsi %add3A_2906, %shift_right_arithmetic3A_2925 : vector<16xi32>
    %and3A_2927 = arith.constant 3 : i32
    %and3A_2928 = vector.broadcast %and3A_2927 : i32 to vector<16xi32>
    %and3A_2929 = arith.andi %shift_right_arithmetic3A_2926, %and3A_2928 : vector<16xi32>
    %mul3A_2930 = arith.constant 8 : i32
    %mul3A_2931 = vector.broadcast %mul3A_2930 : i32 to vector<16xi32>
    %mul3A_2932 = arith.muli %and3A_2929, %mul3A_2931 : vector<16xi32>
    %add3A_2933 = arith.addi %add3A_2923, %mul3A_2932 : vector<16xi32>
    %and3A_2934 = arith.constant 1 : i32
    %and3A_2935 = vector.broadcast %and3A_2934 : i32 to vector<16xi32>
    %and3A_2936 = arith.andi %add3A_2906, %and3A_2935 : vector<16xi32>
    %mul3A_2937 = arith.constant 4 : i32
    %mul3A_2938 = vector.broadcast %mul3A_2937 : i32 to vector<16xi32>
    %mul3A_2939 = arith.muli %and3A_2936, %mul3A_2938 : vector<16xi32>
    %add3A_2940 = arith.addi %add3A_2933, %mul3A_2939 : vector<16xi32>
    %swap3A_2941 = arith.constant 16 : index
    %swap3A_2942 = tpu.vector_load %arg5[%swap3A_2941] {strides = array<i32>} : memref<384xi32, #tpu.memory_space<vmem>>, vector<16xi32>,
    tpu.vector_store %arg5[%swap3A_2941], %add3A_2940 {strides = array<i32>} : memref<384xi32, #tpu.memory_space<vmem>>, vector<16xi32>,
    %add3A_2943 = arith.constant 32 : i32
    %add3A_2944 = vector.broadcast %add3A_2943 : i32 to vector<16xi32>
    %add3A_2945 = arith.addi %add3A_2944, %iota3A : vector<16xi32>
    %mul3A_2946 = arith.constant 3 : i32
    %mul3A_2947 = arith.muli %add3A, %mul3A_2946 : i32
    %add3A_2948 = arith.constant 0 : i32
    %add3A_2949 = arith.addi %mul3A_2947, %add3A_2948 : i32
    %mul3A_2950 = arith.constant 2048 : i32
    %mul3A_2951 = arith.muli %add3A_2949, %mul3A_2950 : i32
    %shift_right_arithmetic3A_2952 = arith.constant 3 : i32
    %shift_right_arithmetic3A_2953 = vector.broadcast %shift_right_arithmetic3A_2952 : i32 to vector<16xi32>
    %shift_right_arithmetic3A_2954 = arith.shrsi %add3A_2945, %shift_right_arithmetic3A_2953 : vector<16xi32>
    %add3A_2955 = arith.constant 48 : i32
    %add3A_2956 = vector.broadcast %add3A_2955 : i32 to vector<16xi32>
    %add3A_2957 = arith.addi %add3A_2956, %shift_right_arithmetic3A_2954 : vector<16xi32>
    %mul3A_2958 = arith.constant 32 : i32
    %mul3A_2959 = vector.broadcast %mul3A_2958 : i32 to vector<16xi32>
    %mul3A_2960 = arith.muli %add3A_2957, %mul3A_2959 : vector<16xi32>
    %add3A_2961 = vector.broadcast %mul3A_2951 : i32 to vector<16xi32>
    %add3A_2962 = arith.addi %add3A_2961, %mul3A_2960 : vector<16xi32>
    %shift_right_arithmetic3A_2963 = arith.constant 1 : i32
    %shift_right_arithmetic3A_2964 = vector.broadcast %shift_right_arithmetic3A_2963 : i32 to vector<16xi32>
    %shift_right_arithmetic3A_2965 = arith.shrsi %add3A_2945, %shift_right_arithmetic3A_2964 : vector<16xi32>
    %and3A_2966 = arith.constant 3 : i32
    %and3A_2967 = vector.broadcast %and3A_2966 : i32 to vector<16xi32>
    %and3A_2968 = arith.andi %shift_right_arithmetic3A_2965, %and3A_2967 : vector<16xi32>
    %mul3A_2969 = arith.constant 8 : i32
    %mul3A_2970 = vector.broadcast %mul3A_2969 : i32 to vector<16xi32>
    %mul3A_2971 = arith.muli %and3A_2968, %mul3A_2970 : vector<16xi32>
    %add3A_2972 = arith.addi %add3A_2962, %mul3A_2971 : vector<16xi32>
    %and3A_2973 = arith.constant 1 : i32
    %and3A_2974 = vector.broadcast %and3A_2973 : i32 to vector<16xi32>
    %and3A_2975 = arith.andi %add3A_2945, %and3A_2974 : vector<16xi32>
    %mul3A_2976 = arith.constant 4 : i32
    %mul3A_2977 = vector.broadcast %mul3A_2976 : i32 to vector<16xi32>
    %mul3A_2978 = arith.muli %and3A_2975, %mul3A_2977 : vector<16xi32>
    %add3A_2979 = arith.addi %add3A_2972, %mul3A_2978 : vector<16xi32>
    %swap3A_2980 = arith.constant 32 : index
    %swap3A_2981 = tpu.vector_load %arg5[%swap3A_2980] {strides = array<i32>} : memref<384xi32, #tpu.memory_space<vmem>>, vector<16xi32>,
    tpu.vector_store %arg5[%swap3A_2980], %add3A_2979 {strides = array<i32>} : memref<384xi32, #tpu.memory_space<vmem>>, vector<16xi32>,
    %add3A_2982 = arith.constant 48 : i32
    %add3A_2983 = vector.broadcast %add3A_2982 : i32 to vector<16xi32>
    %add3A_2984 = arith.addi %add3A_2983, %iota3A : vector<16xi32>
    %mul3A_2985 = arith.constant 3 : i32
    %mul3A_2986 = arith.muli %add3A, %mul3A_2985 : i32
    %add3A_2987 = arith.constant 0 : i32
    %add3A_2988 = arith.addi %mul3A_2986, %add3A_2987 : i32
    %mul3A_2989 = arith.constant 2048 : i32
    %mul3A_2990 = arith.muli %add3A_2988, %mul3A_2989 : i32
    %shift_right_arithmetic3A_2991 = arith.constant 3 : i32
    %shift_right_arithmetic3A_2992 = vector.broadcast %shift_right_arithmetic3A_2991 : i32 to vector<16xi32>
    %shift_right_arithmetic3A_2993 = arith.shrsi %add3A_2984, %shift_right_arithmetic3A_2992 : vector<16xi32>
    %add3A_2994 = arith.constant 48 : i32
    %add3A_2995 = vector.broadcast %add3A_2994 : i32 to vector<16xi32>
    %add3A_2996 = arith.addi %add3A_2995, %shift_right_arithmetic3A_2993 : vector<16xi32>
    %mul3A_2997 = arith.constant 32 : i32
    %mul3A_2998 = vector.broadcast %mul3A_2997 : i32 to vector<16xi32>
    %mul3A_2999 = arith.muli %add3A_2996, %mul3A_2998 : vector<16xi32>
    %add3A_3000 = vector.broadcast %mul3A_2990 : i32 to vector<16xi32>
    %add3A_3001 = arith.addi %add3A_3000, %mul3A_2999 : vector<16xi32>
    %shift_right_arithmetic3A_3002 = arith.constant 1 : i32
    %shift_right_arithmetic3A_3003 = vector.broadcast %shift_right_arithmetic3A_3002 : i32 to vector<16xi32>
    %shift_right_arithmetic3A_3004 = arith.shrsi %add3A_2984, %shift_right_arithmetic3A_3003 : vector<16xi32>
    %and3A_3005 = arith.constant 3 : i32
    %and3A_3006 = vector.broadcast %and3A_3005 : i32 to vector<16xi32>
    %and3A_3007 = arith.andi %shift_right_arithmetic3A_3004, %and3A_3006 : vector<16xi32>
    %mul3A_3008 = arith.constant 8 : i32
    %mul3A_3009 = vector.broadcast %mul3A_3008 : i32 to vector<16xi32>
    %mul3A_3010 = arith.muli %and3A_3007, %mul3A_3009 : vector<16xi32>
    %add3A_3011 = arith.addi %add3A_3001, %mul3A_3010 : vector<16xi32>
    %and3A_3012 = arith.constant 1 : i32
    %and3A_3013 = vector.broadcast %and3A_3012 : i32 to vector<16xi32>
    %and3A_3014 = arith.andi %add3A_2984, %and3A_3013 : vector<16xi32>
    %mul3A_3015 = arith.constant 4 : i32
    %mul3A_3016 = vector.broadcast %mul3A_3015 : i32 to vector<16xi32>
    %mul3A_3017 = arith.muli %and3A_3014, %mul3A_3016 : vector<16xi32>
    %add3A_3018 = arith.addi %add3A_3011, %mul3A_3017 : vector<16xi32>
    %swap3A_3019 = arith.constant 48 : index
    %swap3A_3020 = tpu.vector_load %arg5[%swap3A_3019] {strides = array<i32>} : memref<384xi32, #tpu.memory_space<vmem>>, vector<16xi32>,
    tpu.vector_store %arg5[%swap3A_3019], %add3A_3018 {strides = array<i32>} : memref<384xi32, #tpu.memory_space<vmem>>, vector<16xi32>,
    %add3A_3021 = arith.constant 64 : i32
    %add3A_3022 = vector.broadcast %add3A_3021 : i32 to vector<16xi32>
    %add3A_3023 = arith.addi %add3A_3022, %iota3A : vector<16xi32>
    %mul3A_3024 = arith.constant 3 : i32
    %mul3A_3025 = arith.muli %add3A, %mul3A_3024 : i32
    %add3A_3026 = arith.constant 0 : i32
    %add3A_3027 = arith.addi %mul3A_3025, %add3A_3026 : i32
    %mul3A_3028 = arith.constant 2048 : i32
    %mul3A_3029 = arith.muli %add3A_3027, %mul3A_3028 : i32
    %shift_right_arithmetic3A_3030 = arith.constant 3 : i32
    %shift_right_arithmetic3A_3031 = vector.broadcast %shift_right_arithmetic3A_3030 : i32 to vector<16xi32>
    %shift_right_arithmetic3A_3032 = arith.shrsi %add3A_3023, %shift_right_arithmetic3A_3031 : vector<16xi32>
    %add3A_3033 = arith.constant 48 : i32
    %add3A_3034 = vector.broadcast %add3A_3033 : i32 to vector<16xi32>
    %add3A_3035 = arith.addi %add3A_3034, %shift_right_arithmetic3A_3032 : vector<16xi32>
    %mul3A_3036 = arith.constant 32 : i32
    %mul3A_3037 = vector.broadcast %mul3A_3036 : i32 to vector<16xi32>
    %mul3A_3038 = arith.muli %add3A_3035, %mul3A_3037 : vector<16xi32>
    %add3A_3039 = vector.broadcast %mul3A_3029 : i32 to vector<16xi32>
    %add3A_3040 = arith.addi %add3A_3039, %mul3A_3038 : vector<16xi32>
    %shift_right_arithmetic3A_3041 = arith.constant 1 : i32
    %shift_right_arithmetic3A_3042 = vector.broadcast %shift_right_arithmetic3A_3041 : i32 to vector<16xi32>
    %shift_right_arithmetic3A_3043 = arith.shrsi %add3A_3023, %shift_right_arithmetic3A_3042 : vector<16xi32>
    %and3A_3044 = arith.constant 3 : i32
    %and3A_3045 = vector.broadcast %and3A_3044 : i32 to vector<16xi32>
    %and3A_3046 = arith.andi %shift_right_arithmetic3A_3043, %and3A_3045 : vector<16xi32>
    %mul3A_3047 = arith.constant 8 : i32
    %mul3A_3048 = vector.broadcast %mul3A_3047 : i32 to vector<16xi32>
    %mul3A_3049 = arith.muli %and3A_3046, %mul3A_3048 : vector<16xi32>
    %add3A_3050 = arith.addi %add3A_3040, %mul3A_3049 : vector<16xi32>
    %and3A_3051 = arith.constant 1 : i32
    %and3A_3052 = vector.broadcast %and3A_3051 : i32 to vector<16xi32>
    %and3A_3053 = arith.andi %add3A_3023, %and3A_3052 : vector<16xi32>
    %mul3A_3054 = arith.constant 4 : i32
    %mul3A_3055 = vector.broadcast %mul3A_3054 : i32 to vector<16xi32>
    %mul3A_3056 = arith.muli %and3A_3053, %mul3A_3055 : vector<16xi32>
    %add3A_3057 = arith.addi %add3A_3050, %mul3A_3056 : vector<16xi32>
    %swap3A_3058 = arith.constant 64 : index
    %swap3A_3059 = tpu.vector_load %arg5[%swap3A_3058] {strides = array<i32>} : memref<384xi32, #tpu.memory_space<vmem>>, vector<16xi32>,
    tpu.vector_store %arg5[%swap3A_3058], %add3A_3057 {strides = array<i32>} : memref<384xi32, #tpu.memory_space<vmem>>, vector<16xi32>,
    %add3A_3060 = arith.constant 80 : i32
    %add3A_3061 = vector.broadcast %add3A_3060 : i32 to vector<16xi32>
    %add3A_3062 = arith.addi %add3A_3061, %iota3A : vector<16xi32>
    %mul3A_3063 = arith.constant 3 : i32
    %mul3A_3064 = arith.muli %add3A, %mul3A_3063 : i32
    %add3A_3065 = arith.constant 0 : i32
    %add3A_3066 = arith.addi %mul3A_3064, %add3A_3065 : i32
    %mul3A_3067 = arith.constant 2048 : i32
    %mul3A_3068 = arith.muli %add3A_3066, %mul3A_3067 : i32
    %shift_right_arithmetic3A_3069 = arith.constant 3 : i32
    %shift_right_arithmetic3A_3070 = vector.broadcast %shift_right_arithmetic3A_3069 : i32 to vector<16xi32>
    %shift_right_arithmetic3A_3071 = arith.shrsi %add3A_3062, %shift_right_arithmetic3A_3070 : vector<16xi32>
    %add3A_3072 = arith.constant 48 : i32
    %add3A_3073 = vector.broadcast %add3A_3072 : i32 to vector<16xi32>
    %add3A_3074 = arith.addi %add3A_3073, %shift_right_arithmetic3A_3071 : vector<16xi32>
    %mul3A_3075 = arith.constant 32 : i32
    %mul3A_3076 = vector.broadcast %mul3A_3075 : i32 to vector<16xi32>
    %mul3A_3077 = arith.muli %add3A_3074, %mul3A_3076 : vector<16xi32>
    %add3A_3078 = vector.broadcast %mul3A_3068 : i32 to vector<16xi32>
    %add3A_3079 = arith.addi %add3A_3078, %mul3A_3077 : vector<16xi32>
    %shift_right_arithmetic3A_3080 = arith.constant 1 : i32
    %shift_right_arithmetic3A_3081 = vector.broadcast %shift_right_arithmetic3A_3080 : i32 to vector<16xi32>
    %shift_right_arithmetic3A_3082 = arith.shrsi %add3A_3062, %shift_right_arithmetic3A_3081 : vector<16xi32>
    %and3A_3083 = arith.constant 3 : i32
    %and3A_3084 = vector.broadcast %and3A_3083 : i32 to vector<16xi32>
    %and3A_3085 = arith.andi %shift_right_arithmetic3A_3082, %and3A_3084 : vector<16xi32>
    %mul3A_3086 = arith.constant 8 : i32
    %mul3A_3087 = vector.broadcast %mul3A_3086 : i32 to vector<16xi32>
    %mul3A_3088 = arith.muli %and3A_3085, %mul3A_3087 : vector<16xi32>
    %add3A_3089 = arith.addi %add3A_3079, %mul3A_3088 : vector<16xi32>
    %and3A_3090 = arith.constant 1 : i32
    %and3A_3091 = vector.broadcast %and3A_3090 : i32 to vector<16xi32>
    %and3A_3092 = arith.andi %add3A_3062, %and3A_3091 : vector<16xi32>
    %mul3A_3093 = arith.constant 4 : i32
    %mul3A_3094 = vector.broadcast %mul3A_3093 : i32 to vector<16xi32>
    %mul3A_3095 = arith.muli %and3A_3092, %mul3A_3094 : vector<16xi32>
    %add3A_3096 = arith.addi %add3A_3089, %mul3A_3095 : vector<16xi32>
    %swap3A_3097 = arith.constant 80 : index
    %swap3A_3098 = tpu.vector_load %arg5[%swap3A_3097] {strides = array<i32>} : memref<384xi32, #tpu.memory_space<vmem>>, vector<16xi32>,
    tpu.vector_store %arg5[%swap3A_3097], %add3A_3096 {strides = array<i32>} : memref<384xi32, #tpu.memory_space<vmem>>, vector<16xi32>,
    %add3A_3099 = arith.constant 96 : i32
    %add3A_3100 = vector.broadcast %add3A_3099 : i32 to vector<16xi32>
    %add3A_3101 = arith.addi %add3A_3100, %iota3A : vector<16xi32>
    %mul3A_3102 = arith.constant 3 : i32
    %mul3A_3103 = arith.muli %add3A, %mul3A_3102 : i32
    %add3A_3104 = arith.constant 0 : i32
    %add3A_3105 = arith.addi %mul3A_3103, %add3A_3104 : i32
    %mul3A_3106 = arith.constant 2048 : i32
    %mul3A_3107 = arith.muli %add3A_3105, %mul3A_3106 : i32
    %shift_right_arithmetic3A_3108 = arith.constant 3 : i32
    %shift_right_arithmetic3A_3109 = vector.broadcast %shift_right_arithmetic3A_3108 : i32 to vector<16xi32>
    %shift_right_arithmetic3A_3110 = arith.shrsi %add3A_3101, %shift_right_arithmetic3A_3109 : vector<16xi32>
    %add3A_3111 = arith.constant 48 : i32
    %add3A_3112 = vector.broadcast %add3A_3111 : i32 to vector<16xi32>
    %add3A_3113 = arith.addi %add3A_3112, %shift_right_arithmetic3A_3110 : vector<16xi32>
    %mul3A_3114 = arith.constant 32 : i32
    %mul3A_3115 = vector.broadcast %mul3A_3114 : i32 to vector<16xi32>
    %mul3A_3116 = arith.muli %add3A_3113, %mul3A_3115 : vector<16xi32>
    %add3A_3117 = vector.broadcast %mul3A_3107 : i32 to vector<16xi32>
    %add3A_3118 = arith.addi %add3A_3117, %mul3A_3116 : vector<16xi32>
    %shift_right_arithmetic3A_3119 = arith.constant 1 : i32
    %shift_right_arithmetic3A_3120 = vector.broadcast %shift_right_arithmetic3A_3119 : i32 to vector<16xi32>
    %shift_right_arithmetic3A_3121 = arith.shrsi %add3A_3101, %shift_right_arithmetic3A_3120 : vector<16xi32>
    %and3A_3122 = arith.constant 3 : i32
    %and3A_3123 = vector.broadcast %and3A_3122 : i32 to vector<16xi32>
    %and3A_3124 = arith.andi %shift_right_arithmetic3A_3121, %and3A_3123 : vector<16xi32>
    %mul3A_3125 = arith.constant 8 : i32
    %mul3A_3126 = vector.broadcast %mul3A_3125 : i32 to vector<16xi32>
    %mul3A_3127 = arith.muli %and3A_3124, %mul3A_3126 : vector<16xi32>
    %add3A_3128 = arith.addi %add3A_3118, %mul3A_3127 : vector<16xi32>
    %and3A_3129 = arith.constant 1 : i32
    %and3A_3130 = vector.broadcast %and3A_3129 : i32 to vector<16xi32>
    %and3A_3131 = arith.andi %add3A_3101, %and3A_3130 : vector<16xi32>
    %mul3A_3132 = arith.constant 4 : i32
    %mul3A_3133 = vector.broadcast %mul3A_3132 : i32 to vector<16xi32>
    %mul3A_3134 = arith.muli %and3A_3131, %mul3A_3133 : vector<16xi32>
    %add3A_3135 = arith.addi %add3A_3128, %mul3A_3134 : vector<16xi32>
    %swap3A_3136 = arith.constant 96 : index
    %swap3A_3137 = tpu.vector_load %arg5[%swap3A_3136] {strides = array<i32>} : memref<384xi32, #tpu.memory_space<vmem>>, vector<16xi32>,
    tpu.vector_store %arg5[%swap3A_3136], %add3A_3135 {strides = array<i32>} : memref<384xi32, #tpu.memory_space<vmem>>, vector<16xi32>,
    %add3A_3138 = arith.constant 112 : i32
    %add3A_3139 = vector.broadcast %add3A_3138 : i32 to vector<16xi32>
    %add3A_3140 = arith.addi %add3A_3139, %iota3A : vector<16xi32>
    %mul3A_3141 = arith.constant 3 : i32
    %mul3A_3142 = arith.muli %add3A, %mul3A_3141 : i32
    %add3A_3143 = arith.constant 0 : i32
    %add3A_3144 = arith.addi %mul3A_3142, %add3A_3143 : i32
    %mul3A_3145 = arith.constant 2048 : i32
    %mul3A_3146 = arith.muli %add3A_3144, %mul3A_3145 : i32
    %shift_right_arithmetic3A_3147 = arith.constant 3 : i32
    %shift_right_arithmetic3A_3148 = vector.broadcast %shift_right_arithmetic3A_3147 : i32 to vector<16xi32>
    %shift_right_arithmetic3A_3149 = arith.shrsi %add3A_3140, %shift_right_arithmetic3A_3148 : vector<16xi32>
    %add3A_3150 = arith.constant 48 : i32
    %add3A_3151 = vector.broadcast %add3A_3150 : i32 to vector<16xi32>
    %add3A_3152 = arith.addi %add3A_3151, %shift_right_arithmetic3A_3149 : vector<16xi32>
    %mul3A_3153 = arith.constant 32 : i32
    %mul3A_3154 = vector.broadcast %mul3A_3153 : i32 to vector<16xi32>
    %mul3A_3155 = arith.muli %add3A_3152, %mul3A_3154 : vector<16xi32>
    %add3A_3156 = vector.broadcast %mul3A_3146 : i32 to vector<16xi32>
    %add3A_3157 = arith.addi %add3A_3156, %mul3A_3155 : vector<16xi32>
    %shift_right_arithmetic3A_3158 = arith.constant 1 : i32
    %shift_right_arithmetic3A_3159 = vector.broadcast %shift_right_arithmetic3A_3158 : i32 to vector<16xi32>
    %shift_right_arithmetic3A_3160 = arith.shrsi %add3A_3140, %shift_right_arithmetic3A_3159 : vector<16xi32>
    %and3A_3161 = arith.constant 3 : i32
    %and3A_3162 = vector.broadcast %and3A_3161 : i32 to vector<16xi32>
    %and3A_3163 = arith.andi %shift_right_arithmetic3A_3160, %and3A_3162 : vector<16xi32>
    %mul3A_3164 = arith.constant 8 : i32
    %mul3A_3165 = vector.broadcast %mul3A_3164 : i32 to vector<16xi32>
    %mul3A_3166 = arith.muli %and3A_3163, %mul3A_3165 : vector<16xi32>
    %add3A_3167 = arith.addi %add3A_3157, %mul3A_3166 : vector<16xi32>
    %and3A_3168 = arith.constant 1 : i32
    %and3A_3169 = vector.broadcast %and3A_3168 : i32 to vector<16xi32>
    %and3A_3170 = arith.andi %add3A_3140, %and3A_3169 : vector<16xi32>
    %mul3A_3171 = arith.constant 4 : i32
    %mul3A_3172 = vector.broadcast %mul3A_3171 : i32 to vector<16xi32>
    %mul3A_3173 = arith.muli %and3A_3170, %mul3A_3172 : vector<16xi32>
    %add3A_3174 = arith.addi %add3A_3167, %mul3A_3173 : vector<16xi32>
    %swap3A_3175 = arith.constant 112 : index
    %swap3A_3176 = tpu.vector_load %arg5[%swap3A_3175] {strides = array<i32>} : memref<384xi32, #tpu.memory_space<vmem>>, vector<16xi32>,
    tpu.vector_store %arg5[%swap3A_3175], %add3A_3174 {strides = array<i32>} : memref<384xi32, #tpu.memory_space<vmem>>, vector<16xi32>,
    %add3A_3177 = arith.constant 0 : i32
    %add3A_3178 = vector.broadcast %add3A_3177 : i32 to vector<16xi32>
    %add3A_3179 = arith.addi %add3A_3178, %iota3A : vector<16xi32>
    %mul3A_3180 = arith.constant 3 : i32
    %mul3A_3181 = arith.muli %add3A, %mul3A_3180 : i32
    %add3A_3182 = arith.constant 1 : i32
    %add3A_3183 = arith.addi %mul3A_3181, %add3A_3182 : i32
    %mul3A_3184 = arith.constant 2048 : i32
    %mul3A_3185 = arith.muli %add3A_3183, %mul3A_3184 : i32
    %shift_right_arithmetic3A_3186 = arith.constant 3 : i32
    %shift_right_arithmetic3A_3187 = vector.broadcast %shift_right_arithmetic3A_3186 : i32 to vector<16xi32>
    %shift_right_arithmetic3A_3188 = arith.shrsi %add3A_3179, %shift_right_arithmetic3A_3187 : vector<16xi32>
    %add3A_3189 = arith.constant 48 : i32
    %add3A_3190 = vector.broadcast %add3A_3189 : i32 to vector<16xi32>
    %add3A_3191 = arith.addi %add3A_3190, %shift_right_arithmetic3A_3188 : vector<16xi32>
    %mul3A_3192 = arith.constant 32 : i32
    %mul3A_3193 = vector.broadcast %mul3A_3192 : i32 to vector<16xi32>
    %mul3A_3194 = arith.muli %add3A_3191, %mul3A_3193 : vector<16xi32>
    %add3A_3195 = vector.broadcast %mul3A_3185 : i32 to vector<16xi32>
    %add3A_3196 = arith.addi %add3A_3195, %mul3A_3194 : vector<16xi32>
    %shift_right_arithmetic3A_3197 = arith.constant 1 : i32
    %shift_right_arithmetic3A_3198 = vector.broadcast %shift_right_arithmetic3A_3197 : i32 to vector<16xi32>
    %shift_right_arithmetic3A_3199 = arith.shrsi %add3A_3179, %shift_right_arithmetic3A_3198 : vector<16xi32>
    %and3A_3200 = arith.constant 3 : i32
    %and3A_3201 = vector.broadcast %and3A_3200 : i32 to vector<16xi32>
    %and3A_3202 = arith.andi %shift_right_arithmetic3A_3199, %and3A_3201 : vector<16xi32>
    %mul3A_3203 = arith.constant 8 : i32
    %mul3A_3204 = vector.broadcast %mul3A_3203 : i32 to vector<16xi32>
    %mul3A_3205 = arith.muli %and3A_3202, %mul3A_3204 : vector<16xi32>
    %add3A_3206 = arith.addi %add3A_3196, %mul3A_3205 : vector<16xi32>
    %and3A_3207 = arith.constant 1 : i32
    %and3A_3208 = vector.broadcast %and3A_3207 : i32 to vector<16xi32>
    %and3A_3209 = arith.andi %add3A_3179, %and3A_3208 : vector<16xi32>
    %mul3A_3210 = arith.constant 4 : i32
    %mul3A_3211 = vector.broadcast %mul3A_3210 : i32 to vector<16xi32>
    %mul3A_3212 = arith.muli %and3A_3209, %mul3A_3211 : vector<16xi32>
    %add3A_3213 = arith.addi %add3A_3206, %mul3A_3212 : vector<16xi32>
    %swap3A_3214 = arith.constant 128 : index
    %swap3A_3215 = tpu.vector_load %arg5[%swap3A_3214] {strides = array<i32>} : memref<384xi32, #tpu.memory_space<vmem>>, vector<16xi32>,
    tpu.vector_store %arg5[%swap3A_3214], %add3A_3213 {strides = array<i32>} : memref<384xi32, #tpu.memory_space<vmem>>, vector<16xi32>,
    %add3A_3216 = arith.constant 16 : i32
    %add3A_3217 = vector.broadcast %add3A_3216 : i32 to vector<16xi32>
    %add3A_3218 = arith.addi %add3A_3217, %iota3A : vector<16xi32>
    %mul3A_3219 = arith.constant 3 : i32
    %mul3A_3220 = arith.muli %add3A, %mul3A_3219 : i32
    %add3A_3221 = arith.constant 1 : i32
    %add3A_3222 = arith.addi %mul3A_3220, %add3A_3221 : i32
    %mul3A_3223 = arith.constant 2048 : i32
    %mul3A_3224 = arith.muli %add3A_3222, %mul3A_3223 : i32
    %shift_right_arithmetic3A_3225 = arith.constant 3 : i32
    %shift_right_arithmetic3A_3226 = vector.broadcast %shift_right_arithmetic3A_3225 : i32 to vector<16xi32>
    %shift_right_arithmetic3A_3227 = arith.shrsi %add3A_3218, %shift_right_arithmetic3A_3226 : vector<16xi32>
    %add3A_3228 = arith.constant 48 : i32
    %add3A_3229 = vector.broadcast %add3A_3228 : i32 to vector<16xi32>
    %add3A_3230 = arith.addi %add3A_3229, %shift_right_arithmetic3A_3227 : vector<16xi32>
    %mul3A_3231 = arith.constant 32 : i32
    %mul3A_3232 = vector.broadcast %mul3A_3231 : i32 to vector<16xi32>
    %mul3A_3233 = arith.muli %add3A_3230, %mul3A_3232 : vector<16xi32>
    %add3A_3234 = vector.broadcast %mul3A_3224 : i32 to vector<16xi32>
    %add3A_3235 = arith.addi %add3A_3234, %mul3A_3233 : vector<16xi32>
    %shift_right_arithmetic3A_3236 = arith.constant 1 : i32
    %shift_right_arithmetic3A_3237 = vector.broadcast %shift_right_arithmetic3A_3236 : i32 to vector<16xi32>
    %shift_right_arithmetic3A_3238 = arith.shrsi %add3A_3218, %shift_right_arithmetic3A_3237 : vector<16xi32>
    %and3A_3239 = arith.constant 3 : i32
    %and3A_3240 = vector.broadcast %and3A_3239 : i32 to vector<16xi32>
    %and3A_3241 = arith.andi %shift_right_arithmetic3A_3238, %and3A_3240 : vector<16xi32>
    %mul3A_3242 = arith.constant 8 : i32
    %mul3A_3243 = vector.broadcast %mul3A_3242 : i32 to vector<16xi32>
    %mul3A_3244 = arith.muli %and3A_3241, %mul3A_3243 : vector<16xi32>
    %add3A_3245 = arith.addi %add3A_3235, %mul3A_3244 : vector<16xi32>
    %and3A_3246 = arith.constant 1 : i32
    %and3A_3247 = vector.broadcast %and3A_3246 : i32 to vector<16xi32>
    %and3A_3248 = arith.andi %add3A_3218, %and3A_3247 : vector<16xi32>
    %mul3A_3249 = arith.constant 4 : i32
    %mul3A_3250 = vector.broadcast %mul3A_3249 : i32 to vector<16xi32>
    %mul3A_3251 = arith.muli %and3A_3248, %mul3A_3250 : vector<16xi32>
    %add3A_3252 = arith.addi %add3A_3245, %mul3A_3251 : vector<16xi32>
    %swap3A_3253 = arith.constant 144 : index
    %swap3A_3254 = tpu.vector_load %arg5[%swap3A_3253] {strides = array<i32>} : memref<384xi32, #tpu.memory_space<vmem>>, vector<16xi32>,
    tpu.vector_store %arg5[%swap3A_3253], %add3A_3252 {strides = array<i32>} : memref<384xi32, #tpu.memory_space<vmem>>, vector<16xi32>,
    %add3A_3255 = arith.constant 32 : i32
    %add3A_3256 = vector.broadcast %add3A_3255 : i32 to vector<16xi32>
    %add3A_3257 = arith.addi %add3A_3256, %iota3A : vector<16xi32>
    %mul3A_3258 = arith.constant 3 : i32
    %mul3A_3259 = arith.muli %add3A, %mul3A_3258 : i32
    %add3A_3260 = arith.constant 1 : i32
    %add3A_3261 = arith.addi %mul3A_3259, %add3A_3260 : i32
    %mul3A_3262 = arith.constant 2048 : i32
    %mul3A_3263 = arith.muli %add3A_3261, %mul3A_3262 : i32
    %shift_right_arithmetic3A_3264 = arith.constant 3 : i32
    %shift_right_arithmetic3A_3265 = vector.broadcast %shift_right_arithmetic3A_3264 : i32 to vector<16xi32>
    %shift_right_arithmetic3A_3266 = arith.shrsi %add3A_3257, %shift_right_arithmetic3A_3265 : vector<16xi32>
    %add3A_3267 = arith.constant 48 : i32
    %add3A_3268 = vector.broadcast %add3A_3267 : i32 to vector<16xi32>
    %add3A_3269 = arith.addi %add3A_3268, %shift_right_arithmetic3A_3266 : vector<16xi32>
    %mul3A_3270 = arith.constant 32 : i32
    %mul3A_3271 = vector.broadcast %mul3A_3270 : i32 to vector<16xi32>
    %mul3A_3272 = arith.muli %add3A_3269, %mul3A_3271 : vector<16xi32>
    %add3A_3273 = vector.broadcast %mul3A_3263 : i32 to vector<16xi32>
    %add3A_3274 = arith.addi %add3A_3273, %mul3A_3272 : vector<16xi32>
    %shift_right_arithmetic3A_3275 = arith.constant 1 : i32
    %shift_right_arithmetic3A_3276 = vector.broadcast %shift_right_arithmetic3A_3275 : i32 to vector<16xi32>
    %shift_right_arithmetic3A_3277 = arith.shrsi %add3A_3257, %shift_right_arithmetic3A_3276 : vector<16xi32>
    %and3A_3278 = arith.constant 3 : i32
    %and3A_3279 = vector.broadcast %and3A_3278 : i32 to vector<16xi32>
    %and3A_3280 = arith.andi %shift_right_arithmetic3A_3277, %and3A_3279 : vector<16xi32>
    %mul3A_3281 = arith.constant 8 : i32
    %mul3A_3282 = vector.broadcast %mul3A_3281 : i32 to vector<16xi32>
    %mul3A_3283 = arith.muli %and3A_3280, %mul3A_3282 : vector<16xi32>
    %add3A_3284 = arith.addi %add3A_3274, %mul3A_3283 : vector<16xi32>
    %and3A_3285 = arith.constant 1 : i32
    %and3A_3286 = vector.broadcast %and3A_3285 : i32 to vector<16xi32>
    %and3A_3287 = arith.andi %add3A_3257, %and3A_3286 : vector<16xi32>
    %mul3A_3288 = arith.constant 4 : i32
    %mul3A_3289 = vector.broadcast %mul3A_3288 : i32 to vector<16xi32>
    %mul3A_3290 = arith.muli %and3A_3287, %mul3A_3289 : vector<16xi32>
    %add3A_3291 = arith.addi %add3A_3284, %mul3A_3290 : vector<16xi32>
    %swap3A_3292 = arith.constant 160 : index
    %swap3A_3293 = tpu.vector_load %arg5[%swap3A_3292] {strides = array<i32>} : memref<384xi32, #tpu.memory_space<vmem>>, vector<16xi32>,
    tpu.vector_store %arg5[%swap3A_3292], %add3A_3291 {strides = array<i32>} : memref<384xi32, #tpu.memory_space<vmem>>, vector<16xi32>,
    %add3A_3294 = arith.constant 48 : i32
    %add3A_3295 = vector.broadcast %add3A_3294 : i32 to vector<16xi32>
    %add3A_3296 = arith.addi %add3A_3295, %iota3A : vector<16xi32>
    %mul3A_3297 = arith.constant 3 : i32
    %mul3A_3298 = arith.muli %add3A, %mul3A_3297 : i32
    %add3A_3299 = arith.constant 1 : i32
    %add3A_3300 = arith.addi %mul3A_3298, %add3A_3299 : i32
    %mul3A_3301 = arith.constant 2048 : i32
    %mul3A_3302 = arith.muli %add3A_3300, %mul3A_3301 : i32
    %shift_right_arithmetic3A_3303 = arith.constant 3 : i32
    %shift_right_arithmetic3A_3304 = vector.broadcast %shift_right_arithmetic3A_3303 : i32 to vector<16xi32>
    %shift_right_arithmetic3A_3305 = arith.shrsi %add3A_3296, %shift_right_arithmetic3A_3304 : vector<16xi32>
    %add3A_3306 = arith.constant 48 : i32
    %add3A_3307 = vector.broadcast %add3A_3306 : i32 to vector<16xi32>
    %add3A_3308 = arith.addi %add3A_3307, %shift_right_arithmetic3A_3305 : vector<16xi32>
    %mul3A_3309 = arith.constant 32 : i32
    %mul3A_3310 = vector.broadcast %mul3A_3309 : i32 to vector<16xi32>
    %mul3A_3311 = arith.muli %add3A_3308, %mul3A_3310 : vector<16xi32>
    %add3A_3312 = vector.broadcast %mul3A_3302 : i32 to vector<16xi32>
    %add3A_3313 = arith.addi %add3A_3312, %mul3A_3311 : vector<16xi32>
    %shift_right_arithmetic3A_3314 = arith.constant 1 : i32
    %shift_right_arithmetic3A_3315 = vector.broadcast %shift_right_arithmetic3A_3314 : i32 to vector<16xi32>
    %shift_right_arithmetic3A_3316 = arith.shrsi %add3A_3296, %shift_right_arithmetic3A_3315 : vector<16xi32>
    %and3A_3317 = arith.constant 3 : i32
    %and3A_3318 = vector.broadcast %and3A_3317 : i32 to vector<16xi32>
    %and3A_3319 = arith.andi %shift_right_arithmetic3A_3316, %and3A_3318 : vector<16xi32>
    %mul3A_3320 = arith.constant 8 : i32
    %mul3A_3321 = vector.broadcast %mul3A_3320 : i32 to vector<16xi32>
    %mul3A_3322 = arith.muli %and3A_3319, %mul3A_3321 : vector<16xi32>
    %add3A_3323 = arith.addi %add3A_3313, %mul3A_3322 : vector<16xi32>
    %and3A_3324 = arith.constant 1 : i32
    %and3A_3325 = vector.broadcast %and3A_3324 : i32 to vector<16xi32>
    %and3A_3326 = arith.andi %add3A_3296, %and3A_3325 : vector<16xi32>
    %mul3A_3327 = arith.constant 4 : i32
    %mul3A_3328 = vector.broadcast %mul3A_3327 : i32 to vector<16xi32>
    %mul3A_3329 = arith.muli %and3A_3326, %mul3A_3328 : vector<16xi32>
    %add3A_3330 = arith.addi %add3A_3323, %mul3A_3329 : vector<16xi32>
    %swap3A_3331 = arith.constant 176 : index
    %swap3A_3332 = tpu.vector_load %arg5[%swap3A_3331] {strides = array<i32>} : memref<384xi32, #tpu.memory_space<vmem>>, vector<16xi32>,
    tpu.vector_store %arg5[%swap3A_3331], %add3A_3330 {strides = array<i32>} : memref<384xi32, #tpu.memory_space<vmem>>, vector<16xi32>,
    %add3A_3333 = arith.constant 64 : i32
    %add3A_3334 = vector.broadcast %add3A_3333 : i32 to vector<16xi32>
    %add3A_3335 = arith.addi %add3A_3334, %iota3A : vector<16xi32>
    %mul3A_3336 = arith.constant 3 : i32
    %mul3A_3337 = arith.muli %add3A, %mul3A_3336 : i32
    %add3A_3338 = arith.constant 1 : i32
    %add3A_3339 = arith.addi %mul3A_3337, %add3A_3338 : i32
    %mul3A_3340 = arith.constant 2048 : i32
    %mul3A_3341 = arith.muli %add3A_3339, %mul3A_3340 : i32
    %shift_right_arithmetic3A_3342 = arith.constant 3 : i32
    %shift_right_arithmetic3A_3343 = vector.broadcast %shift_right_arithmetic3A_3342 : i32 to vector<16xi32>
    %shift_right_arithmetic3A_3344 = arith.shrsi %add3A_3335, %shift_right_arithmetic3A_3343 : vector<16xi32>
    %add3A_3345 = arith.constant 48 : i32
    %add3A_3346 = vector.broadcast %add3A_3345 : i32 to vector<16xi32>
    %add3A_3347 = arith.addi %add3A_3346, %shift_right_arithmetic3A_3344 : vector<16xi32>
    %mul3A_3348 = arith.constant 32 : i32
    %mul3A_3349 = vector.broadcast %mul3A_3348 : i32 to vector<16xi32>
    %mul3A_3350 = arith.muli %add3A_3347, %mul3A_3349 : vector<16xi32>
    %add3A_3351 = vector.broadcast %mul3A_3341 : i32 to vector<16xi32>
    %add3A_3352 = arith.addi %add3A_3351, %mul3A_3350 : vector<16xi32>
    %shift_right_arithmetic3A_3353 = arith.constant 1 : i32
    %shift_right_arithmetic3A_3354 = vector.broadcast %shift_right_arithmetic3A_3353 : i32 to vector<16xi32>
    %shift_right_arithmetic3A_3355 = arith.shrsi %add3A_3335, %shift_right_arithmetic3A_3354 : vector<16xi32>
    %and3A_3356 = arith.constant 3 : i32
    %and3A_3357 = vector.broadcast %and3A_3356 : i32 to vector<16xi32>
    %and3A_3358 = arith.andi %shift_right_arithmetic3A_3355, %and3A_3357 : vector<16xi32>
    %mul3A_3359 = arith.constant 8 : i32
    %mul3A_3360 = vector.broadcast %mul3A_3359 : i32 to vector<16xi32>
    %mul3A_3361 = arith.muli %and3A_3358, %mul3A_3360 : vector<16xi32>
    %add3A_3362 = arith.addi %add3A_3352, %mul3A_3361 : vector<16xi32>
    %and3A_3363 = arith.constant 1 : i32
    %and3A_3364 = vector.broadcast %and3A_3363 : i32 to vector<16xi32>
    %and3A_3365 = arith.andi %add3A_3335, %and3A_3364 : vector<16xi32>
    %mul3A_3366 = arith.constant 4 : i32
    %mul3A_3367 = vector.broadcast %mul3A_3366 : i32 to vector<16xi32>
    %mul3A_3368 = arith.muli %and3A_3365, %mul3A_3367 : vector<16xi32>
    %add3A_3369 = arith.addi %add3A_3362, %mul3A_3368 : vector<16xi32>
    %swap3A_3370 = arith.constant 192 : index
    %swap3A_3371 = tpu.vector_load %arg5[%swap3A_3370] {strides = array<i32>} : memref<384xi32, #tpu.memory_space<vmem>>, vector<16xi32>,
    tpu.vector_store %arg5[%swap3A_3370], %add3A_3369 {strides = array<i32>} : memref<384xi32, #tpu.memory_space<vmem>>, vector<16xi32>,
    %add3A_3372 = arith.constant 80 : i32
    %add3A_3373 = vector.broadcast %add3A_3372 : i32 to vector<16xi32>
    %add3A_3374 = arith.addi %add3A_3373, %iota3A : vector<16xi32>
    %mul3A_3375 = arith.constant 3 : i32
    %mul3A_3376 = arith.muli %add3A, %mul3A_3375 : i32
    %add3A_3377 = arith.constant 1 : i32
    %add3A_3378 = arith.addi %mul3A_3376, %add3A_3377 : i32
    %mul3A_3379 = arith.constant 2048 : i32
    %mul3A_3380 = arith.muli %add3A_3378, %mul3A_3379 : i32
    %shift_right_arithmetic3A_3381 = arith.constant 3 : i32
    %shift_right_arithmetic3A_3382 = vector.broadcast %shift_right_arithmetic3A_3381 : i32 to vector<16xi32>
    %shift_right_arithmetic3A_3383 = arith.shrsi %add3A_3374, %shift_right_arithmetic3A_3382 : vector<16xi32>
    %add3A_3384 = arith.constant 48 : i32
    %add3A_3385 = vector.broadcast %add3A_3384 : i32 to vector<16xi32>
    %add3A_3386 = arith.addi %add3A_3385, %shift_right_arithmetic3A_3383 : vector<16xi32>
    %mul3A_3387 = arith.constant 32 : i32
    %mul3A_3388 = vector.broadcast %mul3A_3387 : i32 to vector<16xi32>
    %mul3A_3389 = arith.muli %add3A_3386, %mul3A_3388 : vector<16xi32>
    %add3A_3390 = vector.broadcast %mul3A_3380 : i32 to vector<16xi32>
    %add3A_3391 = arith.addi %add3A_3390, %mul3A_3389 : vector<16xi32>
    %shift_right_arithmetic3A_3392 = arith.constant 1 : i32
    %shift_right_arithmetic3A_3393 = vector.broadcast %shift_right_arithmetic3A_3392 : i32 to vector<16xi32>
    %shift_right_arithmetic3A_3394 = arith.shrsi %add3A_3374, %shift_right_arithmetic3A_3393 : vector<16xi32>
    %and3A_3395 = arith.constant 3 : i32
    %and3A_3396 = vector.broadcast %and3A_3395 : i32 to vector<16xi32>
    %and3A_3397 = arith.andi %shift_right_arithmetic3A_3394, %and3A_3396 : vector<16xi32>
    %mul3A_3398 = arith.constant 8 : i32
    %mul3A_3399 = vector.broadcast %mul3A_3398 : i32 to vector<16xi32>
    %mul3A_3400 = arith.muli %and3A_3397, %mul3A_3399 : vector<16xi32>
    %add3A_3401 = arith.addi %add3A_3391, %mul3A_3400 : vector<16xi32>
    %and3A_3402 = arith.constant 1 : i32
    %and3A_3403 = vector.broadcast %and3A_3402 : i32 to vector<16xi32>
    %and3A_3404 = arith.andi %add3A_3374, %and3A_3403 : vector<16xi32>
    %mul3A_3405 = arith.constant 4 : i32
    %mul3A_3406 = vector.broadcast %mul3A_3405 : i32 to vector<16xi32>
    %mul3A_3407 = arith.muli %and3A_3404, %mul3A_3406 : vector<16xi32>
    %add3A_3408 = arith.addi %add3A_3401, %mul3A_3407 : vector<16xi32>
    %swap3A_3409 = arith.constant 208 : index
    %swap3A_3410 = tpu.vector_load %arg5[%swap3A_3409] {strides = array<i32>} : memref<384xi32, #tpu.memory_space<vmem>>, vector<16xi32>,
    tpu.vector_store %arg5[%swap3A_3409], %add3A_3408 {strides = array<i32>} : memref<384xi32, #tpu.memory_space<vmem>>, vector<16xi32>,
    %add3A_3411 = arith.constant 96 : i32
    %add3A_3412 = vector.broadcast %add3A_3411 : i32 to vector<16xi32>
    %add3A_3413 = arith.addi %add3A_3412, %iota3A : vector<16xi32>
    %mul3A_3414 = arith.constant 3 : i32
    %mul3A_3415 = arith.muli %add3A, %mul3A_3414 : i32
    %add3A_3416 = arith.constant 1 : i32
    %add3A_3417 = arith.addi %mul3A_3415, %add3A_3416 : i32
    %mul3A_3418 = arith.constant 2048 : i32
    %mul3A_3419 = arith.muli %add3A_3417, %mul3A_3418 : i32
    %shift_right_arithmetic3A_3420 = arith.constant 3 : i32
    %shift_right_arithmetic3A_3421 = vector.broadcast %shift_right_arithmetic3A_3420 : i32 to vector<16xi32>
    %shift_right_arithmetic3A_3422 = arith.shrsi %add3A_3413, %shift_right_arithmetic3A_3421 : vector<16xi32>
    %add3A_3423 = arith.constant 48 : i32
    %add3A_3424 = vector.broadcast %add3A_3423 : i32 to vector<16xi32>
    %add3A_3425 = arith.addi %add3A_3424, %shift_right_arithmetic3A_3422 : vector<16xi32>
    %mul3A_3426 = arith.constant 32 : i32
    %mul3A_3427 = vector.broadcast %mul3A_3426 : i32 to vector<16xi32>
    %mul3A_3428 = arith.muli %add3A_3425, %mul3A_3427 : vector<16xi32>
    %add3A_3429 = vector.broadcast %mul3A_3419 : i32 to vector<16xi32>
    %add3A_3430 = arith.addi %add3A_3429, %mul3A_3428 : vector<16xi32>
    %shift_right_arithmetic3A_3431 = arith.constant 1 : i32
    %shift_right_arithmetic3A_3432 = vector.broadcast %shift_right_arithmetic3A_3431 : i32 to vector<16xi32>
    %shift_right_arithmetic3A_3433 = arith.shrsi %add3A_3413, %shift_right_arithmetic3A_3432 : vector<16xi32>
    %and3A_3434 = arith.constant 3 : i32
    %and3A_3435 = vector.broadcast %and3A_3434 : i32 to vector<16xi32>
    %and3A_3436 = arith.andi %shift_right_arithmetic3A_3433, %and3A_3435 : vector<16xi32>
    %mul3A_3437 = arith.constant 8 : i32
    %mul3A_3438 = vector.broadcast %mul3A_3437 : i32 to vector<16xi32>
    %mul3A_3439 = arith.muli %and3A_3436, %mul3A_3438 : vector<16xi32>
    %add3A_3440 = arith.addi %add3A_3430, %mul3A_3439 : vector<16xi32>
    %and3A_3441 = arith.constant 1 : i32
    %and3A_3442 = vector.broadcast %and3A_3441 : i32 to vector<16xi32>
    %and3A_3443 = arith.andi %add3A_3413, %and3A_3442 : vector<16xi32>
    %mul3A_3444 = arith.constant 4 : i32
    %mul3A_3445 = vector.broadcast %mul3A_3444 : i32 to vector<16xi32>
    %mul3A_3446 = arith.muli %and3A_3443, %mul3A_3445 : vector<16xi32>
    %add3A_3447 = arith.addi %add3A_3440, %mul3A_3446 : vector<16xi32>
    %swap3A_3448 = arith.constant 224 : index
    %swap3A_3449 = tpu.vector_load %arg5[%swap3A_3448] {strides = array<i32>} : memref<384xi32, #tpu.memory_space<vmem>>, vector<16xi32>,
    tpu.vector_store %arg5[%swap3A_3448], %add3A_3447 {strides = array<i32>} : memref<384xi32, #tpu.memory_space<vmem>>, vector<16xi32>,
    %add3A_3450 = arith.constant 112 : i32
    %add3A_3451 = vector.broadcast %add3A_3450 : i32 to vector<16xi32>
    %add3A_3452 = arith.addi %add3A_3451, %iota3A : vector<16xi32>
    %mul3A_3453 = arith.constant 3 : i32
    %mul3A_3454 = arith.muli %add3A, %mul3A_3453 : i32
    %add3A_3455 = arith.constant 1 : i32
    %add3A_3456 = arith.addi %mul3A_3454, %add3A_3455 : i32
    %mul3A_3457 = arith.constant 2048 : i32
    %mul3A_3458 = arith.muli %add3A_3456, %mul3A_3457 : i32
    %shift_right_arithmetic3A_3459 = arith.constant 3 : i32
    %shift_right_arithmetic3A_3460 = vector.broadcast %shift_right_arithmetic3A_3459 : i32 to vector<16xi32>
    %shift_right_arithmetic3A_3461 = arith.shrsi %add3A_3452, %shift_right_arithmetic3A_3460 : vector<16xi32>
    %add3A_3462 = arith.constant 48 : i32
    %add3A_3463 = vector.broadcast %add3A_3462 : i32 to vector<16xi32>
    %add3A_3464 = arith.addi %add3A_3463, %shift_right_arithmetic3A_3461 : vector<16xi32>
    %mul3A_3465 = arith.constant 32 : i32
    %mul3A_3466 = vector.broadcast %mul3A_3465 : i32 to vector<16xi32>
    %mul3A_3467 = arith.muli %add3A_3464, %mul3A_3466 : vector<16xi32>
    %add3A_3468 = vector.broadcast %mul3A_3458 : i32 to vector<16xi32>
    %add3A_3469 = arith.addi %add3A_3468, %mul3A_3467 : vector<16xi32>
    %shift_right_arithmetic3A_3470 = arith.constant 1 : i32
    %shift_right_arithmetic3A_3471 = vector.broadcast %shift_right_arithmetic3A_3470 : i32 to vector<16xi32>
    %shift_right_arithmetic3A_3472 = arith.shrsi %add3A_3452, %shift_right_arithmetic3A_3471 : vector<16xi32>
    %and3A_3473 = arith.constant 3 : i32
    %and3A_3474 = vector.broadcast %and3A_3473 : i32 to vector<16xi32>
    %and3A_3475 = arith.andi %shift_right_arithmetic3A_3472, %and3A_3474 : vector<16xi32>
    %mul3A_3476 = arith.constant 8 : i32
    %mul3A_3477 = vector.broadcast %mul3A_3476 : i32 to vector<16xi32>
    %mul3A_3478 = arith.muli %and3A_3475, %mul3A_3477 : vector<16xi32>
    %add3A_3479 = arith.addi %add3A_3469, %mul3A_3478 : vector<16xi32>
    %and3A_3480 = arith.constant 1 : i32
    %and3A_3481 = vector.broadcast %and3A_3480 : i32 to vector<16xi32>
    %and3A_3482 = arith.andi %add3A_3452, %and3A_3481 : vector<16xi32>
    %mul3A_3483 = arith.constant 4 : i32
    %mul3A_3484 = vector.broadcast %mul3A_3483 : i32 to vector<16xi32>
    %mul3A_3485 = arith.muli %and3A_3482, %mul3A_3484 : vector<16xi32>
    %add3A_3486 = arith.addi %add3A_3479, %mul3A_3485 : vector<16xi32>
    %swap3A_3487 = arith.constant 240 : index
    %swap3A_3488 = tpu.vector_load %arg5[%swap3A_3487] {strides = array<i32>} : memref<384xi32, #tpu.memory_space<vmem>>, vector<16xi32>,
    tpu.vector_store %arg5[%swap3A_3487], %add3A_3486 {strides = array<i32>} : memref<384xi32, #tpu.memory_space<vmem>>, vector<16xi32>,
    %add3A_3489 = arith.constant 0 : i32
    %add3A_3490 = vector.broadcast %add3A_3489 : i32 to vector<16xi32>
    %add3A_3491 = arith.addi %add3A_3490, %iota3A : vector<16xi32>
    %mul3A_3492 = arith.constant 3 : i32
    %mul3A_3493 = arith.muli %add3A, %mul3A_3492 : i32
    %add3A_3494 = arith.constant 2 : i32
    %add3A_3495 = arith.addi %mul3A_3493, %add3A_3494 : i32
    %mul3A_3496 = arith.constant 2048 : i32
    %mul3A_3497 = arith.muli %add3A_3495, %mul3A_3496 : i32
    %shift_right_arithmetic3A_3498 = arith.constant 3 : i32
    %shift_right_arithmetic3A_3499 = vector.broadcast %shift_right_arithmetic3A_3498 : i32 to vector<16xi32>
    %shift_right_arithmetic3A_3500 = arith.shrsi %add3A_3491, %shift_right_arithmetic3A_3499 : vector<16xi32>
    %add3A_3501 = arith.constant 48 : i32
    %add3A_3502 = vector.broadcast %add3A_3501 : i32 to vector<16xi32>
    %add3A_3503 = arith.addi %add3A_3502, %shift_right_arithmetic3A_3500 : vector<16xi32>
    %mul3A_3504 = arith.constant 32 : i32
    %mul3A_3505 = vector.broadcast %mul3A_3504 : i32 to vector<16xi32>
    %mul3A_3506 = arith.muli %add3A_3503, %mul3A_3505 : vector<16xi32>
    %add3A_3507 = vector.broadcast %mul3A_3497 : i32 to vector<16xi32>
    %add3A_3508 = arith.addi %add3A_3507, %mul3A_3506 : vector<16xi32>
    %shift_right_arithmetic3A_3509 = arith.constant 1 : i32
    %shift_right_arithmetic3A_3510 = vector.broadcast %shift_right_arithmetic3A_3509 : i32 to vector<16xi32>
    %shift_right_arithmetic3A_3511 = arith.shrsi %add3A_3491, %shift_right_arithmetic3A_3510 : vector<16xi32>
    %and3A_3512 = arith.constant 3 : i32
    %and3A_3513 = vector.broadcast %and3A_3512 : i32 to vector<16xi32>
    %and3A_3514 = arith.andi %shift_right_arithmetic3A_3511, %and3A_3513 : vector<16xi32>
    %mul3A_3515 = arith.constant 8 : i32
    %mul3A_3516 = vector.broadcast %mul3A_3515 : i32 to vector<16xi32>
    %mul3A_3517 = arith.muli %and3A_3514, %mul3A_3516 : vector<16xi32>
    %add3A_3518 = arith.addi %add3A_3508, %mul3A_3517 : vector<16xi32>
    %and3A_3519 = arith.constant 1 : i32
    %and3A_3520 = vector.broadcast %and3A_3519 : i32 to vector<16xi32>
    %and3A_3521 = arith.andi %add3A_3491, %and3A_3520 : vector<16xi32>
    %mul3A_3522 = arith.constant 4 : i32
    %mul3A_3523 = vector.broadcast %mul3A_3522 : i32 to vector<16xi32>
    %mul3A_3524 = arith.muli %and3A_3521, %mul3A_3523 : vector<16xi32>
    %add3A_3525 = arith.addi %add3A_3518, %mul3A_3524 : vector<16xi32>
    %swap3A_3526 = arith.constant 256 : index
    %swap3A_3527 = tpu.vector_load %arg5[%swap3A_3526] {strides = array<i32>} : memref<384xi32, #tpu.memory_space<vmem>>, vector<16xi32>,
    tpu.vector_store %arg5[%swap3A_3526], %add3A_3525 {strides = array<i32>} : memref<384xi32, #tpu.memory_space<vmem>>, vector<16xi32>,
    %add3A_3528 = arith.constant 16 : i32
    %add3A_3529 = vector.broadcast %add3A_3528 : i32 to vector<16xi32>
    %add3A_3530 = arith.addi %add3A_3529, %iota3A : vector<16xi32>
    %mul3A_3531 = arith.constant 3 : i32
    %mul3A_3532 = arith.muli %add3A, %mul3A_3531 : i32
    %add3A_3533 = arith.constant 2 : i32
    %add3A_3534 = arith.addi %mul3A_3532, %add3A_3533 : i32
    %mul3A_3535 = arith.constant 2048 : i32
    %mul3A_3536 = arith.muli %add3A_3534, %mul3A_3535 : i32
    %shift_right_arithmetic3A_3537 = arith.constant 3 : i32
    %shift_right_arithmetic3A_3538 = vector.broadcast %shift_right_arithmetic3A_3537 : i32 to vector<16xi32>
    %shift_right_arithmetic3A_3539 = arith.shrsi %add3A_3530, %shift_right_arithmetic3A_3538 : vector<16xi32>
    %add3A_3540 = arith.constant 48 : i32
    %add3A_3541 = vector.broadcast %add3A_3540 : i32 to vector<16xi32>
    %add3A_3542 = arith.addi %add3A_3541, %shift_right_arithmetic3A_3539 : vector<16xi32>
    %mul3A_3543 = arith.constant 32 : i32
    %mul3A_3544 = vector.broadcast %mul3A_3543 : i32 to vector<16xi32>
    %mul3A_3545 = arith.muli %add3A_3542, %mul3A_3544 : vector<16xi32>
    %add3A_3546 = vector.broadcast %mul3A_3536 : i32 to vector<16xi32>
    %add3A_3547 = arith.addi %add3A_3546, %mul3A_3545 : vector<16xi32>
    %shift_right_arithmetic3A_3548 = arith.constant 1 : i32
    %shift_right_arithmetic3A_3549 = vector.broadcast %shift_right_arithmetic3A_3548 : i32 to vector<16xi32>
    %shift_right_arithmetic3A_3550 = arith.shrsi %add3A_3530, %shift_right_arithmetic3A_3549 : vector<16xi32>
    %and3A_3551 = arith.constant 3 : i32
    %and3A_3552 = vector.broadcast %and3A_3551 : i32 to vector<16xi32>
    %and3A_3553 = arith.andi %shift_right_arithmetic3A_3550, %and3A_3552 : vector<16xi32>
    %mul3A_3554 = arith.constant 8 : i32
    %mul3A_3555 = vector.broadcast %mul3A_3554 : i32 to vector<16xi32>
    %mul3A_3556 = arith.muli %and3A_3553, %mul3A_3555 : vector<16xi32>
    %add3A_3557 = arith.addi %add3A_3547, %mul3A_3556 : vector<16xi32>
    %and3A_3558 = arith.constant 1 : i32
    %and3A_3559 = vector.broadcast %and3A_3558 : i32 to vector<16xi32>
    %and3A_3560 = arith.andi %add3A_3530, %and3A_3559 : vector<16xi32>
    %mul3A_3561 = arith.constant 4 : i32
    %mul3A_3562 = vector.broadcast %mul3A_3561 : i32 to vector<16xi32>
    %mul3A_3563 = arith.muli %and3A_3560, %mul3A_3562 : vector<16xi32>
    %add3A_3564 = arith.addi %add3A_3557, %mul3A_3563 : vector<16xi32>
    %swap3A_3565 = arith.constant 272 : index
    %swap3A_3566 = tpu.vector_load %arg5[%swap3A_3565] {strides = array<i32>} : memref<384xi32, #tpu.memory_space<vmem>>, vector<16xi32>,
    tpu.vector_store %arg5[%swap3A_3565], %add3A_3564 {strides = array<i32>} : memref<384xi32, #tpu.memory_space<vmem>>, vector<16xi32>,
    %add3A_3567 = arith.constant 32 : i32
    %add3A_3568 = vector.broadcast %add3A_3567 : i32 to vector<16xi32>
    %add3A_3569 = arith.addi %add3A_3568, %iota3A : vector<16xi32>
    %mul3A_3570 = arith.constant 3 : i32
    %mul3A_3571 = arith.muli %add3A, %mul3A_3570 : i32
    %add3A_3572 = arith.constant 2 : i32
    %add3A_3573 = arith.addi %mul3A_3571, %add3A_3572 : i32
    %mul3A_3574 = arith.constant 2048 : i32
    %mul3A_3575 = arith.muli %add3A_3573, %mul3A_3574 : i32
    %shift_right_arithmetic3A_3576 = arith.constant 3 : i32
    %shift_right_arithmetic3A_3577 = vector.broadcast %shift_right_arithmetic3A_3576 : i32 to vector<16xi32>
    %shift_right_arithmetic3A_3578 = arith.shrsi %add3A_3569, %shift_right_arithmetic3A_3577 : vector<16xi32>
    %add3A_3579 = arith.constant 48 : i32
    %add3A_3580 = vector.broadcast %add3A_3579 : i32 to vector<16xi32>
    %add3A_3581 = arith.addi %add3A_3580, %shift_right_arithmetic3A_3578 : vector<16xi32>
    %mul3A_3582 = arith.constant 32 : i32
    %mul3A_3583 = vector.broadcast %mul3A_3582 : i32 to vector<16xi32>
    %mul3A_3584 = arith.muli %add3A_3581, %mul3A_3583 : vector<16xi32>
    %add3A_3585 = vector.broadcast %mul3A_3575 : i32 to vector<16xi32>
    %add3A_3586 = arith.addi %add3A_3585, %mul3A_3584 : vector<16xi32>
    %shift_right_arithmetic3A_3587 = arith.constant 1 : i32
    %shift_right_arithmetic3A_3588 = vector.broadcast %shift_right_arithmetic3A_3587 : i32 to vector<16xi32>
    %shift_right_arithmetic3A_3589 = arith.shrsi %add3A_3569, %shift_right_arithmetic3A_3588 : vector<16xi32>
    %and3A_3590 = arith.constant 3 : i32
    %and3A_3591 = vector.broadcast %and3A_3590 : i32 to vector<16xi32>
    %and3A_3592 = arith.andi %shift_right_arithmetic3A_3589, %and3A_3591 : vector<16xi32>
    %mul3A_3593 = arith.constant 8 : i32
    %mul3A_3594 = vector.broadcast %mul3A_3593 : i32 to vector<16xi32>
    %mul3A_3595 = arith.muli %and3A_3592, %mul3A_3594 : vector<16xi32>
    %add3A_3596 = arith.addi %add3A_3586, %mul3A_3595 : vector<16xi32>
    %and3A_3597 = arith.constant 1 : i32
    %and3A_3598 = vector.broadcast %and3A_3597 : i32 to vector<16xi32>
    %and3A_3599 = arith.andi %add3A_3569, %and3A_3598 : vector<16xi32>
    %mul3A_3600 = arith.constant 4 : i32
    %mul3A_3601 = vector.broadcast %mul3A_3600 : i32 to vector<16xi32>
    %mul3A_3602 = arith.muli %and3A_3599, %mul3A_3601 : vector<16xi32>
    %add3A_3603 = arith.addi %add3A_3596, %mul3A_3602 : vector<16xi32>
    %swap3A_3604 = arith.constant 288 : index
    %swap3A_3605 = tpu.vector_load %arg5[%swap3A_3604] {strides = array<i32>} : memref<384xi32, #tpu.memory_space<vmem>>, vector<16xi32>,
    tpu.vector_store %arg5[%swap3A_3604], %add3A_3603 {strides = array<i32>} : memref<384xi32, #tpu.memory_space<vmem>>, vector<16xi32>,
    %add3A_3606 = arith.constant 48 : i32
    %add3A_3607 = vector.broadcast %add3A_3606 : i32 to vector<16xi32>
    %add3A_3608 = arith.addi %add3A_3607, %iota3A : vector<16xi32>
    %mul3A_3609 = arith.constant 3 : i32
    %mul3A_3610 = arith.muli %add3A, %mul3A_3609 : i32
    %add3A_3611 = arith.constant 2 : i32
    %add3A_3612 = arith.addi %mul3A_3610, %add3A_3611 : i32
    %mul3A_3613 = arith.constant 2048 : i32
    %mul3A_3614 = arith.muli %add3A_3612, %mul3A_3613 : i32
    %shift_right_arithmetic3A_3615 = arith.constant 3 : i32
    %shift_right_arithmetic3A_3616 = vector.broadcast %shift_right_arithmetic3A_3615 : i32 to vector<16xi32>
    %shift_right_arithmetic3A_3617 = arith.shrsi %add3A_3608, %shift_right_arithmetic3A_3616 : vector<16xi32>
    %add3A_3618 = arith.constant 48 : i32
    %add3A_3619 = vector.broadcast %add3A_3618 : i32 to vector<16xi32>
    %add3A_3620 = arith.addi %add3A_3619, %shift_right_arithmetic3A_3617 : vector<16xi32>
    %mul3A_3621 = arith.constant 32 : i32
    %mul3A_3622 = vector.broadcast %mul3A_3621 : i32 to vector<16xi32>
    %mul3A_3623 = arith.muli %add3A_3620, %mul3A_3622 : vector<16xi32>
    %add3A_3624 = vector.broadcast %mul3A_3614 : i32 to vector<16xi32>
    %add3A_3625 = arith.addi %add3A_3624, %mul3A_3623 : vector<16xi32>
    %shift_right_arithmetic3A_3626 = arith.constant 1 : i32
    %shift_right_arithmetic3A_3627 = vector.broadcast %shift_right_arithmetic3A_3626 : i32 to vector<16xi32>
    %shift_right_arithmetic3A_3628 = arith.shrsi %add3A_3608, %shift_right_arithmetic3A_3627 : vector<16xi32>
    %and3A_3629 = arith.constant 3 : i32
    %and3A_3630 = vector.broadcast %and3A_3629 : i32 to vector<16xi32>
    %and3A_3631 = arith.andi %shift_right_arithmetic3A_3628, %and3A_3630 : vector<16xi32>
    %mul3A_3632 = arith.constant 8 : i32
    %mul3A_3633 = vector.broadcast %mul3A_3632 : i32 to vector<16xi32>
    %mul3A_3634 = arith.muli %and3A_3631, %mul3A_3633 : vector<16xi32>
    %add3A_3635 = arith.addi %add3A_3625, %mul3A_3634 : vector<16xi32>
    %and3A_3636 = arith.constant 1 : i32
    %and3A_3637 = vector.broadcast %and3A_3636 : i32 to vector<16xi32>
    %and3A_3638 = arith.andi %add3A_3608, %and3A_3637 : vector<16xi32>
    %mul3A_3639 = arith.constant 4 : i32
    %mul3A_3640 = vector.broadcast %mul3A_3639 : i32 to vector<16xi32>
    %mul3A_3641 = arith.muli %and3A_3638, %mul3A_3640 : vector<16xi32>
    %add3A_3642 = arith.addi %add3A_3635, %mul3A_3641 : vector<16xi32>
    %swap3A_3643 = arith.constant 304 : index
    %swap3A_3644 = tpu.vector_load %arg5[%swap3A_3643] {strides = array<i32>} : memref<384xi32, #tpu.memory_space<vmem>>, vector<16xi32>,
    tpu.vector_store %arg5[%swap3A_3643], %add3A_3642 {strides = array<i32>} : memref<384xi32, #tpu.memory_space<vmem>>, vector<16xi32>,
    %add3A_3645 = arith.constant 64 : i32
    %add3A_3646 = vector.broadcast %add3A_3645 : i32 to vector<16xi32>
    %add3A_3647 = arith.addi %add3A_3646, %iota3A : vector<16xi32>
    %mul3A_3648 = arith.constant 3 : i32
    %mul3A_3649 = arith.muli %add3A, %mul3A_3648 : i32
    %add3A_3650 = arith.constant 2 : i32
    %add3A_3651 = arith.addi %mul3A_3649, %add3A_3650 : i32
    %mul3A_3652 = arith.constant 2048 : i32
    %mul3A_3653 = arith.muli %add3A_3651, %mul3A_3652 : i32
    %shift_right_arithmetic3A_3654 = arith.constant 3 : i32
    %shift_right_arithmetic3A_3655 = vector.broadcast %shift_right_arithmetic3A_3654 : i32 to vector<16xi32>
    %shift_right_arithmetic3A_3656 = arith.shrsi %add3A_3647, %shift_right_arithmetic3A_3655 : vector<16xi32>
    %add3A_3657 = arith.constant 48 : i32
    %add3A_3658 = vector.broadcast %add3A_3657 : i32 to vector<16xi32>
    %add3A_3659 = arith.addi %add3A_3658, %shift_right_arithmetic3A_3656 : vector<16xi32>
    %mul3A_3660 = arith.constant 32 : i32
    %mul3A_3661 = vector.broadcast %mul3A_3660 : i32 to vector<16xi32>
    %mul3A_3662 = arith.muli %add3A_3659, %mul3A_3661 : vector<16xi32>
    %add3A_3663 = vector.broadcast %mul3A_3653 : i32 to vector<16xi32>
    %add3A_3664 = arith.addi %add3A_3663, %mul3A_3662 : vector<16xi32>
    %shift_right_arithmetic3A_3665 = arith.constant 1 : i32
    %shift_right_arithmetic3A_3666 = vector.broadcast %shift_right_arithmetic3A_3665 : i32 to vector<16xi32>
    %shift_right_arithmetic3A_3667 = arith.shrsi %add3A_3647, %shift_right_arithmetic3A_3666 : vector<16xi32>
    %and3A_3668 = arith.constant 3 : i32
    %and3A_3669 = vector.broadcast %and3A_3668 : i32 to vector<16xi32>
    %and3A_3670 = arith.andi %shift_right_arithmetic3A_3667, %and3A_3669 : vector<16xi32>
    %mul3A_3671 = arith.constant 8 : i32
    %mul3A_3672 = vector.broadcast %mul3A_3671 : i32 to vector<16xi32>
    %mul3A_3673 = arith.muli %and3A_3670, %mul3A_3672 : vector<16xi32>
    %add3A_3674 = arith.addi %add3A_3664, %mul3A_3673 : vector<16xi32>
    %and3A_3675 = arith.constant 1 : i32
    %and3A_3676 = vector.broadcast %and3A_3675 : i32 to vector<16xi32>
    %and3A_3677 = arith.andi %add3A_3647, %and3A_3676 : vector<16xi32>
    %mul3A_3678 = arith.constant 4 : i32
    %mul3A_3679 = vector.broadcast %mul3A_3678 : i32 to vector<16xi32>
    %mul3A_3680 = arith.muli %and3A_3677, %mul3A_3679 : vector<16xi32>
    %add3A_3681 = arith.addi %add3A_3674, %mul3A_3680 : vector<16xi32>
    %swap3A_3682 = arith.constant 320 : index
    %swap3A_3683 = tpu.vector_load %arg5[%swap3A_3682] {strides = array<i32>} : memref<384xi32, #tpu.memory_space<vmem>>, vector<16xi32>,
    tpu.vector_store %arg5[%swap3A_3682], %add3A_3681 {strides = array<i32>} : memref<384xi32, #tpu.memory_space<vmem>>, vector<16xi32>,
    %add3A_3684 = arith.constant 80 : i32
    %add3A_3685 = vector.broadcast %add3A_3684 : i32 to vector<16xi32>
    %add3A_3686 = arith.addi %add3A_3685, %iota3A : vector<16xi32>
    %mul3A_3687 = arith.constant 3 : i32
    %mul3A_3688 = arith.muli %add3A, %mul3A_3687 : i32
    %add3A_3689 = arith.constant 2 : i32
    %add3A_3690 = arith.addi %mul3A_3688, %add3A_3689 : i32
    %mul3A_3691 = arith.constant 2048 : i32
    %mul3A_3692 = arith.muli %add3A_3690, %mul3A_3691 : i32
    %shift_right_arithmetic3A_3693 = arith.constant 3 : i32
    %shift_right_arithmetic3A_3694 = vector.broadcast %shift_right_arithmetic3A_3693 : i32 to vector<16xi32>
    %shift_right_arithmetic3A_3695 = arith.shrsi %add3A_3686, %shift_right_arithmetic3A_3694 : vector<16xi32>
    %add3A_3696 = arith.constant 48 : i32
    %add3A_3697 = vector.broadcast %add3A_3696 : i32 to vector<16xi32>
    %add3A_3698 = arith.addi %add3A_3697, %shift_right_arithmetic3A_3695 : vector<16xi32>
    %mul3A_3699 = arith.constant 32 : i32
    %mul3A_3700 = vector.broadcast %mul3A_3699 : i32 to vector<16xi32>
    %mul3A_3701 = arith.muli %add3A_3698, %mul3A_3700 : vector<16xi32>
    %add3A_3702 = vector.broadcast %mul3A_3692 : i32 to vector<16xi32>
    %add3A_3703 = arith.addi %add3A_3702, %mul3A_3701 : vector<16xi32>
    %shift_right_arithmetic3A_3704 = arith.constant 1 : i32
    %shift_right_arithmetic3A_3705 = vector.broadcast %shift_right_arithmetic3A_3704 : i32 to vector<16xi32>
    %shift_right_arithmetic3A_3706 = arith.shrsi %add3A_3686, %shift_right_arithmetic3A_3705 : vector<16xi32>
    %and3A_3707 = arith.constant 3 : i32
    %and3A_3708 = vector.broadcast %and3A_3707 : i32 to vector<16xi32>
    %and3A_3709 = arith.andi %shift_right_arithmetic3A_3706, %and3A_3708 : vector<16xi32>
    %mul3A_3710 = arith.constant 8 : i32
    %mul3A_3711 = vector.broadcast %mul3A_3710 : i32 to vector<16xi32>
    %mul3A_3712 = arith.muli %and3A_3709, %mul3A_3711 : vector<16xi32>
    %add3A_3713 = arith.addi %add3A_3703, %mul3A_3712 : vector<16xi32>
    %and3A_3714 = arith.constant 1 : i32
    %and3A_3715 = vector.broadcast %and3A_3714 : i32 to vector<16xi32>
    %and3A_3716 = arith.andi %add3A_3686, %and3A_3715 : vector<16xi32>
    %mul3A_3717 = arith.constant 4 : i32
    %mul3A_3718 = vector.broadcast %mul3A_3717 : i32 to vector<16xi32>
    %mul3A_3719 = arith.muli %and3A_3716, %mul3A_3718 : vector<16xi32>
    %add3A_3720 = arith.addi %add3A_3713, %mul3A_3719 : vector<16xi32>
    %swap3A_3721 = arith.constant 336 : index
    %swap3A_3722 = tpu.vector_load %arg5[%swap3A_3721] {strides = array<i32>} : memref<384xi32, #tpu.memory_space<vmem>>, vector<16xi32>,
    tpu.vector_store %arg5[%swap3A_3721], %add3A_3720 {strides = array<i32>} : memref<384xi32, #tpu.memory_space<vmem>>, vector<16xi32>,
    %add3A_3723 = arith.constant 96 : i32
    %add3A_3724 = vector.broadcast %add3A_3723 : i32 to vector<16xi32>
    %add3A_3725 = arith.addi %add3A_3724, %iota3A : vector<16xi32>
    %mul3A_3726 = arith.constant 3 : i32
    %mul3A_3727 = arith.muli %add3A, %mul3A_3726 : i32
    %add3A_3728 = arith.constant 2 : i32
    %add3A_3729 = arith.addi %mul3A_3727, %add3A_3728 : i32
    %mul3A_3730 = arith.constant 2048 : i32
    %mul3A_3731 = arith.muli %add3A_3729, %mul3A_3730 : i32
    %shift_right_arithmetic3A_3732 = arith.constant 3 : i32
    %shift_right_arithmetic3A_3733 = vector.broadcast %shift_right_arithmetic3A_3732 : i32 to vector<16xi32>
    %shift_right_arithmetic3A_3734 = arith.shrsi %add3A_3725, %shift_right_arithmetic3A_3733 : vector<16xi32>
    %add3A_3735 = arith.constant 48 : i32
    %add3A_3736 = vector.broadcast %add3A_3735 : i32 to vector<16xi32>
    %add3A_3737 = arith.addi %add3A_3736, %shift_right_arithmetic3A_3734 : vector<16xi32>
    %mul3A_3738 = arith.constant 32 : i32
    %mul3A_3739 = vector.broadcast %mul3A_3738 : i32 to vector<16xi32>
    %mul3A_3740 = arith.muli %add3A_3737, %mul3A_3739 : vector<16xi32>
    %add3A_3741 = vector.broadcast %mul3A_3731 : i32 to vector<16xi32>
    %add3A_3742 = arith.addi %add3A_3741, %mul3A_3740 : vector<16xi32>
    %shift_right_arithmetic3A_3743 = arith.constant 1 : i32
    %shift_right_arithmetic3A_3744 = vector.broadcast %shift_right_arithmetic3A_3743 : i32 to vector<16xi32>
    %shift_right_arithmetic3A_3745 = arith.shrsi %add3A_3725, %shift_right_arithmetic3A_3744 : vector<16xi32>
    %and3A_3746 = arith.constant 3 : i32
    %and3A_3747 = vector.broadcast %and3A_3746 : i32 to vector<16xi32>
    %and3A_3748 = arith.andi %shift_right_arithmetic3A_3745, %and3A_3747 : vector<16xi32>
    %mul3A_3749 = arith.constant 8 : i32
    %mul3A_3750 = vector.broadcast %mul3A_3749 : i32 to vector<16xi32>
    %mul3A_3751 = arith.muli %and3A_3748, %mul3A_3750 : vector<16xi32>
    %add3A_3752 = arith.addi %add3A_3742, %mul3A_3751 : vector<16xi32>
    %and3A_3753 = arith.constant 1 : i32
    %and3A_3754 = vector.broadcast %and3A_3753 : i32 to vector<16xi32>
    %and3A_3755 = arith.andi %add3A_3725, %and3A_3754 : vector<16xi32>
    %mul3A_3756 = arith.constant 4 : i32
    %mul3A_3757 = vector.broadcast %mul3A_3756 : i32 to vector<16xi32>
    %mul3A_3758 = arith.muli %and3A_3755, %mul3A_3757 : vector<16xi32>
    %add3A_3759 = arith.addi %add3A_3752, %mul3A_3758 : vector<16xi32>
    %swap3A_3760 = arith.constant 352 : index
    %swap3A_3761 = tpu.vector_load %arg5[%swap3A_3760] {strides = array<i32>} : memref<384xi32, #tpu.memory_space<vmem>>, vector<16xi32>,
    tpu.vector_store %arg5[%swap3A_3760], %add3A_3759 {strides = array<i32>} : memref<384xi32, #tpu.memory_space<vmem>>, vector<16xi32>,
    %add3A_3762 = arith.constant 112 : i32
    %add3A_3763 = vector.broadcast %add3A_3762 : i32 to vector<16xi32>
    %add3A_3764 = arith.addi %add3A_3763, %iota3A : vector<16xi32>
    %mul3A_3765 = arith.constant 3 : i32
    %mul3A_3766 = arith.muli %add3A, %mul3A_3765 : i32
    %add3A_3767 = arith.constant 2 : i32
    %add3A_3768 = arith.addi %mul3A_3766, %add3A_3767 : i32
    %mul3A_3769 = arith.constant 2048 : i32
    %mul3A_3770 = arith.muli %add3A_3768, %mul3A_3769 : i32
    %shift_right_arithmetic3A_3771 = arith.constant 3 : i32
    %shift_right_arithmetic3A_3772 = vector.broadcast %shift_right_arithmetic3A_3771 : i32 to vector<16xi32>
    %shift_right_arithmetic3A_3773 = arith.shrsi %add3A_3764, %shift_right_arithmetic3A_3772 : vector<16xi32>
    %add3A_3774 = arith.constant 48 : i32
    %add3A_3775 = vector.broadcast %add3A_3774 : i32 to vector<16xi32>
    %add3A_3776 = arith.addi %add3A_3775, %shift_right_arithmetic3A_3773 : vector<16xi32>
    %mul3A_3777 = arith.constant 32 : i32
    %mul3A_3778 = vector.broadcast %mul3A_3777 : i32 to vector<16xi32>
    %mul3A_3779 = arith.muli %add3A_3776, %mul3A_3778 : vector<16xi32>
    %add3A_3780 = vector.broadcast %mul3A_3770 : i32 to vector<16xi32>
    %add3A_3781 = arith.addi %add3A_3780, %mul3A_3779 : vector<16xi32>
    %shift_right_arithmetic3A_3782 = arith.constant 1 : i32
    %shift_right_arithmetic3A_3783 = vector.broadcast %shift_right_arithmetic3A_3782 : i32 to vector<16xi32>
    %shift_right_arithmetic3A_3784 = arith.shrsi %add3A_3764, %shift_right_arithmetic3A_3783 : vector<16xi32>
    %and3A_3785 = arith.constant 3 : i32
    %and3A_3786 = vector.broadcast %and3A_3785 : i32 to vector<16xi32>
    %and3A_3787 = arith.andi %shift_right_arithmetic3A_3784, %and3A_3786 : vector<16xi32>
    %mul3A_3788 = arith.constant 8 : i32
    %mul3A_3789 = vector.broadcast %mul3A_3788 : i32 to vector<16xi32>
    %mul3A_3790 = arith.muli %and3A_3787, %mul3A_3789 : vector<16xi32>
    %add3A_3791 = arith.addi %add3A_3781, %mul3A_3790 : vector<16xi32>
    %and3A_3792 = arith.constant 1 : i32
    %and3A_3793 = vector.broadcast %and3A_3792 : i32 to vector<16xi32>
    %and3A_3794 = arith.andi %add3A_3764, %and3A_3793 : vector<16xi32>
    %mul3A_3795 = arith.constant 4 : i32
    %mul3A_3796 = vector.broadcast %mul3A_3795 : i32 to vector<16xi32>
    %mul3A_3797 = arith.muli %and3A_3794, %mul3A_3796 : vector<16xi32>
    %add3A_3798 = arith.addi %add3A_3791, %mul3A_3797 : vector<16xi32>
    %swap3A_3799 = arith.constant 368 : index
    %swap3A_3800 = tpu.vector_load %arg5[%swap3A_3799] {strides = array<i32>} : memref<384xi32, #tpu.memory_space<vmem>>, vector<16xi32>,
    tpu.vector_store %arg5[%swap3A_3799], %add3A_3798 {strides = array<i32>} : memref<384xi32, #tpu.memory_space<vmem>>, vector<16xi32>,
    %dma_start3A_3801 = arith.constant 0 : i32
    %dma_start3A_3802 = arith.constant 0 : i32
    %dma_start3A_3803 = tpu.memref_slice %arg2[%dma_start3A_3801, %dma_start3A_3802] : memref<196608x128xf32, #tpu.memory_space<hbm>> -> memref<196608x128xf32, #tpu.memory_space<hbm>>
    tpu.enqueue_indirect_dma source(%dma_start3A_3803 : memref<196608x128xf32, #tpu.memory_space<hbm>>) target(%arg7 : memref<384x128xf32, #tpu.memory_space<vmem>>) offsets(%arg5 : memref<384xi32, #tpu.memory_space<vmem>>) semaphore(%arg10 : memref<!tpu.dma_semaphore, #tpu.memory_space<semaphore_mem>>)
    %dma_wait3A_3804 = arith.constant 0 : i32
    %dma_wait3A_3805 = arith.constant 0 : i32
    %dma_wait3A_3806 = tpu.memref_slice %arg2[%dma_wait3A_3804, %dma_wait3A_3805] : memref<196608x128xf32, #tpu.memory_space<hbm>> -> memref<196608x128xf32, #tpu.memory_space<hbm>>
    tpu.wait_indirect_dma semaphore(%arg9 : memref<!tpu.dma_semaphore, #tpu.memory_space<semaphore_mem>>) src(%dma_wait3A_3806 : memref<196608x128xf32, #tpu.memory_space<hbm>>) dst(%arg6 : memref<384x128xf32, #tpu.memory_space<vmem>>)
    %scan3A_3807 = arith.constant 0 : i32
    %scan3A_3808 = arith.constant 0 : i32
    %scan3A_3809 = arith.constant 64 : i32
    %scan3A_3810 = arith.addi %scan3A_3808, %scan3A_3809 : i32
    %scan3A_3811 = arith.constant 1 : i32
    scf.for %scan3A_3822 = %scan3A_3808 to %scan3A_3810 step %scan3A_3811  : i32 {
      %broadcast_in_dim3A_3823 = arith.constant 0 : i32
      %broadcast_in_dim3A_3824 = vector.broadcast %broadcast_in_dim3A_3823 : i32 to vector<16xi32>
      %mul3A_3825 = arith.constant 2 : i32
      %mul3A_3826 = arith.muli %scan3A_3822, %mul3A_3825 : i32
      %add3A_3827 = arith.constant 0 : i32
      %add3A_3828 = arith.addi %mul3A_3826, %add3A_3827 : i32
      %add3A_3829 = vector.broadcast %add3A_3828 : i32 to vector<16xi32>
      %add3A_3830 = arith.addi %broadcast_in_dim3A_3824, %add3A_3829 : vector<16xi32>
      %add3A_3831 = arith.constant 0 : i32
      %add3A_3832 = vector.broadcast %add3A_3831 : i32 to vector<16xi32>
      %add3A_3833 = arith.addi %add3A_3832, %iota3A : vector<16xi32>
      %mul3A_3834 = arith.constant 4 : i32
      %mul3A_3835 = vector.broadcast %mul3A_3834 : i32 to vector<16xi32>
      %mul3A_3836 = arith.muli %add3A_3833, %mul3A_3835 : vector<16xi32>
      %gather3A = tpu.vector_load_idx %arg6[%add3A_3830, %mul3A_3836] : memref<384x128xf32, #tpu.memory_space<vmem>>[vector<16xi32>, vector<16xi32>], vector<16xf32>,
      %add3A_3837 = arith.constant 128 : i32
      %add3A_3838 = vector.broadcast %add3A_3837 : i32 to vector<16xi32>
      %add3A_3839 = arith.addi %add3A_3830, %add3A_3838 : vector<16xi32>
      %gather3A_3840 = tpu.vector_load_idx %arg6[%add3A_3839, %mul3A_3836] : memref<384x128xf32, #tpu.memory_space<vmem>>[vector<16xi32>, vector<16xi32>], vector<16xf32>,
      %add3A_3841 = arith.addf %gather3A, %gather3A_3840 : vector<16xf32>
      %add3A_3842 = arith.constant 256 : i32
      %add3A_3843 = vector.broadcast %add3A_3842 : i32 to vector<16xi32>
      %add3A_3844 = arith.addi %add3A_3830, %add3A_3843 : vector<16xi32>
      %gather3A_3845 = tpu.vector_load_idx %arg6[%add3A_3844, %mul3A_3836] : memref<384x128xf32, #tpu.memory_space<vmem>>[vector<16xi32>, vector<16xi32>], vector<16xf32>,
      %add3A_3846 = arith.addf %add3A_3841, %gather3A_3845 : vector<16xf32>
      %mul3A_3847 = arith.constant 8.500000e+01 : f32
      %mul3A_3848 = vector.broadcast %mul3A_3847 : f32 to vector<16xf32>
      %mul3A_3849 = arith.mulf %add3A_3846, %mul3A_3848 : vector<16xf32>
      %convert_element_type3A = arith.fptosi %mul3A_3849 : vector<16xf32> to vector<16xi32>
      %max3A = arith.constant 0 : i32
      %max3A_3850 = vector.broadcast %max3A : i32 to vector<16xi32>
      %max3A_3851 = arith.maxsi %convert_element_type3A, %max3A_3850 : vector<16xi32>
      %min3A = arith.constant 254 : i32
      %min3A_3852 = vector.broadcast %min3A : i32 to vector<16xi32>
      %min3A_3853 = arith.minsi %max3A_3851, %min3A_3852 : vector<16xi32>
      tpu.vector_store_idx %arg8[%min3A_3853], %broadcast_in_dim3A_1 {add = true} : memref<256xf32, #tpu.memory_space<vmem>>[vector<16xi32>], vector<16xf32>,
      %add3A_3854 = arith.constant 16 : i32
      %add3A_3855 = vector.broadcast %add3A_3854 : i32 to vector<16xi32>
      %add3A_3856 = arith.addi %add3A_3855, %iota3A : vector<16xi32>
      %mul3A_3857 = arith.constant 4 : i32
      %mul3A_3858 = vector.broadcast %mul3A_3857 : i32 to vector<16xi32>
      %mul3A_3859 = arith.muli %add3A_3856, %mul3A_3858 : vector<16xi32>
      %gather3A_3860 = tpu.vector_load_idx %arg6[%add3A_3830, %mul3A_3859] : memref<384x128xf32, #tpu.memory_space<vmem>>[vector<16xi32>, vector<16xi32>], vector<16xf32>,
      %add3A_3861 = arith.constant 128 : i32
      %add3A_3862 = vector.broadcast %add3A_3861 : i32 to vector<16xi32>
      %add3A_3863 = arith.addi %add3A_3830, %add3A_3862 : vector<16xi32>
      %gather3A_3864 = tpu.vector_load_idx %arg6[%add3A_3863, %mul3A_3859] : memref<384x128xf32, #tpu.memory_space<vmem>>[vector<16xi32>, vector<16xi32>], vector<16xf32>,
      %add3A_3865 = arith.addf %gather3A_3860, %gather3A_3864 : vector<16xf32>
      %add3A_3866 = arith.constant 256 : i32
      %add3A_3867 = vector.broadcast %add3A_3866 : i32 to vector<16xi32>
      %add3A_3868 = arith.addi %add3A_3830, %add3A_3867 : vector<16xi32>
      %gather3A_3869 = tpu.vector_load_idx %arg6[%add3A_3868, %mul3A_3859] : memref<384x128xf32, #tpu.memory_space<vmem>>[vector<16xi32>, vector<16xi32>], vector<16xf32>,
      %add3A_3870 = arith.addf %add3A_3865, %gather3A_3869 : vector<16xf32>
      %mul3A_3871 = arith.constant 8.500000e+01 : f32
      %mul3A_3872 = vector.broadcast %mul3A_3871 : f32 to vector<16xf32>
      %mul3A_3873 = arith.mulf %add3A_3870, %mul3A_3872 : vector<16xf32>
      %convert_element_type3A_3874 = arith.fptosi %mul3A_3873 : vector<16xf32> to vector<16xi32>
      %max3A_3875 = arith.constant 0 : i32
      %max3A_3876 = vector.broadcast %max3A_3875 : i32 to vector<16xi32>
      %max3A_3877 = arith.maxsi %convert_element_type3A_3874, %max3A_3876 : vector<16xi32>
      %min3A_3878 = arith.constant 254 : i32
      %min3A_3879 = vector.broadcast %min3A_3878 : i32 to vector<16xi32>
      %min3A_3880 = arith.minsi %max3A_3877, %min3A_3879 : vector<16xi32>
      tpu.vector_store_idx %arg8[%min3A_3880], %broadcast_in_dim3A_1 {add = true} : memref<256xf32, #tpu.memory_space<vmem>>[vector<16xi32>], vector<16xf32>,
      %broadcast_in_dim3A_3881 = arith.constant 0 : i32
      %broadcast_in_dim3A_3882 = vector.broadcast %broadcast_in_dim3A_3881 : i32 to vector<16xi32>
      %mul3A_3883 = arith.constant 2 : i32
      %mul3A_3884 = arith.muli %scan3A_3822, %mul3A_3883 : i32
      %add3A_3885 = arith.constant 1 : i32
      %add3A_3886 = arith.addi %mul3A_3884, %add3A_3885 : i32
      %add3A_3887 = vector.broadcast %add3A_3886 : i32 to vector<16xi32>
      %add3A_3888 = arith.addi %broadcast_in_dim3A_3882, %add3A_3887 : vector<16xi32>
      %add3A_3889 = arith.constant 0 : i32
      %add3A_3890 = vector.broadcast %add3A_3889 : i32 to vector<16xi32>
      %add3A_3891 = arith.addi %add3A_3890, %iota3A : vector<16xi32>
      %mul3A_3892 = arith.constant 4 : i32
      %mul3A_3893 = vector.broadcast %mul3A_3892 : i32 to vector<16xi32>
      %mul3A_3894 = arith.muli %add3A_3891, %mul3A_3893 : vector<16xi32>
      %gather3A_3895 = tpu.vector_load_idx %arg6[%add3A_3888, %mul3A_3894] : memref<384x128xf32, #tpu.memory_space<vmem>>[vector<16xi32>, vector<16xi32>], vector<16xf32>,
      %add3A_3896 = arith.constant 128 : i32
      %add3A_3897 = vector.broadcast %add3A_3896 : i32 to vector<16xi32>
      %add3A_3898 = arith.addi %add3A_3888, %add3A_3897 : vector<16xi32>
      %gather3A_3899 = tpu.vector_load_idx %arg6[%add3A_3898, %mul3A_3894] : memref<384x128xf32, #tpu.memory_space<vmem>>[vector<16xi32>, vector<16xi32>], vector<16xf32>,
      %add3A_3900 = arith.addf %gather3A_3895, %gather3A_3899 : vector<16xf32>
      %add3A_3901 = arith.constant 256 : i32
      %add3A_3902 = vector.broadcast %add3A_3901 : i32 to vector<16xi32>
      %add3A_3903 = arith.addi %add3A_3888, %add3A_3902 : vector<16xi32>
      %gather3A_3904 = tpu.vector_load_idx %arg6[%add3A_3903, %mul3A_3894] : memref<384x128xf32, #tpu.memory_space<vmem>>[vector<16xi32>, vector<16xi32>], vector<16xf32>,
      %add3A_3905 = arith.addf %add3A_3900, %gather3A_3904 : vector<16xf32>
      %mul3A_3906 = arith.constant 8.500000e+01 : f32
      %mul3A_3907 = vector.broadcast %mul3A_3906 : f32 to vector<16xf32>
      %mul3A_3908 = arith.mulf %add3A_3905, %mul3A_3907 : vector<16xf32>
      %convert_element_type3A_3909 = arith.fptosi %mul3A_3908 : vector<16xf32> to vector<16xi32>
      %max3A_3910 = arith.constant 0 : i32
      %max3A_3911 = vector.broadcast %max3A_3910 : i32 to vector<16xi32>
      %max3A_3912 = arith.maxsi %convert_element_type3A_3909, %max3A_3911 : vector<16xi32>
      %min3A_3913 = arith.constant 254 : i32
      %min3A_3914 = vector.broadcast %min3A_3913 : i32 to vector<16xi32>
      %min3A_3915 = arith.minsi %max3A_3912, %min3A_3914 : vector<16xi32>
      tpu.vector_store_idx %arg8[%min3A_3915], %broadcast_in_dim3A_1 {add = true} : memref<256xf32, #tpu.memory_space<vmem>>[vector<16xi32>], vector<16xf32>,
      %add3A_3916 = arith.constant 16 : i32
      %add3A_3917 = vector.broadcast %add3A_3916 : i32 to vector<16xi32>
      %add3A_3918 = arith.addi %add3A_3917, %iota3A : vector<16xi32>
      %mul3A_3919 = arith.constant 4 : i32
      %mul3A_3920 = vector.broadcast %mul3A_3919 : i32 to vector<16xi32>
      %mul3A_3921 = arith.muli %add3A_3918, %mul3A_3920 : vector<16xi32>
      %gather3A_3922 = tpu.vector_load_idx %arg6[%add3A_3888, %mul3A_3921] : memref<384x128xf32, #tpu.memory_space<vmem>>[vector<16xi32>, vector<16xi32>], vector<16xf32>,
      %add3A_3923 = arith.constant 128 : i32
      %add3A_3924 = vector.broadcast %add3A_3923 : i32 to vector<16xi32>
      %add3A_3925 = arith.addi %add3A_3888, %add3A_3924 : vector<16xi32>
      %gather3A_3926 = tpu.vector_load_idx %arg6[%add3A_3925, %mul3A_3921] : memref<384x128xf32, #tpu.memory_space<vmem>>[vector<16xi32>, vector<16xi32>], vector<16xf32>,
      %add3A_3927 = arith.addf %gather3A_3922, %gather3A_3926 : vector<16xf32>
      %add3A_3928 = arith.constant 256 : i32
      %add3A_3929 = vector.broadcast %add3A_3928 : i32 to vector<16xi32>
      %add3A_3930 = arith.addi %add3A_3888, %add3A_3929 : vector<16xi32>
      %gather3A_3931 = tpu.vector_load_idx %arg6[%add3A_3930, %mul3A_3921] : memref<384x128xf32, #tpu.memory_space<vmem>>[vector<16xi32>, vector<16xi32>], vector<16xf32>,
      %add3A_3932 = arith.addf %add3A_3927, %gather3A_3931 : vector<16xf32>
      %mul3A_3933 = arith.constant 8.500000e+01 : f32
      %mul3A_3934 = vector.broadcast %mul3A_3933 : f32 to vector<16xf32>
      %mul3A_3935 = arith.mulf %add3A_3932, %mul3A_3934 : vector<16xf32>
      %convert_element_type3A_3936 = arith.fptosi %mul3A_3935 : vector<16xf32> to vector<16xi32>
      %max3A_3937 = arith.constant 0 : i32
      %max3A_3938 = vector.broadcast %max3A_3937 : i32 to vector<16xi32>
      %max3A_3939 = arith.maxsi %convert_element_type3A_3936, %max3A_3938 : vector<16xi32>
      %min3A_3940 = arith.constant 254 : i32
      %min3A_3941 = vector.broadcast %min3A_3940 : i32 to vector<16xi32>
      %min3A_3942 = arith.minsi %max3A_3939, %min3A_3941 : vector<16xi32>
      tpu.vector_store_idx %arg8[%min3A_3942], %broadcast_in_dim3A_1 {add = true} : memref<256xf32, #tpu.memory_space<vmem>>[vector<16xi32>], vector<16xf32>,
    }
    %scan3A_3812 = arith.constant 64 : i32
    %dma_wait3A_3813 = arith.constant 0 : i32
    %dma_wait3A_3814 = arith.constant 0 : i32
    %dma_wait3A_3815 = tpu.memref_slice %arg2[%dma_wait3A_3813, %dma_wait3A_3814] : memref<196608x128xf32, #tpu.memory_space<hbm>> -> memref<196608x128xf32, #tpu.memory_space<hbm>>
    tpu.wait_indirect_dma semaphore(%arg10 : memref<!tpu.dma_semaphore, #tpu.memory_space<semaphore_mem>>) src(%dma_wait3A_3815 : memref<196608x128xf32, #tpu.memory_space<hbm>>) dst(%arg7 : memref<384x128xf32, #tpu.memory_space<vmem>>)
    %scan3A_3816 = arith.constant 0 : i32
    %scan3A_3817 = arith.constant 0 : i32
    %scan3A_3818 = arith.constant 64 : i32
    %scan3A_3819 = arith.addi %scan3A_3817, %scan3A_3818 : i32
    %scan3A_3820 = arith.constant 1 : i32
    scf.for %scan3A_3822 = %scan3A_3817 to %scan3A_3819 step %scan3A_3820  : i32 {
      %broadcast_in_dim3A_3823 = arith.constant 0 : i32
      %broadcast_in_dim3A_3824 = vector.broadcast %broadcast_in_dim3A_3823 : i32 to vector<16xi32>
      %mul3A_3825 = arith.constant 2 : i32
      %mul3A_3826 = arith.muli %scan3A_3822, %mul3A_3825 : i32
      %add3A_3827 = arith.constant 0 : i32
      %add3A_3828 = arith.addi %mul3A_3826, %add3A_3827 : i32
      %add3A_3829 = vector.broadcast %add3A_3828 : i32 to vector<16xi32>
      %add3A_3830 = arith.addi %broadcast_in_dim3A_3824, %add3A_3829 : vector<16xi32>
      %add3A_3831 = arith.constant 0 : i32
      %add3A_3832 = vector.broadcast %add3A_3831 : i32 to vector<16xi32>
      %add3A_3833 = arith.addi %add3A_3832, %iota3A : vector<16xi32>
      %mul3A_3834 = arith.constant 4 : i32
      %mul3A_3835 = vector.broadcast %mul3A_3834 : i32 to vector<16xi32>
      %mul3A_3836 = arith.muli %add3A_3833, %mul3A_3835 : vector<16xi32>
      %gather3A = tpu.vector_load_idx %arg7[%add3A_3830, %mul3A_3836] : memref<384x128xf32, #tpu.memory_space<vmem>>[vector<16xi32>, vector<16xi32>], vector<16xf32>,
      %add3A_3837 = arith.constant 128 : i32
      %add3A_3838 = vector.broadcast %add3A_3837 : i32 to vector<16xi32>
      %add3A_3839 = arith.addi %add3A_3830, %add3A_3838 : vector<16xi32>
      %gather3A_3840 = tpu.vector_load_idx %arg7[%add3A_3839, %mul3A_3836] : memref<384x128xf32, #tpu.memory_space<vmem>>[vector<16xi32>, vector<16xi32>], vector<16xf32>,
      %add3A_3841 = arith.addf %gather3A, %gather3A_3840 : vector<16xf32>
      %add3A_3842 = arith.constant 256 : i32
      %add3A_3843 = vector.broadcast %add3A_3842 : i32 to vector<16xi32>
      %add3A_3844 = arith.addi %add3A_3830, %add3A_3843 : vector<16xi32>
      %gather3A_3845 = tpu.vector_load_idx %arg7[%add3A_3844, %mul3A_3836] : memref<384x128xf32, #tpu.memory_space<vmem>>[vector<16xi32>, vector<16xi32>], vector<16xf32>,
      %add3A_3846 = arith.addf %add3A_3841, %gather3A_3845 : vector<16xf32>
      %mul3A_3847 = arith.constant 8.500000e+01 : f32
      %mul3A_3848 = vector.broadcast %mul3A_3847 : f32 to vector<16xf32>
      %mul3A_3849 = arith.mulf %add3A_3846, %mul3A_3848 : vector<16xf32>
      %convert_element_type3A = arith.fptosi %mul3A_3849 : vector<16xf32> to vector<16xi32>
      %max3A = arith.constant 0 : i32
      %max3A_3850 = vector.broadcast %max3A : i32 to vector<16xi32>
      %max3A_3851 = arith.maxsi %convert_element_type3A, %max3A_3850 : vector<16xi32>
      %min3A = arith.constant 254 : i32
      %min3A_3852 = vector.broadcast %min3A : i32 to vector<16xi32>
      %min3A_3853 = arith.minsi %max3A_3851, %min3A_3852 : vector<16xi32>
      tpu.vector_store_idx %arg8[%min3A_3853], %broadcast_in_dim3A_1 {add = true} : memref<256xf32, #tpu.memory_space<vmem>>[vector<16xi32>], vector<16xf32>,
      %add3A_3854 = arith.constant 16 : i32
      %add3A_3855 = vector.broadcast %add3A_3854 : i32 to vector<16xi32>
      %add3A_3856 = arith.addi %add3A_3855, %iota3A : vector<16xi32>
      %mul3A_3857 = arith.constant 4 : i32
      %mul3A_3858 = vector.broadcast %mul3A_3857 : i32 to vector<16xi32>
      %mul3A_3859 = arith.muli %add3A_3856, %mul3A_3858 : vector<16xi32>
      %gather3A_3860 = tpu.vector_load_idx %arg7[%add3A_3830, %mul3A_3859] : memref<384x128xf32, #tpu.memory_space<vmem>>[vector<16xi32>, vector<16xi32>], vector<16xf32>,
      %add3A_3861 = arith.constant 128 : i32
      %add3A_3862 = vector.broadcast %add3A_3861 : i32 to vector<16xi32>
      %add3A_3863 = arith.addi %add3A_3830, %add3A_3862 : vector<16xi32>
      %gather3A_3864 = tpu.vector_load_idx %arg7[%add3A_3863, %mul3A_3859] : memref<384x128xf32, #tpu.memory_space<vmem>>[vector<16xi32>, vector<16xi32>], vector<16xf32>,
      %add3A_3865 = arith.addf %gather3A_3860, %gather3A_3864 : vector<16xf32>
      %add3A_3866 = arith.constant 256 : i32
      %add3A_3867 = vector.broadcast %add3A_3866 : i32 to vector<16xi32>
      %add3A_3868 = arith.addi %add3A_3830, %add3A_3867 : vector<16xi32>
      %gather3A_3869 = tpu.vector_load_idx %arg7[%add3A_3868, %mul3A_3859] : memref<384x128xf32, #tpu.memory_space<vmem>>[vector<16xi32>, vector<16xi32>], vector<16xf32>,
      %add3A_3870 = arith.addf %add3A_3865, %gather3A_3869 : vector<16xf32>
      %mul3A_3871 = arith.constant 8.500000e+01 : f32
      %mul3A_3872 = vector.broadcast %mul3A_3871 : f32 to vector<16xf32>
      %mul3A_3873 = arith.mulf %add3A_3870, %mul3A_3872 : vector<16xf32>
      %convert_element_type3A_3874 = arith.fptosi %mul3A_3873 : vector<16xf32> to vector<16xi32>
      %max3A_3875 = arith.constant 0 : i32
      %max3A_3876 = vector.broadcast %max3A_3875 : i32 to vector<16xi32>
      %max3A_3877 = arith.maxsi %convert_element_type3A_3874, %max3A_3876 : vector<16xi32>
      %min3A_3878 = arith.constant 254 : i32
      %min3A_3879 = vector.broadcast %min3A_3878 : i32 to vector<16xi32>
      %min3A_3880 = arith.minsi %max3A_3877, %min3A_3879 : vector<16xi32>
      tpu.vector_store_idx %arg8[%min3A_3880], %broadcast_in_dim3A_1 {add = true} : memref<256xf32, #tpu.memory_space<vmem>>[vector<16xi32>], vector<16xf32>,
      %broadcast_in_dim3A_3881 = arith.constant 0 : i32
      %broadcast_in_dim3A_3882 = vector.broadcast %broadcast_in_dim3A_3881 : i32 to vector<16xi32>
      %mul3A_3883 = arith.constant 2 : i32
      %mul3A_3884 = arith.muli %scan3A_3822, %mul3A_3883 : i32
      %add3A_3885 = arith.constant 1 : i32
      %add3A_3886 = arith.addi %mul3A_3884, %add3A_3885 : i32
      %add3A_3887 = vector.broadcast %add3A_3886 : i32 to vector<16xi32>
      %add3A_3888 = arith.addi %broadcast_in_dim3A_3882, %add3A_3887 : vector<16xi32>
      %add3A_3889 = arith.constant 0 : i32
      %add3A_3890 = vector.broadcast %add3A_3889 : i32 to vector<16xi32>
      %add3A_3891 = arith.addi %add3A_3890, %iota3A : vector<16xi32>
      %mul3A_3892 = arith.constant 4 : i32
      %mul3A_3893 = vector.broadcast %mul3A_3892 : i32 to vector<16xi32>
      %mul3A_3894 = arith.muli %add3A_3891, %mul3A_3893 : vector<16xi32>
      %gather3A_3895 = tpu.vector_load_idx %arg7[%add3A_3888, %mul3A_3894] : memref<384x128xf32, #tpu.memory_space<vmem>>[vector<16xi32>, vector<16xi32>], vector<16xf32>,
      %add3A_3896 = arith.constant 128 : i32
      %add3A_3897 = vector.broadcast %add3A_3896 : i32 to vector<16xi32>
      %add3A_3898 = arith.addi %add3A_3888, %add3A_3897 : vector<16xi32>
      %gather3A_3899 = tpu.vector_load_idx %arg7[%add3A_3898, %mul3A_3894] : memref<384x128xf32, #tpu.memory_space<vmem>>[vector<16xi32>, vector<16xi32>], vector<16xf32>,
      %add3A_3900 = arith.addf %gather3A_3895, %gather3A_3899 : vector<16xf32>
      %add3A_3901 = arith.constant 256 : i32
      %add3A_3902 = vector.broadcast %add3A_3901 : i32 to vector<16xi32>
      %add3A_3903 = arith.addi %add3A_3888, %add3A_3902 : vector<16xi32>
      %gather3A_3904 = tpu.vector_load_idx %arg7[%add3A_3903, %mul3A_3894] : memref<384x128xf32, #tpu.memory_space<vmem>>[vector<16xi32>, vector<16xi32>], vector<16xf32>,
      %add3A_3905 = arith.addf %add3A_3900, %gather3A_3904 : vector<16xf32>
      %mul3A_3906 = arith.constant 8.500000e+01 : f32
      %mul3A_3907 = vector.broadcast %mul3A_3906 : f32 to vector<16xf32>
      %mul3A_3908 = arith.mulf %add3A_3905, %mul3A_3907 : vector<16xf32>
      %convert_element_type3A_3909 = arith.fptosi %mul3A_3908 : vector<16xf32> to vector<16xi32>
      %max3A_3910 = arith.constant 0 : i32
      %max3A_3911 = vector.broadcast %max3A_3910 : i32 to vector<16xi32>
      %max3A_3912 = arith.maxsi %convert_element_type3A_3909, %max3A_3911 : vector<16xi32>
      %min3A_3913 = arith.constant 254 : i32
      %min3A_3914 = vector.broadcast %min3A_3913 : i32 to vector<16xi32>
      %min3A_3915 = arith.minsi %max3A_3912, %min3A_3914 : vector<16xi32>
      tpu.vector_store_idx %arg8[%min3A_3915], %broadcast_in_dim3A_1 {add = true} : memref<256xf32, #tpu.memory_space<vmem>>[vector<16xi32>], vector<16xf32>,
      %add3A_3916 = arith.constant 16 : i32
      %add3A_3917 = vector.broadcast %add3A_3916 : i32 to vector<16xi32>
      %add3A_3918 = arith.addi %add3A_3917, %iota3A : vector<16xi32>
      %mul3A_3919 = arith.constant 4 : i32
      %mul3A_3920 = vector.broadcast %mul3A_3919 : i32 to vector<16xi32>
      %mul3A_3921 = arith.muli %add3A_3918, %mul3A_3920 : vector<16xi32>
      %gather3A_3922 = tpu.vector_load_idx %arg7[%add3A_3888, %mul3A_3921] : memref<384x128xf32, #tpu.memory_space<vmem>>[vector<16xi32>, vector<16xi32>], vector<16xf32>,
      %add3A_3923 = arith.constant 128 : i32
      %add3A_3924 = vector.broadcast %add3A_3923 : i32 to vector<16xi32>
      %add3A_3925 = arith.addi %add3A_3888, %add3A_3924 : vector<16xi32>
      %gather3A_3926 = tpu.vector_load_idx %arg7[%add3A_3925, %mul3A_3921] : memref<384x128xf32, #tpu.memory_space<vmem>>[vector<16xi32>, vector<16xi32>], vector<16xf32>,
      %add3A_3927 = arith.addf %gather3A_3922, %gather3A_3926 : vector<16xf32>
      %add3A_3928 = arith.constant 256 : i32
      %add3A_3929 = vector.broadcast %add3A_3928 : i32 to vector<16xi32>
      %add3A_3930 = arith.addi %add3A_3888, %add3A_3929 : vector<16xi32>
      %gather3A_3931 = tpu.vector_load_idx %arg7[%add3A_3930, %mul3A_3921] : memref<384x128xf32, #tpu.memory_space<vmem>>[vector<16xi32>, vector<16xi32>], vector<16xf32>,
      %add3A_3932 = arith.addf %add3A_3927, %gather3A_3931 : vector<16xf32>
      %mul3A_3933 = arith.constant 8.500000e+01 : f32
      %mul3A_3934 = vector.broadcast %mul3A_3933 : f32 to vector<16xf32>
      %mul3A_3935 = arith.mulf %add3A_3932, %mul3A_3934 : vector<16xf32>
      %convert_element_type3A_3936 = arith.fptosi %mul3A_3935 : vector<16xf32> to vector<16xi32>
      %max3A_3937 = arith.constant 0 : i32
      %max3A_3938 = vector.broadcast %max3A_3937 : i32 to vector<16xi32>
      %max3A_3939 = arith.maxsi %convert_element_type3A_3936, %max3A_3938 : vector<16xi32>
      %min3A_3940 = arith.constant 254 : i32
      %min3A_3941 = vector.broadcast %min3A_3940 : i32 to vector<16xi32>
      %min3A_3942 = arith.minsi %max3A_3939, %min3A_3941 : vector<16xi32>
      tpu.vector_store_idx %arg8[%min3A_3942], %broadcast_in_dim3A_1 {add = true} : memref<256xf32, #tpu.memory_space<vmem>>[vector<16xi32>], vector<16xf32>,
    }
    %scan3A_3821 = arith.constant 64 : i32
    "tpu.region"() ({
      %run_scoped3A = tpu.sem_alloc : memref<!tpu.dma_semaphore, #tpu.memory_space<semaphore_mem>>
      %dma_start3A_3822 = arith.constant 0 : i32
      %dma_start3A_3823 = tpu.memref_slice %arg3[%add3A, %dma_start3A_3822] : memref<32x256xf32, #tpu.memory_space<hbm>> -> memref<1x256xf32, #tpu.memory_space<hbm>>
      %dma_start3A_3824 = tpu.memref_squeeze %dma_start3A_3823 : memref<1x256xf32, #tpu.memory_space<hbm>> -> memref<256xf32, #tpu.memory_space<hbm>>
      %dma_start3A_3825 = arith.constant 0 : i32
      %dma_start3A_3826 = tpu.memref_slice %arg3[%add3A, %dma_start3A_3825] : memref<32x256xf32, #tpu.memory_space<hbm>> -> memref<1x256xf32, #tpu.memory_space<hbm>>
      %dma_start3A_3827 = tpu.memref_squeeze %dma_start3A_3826 : memref<1x256xf32, #tpu.memory_space<hbm>> -> memref<256xf32, #tpu.memory_space<hbm>>
      tpu.enqueue_dma source(%arg8 : memref<256xf32, #tpu.memory_space<vmem>>) target(%dma_start3A_3827 : memref<256xf32, #tpu.memory_space<hbm>>) target_semaphore(%run_scoped3A : memref<!tpu.dma_semaphore, #tpu.memory_space<semaphore_mem>>)
      %dma_wait3A_3828 = arith.constant 0 : i32
      %dma_wait3A_3829 = tpu.memref_slice %arg3[%add3A, %dma_wait3A_3828] : memref<32x256xf32, #tpu.memory_space<hbm>> -> memref<1x256xf32, #tpu.memory_space<hbm>>
      %dma_wait3A_3830 = tpu.memref_squeeze %dma_wait3A_3829 : memref<1x256xf32, #tpu.memory_space<hbm>> -> memref<256xf32, #tpu.memory_space<hbm>>
      %dma_wait3A_3831 = arith.constant 0 : i32
      %dma_wait3A_3832 = tpu.memref_slice %arg3[%add3A, %dma_wait3A_3831] : memref<32x256xf32, #tpu.memory_space<hbm>> -> memref<1x256xf32, #tpu.memory_space<hbm>>
      %dma_wait3A_3833 = tpu.memref_squeeze %dma_wait3A_3832 : memref<1x256xf32, #tpu.memory_space<hbm>> -> memref<256xf32, #tpu.memory_space<hbm>>
      tpu.wait_dma2 semaphore(%run_scoped3A : memref<!tpu.dma_semaphore, #tpu.memory_space<semaphore_mem>>) src(%arg8 : memref<256xf32, #tpu.memory_space<vmem>>) dst(%dma_wait3A_3833 : memref<256xf32, #tpu.memory_space<hbm>>)
      tpu.yield
    }) : () -> ()
    return
  }
}

module attributes {stable_mosaic.version = 14 : i64} {
  func.func @_tc_loss_body(%arg0: memref<1xi32, #tpu.memory_space<smem>>, %arg1: memref<32x256xf32, #tpu.memory_space<vmem>>, %arg2: memref<32x255xf32, #tpu.memory_space<vmem>>, %arg3: memref<32x255xf32, #tpu.memory_space<vmem>>, %arg4: memref<1x1xf32, #tpu.memory_space<vmem>>) attributes {dimension_semantics = [], scalar_prefetch = 0 : i64, scratch_operands = 0 : i64, tpu.core_type = #tpu.core_type<tc>} {
    %get3A = arith.constant 0 : index
    %get3A_0 = arith.constant 0 : index
    %get3A_1 = vector.load %arg1[%get3A, %get3A_0] : memref<32x256xf32, #tpu.memory_space<vmem>>, vector<32x256xf32>
    %reduce_sum3A = arith.constant dense<0.000000e+00> : vector<256xf32>
    %reduce_sum3A_2 = vector.multi_reduction <add>, %get3A_1, %reduce_sum3A [0] : vector<32x256xf32> to vector<256xf32>
    %broadcast_in_dim3A = vector.shape_cast %reduce_sum3A_2 : vector<256xf32> to vector<1x256xf32>
    %reduce_sum3A_3 = vector.shape_cast %broadcast_in_dim3A : vector<1x256xf32> to vector<1x1x256xf32>
    %reduce_sum3A_4 = arith.constant dense<0.000000e+00> : vector<1xf32>
    %reduce_sum3A_5 = vector.multi_reduction <add>, %reduce_sum3A_3, %reduce_sum3A_4 [1, 2] : vector<1x1x256xf32> to vector<1xf32>
    %reduce_sum3A_6 = vector.shape_cast %reduce_sum3A_5 : vector<1xf32> to vector<1x1x1xf32>
    %reduce_sum3A_7 = vector.extract %reduce_sum3A_6[0, 0, 0] : f32 from vector<1x1x1xf32>
    %iota3A = tpu.iota {dimensions = array<i32: 0>} : vector<256x256xi32>
    %iota3A_8 = tpu.iota {dimensions = array<i32: 1>} : vector<256x256xi32>
    %le3A = arith.cmpi sle, %iota3A, %iota3A_8 : vector<256x256xi32>
    %convert_element_type3A = arith.extui %le3A : vector<256x256xi1> to vector<256x256xi32>
    %convert_element_type3A_9 = arith.sitofp %convert_element_type3A : vector<256x256xi32> to vector<256x256xf32>
    %dot_general3A = arith.constant dense<0.000000e+00> : vector<1x256xf32>
    %dot_general3A_10 = tpu.matmul %broadcast_in_dim3A, %convert_element_type3A_9, %dot_general3A {dimension_numbers = #tpu.dot_dimension_numbers<[1], [0], [0], [1], [0, 0, 1, 1], [], []>, transpose_lhs_hint = false} : vector<1x256xf32>, vector<256x256xf32>, vector<1x256xf32> -> vector<1x256xf32>
    %slice3A = vector.extract_strided_slice %dot_general3A_10 {offsets = [0, 0], sizes = [1, 255], strides = [1, 1]} : vector<1x256xf32> to vector<1x255xf32>
    %div3A = vector.broadcast %reduce_sum3A_7 : f32 to vector<1x255xf32>
    %div3A_11 = arith.divf %slice3A, %div3A : vector<1x255xf32>
    %get3A_12 = arith.constant 0 : index
    %get3A_13 = arith.constant 0 : index
    %get3A_14 = vector.load %arg2[%get3A_12, %get3A_13] : memref<32x255xf32, #tpu.memory_space<vmem>>, vector<32x255xf32>
    %get3A_15 = arith.constant 0 : index
    %get3A_16 = arith.constant 0 : index
    %get3A_17 = vector.load %arg3[%get3A_15, %get3A_16] : memref<32x255xf32, #tpu.memory_space<vmem>>, vector<32x255xf32>
    %sub3A = vector.broadcast %div3A_11 : vector<1x255xf32> to vector<32x255xf32>
    %sub3A_18 = arith.subf %get3A_14, %sub3A : vector<32x255xf32>
    %integer_pow3A = arith.mulf %sub3A_18, %sub3A_18 : vector<32x255xf32>
    %reduce_sum3A_19 = vector.shape_cast %integer_pow3A : vector<32x255xf32> to vector<1x32x255xf32>
    %reduce_sum3A_20 = arith.constant dense<0.000000e+00> : vector<1xf32>
    %reduce_sum3A_21 = vector.multi_reduction <add>, %reduce_sum3A_19, %reduce_sum3A_20 [1, 2] : vector<1x32x255xf32> to vector<1xf32>
    %reduce_sum3A_22 = vector.shape_cast %reduce_sum3A_21 : vector<1xf32> to vector<1x1x1xf32>
    %reduce_sum3A_23 = vector.extract %reduce_sum3A_22[0, 0, 0] : f32 from vector<1x1x1xf32>
    %div3A_24 = arith.constant 8.160000e+03 : f32
    %div3A_25 = arith.divf %reduce_sum3A_23, %div3A_24 : f32
    %sub3A_26 = arith.subf %get3A_17, %get3A_14 : vector<32x255xf32>
    %integer_pow3A_27 = arith.mulf %sub3A_26, %sub3A_26 : vector<32x255xf32>
    %reduce_sum3A_28 = vector.shape_cast %integer_pow3A_27 : vector<32x255xf32> to vector<1x32x255xf32>
    %reduce_sum3A_29 = arith.constant dense<0.000000e+00> : vector<1xf32>
    %reduce_sum3A_30 = vector.multi_reduction <add>, %reduce_sum3A_28, %reduce_sum3A_29 [1, 2] : vector<1x32x255xf32> to vector<1xf32>
    %reduce_sum3A_31 = vector.shape_cast %reduce_sum3A_30 : vector<1xf32> to vector<1x1x1xf32>
    %reduce_sum3A_32 = vector.extract %reduce_sum3A_31[0, 0, 0] : f32 from vector<1x1x1xf32>
    %div3A_33 = arith.constant 8.160000e+03 : f32
    %div3A_34 = arith.divf %reduce_sum3A_32, %div3A_33 : f32
    %sub3A_35 = vector.broadcast %div3A_11 : vector<1x255xf32> to vector<32x255xf32>
    %sub3A_36 = arith.subf %get3A_17, %sub3A_35 : vector<32x255xf32>
    %integer_pow3A_37 = arith.mulf %sub3A_36, %sub3A_36 : vector<32x255xf32>
    %reduce_sum3A_38 = vector.shape_cast %integer_pow3A_37 : vector<32x255xf32> to vector<1x32x255xf32>
    %reduce_sum3A_39 = arith.constant dense<0.000000e+00> : vector<1xf32>
    %reduce_sum3A_40 = vector.multi_reduction <add>, %reduce_sum3A_38, %reduce_sum3A_39 [1, 2] : vector<1x32x255xf32> to vector<1xf32>
    %reduce_sum3A_41 = vector.shape_cast %reduce_sum3A_40 : vector<1xf32> to vector<1x1x1xf32>
    %reduce_sum3A_42 = vector.extract %reduce_sum3A_41[0, 0, 0] : f32 from vector<1x1x1xf32>
    %div3A_43 = arith.constant 8.160000e+03 : f32
    %div3A_44 = arith.divf %reduce_sum3A_42, %div3A_43 : f32
    %mul3A = arith.constant 0.00999999977 : f32
    %mul3A_45 = arith.mulf %mul3A, %div3A_44 : f32
    %add3A = arith.addf %div3A_34, %mul3A_45 : f32
    %slice3A_46 = vector.extract_strided_slice %get3A_14 {offsets = [0, 1], sizes = [32, 254], strides = [1, 1]} : vector<32x255xf32> to vector<32x254xf32>
    %slice3A_47 = vector.extract_strided_slice %get3A_14 {offsets = [0, 0], sizes = [32, 254], strides = [1, 1]} : vector<32x255xf32> to vector<32x254xf32>
    %sub3A_48 = arith.subf %slice3A_46, %slice3A_47 : vector<32x254xf32>
    %integer_pow3A_49 = arith.mulf %sub3A_48, %sub3A_48 : vector<32x254xf32>
    %reduce_sum3A_50 = vector.shape_cast %integer_pow3A_49 : vector<32x254xf32> to vector<1x32x254xf32>
    %reduce_sum3A_51 = arith.constant dense<0.000000e+00> : vector<1xf32>
    %reduce_sum3A_52 = vector.multi_reduction <add>, %reduce_sum3A_50, %reduce_sum3A_51 [1, 2] : vector<1x32x254xf32> to vector<1xf32>
    %reduce_sum3A_53 = vector.shape_cast %reduce_sum3A_52 : vector<1xf32> to vector<1x1x1xf32>
    %reduce_sum3A_54 = vector.extract %reduce_sum3A_53[0, 0, 0] : f32 from vector<1x1x1xf32>
    %div3A_55 = arith.constant 8.128000e+03 : f32
    %div3A_56 = arith.divf %reduce_sum3A_54, %div3A_55 : f32
    %get3A_57 = arith.constant 0 : index
    %get3A_58 = memref.load %arg0[%get3A_57] : memref<1xi32, #tpu.memory_space<smem>>
    %ge3A = arith.constant 3000 : i32
    %ge3A_59 = arith.cmpi sge, %get3A_58, %ge3A : i32
    %jit3A = arith.constant 5.000000e-01 : f32
    %jit3A_60 = arith.constant 1.000000e+00 : f32
    %select_n3A = arith.select %ge3A_59, %jit3A, %jit3A_60 : f32
    %mul3A_61 = arith.mulf %select_n3A, %div3A_25 : f32
    %mul3A_62 = arith.constant 1.000000e-01 : f32
    %mul3A_63 = arith.mulf %mul3A_62, %div3A_56 : f32
    %add3A_64 = arith.addf %mul3A_61, %mul3A_63 : f32
    %mul3A_65 = arith.constant 5.000000e-01 : f32
    %mul3A_66 = arith.mulf %mul3A_65, %add3A : f32
    %add3A_67 = arith.addf %add3A_64, %mul3A_66 : f32
    %broadcast_in_dim3A_68 = vector.broadcast %add3A_67 : f32 to vector<1x1xf32>
    %swap3A = arith.constant 0 : index
    %swap3A_69 = arith.constant 0 : index
    %swap3A_70 = vector.load %arg4[%swap3A, %swap3A_69] : memref<1x1xf32, #tpu.memory_space<vmem>>, vector<1x1xf32>
    tpu.vector_store %arg4[%swap3A, %swap3A_69], %broadcast_in_dim3A_68 {strides = array<i32>} : memref<1x1xf32, #tpu.memory_space<vmem>>, vector<1x1xf32>,
    return
  }
}

</mosaic_0001>

<sc_bundles>
// kernel: kernel.4.cloned.1.call-start
scs
__scs_entry_jumppad:
0x0: {  	(pc) =	sbr.rel $0x88, $3  }
0x1: {  	(tag) =	ssettag $0x0;
	lr =	simm.s32 $0x1  }
0x2: {  	[smem:$0x3F9D] =	sst lr;
	_ =	strace $0xD0000000  }
0x3: {  	_ = 	snop  }
0x4: {  	_ = 	snop  }
0x5: {  	_ = 	snop  }
0x6: {  	_ = 	snop  }
0x7: {  	_ = 	snop  }
__scs_overlays_trampoline_lowered:
0x8: {  	[smem:$0x3FAC] =	sst s0  }
0x9: {  	[smem:$0x3FAD] =	sst s1  }
0xa: {  	[smem:$0x3FAE] =	sst s2  }
0xb: {  	[smem:$0x3FAF] =	sst s3  }
0xc: {  	[smem:$0x3FB0] =	sst s4  }
0xd: {  	[smem:$0x3FB1] =	sst s5  }
0xe: {  	[smem:$0x3FB2] =	sst s6  }
0xf: {  	[smem:$0x3FB3] =	sst s7  }
0x10: {  	[smem:$0x3FB4] =	sst s8  }
0x11: {  	[smem:$0x3FB5] =	sst s9;
	s0 =	simm.s32 @!p0 $0x0  }
0x12: {  	s1 =	sld [smem:$0x3F9B];
	s0 =	simm.s32 @p0 $0x1  }
0x13: {  	[smem:$0x3FB6] =	sst s0;
	s0 =	simm.s32 @!p1 $0x0  }
0x14: {  	s2 =	sld [smem:$0x3F9A];
	s0 =	simm.s32 @p1 $0x1  }
0x15: {  	[smem:$0x3FB7] =	sst s0;
	s0 =	simm.s32 @!p2 $0x0  }
0x16: {  	s3 =	sld [smem:$0x3FDB];
	s0 =	simm.s32 @p2 $0x1  }
0x17: {  	s4 =	simm.s32 $0x1BF5;
	[smem:$0x3FB9] =	sst s0  }
0x18: {  	s0 =	sld [smem:$0x3F9C];
	_ =	swait.ge [sflag:s4], $0x0  }
0x19: {  	s7 =	sld [smem:$0x3F9D]  }
0x1a: {  	s8 =	sadd.s32 $0xFFFFE003, lr  }
0x1b: {  	s9 =	sadd.s32 $0xFFFFFEF7, lr;
	s5 =	simm.s32 $0xFFFFFFFF;
	p2 =	slt.u32 s8, $0xFFFFF086  }
0x1c: {  	p1 =	slt.u32 s9, $0xF7A;
	s5 =	simm.s32 @!p2 $0x0  }
0x1d: {  	s5 =	simm.s32 @p1 $0x1;
	p0 =	seq.s32 s7, s2  }
0x1e: {  	s7 =	smul.u32 @!p0 $0xF7A, s2;
	p2 =	seq.s32 @!p0 s5, $0x0  }
0x1f: {  	s9 =	smul.u32 $0xF7A, s1;
	s8 =	simm.s32 @!p0 $0x1BF5;
	p2 =	por !p2, p0  }
0x20: {  	[sflag:s8] =	ssyncset.s32 @!p0 $0xFFFFF086;
	s6 =	sadd.s32 @!p0 s3, s7;
	s7 =	simm.s32 @!p0 $0x108  }
0x21: {  	s3 =	sadd.s32 s3, s9;
	s6 =	sadd.s32 @!p0 $0x88, s6;
	s7 =	simm.s32 @p2 $0x1082  }
0x22: {  	[simem:s7], [sflag:s8] =	dma.local @!p0 [hbm:s6], $0xF7A  }
0x23: {  	s9 =	sor.u32 $0xD0000000, s2;
	s6 =	simm.s32 $0x108;
	_ =	swait.ge @!p0 [sflag:s8], $0x0  }
0x24: {  	s3 =	sadd.s32 $0x88, s3;
	s6 =	simm.s32 @!p1 $0x1082;
	[sflag:s4] =	ssyncset.s32 $0xFFFFF086  }
0x25: {  	[simem:s6], [sflag:s4] =	dma.local [hbm:s3], $0xF7A  }
0x26: {  	[smem:$0x3F9D] =	sst s1;
	(tag) =	ssettag s2;
	_ =	strace s9  }
0x27: {  	s1 =	sld [smem:$0x3FAD]  }
0x28: {  	s2 =	sld [smem:$0x3FAE]  }
0x29: {  	s4 =	sld [smem:$0x3FB0]  }
0x2a: {  	p0 =	seq.s32 s5, $0x0;
	s5 =	sld [smem:$0x3FB1]  }
0x2b: {  	s6 =	sld [smem:$0x3FB2]  }
0x2c: {  	s7 =	sld [smem:$0x3FB3]  }
0x2d: {  	s3 =	simm.s32 $0x108;
	s8 =	sld [smem:$0x3FB4]  }
0x2e: {  	s3 =	simm.s32 @!p0 $0x1082;
	s9 =	sld [smem:$0x3FB5]  }
0x2f: {  	lr =	sadd.s32 s0, s3;
	s0 =	sld [smem:$0x3FAC]  }
0x30: {  	s3 =	sld [smem:$0x3FAF]  }
0x31: {  	[smem:$0x3FB8] =	sst s10  }
0x32: {  	s10 =	sld [smem:$0x3FB6];
	_ =	sdelay $0x3  }
0x33: {  	p0 =	seq.s32 s10, $0x1;
	s10 =	sld [smem:$0x3FB8];
	_ =	sdelay $0x3  }
0x34: {  	[smem:$0x3FB8] =	sst s10  }
0x35: {  	s10 =	sld [smem:$0x3FB7];
	_ =	sdelay $0x3  }
0x36: {  	p1 =	seq.s32 s10, $0x1;
	s10 =	sld [smem:$0x3FB8];
	_ =	sdelay $0x3  }
0x37: {  	[smem:$0x3FB8] =	sst s10  }
0x38: {  	s10 =	sld [smem:$0x3FB9]  }
0x39: {  	_ = 	snop;
	(pc) =	sbr.ind lr, $3  }
0x3a: {  	_ = 	snop  }
0x3b: {  	_ = 	snop  }
0x3c: {  	p2 =	seq.s32 s10, $0x1;
	s10 =	sld [smem:$0x3FB8]  }
0x3d: {  	_ =	shalt  }
0x3e: {  	_ =	shalt  }
0x3f: {  	_ =	shalt  }
0x40: {  	_ =	shalt  }
0x41: {  	_ =	shalt  }
0x42: {  	_ =	shalt  }
0x43: {  	_ =	shalt  }
0x44: {  	_ =	shalt  }
0x45: {  	_ =	shalt  }
0x46: {  	_ =	shalt  }
0x47: {  	_ =	shalt  }
0x48: {  	_ =	shalt  }
0x49: {  	_ =	shalt  }
0x4a: {  	_ =	shalt  }
0x4b: {  	_ =	shalt  }
0x4c: {  	_ =	shalt  }
0x4d: {  	_ =	shalt  }
0x4e: {  	_ =	shalt  }
0x4f: {  	_ =	shalt  }
0x50: {  	_ =	shalt  }
0x51: {  	_ =	shalt  }
0x52: {  	_ =	shalt  }
0x53: {  	_ =	shalt  }
0x54: {  	_ =	shalt  }
0x55: {  	_ =	shalt  }
0x56: {  	_ =	shalt  }
0x57: {  	_ =	shalt  }
0x58: {  	_ =	shalt  }
0x59: {  	_ =	shalt  }
0x5a: {  	_ =	shalt  }
0x5b: {  	_ =	shalt  }
0x5c: {  	_ =	shalt  }
0x5d: {  	_ =	shalt  }
0x5e: {  	_ =	shalt  }
0x5f: {  	_ =	shalt  }
0x60: {  	_ =	shalt  }
0x61: {  	_ =	shalt  }
0x62: {  	_ =	shalt  }
0x63: {  	_ =	shalt  }
0x64: {  	_ =	shalt  }
0x65: {  	_ =	shalt  }
0x66: {  	_ =	shalt  }
0x67: {  	_ =	shalt  }
0x68: {  	_ =	shalt  }
0x69: {  	_ =	shalt  }
0x6a: {  	_ =	shalt  }
0x6b: {  	_ =	shalt  }
0x6c: {  	_ =	shalt  }
0x6d: {  	_ =	shalt  }
0x6e: {  	_ =	shalt  }
0x6f: {  	_ =	shalt  }
0x70: {  	_ =	shalt  }
0x71: {  	_ =	shalt  }
0x72: {  	_ =	shalt  }
0x73: {  	_ =	shalt  }
0x74: {  	_ =	shalt  }
0x75: {  	_ =	shalt  }
0x76: {  	_ =	shalt  }
0x77: {  	_ =	shalt  }
0x78: {  	_ =	shalt  }
0x79: {  	_ =	shalt  }
0x7a: {  	_ =	shalt  }
0x7b: {  	_ =	shalt  }
0x7c: {  	_ =	shalt  }
0x7d: {  	_ =	shalt  }
0x7e: {  	_ =	shalt  }
0x7f: {  	_ =	shalt  }
0x80: {  	_ =	shalt  }
0x81: {  	_ =	shalt  }
0x82: {  	_ =	shalt  }
0x83: {  	_ =	shalt  }
0x84: {  	_ =	shalt  }
0x85: {  	_ =	shalt  }
0x86: {  	_ =	shalt  }
0x87: {  	_ =	shalt  }
.Lfunc_end0:
.L_simem_size_0:
called_computation_lowered:
.L_overlay_start_0:
0x88: {  	s2 =	sld [smem:$0x3FD9]  }
0x89: {  	s3 =	sld [smem:$0x3FFE];
	_ =	sdelay $0x1  }
0x8a: {  	s1 =	srdreg.scid  }
0x8b: {  	s0 =	sand.u32 $0x1, s1  }
0x8c: {  	s17 =	sshll.u32 s0, $0xA;
	s2 =	sadd.s32 s3, s2  }
0x8d: {  	s2 =	sadd.s32 s2, s17  }
0x8e: {  	[smem:$0x3FC4] =	sst s2  }
0x8f: {  	_ = 	snop  }
0x90: {  	s2 =	sld [smem:$0x3FC8];
	(tm) =	ssettm $0x1  }
0x91: {  	s18 =	sld [smem:$0x3FFB];
	_ =	sdelay $0x3  }
0x92: {  	_ =	strace s18  }
0x93: {  	s3 =	sld [smem:$0x3FFC];
	_ =	sdelay $0x3  }
0x94: {  	_ =	strace s3  }
0x95: {  	s3 =	sld [smem:$0x3FFD];
	_ =	sdelay $0x3  }
0x96: {  	_ =	strace s3  }
0x97: {  	_ =	strace $0x8FFFFFFF  }
0x98: {  	s19 =	sld [smem:$0x3FDB];
	_ =	sdelay $0x1  }
0x99: {  	s4 =	simm.s32 $_scs_section_size  }
0x9a: {  	s5 =	simm.s32 $_size__tile_overlayer_lowered;
	s6 =	simm.s32 $_tile_overlayer_lowered  }
0x9b: {  	s22 =	simm.s32 $0x1BFF;
	s21 =	sshll.u32 s6, $0x1;
	s3 =	sadd.s32 s4, s19  }
0x9c: {  	s7 =	simm.s32 $0x0;
	s20 =	sshll.u32 s5, $0x1;
	s5 =	sadd.s32 s21, s3  }
0x9d: {  	[timem:s7], [sflag:s22] =	dma.local [hbm:s5], s20  }
0x9e: {  	_ =	swait.ge [sflag:s22], s20  }
0x9f: {  	s4 =	ssub.s32 $0x0, s20;
	[sflag:s22] =	ssyncset.done $0x0  }
0xa0: {  	[sflag:s22] =	ssyncadd.s32 s4;
	_ =	sdelay $0x1  }
0xa1: {  	s23 =	simm.s32 $0x1B8B  }
0xa2: {  	_ =	swait.ge [sflag:s23], $0x1  }
0xa3: {  	[sflag:s23] =	ssyncset.done $0x0  }
0xa4: {  	s25 =	simm.s32 $0x1B8E;
	s24 =	sld [smem:$0x3FFE];
	[sflag:s23] =	ssyncadd.s32 $0xFFFFFFFF  }
0xa5: {  	s26 =	simm.s32 $execute0_lowered;
	[smem:$0x3FD2] =	sst s25  }
0xa6: {  	s5 =	sshll.u32 s26, $0x1;
	_ =	strace $0x80000046;
	[dreg:$0x1] =	wrdreg $0xFFFFFFFF  }
0xa7: {  	s28 =	simm.s32 $_size_execute0_lowered;
	s3 =	sadd.s32 s3, s5;
	[dreg:$0x0] =	wrdreg $0x0  }
0xa8: {  	s5 =	sshll.u32 s28, $0x1;
	[dreg:$0x2] =	wrdreg s3  }
0xa9: {  	[dreg:$0x3] =	wrdreg s5  }
0xaa: {  	[dreg:$0x4] =	wrdreg $0xC0  }
0xab: {  	_ =	task [dreg:s7], $0x5FFFF  }
0xac: {  	[dreg:$0x1] =	wrdreg $0xFFFFFFFF  }
0xad: {  	[dreg:$0x0] =	wrdreg $0x60  }
0xae: {  	[dreg:$0x2] =	wrdreg s2  }
0xaf: {  	[dreg:$0x3] =	wrdreg s24  }
0xb0: {  	[dreg:$0x4] =	wrdreg $0x9  }
0xb1: {  	_ =	task.clear_ibuf [dreg:s7], $0x5FFFF;
	_ =	strace $0x90000046  }
0xb2: {  	s29 =	simm.s32 $0x9;
	_ =	strace $0x80000048  }
0xb3: {  	_ =	swait.ge [sflag:s29], $0x1  }
0xb4: {  	[sflag:s29] =	ssyncadd.s32 $0xFFFFFFFF  }
0xb5: {  	_ =	strace $0x90000048  }
0xb6: {  	_ =	sfence  }
0xb7: {  	s30 =	sld [smem:$0x0];
	_ =	sdelay $0x2  }
0xb8: {  	s31 =	sshll.u32 s1, $0xD;
	s1 =	sshrl.u32 s1, $0x2  }
0xb9: {  	s3 =	sand.u32 $0x4000, s31;
	s1 =	sadd.s32 s1, s30  }
0xba: {  	s0 =	sor.u32 s3, s0;
	s1 =	sshll.u32 s1, $0x11  }
0xbb: {  	s0 =	sor.u32 s1, s0  }
0xbc: {  	s0 =	sadd.s32 $0x8F2B, s0  }
0xbd: {  	[sflag:s0] =	ssyncadd.remote.s32 $0x1  }
0xbe: {  	_ =	sfence.sel $0xFFFF  }
0xbf: {  	[dreg:$0x0] =	wrdreg $0xFFFFFFFF;
	(pc) =	sbr.abs _section_cstart, $3  }
0xc0: {  	[dreg:$0x1] =	wrdreg $0xFFFFFFFF  }
0xc1: {  	_ =	task.clear_ibuf [dreg:s7], $0x2FFFF;
	_ =	strace $0x9FFFFFFF  }
0xc2: {  	(tm) =	ssettm $0x7FFFFFFF  }
0xc3: {  	_ =	shalt  }
tec
execute0_lowered:
.L_overlay_start_1:
0x0: {  	(tag) =	ssettag $0x1  }
0x1: {  	s1 =	srdreg.scid;
	s0 =	stileid.u32  }
0x2: {  	v0 =	vlaneseq.u32;
	s4 =	sand.u32 $0x1, s1;
	s30 =	sshll.u32 s0, $0x1  }
0x3: {  	v0 =	vmul.u32 $0x4, v0;
	s5 =	sor.u32 s4, s30  }
0x4: {  	s8 =	smul.u32 $0x1800, s5  }
0x5: {  	v1 =	vor.u32 $0x80, v0  }
0x6: {  	v2 =	vor.u32 $0xC0, v0;
	v4 =	vor.u32 s8, v1  }
0x7: {  	v3 =	vor.u32 $0x100, v0;
	[tilespmem:$0x1FD30] =	vst v4;
	v4 =	vor.u32 s8, v2  }
0x8: {  	[tilespmem:$0x1FD40] =	vst v4;
	v4 =	vor.u32 s8, v3  }
0x9: {  	[tilespmem:$0x1FD50] =	vst v4;
	v4 =	vor.u32 $0x140, v0  }
0xa: {  	v5 =	vor.u32 $0x180, v0;
	v7 =	vor.u32 s8, v4  }
0xb: {  	v6 =	vor.u32 $0x1C0, v0;
	[tilespmem:$0x1FD60] =	vst v7;
	v7 =	vor.u32 s8, v5  }
0xc: {  	s11 =	sadd.s32 $0x800, s8;
	[tilespmem:$0x1FD70] =	vst v7;
	v7 =	vor.u32 s8, v6  }
0xd: {  	s14 =	sadd.s32 $0x1000, s8;
	[tilespmem:$0x1FD80] =	vst v7;
	v7 =	vor.u32 s11, v1  }
0xe: {  	v1 =	vor.u32 s14, v1;
	[tilespmem:$0x1FD90] =	vst v7  }
0xf: {  	v7 =	vor.u32 s11, v2;
	[tilespmem:$0x1FDF0] =	vst v1  }
0x10: {  	v1 =	vor.u32 s14, v2;
	[tilespmem:$0x1FDA0] =	vst v7  }
0x11: {  	[tilespmem:$0x1FE00] =	vst v1;
	v1 =	vor.u32 s14, v3  }
0x12: {  	[tilespmem:$0x1FE10] =	vst v1;
	v1 =	vor.u32 s14, v4  }
0x13: {  	[tilespmem:$0x1FE20] =	vst v1;
	v1 =	vor.u32 s14, v5  }
0x14: {  	v2 =	vor.u32 s14, v6;
	[tilespmem:$0x1FE30] =	vst v1;
	v1 =	vor.u32 $0x200, v0  }
0x15: {  	[tilespmem:$0x1FE40] =	vst v2;
	v2 =	vor.u32 s8, v1  }
0x16: {  	v7 =	vor.u32 s11, v3;
	[tilespmem:$0x1FE50] =	vst v2;
	v2 =	vor.u32 $0x240, v0  }
0x17: {  	v35 =	vimm.f32 $0.0e+00;
	v36 =	vimm.f32 $1.000000000e+00;
	[tilespmem:$0x1FDB0] =	vst v7;
	v3 =	vor.u32 s8, v2  }
0x18: {  	v12 =	vor.u32 $0x680, v0;
	v7 =	vor.u32 s11, v4;
	[tilespmem:$0x1FE60] =	vst v3;
	v3 =	vor.u32 $0x280, v0  }
0x19: {  	v4 =	vor.u32 $0x2C0, v0;
	[tilespmem:$0x1FDC0] =	vst v7;
	v7 =	vor.u32 s11, v5;
	v5 =	vor.u32 s8, v3  }
0x1a: {  	v15 =	vor.u32 $0x6C0, v0;
	v18 =	vor.u32 $0x700, v0;
	[tilespmem:$0x1FE70] =	vst v5;
	v5 =	vor.u32 s8, v4  }
0x1b: {  	v21 =	vor.u32 $0x740, v0;
	v24 =	vor.u32 $0x780, v0;
	[tilespmem:$0x1FE80] =	vst v5;
	v5 =	vor.u32 $0x300, v0  }
0x1c: {  	v28 =	vor.u32 $0x7C0, v0;
	[tilespmem:$0x1FDD0] =	vst v7;
	v7 =	vor.u32 s11, v6;
	v6 =	vor.u32 s8, v5  }
0x1d: {  	v25 =	vor.u32 $0x40, v0;
	v10 =	vor.u32 s8, v12;
	[tilespmem:$0x1FE90] =	vst v6;
	v6 =	vor.u32 $0x340, v0  }
0x1e: {  	v13 =	vor.u32 s8, v15;
	[tilespmem:$0x1FDE0] =	vst v7;
	v7 =	vor.u32 $0x380, v0;
	v8 =	vor.u32 s8, v6  }
0x1f: {  	v16 =	vor.u32 s8, v18;
	v19 =	vor.u32 s8, v21;
	[tilespmem:$0x1FEA0] =	vst v8;
	v8 =	vor.u32 s8, v7  }
0x20: {  	v22 =	vor.u32 s8, v24;
	v26 =	vor.u32 s8, v28;
	[tilespmem:$0x1FEB0] =	vst v8;
	v8 =	vor.u32 $0x3C0, v0  }
0x21: {  	v29 =	vor.u32 s8, v0;
	v30 =	vor.u32 s8, v25;
	v9 =	vor.u32 s8, v8  }
0x22: {  	v11 =	vor.u32 s11, v12;
	v12 =	vor.u32 s14, v12;
	[tilespmem:$0x1FEC0] =	vst v9;
	v9 =	vor.u32 s11, v1  }
0x23: {  	v14 =	vor.u32 s11, v15;
	v15 =	vor.u32 s14, v15;
	v1 =	vor.u32 s14, v1;
	[tilespmem:$0x1FED0] =	vst v9  }
0x24: {  	v17 =	vor.u32 s11, v18;
	v18 =	vor.u32 s14, v18;
	v9 =	vor.u32 s11, v2;
	[tilespmem:$0x1FF50] =	vst v1  }
0x25: {  	v20 =	vor.u32 s11, v21;
	v21 =	vor.u32 s14, v21;
	v1 =	vor.u32 s14, v2;
	[tilespmem:$0x1FEE0] =	vst v9  }
0x26: {  	v23 =	vor.u32 s11, v24;
	v24 =	vor.u32 s14, v24;
	v9 =	vor.u32 s11, v3;
	[tilespmem:$0x1FF60] =	vst v1  }
0x27: {  	v27 =	vor.u32 s11, v28;
	v28 =	vor.u32 s14, v28;
	v1 =	vor.u32 s14, v3;
	[tilespmem:$0x1FEF0] =	vst v9  }
0x28: {  	v31 =	vor.u32 s11, v0;
	v32 =	vor.u32 s11, v25;
	v9 =	vor.u32 s11, v4;
	[tilespmem:$0x1FF70] =	vst v1  }
0x29: {  	v33 =	vor.u32 s14, v0;
	v3 =	vor.u32 $0x480, v0;
	v1 =	vor.u32 s14, v4;
	[tilespmem:$0x1FF00] =	vst v9  }
0x2a: {  	v34 =	vor.u32 s14, v25;
	v52 =	vor.u32 s11, v3;
	v9 =	vor.u32 s11, v5;
	[tilespmem:$0x1FF80] =	vst v1  }
0x2b: {  	v58 =	vor.u32 s14, v3;
	v1 =	vor.u32 s14, v5;
	v5 =	vor.u32 $0x500, v0;
	[tilespmem:$0x1FF10] =	vst v9  }
0x2c: {  	v9 =	vor.u32 s11, v6;
	[tilespmem:$0x1FF90] =	vst v1;
	v1 =	vor.u32 s14, v6;
	v6 =	vor.u32 $0x540, v0  }
0x2d: {  	v47 =	vor.u32 s8, v5;
	v54 =	vor.u32 s11, v5;
	v60 =	vor.u32 s14, v5;
	[tilespmem:$0x1FF20] =	vst v9  }
0x2e: {  	v9 =	vor.u32 s11, v7;
	[tilespmem:$0x1FFA0] =	vst v1;
	v1 =	vor.u32 s14, v7;
	v48 =	vor.u32 s8, v6  }
0x2f: {  	v7 =	vor.u32 $0x580, v0;
	v55 =	vor.u32 s11, v6;
	v61 =	vor.u32 s14, v6;
	[tilespmem:$0x1FF30] =	vst v9  }
0x30: {  	v6 =	vor.u32 $0x600, v0;
	v9 =	vor.u32 s11, v8;
	[tilespmem:$0x1FFB0] =	vst v1;
	v1 =	vor.u32 s14, v8  }
0x31: {  	v49 =	vor.u32 s8, v7;
	v8 =	vor.u32 $0x5C0, v0;
	v62 =	vor.u32 s11, v7  }
0x32: {  	s6 =	rddreg [dreg:$0x1];
	v63 =	vor.u32 s14, v7;
	v5 =	vor.u32 s11, v6;
	[tilespmem:$0x1FFC0] =	vst v1;
	v1 =	vor.u32 $0x400, v0  }
0x33: {  	s2 =	rddreg [dreg:$0x2];
	s3 =	simm.s32 $0x0;
	[tilespmem:$0x1FF40] =	vst v9;
	v9 =	vor.u32 $0x640, v0;
	v2 =	vor.u32 s8, v1;
	v50 =	vor.u32 s11, v1  }
0x34: {  	s7 =	simm.s32 $0x300;
	s9 =	simm.s32 $0x1;
	s10 =	simm.s32 $0x18300;
	v56 =	vor.u32 s14, v1;
	v1 =	vor.u32 s8, v8;
	[tilespmem:$0x1FFD0] =	vst v2;
	v2 =	vor.u32 $0x440, v0  }
0x35: {  	s12 =	simm.s32 $0x3;
	s13 =	simm.s32 $0x0;
	s4 =	ssub.s32 $0x2, s4;
	v7 =	vor.u32 s8, v9;
	v4 =	vor.u32 s8, v2;
	v51 =	vor.u32 s11, v2  }
0x36: {  	s1 =	rddreg [dreg:$0x0];
	s5 =	sshll.u32 s5, $0x5;
	s31 =	sshrl.u32 s4, $0x1;
	v57 =	vor.u32 s14, v2;
	v2 =	vor.u32 s11, v8;
	[tilespmem:$0x1FFE0] =	vst v4;
	v4 =	vor.u32 s8, v3  }
0x37: {  	[smem:$0x7FF] =	sst s3;
	s5 =	sadd.s32 s5, s6;
	s6 =	ssub.s32 s4, s31;
	v3 =	vor.u32 s14, v8;
	v8 =	vor.u32 s11, v9;
	[tilespmem:$0x1FFF0] =	vst v4;
	v4 =	vor.u32 $0x4C0, v0  }
0x38: {  	s4 =	sadd.s32 $0x800, s5;
	s5 =	smax.u32 s6, $0x1;
	s6 =	simm.s32 $0x180;
	v9 =	vor.u32 s14, v9;
	v46 =	vor.u32 s8, v4;
	v53 =	vor.u32 s11, v4  }
0x39: {  	v59 =	vor.u32 s14, v4;
	v4 =	vor.u32 s8, v6;
	v6 =	vor.u32 s14, v6;
	_ =	strace $0x80000047;
	s8 =	simm.s32 $0xC300;
	s11 =	simm.s32 $0x2  }
.LBB2_1:
0x3a: {  	[tilespmem:$0x18300] =	vst v35  }
0x3b: {  	[tilespmem:$0x18310] =	vst v35  }
0x3c: {  	[tilespmem:$0x18320] =	vst v35  }
0x3d: {  	[tilespmem:$0x18330] =	vst v35  }
0x3e: {  	[tilespmem:$0x18340] =	vst v35  }
0x3f: {  	[tilespmem:$0x18350] =	vst v35  }
0x40: {  	[tilespmem:$0x18360] =	vst v35  }
0x41: {  	[tilespmem:$0x18370] =	vst v35  }
0x42: {  	[tilespmem:$0x18380] =	vst v35  }
0x43: {  	[tilespmem:$0x18390] =	vst v35  }
0x44: {  	[tilespmem:$0x183A0] =	vst v35  }
0x45: {  	[tilespmem:$0x183B0] =	vst v35  }
0x46: {  	[tilespmem:$0x183C0] =	vst v35  }
0x47: {  	[tilespmem:$0x183D0] =	vst v35  }
0x48: {  	[tilespmem:$0x183E0] =	vst v35  }
0x49: {  	[tilespmem:$0x183F0] =	vst v35  }
0x4a: {  	[tilespmem:$0x0] =	vst v29  }
0x4b: {  	[tilespmem:$0x10] =	vst v30;
	v37 =	vld [tilespmem:$0x1FD30]  }
0x4c: {  	v41 =	vld [tilespmem:$0x1FD40];
	[tilespmem:$0x80] =	vst v31  }
0x4d: {  	v42 =	vld [tilespmem:$0x1FD50];
	[tilespmem:$0x90] =	vst v32  }
0x4e: {  	v43 =	vld [tilespmem:$0x1FD60];
	[tilespmem:$0x100] =	vst v33  }
0x4f: {  	v44 =	vld [tilespmem:$0x1FD70];
	[tilespmem:$0x110] =	vst v34  }
0x50: {  	v45 =	vld [tilespmem:$0x1FD80];
	[tilespmem:$0x20] =	vst v37  }
0x51: {  	v40 =	vld [tilespmem:$0x1FD90];
	[tilespmem:$0x30] =	vst v41  }
0x52: {  	[tilespmem:$0x40] =	vst v42;
	v41 =	vld [tilespmem:$0x1FDA0]  }
0x53: {  	[tilespmem:$0x50] =	vst v43;
	v42 =	vld [tilespmem:$0x1FDB0]  }
0x54: {  	[tilespmem:$0x60] =	vst v44;
	v43 =	vld [tilespmem:$0x1FDC0]  }
0x55: {  	[tilespmem:$0x70] =	vst v45;
	v44 =	vld [tilespmem:$0x1FDD0]  }
0x56: {  	[tilespmem:$0xA0] =	vst v40;
	v45 =	vld [tilespmem:$0x1FDE0]  }
0x57: {  	v40 =	vld [tilespmem:$0x1FDF0];
	[tilespmem:$0xB0] =	vst v41  }
0x58: {  	[tilespmem:$0xC0] =	vst v42;
	v41 =	vld [tilespmem:$0x1FE00]  }
0x59: {  	[tilespmem:$0xD0] =	vst v43;
	v42 =	vld [tilespmem:$0x1FE10]  }
0x5a: {  	[tilespmem:$0xE0] =	vst v44;
	v43 =	vld [tilespmem:$0x1FE20]  }
0x5b: {  	[tilespmem:$0xF0] =	vst v45;
	v44 =	vld [tilespmem:$0x1FE30]  }
0x5c: {  	[tilespmem:$0x120] =	vst v40;
	v45 =	vld [tilespmem:$0x1FE40]  }
0x5d: {  	[tilespmem:$0x130] =	vst v41  }
0x5e: {  	v40 =	vld [tilespmem:$0x1FE50];
	[tilespmem:$0x140] =	vst v42  }
0x5f: {  	[tilespmem:$0x150] =	vst v43;
	v41 =	vld [tilespmem:$0x1FE60]  }
0x60: {  	[tilespmem:$0x160] =	vst v44;
	v42 =	vld [tilespmem:$0x1FE70]  }
0x61: {  	[tilespmem:$0x170] =	vst v45;
	v43 =	vld [tilespmem:$0x1FE80]  }
0x62: {  	v44 =	vld [tilespmem:$0x1FE90];
	[tilespmem:s7], [sflag:$0x1] =	stream.indirect.gather [hbm4b:s1+s6], $0x80, s3, s6, $0xb8  }
0x63: {  	v45 =	vld [tilespmem:$0x1FEA0];
	[tilespmem:$0x180] =	vst v40  }
0x64: {  	v40 =	vld [tilespmem:$0x1FEB0];
	[tilespmem:$0x190] =	vst v41  }
0x65: {  	[tilespmem:$0x1A0] =	vst v42;
	v41 =	vld [tilespmem:$0x1FEC0]  }
0x66: {  	[tilespmem:$0x1B0] =	vst v43;
	v42 =	vld [tilespmem:$0x1FED0]  }
0x67: {  	[tilespmem:$0x1C0] =	vst v44;
	v43 =	vld [tilespmem:$0x1FEE0]  }
0x68: {  	[tilespmem:$0x1D0] =	vst v45;
	v44 =	vld [tilespmem:$0x1FEF0]  }
0x69: {  	v45 =	vld [tilespmem:$0x1FF00];
	[tilespmem:$0x1E0] =	vst v40  }
0x6a: {  	v40 =	vld [tilespmem:$0x1FF10];
	[tilespmem:$0x1F0] =	vst v41  }
0x6b: {  	[tilespmem:$0x200] =	vst v42;
	v41 =	vld [tilespmem:$0x1FF20]  }
0x6c: {  	[tilespmem:$0x210] =	vst v43;
	v42 =	vld [tilespmem:$0x1FF30]  }
0x6d: {  	[tilespmem:$0x220] =	vst v44;
	v43 =	vld [tilespmem:$0x1FF40]  }
0x6e: {  	[tilespmem:$0x230] =	vst v45;
	v44 =	vld [tilespmem:$0x1FF50]  }
0x6f: {  	v45 =	vld [tilespmem:$0x1FF60];
	[tilespmem:$0x240] =	vst v40  }
0x70: {  	v40 =	vld [tilespmem:$0x1FF70];
	[tilespmem:$0x250] =	vst v41  }
0x71: {  	[tilespmem:$0x260] =	vst v42;
	v41 =	vld [tilespmem:$0x1FF80]  }
0x72: {  	[tilespmem:$0x270] =	vst v43;
	v42 =	vld [tilespmem:$0x1FF90]  }
0x73: {  	[tilespmem:$0x280] =	vst v44;
	v43 =	vld [tilespmem:$0x1FFA0]  }
0x74: {  	[tilespmem:$0x290] =	vst v45;
	v44 =	vld [tilespmem:$0x1FFB0]  }
0x75: {  	v45 =	vld [tilespmem:$0x1FFC0];
	[tilespmem:$0x2A0] =	vst v40  }
0x76: {  	[tilespmem:$0x2B0] =	vst v41  }
0x77: {  	[tilespmem:$0x2C0] =	vst v42  }
0x78: {  	[tilespmem:$0x2D0] =	vst v43  }
0x79: {  	[tilespmem:$0x2E0] =	vst v44  }
0x7a: {  	[tilespmem:$0x2F0] =	vst v45  }
0x7b: {  	[tilespmem:s8], [sflag:$0x2] =	stream.indirect.gather [hbm4b:s1+s6], $0x80, s6, s6, $0xb8;
	[tilespmem:$0x18400] =	vst v63  }
0x7c: {  	_ =	swait.ge [sflag:s9], $0xC000  }
0x7d: {  	[sflag:s9] =	ssyncset.done $0x0  }
0x7e: {  	s14 =	simm.s32 $0x0;
	[sflag:s9] =	ssyncadd.s32 $0xFFFF4000  }
.LBB2_2:
0x7f: {  	v37 =	vmov s14  }
0x80: {  	v37 =	vshll.u32 v37, $0x7  }
0x81: {  	v41 =	vbroadcast v37, $0x0;
	_ =	sdelay $0x1  }
0x82: {  	v37 =	vor.u32 $0x4000, v0;
	v39 =	vor.u32 v0, v41  }
0x83: {  	v40 =	vor.u32 v37, v41  }
0x84: {  	v38 =	vor.u32 $0x8000, v0  }
0x85: {  	v42 =	vor.u32 v38, v41;
	_ =	sdelay $0x1  }
0x86: {  	v39 =	vld.idx.msk [tilespmem:v39+s7+$0x0], $0xffff  }
0x87: {  	v40 =	vld.idx.msk [tilespmem:v40+s7+$0x0], $0xffff;
	_ =	sdelay $0x1  }
0x88: {  	v42 =	vld.idx.msk [tilespmem:v42+s7+$0x0], $0xffff;
	_ =	sdelay $0x2  }
0x89: {  	v39 =	vadd.f32 v40, v39;
	_ =	sdelay $0x1  }
0x8a: {  	v39 =	vadd.f32 v42, v39;
	_ =	sdelay $0x1  }
0x8b: {  	v39 =	vmul.f32 $8.500000000e+01, v39;
	_ =	sdelay $0x1  }
0x8c: {  	v39 =	vtrunc.f32 v39  }
0x8d: {  	v39 =	vcvt.f32.s32 v39;
	_ =	sdelay $0x1  }
0x8e: {  	vm0 =	vgt.s32 v39, $0x0  }
0x8f: {  	v39 =	vnsel vm0, $0x0, v39  }
0x90: {  	v42 =	vmin.u32 v39, $0xFE  }
0x91: {  	v43 =	vor.u32 v25, v41;
	v39 =	vor.u32 $0x4040, v0  }
0x92: {  	v44 =	vor.u32 v39, v41  }
0x93: {  	v40 =	vor.u32 $0x8040, v0  }
0x94: {  	v41 =	vor.u32 v40, v41  }
0x95: {  	[tilespmem:v42+s10+$0x0] =	vst.idx.add.f32.msk $0xffff, v36  }
0x96: {  	v42 =	vld.idx.msk [tilespmem:v43+s7+$0x0], $0xffff  }
0x97: {  	v45 =	vld.idx.msk [tilespmem:v44+s7+$0x0], $0xffff;
	_ =	sdelay $0x1  }
0x98: {  	v41 =	vld.idx.msk [tilespmem:v41+s7+$0x0], $0xffff;
	_ =	sdelay $0x2  }
0x99: {  	v42 =	vadd.f32 v45, v42;
	_ =	sdelay $0x1  }
0x9a: {  	v41 =	vadd.f32 v41, v42;
	_ =	sdelay $0x1  }
0x9b: {  	v41 =	vmul.f32 $8.500000000e+01, v41;
	_ =	sdelay $0x1  }
0x9c: {  	v41 =	vtrunc.f32 v41  }
0x9d: {  	s15 =	sadd.s32 $0x1, s14;
	v41 =	vcvt.f32.s32 v41  }
0x9e: {  	v45 =	vmov s15  }
0x9f: {  	v42 =	vshll.u32 v45, $0x7;
	vm13 =	vgt.s32 v41, $0x0  }
0xa0: {  	v42 =	vbroadcast v42, $0x0;
	v41 =	vnsel vm13, $0x0, v41  }
0xa1: {  	v41 =	vmin.u32 v41, $0xFE  }
0xa2: {  	v43 =	vor.u32 v0, v42  }
0xa3: {  	v44 =	vor.u32 v37, v42;
	_ =	sdelay $0x1  }
0xa4: {  	v45 =	vor.u32 v38, v42  }
0xa5: {  	[tilespmem:v41+s10+$0x0] =	vst.idx.add.f32.msk $0xffff, v36  }
0xa6: {  	v41 =	vld.idx.msk [tilespmem:v43+s7+$0x0], $0xffff  }
0xa7: {  	v43 =	vld.idx.msk [tilespmem:v44+s7+$0x0], $0xffff;
	_ =	sdelay $0x1  }
0xa8: {  	v44 =	vld.idx.msk [tilespmem:v45+s7+$0x0], $0xffff;
	_ =	sdelay $0x2  }
0xa9: {  	v41 =	vadd.f32 v43, v41;
	_ =	sdelay $0x1  }
0xaa: {  	v41 =	vadd.f32 v44, v41;
	_ =	sdelay $0x1  }
0xab: {  	v41 =	vmul.f32 $8.500000000e+01, v41;
	_ =	sdelay $0x1  }
0xac: {  	v41 =	vtrunc.f32 v41  }
0xad: {  	v41 =	vcvt.f32.s32 v41;
	_ =	sdelay $0x1  }
0xae: {  	vm14 =	vgt.s32 v41, $0x0  }
0xaf: {  	v41 =	vnsel vm14, $0x0, v41  }
0xb0: {  	v41 =	vmin.u32 v41, $0xFE  }
0xb1: {  	v43 =	vor.u32 v25, v42  }
0xb2: {  	v44 =	vor.u32 v39, v42;
	_ =	sdelay $0x1  }
0xb3: {  	v42 =	vor.u32 v40, v42  }
0xb4: {  	[tilespmem:v41+s10+$0x0] =	vst.idx.add.f32.msk $0xffff, v36  }
0xb5: {  	v41 =	vld.idx.msk [tilespmem:v43+s7+$0x0], $0xffff  }
0xb6: {  	v45 =	vld.idx.msk [tilespmem:v44+s7+$0x0], $0xffff;
	_ =	sdelay $0x1  }
0xb7: {  	v42 =	vld.idx.msk [tilespmem:v42+s7+$0x0], $0xffff;
	_ =	sdelay $0x2  }
0xb8: {  	v41 =	vadd.f32 v45, v41;
	_ =	sdelay $0x1  }
0xb9: {  	v41 =	vadd.f32 v42, v41;
	_ =	sdelay $0x1  }
0xba: {  	v41 =	vmul.f32 $8.500000000e+01, v41;
	_ =	sdelay $0x1  }
0xbb: {  	v41 =	vtrunc.f32 v41  }
0xbc: {  	v41 =	vcvt.f32.s32 v41;
	_ =	sdelay $0x1  }
0xbd: {  	vm15 =	vgt.s32 v41, $0x0  }
0xbe: {  	v41 =	vnsel vm15, $0x0, v41  }
0xbf: {  	p0 =	sne.s32 s14, $0x7E;
	v41 =	vmin.u32 v41, $0xFE  }
.Ltmp0:
0xc0: {  	_ = 	snop;
	(pc) =	sbr.rel @p0 .LBB2_2-.Ltmp0, $2  }
0xc1: {  	_ =	sdelay $0x2  }
0xc2: {  	s14 =	sadd.s32 $0x2, s14;
	[tilespmem:v41+s10+$0x0] =	vst.idx.add.f32.msk $0xffff, v36  }
0xc3: {  	[tilespmem:$0x30] =	vst v46  }
0xc4: {  	[tilespmem:$0x40] =	vst v47  }
0xc5: {  	[tilespmem:$0x50] =	vst v48  }
0xc6: {  	[tilespmem:$0x60] =	vst v49  }
0xc7: {  	[tilespmem:$0x70] =	vst v1  }
0xc8: {  	[tilespmem:$0x80] =	vst v50  }
0xc9: {  	[tilespmem:$0x90] =	vst v51  }
0xca: {  	[tilespmem:$0xA0] =	vst v52  }
0xcb: {  	[tilespmem:$0xB0] =	vst v53  }
0xcc: {  	[tilespmem:$0xC0] =	vst v54  }
0xcd: {  	[tilespmem:$0xD0] =	vst v55  }
0xce: {  	[tilespmem:$0xE0] =	vst v62  }
0xcf: {  	[tilespmem:$0xF0] =	vst v2  }
0xd0: {  	[tilespmem:$0x100] =	vst v56  }
0xd1: {  	[tilespmem:$0x110] =	vst v57  }
0xd2: {  	[tilespmem:$0x120] =	vst v58  }
0xd3: {  	v41 =	vld [tilespmem:$0x1FFD0];
	[tilespmem:$0x130] =	vst v59  }
0xd4: {  	v44 =	vld [tilespmem:$0x1FFE0];
	[tilespmem:$0x140] =	vst v60  }
0xd5: {  	v45 =	vld [tilespmem:$0x1FFF0];
	[tilespmem:$0x150] =	vst v61  }
0xd6: {  	[tilespmem:$0x160] =	vst v63  }
0xd7: {  	[tilespmem:$0x170] =	vst v3  }
0xd8: {  	[tilespmem:$0x0] =	vst v41  }
0xd9: {  	[tilespmem:$0x10] =	vst v44  }
0xda: {  	s14 =	simm.s32 $0x0;
	[tilespmem:$0x20] =	vst v45  }
0xdb: {  	[tilespmem:s7], [sflag:$0x1] =	stream.indirect.gather [hbm4b:s1+s6], $0x80, s14, s6, $0xb8;
	[tilespmem:$0x18400] =	vst v63  }
0xdc: {  	_ =	swait.ge [sflag:s11], $0xC000  }
0xdd: {  	[sflag:s11] =	ssyncset.done $0x0  }
0xde: {  	[sflag:s11] =	ssyncadd.s32 $0xFFFF4000  }
.LBB2_4:
0xdf: {  	v41 =	vmov s14  }
0xe0: {  	v41 =	vshll.u32 v41, $0x7  }
0xe1: {  	v41 =	vbroadcast v41, $0x0;
	_ =	sdelay $0x1  }
0xe2: {  	v42 =	vor.u32 v0, v41  }
0xe3: {  	v43 =	vor.u32 v37, v41;
	_ =	sdelay $0x1  }
0xe4: {  	v44 =	vor.u32 v38, v41;
	_ =	sdelay $0x1  }
0xe5: {  	v42 =	vld.idx.msk [tilespmem:v42+s8+$0x0], $0xffff  }
0xe6: {  	v43 =	vld.idx.msk [tilespmem:v43+s8+$0x0], $0xffff;
	_ =	sdelay $0x1  }
0xe7: {  	v44 =	vld.idx.msk [tilespmem:v44+s8+$0x0], $0xffff;
	_ =	sdelay $0x2  }
0xe8: {  	v42 =	vadd.f32 v43, v42;
	_ =	sdelay $0x1  }
0xe9: {  	v42 =	vadd.f32 v44, v42;
	_ =	sdelay $0x1  }
0xea: {  	v42 =	vmul.f32 $8.500000000e+01, v42;
	_ =	sdelay $0x1  }
0xeb: {  	v42 =	vtrunc.f32 v42  }
0xec: {  	v42 =	vcvt.f32.s32 v42;
	_ =	sdelay $0x1  }
0xed: {  	vm0 =	vgt.s32 v42, $0x0  }
0xee: {  	v42 =	vnsel vm0, $0x0, v42  }
0xef: {  	v42 =	vmin.u32 v42, $0xFE  }
0xf0: {  	v43 =	vor.u32 v25, v41  }
0xf1: {  	v44 =	vor.u32 v39, v41;
	_ =	sdelay $0x1  }
0xf2: {  	v41 =	vor.u32 v40, v41  }
0xf3: {  	[tilespmem:v42+s10+$0x0] =	vst.idx.add.f32.msk $0xffff, v36  }
0xf4: {  	v42 =	vld.idx.msk [tilespmem:v43+s8+$0x0], $0xffff  }
0xf5: {  	v45 =	vld.idx.msk [tilespmem:v44+s8+$0x0], $0xffff;
	_ =	sdelay $0x1  }
0xf6: {  	v41 =	vld.idx.msk [tilespmem:v41+s8+$0x0], $0xffff;
	_ =	sdelay $0x2  }
0xf7: {  	v42 =	vadd.f32 v45, v42;
	_ =	sdelay $0x1  }
0xf8: {  	v41 =	vadd.f32 v41, v42;
	_ =	sdelay $0x1  }
0xf9: {  	v41 =	vmul.f32 $8.500000000e+01, v41;
	_ =	sdelay $0x1  }
0xfa: {  	v41 =	vtrunc.f32 v41  }
0xfb: {  	s15 =	sadd.s32 $0x1, s14;
	v41 =	vcvt.f32.s32 v41  }
0xfc: {  	v45 =	vmov s15  }
0xfd: {  	v42 =	vshll.u32 v45, $0x7;
	vm13 =	vgt.s32 v41, $0x0  }
0xfe: {  	v42 =	vbroadcast v42, $0x0;
	v41 =	vnsel vm13, $0x0, v41  }
0xff: {  	v41 =	vmin.u32 v41, $0xFE  }
0x100: {  	v43 =	vor.u32 v0, v42  }
0x101: {  	v44 =	vor.u32 v37, v42;
	_ =	sdelay $0x1  }
0x102: {  	v45 =	vor.u32 v38, v42  }
0x103: {  	[tilespmem:v41+s10+$0x0] =	vst.idx.add.f32.msk $0xffff, v36  }
0x104: {  	v41 =	vld.idx.msk [tilespmem:v43+s8+$0x0], $0xffff  }
0x105: {  	v43 =	vld.idx.msk [tilespmem:v44+s8+$0x0], $0xffff;
	_ =	sdelay $0x1  }
0x106: {  	v44 =	vld.idx.msk [tilespmem:v45+s8+$0x0], $0xffff;
	_ =	sdelay $0x2  }
0x107: {  	v41 =	vadd.f32 v43, v41;
	_ =	sdelay $0x1  }
0x108: {  	v41 =	vadd.f32 v44, v41;
	_ =	sdelay $0x1  }
0x109: {  	v41 =	vmul.f32 $8.500000000e+01, v41;
	_ =	sdelay $0x1  }
0x10a: {  	v41 =	vtrunc.f32 v41  }
0x10b: {  	v41 =	vcvt.f32.s32 v41;
	_ =	sdelay $0x1  }
0x10c: {  	vm14 =	vgt.s32 v41, $0x0  }
0x10d: {  	v41 =	vnsel vm14, $0x0, v41  }
0x10e: {  	v41 =	vmin.u32 v41, $0xFE  }
0x10f: {  	v43 =	vor.u32 v25, v42  }
0x110: {  	v44 =	vor.u32 v39, v42;
	_ =	sdelay $0x1  }
0x111: {  	v42 =	vor.u32 v40, v42  }
0x112: {  	[tilespmem:v41+s10+$0x0] =	vst.idx.add.f32.msk $0xffff, v36  }
0x113: {  	v41 =	vld.idx.msk [tilespmem:v43+s8+$0x0], $0xffff  }
0x114: {  	v45 =	vld.idx.msk [tilespmem:v44+s8+$0x0], $0xffff;
	_ =	sdelay $0x1  }
0x115: {  	v42 =	vld.idx.msk [tilespmem:v42+s8+$0x0], $0xffff;
	_ =	sdelay $0x2  }
0x116: {  	v41 =	vadd.f32 v45, v41;
	_ =	sdelay $0x1  }
0x117: {  	v41 =	vadd.f32 v42, v41;
	_ =	sdelay $0x1  }
0x118: {  	v41 =	vmul.f32 $8.500000000e+01, v41;
	_ =	sdelay $0x1  }
0x119: {  	v41 =	vtrunc.f32 v41  }
0x11a: {  	v41 =	vcvt.f32.s32 v41;
	_ =	sdelay $0x1  }
0x11b: {  	vm15 =	vgt.s32 v41, $0x0  }
0x11c: {  	v41 =	vnsel vm15, $0x0, v41  }
0x11d: {  	p0 =	sne.s32 s14, $0x7E;
	v41 =	vmin.u32 v41, $0xFE  }
.Ltmp1:
0x11e: {  	_ = 	snop;
	(pc) =	sbr.rel @p0 .LBB2_4-.Ltmp1, $2  }
0x11f: {  	_ =	sdelay $0x2  }
0x120: {  	s14 =	sadd.s32 $0x2, s14;
	[tilespmem:v41+s10+$0x0] =	vst.idx.add.f32.msk $0xffff, v36  }
0x121: {  	[tilespmem:$0x180] =	vst v4  }
0x122: {  	[tilespmem:$0x190] =	vst v7  }
0x123: {  	[tilespmem:$0x1A0] =	vst v10  }
0x124: {  	[tilespmem:$0x1B0] =	vst v13  }
0x125: {  	[tilespmem:$0x1C0] =	vst v16  }
0x126: {  	[tilespmem:$0x1D0] =	vst v19  }
0x127: {  	[tilespmem:$0x1E0] =	vst v22  }
0x128: {  	[tilespmem:$0x1F0] =	vst v26  }
0x129: {  	[tilespmem:$0x200] =	vst v5  }
0x12a: {  	[tilespmem:$0x210] =	vst v8  }
0x12b: {  	[tilespmem:$0x220] =	vst v11  }
0x12c: {  	[tilespmem:$0x230] =	vst v14  }
0x12d: {  	[tilespmem:$0x240] =	vst v17  }
0x12e: {  	[tilespmem:$0x250] =	vst v20  }
0x12f: {  	[tilespmem:$0x260] =	vst v23  }
0x130: {  	[tilespmem:$0x270] =	vst v27  }
0x131: {  	[tilespmem:$0x280] =	vst v6  }
0x132: {  	[tilespmem:$0x290] =	vst v9  }
0x133: {  	[tilespmem:$0x2A0] =	vst v12  }
0x134: {  	[tilespmem:$0x2B0] =	vst v15  }
0x135: {  	[tilespmem:$0x2C0] =	vst v18  }
0x136: {  	[tilespmem:$0x2D0] =	vst v21  }
0x137: {  	[tilespmem:$0x2E0] =	vst v24  }
0x138: {  	[tilespmem:$0x2F0] =	vst v28  }
0x139: {  	[tilespmem:s8], [sflag:$0x2] =	stream.indirect.gather [hbm4b:s1+s6], $0x80, s6, s6, $0xb8;
	[tilespmem:$0x18400] =	vst v63  }
0x13a: {  	_ =	swait.ge [sflag:s9], $0xC000  }
0x13b: {  	[sflag:s9] =	ssyncset.done $0x0  }
0x13c: {  	s14 =	simm.s32 $0x0;
	[sflag:s9] =	ssyncadd.s32 $0xFFFF4000  }
.LBB2_6:
0x13d: {  	v41 =	vmov s14  }
0x13e: {  	v41 =	vshll.u32 v41, $0x7  }
0x13f: {  	v41 =	vbroadcast v41, $0x0;
	_ =	sdelay $0x1  }
0x140: {  	v42 =	vor.u32 v0, v41  }
0x141: {  	v43 =	vor.u32 v37, v41;
	_ =	sdelay $0x1  }
0x142: {  	v44 =	vor.u32 v38, v41;
	_ =	sdelay $0x1  }
0x143: {  	v42 =	vld.idx.msk [tilespmem:v42+s7+$0x0], $0xffff  }
0x144: {  	v43 =	vld.idx.msk [tilespmem:v43+s7+$0x0], $0xffff;
	_ =	sdelay $0x1  }
0x145: {  	v44 =	vld.idx.msk [tilespmem:v44+s7+$0x0], $0xffff;
	_ =	sdelay $0x2  }
0x146: {  	v42 =	vadd.f32 v43, v42;
	_ =	sdelay $0x1  }
0x147: {  	v42 =	vadd.f32 v44, v42;
	_ =	sdelay $0x1  }
0x148: {  	v42 =	vmul.f32 $8.500000000e+01, v42;
	_ =	sdelay $0x1  }
0x149: {  	v42 =	vtrunc.f32 v42  }
0x14a: {  	v42 =	vcvt.f32.s32 v42;
	_ =	sdelay $0x1  }
0x14b: {  	vm0 =	vgt.s32 v42, $0x0  }
0x14c: {  	v42 =	vnsel vm0, $0x0, v42  }
0x14d: {  	v42 =	vmin.u32 v42, $0xFE  }
0x14e: {  	v43 =	vor.u32 v25, v41  }
0x14f: {  	v44 =	vor.u32 v39, v41;
	_ =	sdelay $0x1  }
0x150: {  	v41 =	vor.u32 v40, v41  }
0x151: {  	[tilespmem:v42+s10+$0x0] =	vst.idx.add.f32.msk $0xffff, v36  }
0x152: {  	v42 =	vld.idx.msk [tilespmem:v43+s7+$0x0], $0xffff  }
0x153: {  	v45 =	vld.idx.msk [tilespmem:v44+s7+$0x0], $0xffff;
	_ =	sdelay $0x1  }
0x154: {  	v41 =	vld.idx.msk [tilespmem:v41+s7+$0x0], $0xffff;
	_ =	sdelay $0x2  }
0x155: {  	v42 =	vadd.f32 v45, v42;
	_ =	sdelay $0x1  }
0x156: {  	v41 =	vadd.f32 v41, v42;
	_ =	sdelay $0x1  }
0x157: {  	v41 =	vmul.f32 $8.500000000e+01, v41;
	_ =	sdelay $0x1  }
0x158: {  	v41 =	vtrunc.f32 v41  }
0x159: {  	s15 =	sadd.s32 $0x1, s14;
	v41 =	vcvt.f32.s32 v41  }
0x15a: {  	v45 =	vmov s15  }
0x15b: {  	v42 =	vshll.u32 v45, $0x7;
	vm13 =	vgt.s32 v41, $0x0  }
0x15c: {  	v42 =	vbroadcast v42, $0x0;
	v41 =	vnsel vm13, $0x0, v41  }
0x15d: {  	v41 =	vmin.u32 v41, $0xFE  }
0x15e: {  	v43 =	vor.u32 v0, v42  }
0x15f: {  	v44 =	vor.u32 v37, v42;
	_ =	sdelay $0x1  }
0x160: {  	v45 =	vor.u32 v38, v42  }
0x161: {  	[tilespmem:v41+s10+$0x0] =	vst.idx.add.f32.msk $0xffff, v36  }
0x162: {  	v41 =	vld.idx.msk [tilespmem:v43+s7+$0x0], $0xffff  }
0x163: {  	v43 =	vld.idx.msk [tilespmem:v44+s7+$0x0], $0xffff;
	_ =	sdelay $0x1  }
0x164: {  	v44 =	vld.idx.msk [tilespmem:v45+s7+$0x0], $0xffff;
	_ =	sdelay $0x2  }
0x165: {  	v41 =	vadd.f32 v43, v41;
	_ =	sdelay $0x1  }
0x166: {  	v41 =	vadd.f32 v44, v41;
	_ =	sdelay $0x1  }
0x167: {  	v41 =	vmul.f32 $8.500000000e+01, v41;
	_ =	sdelay $0x1  }
0x168: {  	v41 =	vtrunc.f32 v41  }
0x169: {  	v41 =	vcvt.f32.s32 v41;
	_ =	sdelay $0x1  }
0x16a: {  	vm14 =	vgt.s32 v41, $0x0  }
0x16b: {  	v41 =	vnsel vm14, $0x0, v41  }
0x16c: {  	v41 =	vmin.u32 v41, $0xFE  }
0x16d: {  	v43 =	vor.u32 v25, v42  }
0x16e: {  	v44 =	vor.u32 v39, v42;
	_ =	sdelay $0x1  }
0x16f: {  	v42 =	vor.u32 v40, v42  }
0x170: {  	[tilespmem:v41+s10+$0x0] =	vst.idx.add.f32.msk $0xffff, v36  }
0x171: {  	v41 =	vld.idx.msk [tilespmem:v43+s7+$0x0], $0xffff  }
0x172: {  	v45 =	vld.idx.msk [tilespmem:v44+s7+$0x0], $0xffff;
	_ =	sdelay $0x1  }
0x173: {  	v42 =	vld.idx.msk [tilespmem:v42+s7+$0x0], $0xffff;
	_ =	sdelay $0x2  }
0x174: {  	v41 =	vadd.f32 v45, v41;
	_ =	sdelay $0x1  }
0x175: {  	v41 =	vadd.f32 v42, v41;
	_ =	sdelay $0x1  }
0x176: {  	v41 =	vmul.f32 $8.500000000e+01, v41;
	_ =	sdelay $0x1  }
0x177: {  	v41 =	vtrunc.f32 v41  }
0x178: {  	v41 =	vcvt.f32.s32 v41;
	_ =	sdelay $0x1  }
0x179: {  	vm15 =	vgt.s32 v41, $0x0  }
0x17a: {  	v41 =	vnsel vm15, $0x0, v41  }
0x17b: {  	p0 =	sne.s32 s14, $0x7E;
	v41 =	vmin.u32 v41, $0xFE  }
.Ltmp2:
0x17c: {  	_ = 	snop;
	(pc) =	sbr.rel @p0 .LBB2_6-.Ltmp2, $2  }
0x17d: {  	_ =	sdelay $0x2  }
0x17e: {  	s14 =	sadd.s32 $0x2, s14;
	[tilespmem:v41+s10+$0x0] =	vst.idx.add.f32.msk $0xffff, v36  }
0x17f: {  	_ =	swait.ge [sflag:s11], $0xC000  }
0x180: {  	[sflag:s11] =	ssyncset.done $0x0  }
0x181: {  	s14 =	simm.s32 $0x0;
	[sflag:s11] =	ssyncadd.s32 $0xFFFF4000  }
.LBB2_8:
0x182: {  	v41 =	vmov s14  }
0x183: {  	v41 =	vshll.u32 v41, $0x7  }
0x184: {  	v41 =	vbroadcast v41, $0x0;
	_ =	sdelay $0x1  }
0x185: {  	v42 =	vor.u32 v0, v41  }
0x186: {  	v43 =	vor.u32 v37, v41;
	_ =	sdelay $0x1  }
0x187: {  	v44 =	vor.u32 v38, v41;
	_ =	sdelay $0x1  }
0x188: {  	v42 =	vld.idx.msk [tilespmem:v42+s8+$0x0], $0xffff  }
0x189: {  	v43 =	vld.idx.msk [tilespmem:v43+s8+$0x0], $0xffff;
	_ =	sdelay $0x1  }
0x18a: {  	v44 =	vld.idx.msk [tilespmem:v44+s8+$0x0], $0xffff;
	_ =	sdelay $0x2  }
0x18b: {  	v42 =	vadd.f32 v43, v42;
	_ =	sdelay $0x1  }
0x18c: {  	v42 =	vadd.f32 v44, v42;
	_ =	sdelay $0x1  }
0x18d: {  	v42 =	vmul.f32 $8.500000000e+01, v42;
	_ =	sdelay $0x1  }
0x18e: {  	v42 =	vtrunc.f32 v42  }
0x18f: {  	v42 =	vcvt.f32.s32 v42;
	_ =	sdelay $0x1  }
0x190: {  	vm0 =	vgt.s32 v42, $0x0  }
0x191: {  	v42 =	vnsel vm0, $0x0, v42  }
0x192: {  	v42 =	vmin.u32 v42, $0xFE  }
0x193: {  	v43 =	vor.u32 v25, v41  }
0x194: {  	v44 =	vor.u32 v39, v41;
	_ =	sdelay $0x1  }
0x195: {  	v41 =	vor.u32 v40, v41  }
0x196: {  	[tilespmem:v42+s10+$0x0] =	vst.idx.add.f32.msk $0xffff, v36  }
0x197: {  	v42 =	vld.idx.msk [tilespmem:v43+s8+$0x0], $0xffff  }
0x198: {  	v45 =	vld.idx.msk [tilespmem:v44+s8+$0x0], $0xffff;
	_ =	sdelay $0x1  }
0x199: {  	v41 =	vld.idx.msk [tilespmem:v41+s8+$0x0], $0xffff;
	_ =	sdelay $0x2  }
0x19a: {  	v42 =	vadd.f32 v45, v42;
	_ =	sdelay $0x1  }
0x19b: {  	v41 =	vadd.f32 v41, v42;
	_ =	sdelay $0x1  }
0x19c: {  	v41 =	vmul.f32 $8.500000000e+01, v41;
	_ =	sdelay $0x1  }
0x19d: {  	v41 =	vtrunc.f32 v41  }
0x19e: {  	s15 =	sadd.s32 $0x1, s14;
	v41 =	vcvt.f32.s32 v41  }
0x19f: {  	v45 =	vmov s15  }
0x1a0: {  	v42 =	vshll.u32 v45, $0x7;
	vm13 =	vgt.s32 v41, $0x0  }
0x1a1: {  	v42 =	vbroadcast v42, $0x0;
	v41 =	vnsel vm13, $0x0, v41  }
0x1a2: {  	v41 =	vmin.u32 v41, $0xFE  }
0x1a3: {  	v43 =	vor.u32 v0, v42  }
0x1a4: {  	v44 =	vor.u32 v37, v42;
	_ =	sdelay $0x1  }
0x1a5: {  	v45 =	vor.u32 v38, v42  }
0x1a6: {  	[tilespmem:v41+s10+$0x0] =	vst.idx.add.f32.msk $0xffff, v36  }
0x1a7: {  	v41 =	vld.idx.msk [tilespmem:v43+s8+$0x0], $0xffff  }
0x1a8: {  	v43 =	vld.idx.msk [tilespmem:v44+s8+$0x0], $0xffff;
	_ =	sdelay $0x1  }
0x1a9: {  	v44 =	vld.idx.msk [tilespmem:v45+s8+$0x0], $0xffff;
	_ =	sdelay $0x2  }
0x1aa: {  	v41 =	vadd.f32 v43, v41;
	_ =	sdelay $0x1  }
0x1ab: {  	v41 =	vadd.f32 v44, v41;
	_ =	sdelay $0x1  }
0x1ac: {  	v41 =	vmul.f32 $8.500000000e+01, v41;
	_ =	sdelay $0x1  }
0x1ad: {  	v41 =	vtrunc.f32 v41  }
0x1ae: {  	v41 =	vcvt.f32.s32 v41;
	_ =	sdelay $0x1  }
0x1af: {  	vm14 =	vgt.s32 v41, $0x0  }
0x1b0: {  	v41 =	vnsel vm14, $0x0, v41  }
0x1b1: {  	v41 =	vmin.u32 v41, $0xFE  }
0x1b2: {  	v43 =	vor.u32 v25, v42  }
0x1b3: {  	v44 =	vor.u32 v39, v42;
	_ =	sdelay $0x1  }
0x1b4: {  	v42 =	vor.u32 v40, v42  }
0x1b5: {  	[tilespmem:v41+s10+$0x0] =	vst.idx.add.f32.msk $0xffff, v36  }
0x1b6: {  	v41 =	vld.idx.msk [tilespmem:v43+s8+$0x0], $0xffff  }
0x1b7: {  	v45 =	vld.idx.msk [tilespmem:v44+s8+$0x0], $0xffff;
	_ =	sdelay $0x1  }
0x1b8: {  	v42 =	vld.idx.msk [tilespmem:v42+s8+$0x0], $0xffff;
	_ =	sdelay $0x2  }
0x1b9: {  	v41 =	vadd.f32 v45, v41;
	_ =	sdelay $0x1  }
0x1ba: {  	v41 =	vadd.f32 v42, v41;
	_ =	sdelay $0x1  }
0x1bb: {  	v41 =	vmul.f32 $8.500000000e+01, v41;
	_ =	sdelay $0x1  }
0x1bc: {  	v41 =	vtrunc.f32 v41  }
0x1bd: {  	v41 =	vcvt.f32.s32 v41;
	_ =	sdelay $0x1  }
0x1be: {  	vm15 =	vgt.s32 v41, $0x0  }
0x1bf: {  	v41 =	vnsel vm15, $0x0, v41  }
0x1c0: {  	p0 =	sne.s32 s14, $0x7E;
	v41 =	vmin.u32 v41, $0xFE  }
.Ltmp3:
0x1c1: {  	_ = 	snop;
	(pc) =	sbr.rel @p0 .LBB2_8-.Ltmp3, $2  }
0x1c2: {  	_ =	sdelay $0x2  }
0x1c3: {  	s14 =	sadd.s32 $0x2, s14;
	[tilespmem:v41+s10+$0x0] =	vst.idx.add.f32.msk $0xffff, v36  }
0x1c4: {  	s13 =	sadd.s32 $0x1, s13  }
0x1c5: {  	p0 =	sne.s32 s13, s5  }
.Ltmp4:
0x1c6: {  	_ = 	snop;
	(pc) =	sbr.rel @p0 .LBB2_1-.Ltmp4, $4  }
0x1c7: {  	[hbm4b:s4+s3] =	stream.linear.scatter [tilespmem:s10], [sflag:$0x3], $0x100, $0x38;
	[tilespmem:$0x18400] =	vst v63  }
0x1c8: {  	_ =	swait.ge [sflag:s12], $0x100  }
0x1c9: {  	[sflag:s12] =	ssyncset.done $0x0  }
0x1ca: {  	[sflag:s12] =	ssyncadd.s32 $0xFFFFFF00  }
0x1cb: {  	_ =	sfence.sel $0x180000  }
0x1cc: {  	[bflag:$0x0] =	sbarrier.arrive $0xFFFF  }
0x1cd: {  	p0 =	sne.s32 s0, $0x0;
	_ =	strace $0x90000047  }
0x1ce: {  	s0 =	sadd.s32 @!p0 $0x100000, s2;
	[bflag:$0x2] =	sbarrier.arrive $0xFFFF  }
0x1cf: {  	[sflag:s0] =	ssyncadd.tile.s32 @!p0 $0x1;
	_ =	shalt  }
.Lfunc_end2:
_tile_overlayer_lowered:
.L_overlay_start_2:
0x1d0: {  	(tag) =	ssettag $0x2  }
0x1d1: {  	s0 =	rddreg [dreg:$0x0];
	s2 =	stileid.u32  }
0x1d2: {  	s1 =	rddreg [dreg:$0x1];
	p0 =	sne.s32 s2, $0x0  }
0x1d3: {  	s3 =	rddreg [dreg:$0x2];
	[bflag:$0x3] =	sbarrier.arrive $0xFFFF;
	s2 =	simm.s32 @!p0 $0x1C03  }
0x1d4: {  	[timem:s3], [sflag:s2] =	dma.local @!p0 [hbm:s0], s1  }
0x1d5: {  	s0 =	simm.s32 @!p0 $0x3  }
0x1d6: {  	_ =	swait.ge @!p0 [sflag:s0], s1  }
0x1d7: {  	s1 =	ssub.s32 @!p0 $0x0, s1;
	[sflag:s0] =	ssyncset.done @!p0 $0x0  }
0x1d8: {  	[sflag:s0] =	ssyncadd.s32 @!p0 s1  }
0x1d9: {  	[bflag:$0x3] =	sbarrier.arrive $0xFFFF  }
0x1da: {  	_ =	shalt  }

</sc_bundles>
